<compile_context>
chip_gen: v7x
topology: tpu7x:2x2x1
jax: 0.10.2.dev20260603
libtpu: 0.0.44.dev20260713+nightly
codegen_flags: <defaults>
</compile_context>

<pallas_src>
import jax
import jax.numpy as jnp
from jax import lax
from jax.experimental import pallas as pl
from jax.experimental.pallas import tpu as pltpu
from jax.experimental.pallas import tpu_sc as plsc

_THRESHOLD = 0.01


_NC = 2
_NS = 16
_NW = _NC * _NS
_ROWS = 32
_STRIPS_PER_MAP = 512 // _ROWS
_K_SC = 4
_STRIPS_PER_W = _K_SC * _STRIPS_PER_MAP // _NW


def _sc_body(w_hbm, x_hbm, mask_hbm, cnt_hbm, in_buf, sig_buf, tmp_row,
             out_buf, w_buf, cnt_buf):
    wid = lax.axis_index("s") * _NC + lax.axis_index("c")

    pltpu.sync_copy(w_hbm, w_buf)
    gv = [w_buf[i] for i in range(5)]
    gh = [w_buf[5 + i] for i in range(5)]
    zeros16 = jnp.zeros((16,), jnp.float32)

    def strip_body(k, count_vec):
        s = wid * _STRIPS_PER_W + k
        map_idx = s // _STRIPS_PER_MAP
        r0 = (s % _STRIPS_PER_MAP) * _ROWS

        pltpu.sync_copy(x_hbm.at[map_idx, 0, pl.ds(r0, _ROWS + 8)],
                        in_buf.at[0])
        pltpu.sync_copy(x_hbm.at[map_idx, 1, pl.ds(r0, _ROWS + 8)],
                        in_buf.at[1])

        def sigrow(r, _):
            sig_buf[r, 0:16] = zeros16
            sig_buf[r, 512:528] = zeros16
            for c in range(32):
                a = in_buf[0, r, pl.ds(16 * c, 16)]
                b = in_buf[1, r, pl.ds(16 * c, 16)]
                m = jnp.maximum(a, b)
                sig_buf[r, 2 + 16 * c:18 + 16 * c] = 1.0 / (1.0 + jnp.exp(-m))
            return 0

        lax.fori_loop(0, _ROWS + 4, sigrow, 0)

        fsplat = jnp.full((16,), jnp.where(map_idx % 5 == 0, 1.0, 0.0),
                          jnp.float32)

        def outrow(r, cnt):
            for t in range(33):
                acc = gv[0] * sig_buf[r, 16 * t:16 * t + 16]
                for i in range(1, 5):
                    acc = acc + gv[i] * sig_buf[r + i, 16 * t:16 * t + 16]
                tmp_row[16 * t:16 * t + 16] = acc
            for c in range(32):
                acc = gh[0] * tmp_row[16 * c:16 * c + 16]
                for j in range(1, 5):
                    acc = acc + gh[j] * tmp_row[16 * c + j:16 * c + j + 16]
                maskv = jnp.where(acc > _THRESHOLD, 1.0, 0.0)
                out_buf[r, 16 * c:16 * c + 16] = jnp.maximum(maskv, fsplat)
                cnt = cnt + maskv
            return cnt

        count_vec = lax.fori_loop(0, _ROWS, outrow, count_vec)
        pltpu.sync_copy(out_buf, mask_hbm.at[map_idx, 0, pl.ds(r0, _ROWS)])
        return count_vec

    count_vec = lax.fori_loop(0, _STRIPS_PER_W, strip_body, zeros16)
    cnt_buf[0] = count_vec
    pltpu.sync_copy(cnt_buf, cnt_hbm.at[wid])


def _sc_part(x_sc, gv, gh):
    xpad = jnp.pad(x_sc, ((0, 0), (0, 0), (2, 6), (0, 0)),
                   constant_values=-jnp.inf)
    wsplat = jnp.broadcast_to(
        jnp.concatenate([gv, gh])[:, None], (10, 16)).astype(jnp.float32)

    mesh = plsc.VectorSubcoreMesh(core_axis_name="c", subcore_axis_name="s")
    masks, counts = pl.kernel(
        _sc_body,
        out_type=[
            jax.ShapeDtypeStruct((_K_SC, 1, 512, 512), jnp.float32),
            jax.ShapeDtypeStruct((_NW, 1, 16), jnp.float32),
        ],
        mesh=mesh,
        scratch_types=[
            pltpu.VMEM((2, _ROWS + 8, 512), jnp.float32),
            pltpu.VMEM((_ROWS + 4, 528), jnp.float32),
            pltpu.VMEM((528,), jnp.float32),
            pltpu.VMEM((_ROWS, 512), jnp.float32),
            pltpu.VMEM((10, 16), jnp.float32),
            pltpu.VMEM((1, 16), jnp.float32),
        ],
    )(wsplat, xpad)
    return masks, counts




def _map_kernel(gv_ref, gh_ref, x_ref, mask_ref, cnt_ref, pad_ref):
    i = pl.program_id(0)

    @pl.when(i == 0)
    def _init():
        pad_ref[...] = jnp.zeros_like(pad_ref)
        cnt_ref[0, 0] = 0.0

    m = jnp.maximum(x_ref[0, 0], x_ref[0, 1])
    s = 1.0 / (1.0 + jnp.exp(-m))
    pad_ref[pl.ds(2, 512), pl.ds(2, 512)] = s

    tmp = gv_ref[0] * pad_ref[pl.ds(0, 512), :]
    for r in range(1, 5):
        tmp = tmp + gv_ref[r] * pad_ref[pl.ds(r, 512), :]
    out = gh_ref[0] * tmp[:, 0:512]
    for c in range(1, 5):
        out = out + gh_ref[c] * tmp[:, c:c + 512]

    mask = jnp.where(out > _THRESHOLD, 1.0, 0.0)
    cnt_ref[0, 0] += jnp.sum(mask)
    is_first = ((i + _K_SC) % 5) == 0
    mask_ref[0, 0] = jnp.where(is_first, jnp.ones_like(mask), mask)


def _tc_part(x_tc, gv, gh):
    n = x_tc.shape[0]
    masks, cnt = pl.pallas_call(
        _map_kernel,
        grid=(n,),
        in_specs=[
            pl.BlockSpec(memory_space=pltpu.SMEM),
            pl.BlockSpec(memory_space=pltpu.SMEM),
            pl.BlockSpec((1, 2, 512, 512), lambda i: (i, 0, 0, 0)),
        ],
        out_specs=[
            pl.BlockSpec((1, 1, 512, 512), lambda i: (i, 0, 0, 0)),
            pl.BlockSpec(memory_space=pltpu.SMEM),
        ],
        out_shape=[
            jax.ShapeDtypeStruct((n, 1, 512, 512), jnp.float32),
            jax.ShapeDtypeStruct((1, 1), jnp.float32),
        ],
        scratch_shapes=[pltpu.VMEM((516, 516), jnp.float32)],
    )(gv, gh, x_tc)
    return masks, cnt


def kernel(batch_confidence_maps, B, gauss_weight):
    Bdim, L, A, H, W = batch_confidence_maps.shape
    N = Bdim * L
    x = batch_confidence_maps.reshape(N, A, H, W)
    g = gauss_weight.reshape(5, 5)
    gv = g[:, 2]
    gh = g[2, :] / g[2, 2]

    masks_tc, cnt_tc = _tc_part(x[_K_SC:], gv, gh)
    masks_sc, counts_sc = _sc_part(x[:_K_SC], gv, gh)

    masks = jnp.concatenate([masks_sc, masks_tc], axis=0)
    rate = (jnp.sum(counts_sc) + cnt_tc[0, 0]) / (N * H * W)
    return masks, rate

# --- scband reference (transcript-rebuilt; emitter-appended) ---
"""Pipeline reference for scband-hpha-45311904973052 (READ-ONLY COPY).

The authoritative reference and input builder live on the scoring server;
editing this copy changes nothing except your own understanding.
"""

import jax, jax.numpy as jnp
import numpy as np


def _gaussian_kernel(k_size=5, sigma=1.0):
    center = k_size // 2
    x, y = np.mgrid[0 - center:k_size - center, 0 - center:k_size - center]
    g = 1 / (2 * np.pi * sigma) * np.exp(-(np.square(x) + np.square(y)) / (2 * np.square(sigma)))
    return jnp.asarray(g, dtype=jnp.float32).reshape(1, 1, k_size, k_size)


def setup_inputs(seed: int = 0) -> dict:
    key = jax.random.key(seed)
    batch_confidence_maps = jax.random.normal(key, (8, 5, 2, 512, 512), dtype=jnp.float32)
    return {
        "batch_confidence_maps": batch_confidence_maps,
        "B": 8,
        "gauss_weight": _gaussian_kernel(5, 1.0),
    }


def reference(batch_confidence_maps, B, gauss_weight):
    # Communication.forward, eval path (threshold masking); gaussian smoothing enabled.
    threshold = 0.01
    _, _, _, H, W = batch_confidence_maps.shape
    communication_masks = []
    communication_rates = []
    for b in range(batch_confidence_maps.shape[0]):
        conf = jax.nn.sigmoid(batch_confidence_maps[b])            # (L, A, H, W)
        ori_maps = jnp.max(conf, axis=1, keepdims=True)            # (L, 1, H, W)
        maps = jax.lax.conv_general_dilated(
            ori_maps, gauss_weight,
            window_strides=(1, 1), padding="SAME",
            dimension_numbers=("NCHW", "OIHW", "NCHW"))           # gaussian_filter (bias is zero)
        L = maps.shape[0]
        ones_mask = jnp.ones_like(maps)
        zeros_mask = jnp.zeros_like(maps)
        mask = jnp.where(maps > threshold, ones_mask, zeros_mask)
        rate = mask.sum() / (L * H * W)
        mask = mask.at[0].set(1.0)
        communication_masks.append(mask)
        communication_rates.append(rate)
    communication_rates = sum(communication_rates) / B
    communication_masks = jnp.concatenate(communication_masks, axis=0)
    return communication_masks, communication_rates

if __name__ == "__main__":
    import jax
    _d = setup_inputs()
    print(jax.jit(kernel)(*tuple(_d.values())))

</pallas_src>

<mosaic_0001>
#map = affine_map<(d0, d1) -> (0, 0)>
#map1 = affine_map<(d0, d1) -> (0, 0, 0, 0)>
#map2 = affine_map<(d0, d1) -> (0, 0, 0)>
module attributes {stable_mosaic.version = 14 : i64} {
  func.func @_sc_body(%arg0: i32, %arg1: i32, %arg2: memref<10x16xf32, #tpu.memory_space<hbm>>, %arg3: memref<4x2x520x512xf32, #tpu.memory_space<hbm>>, %arg4: memref<4x1x512x512xf32, #tpu.memory_space<hbm>>, %arg5: memref<32x1x16xf32, #tpu.memory_space<hbm>>, %arg6: memref<2x40x512xf32, #tpu.memory_space<vmem>>, %arg7: memref<36x528xf32, #tpu.memory_space<vmem>>, %arg8: memref<528xf32, #tpu.memory_space<vmem>>, %arg9: memref<32x512xf32, #tpu.memory_space<vmem>>, %arg10: memref<10x16xf32, #tpu.memory_space<vmem>>, %arg11: memref<1x16xf32, #tpu.memory_space<vmem>>) attributes {dimension_semantics = [#tpu.dimension_semantics<core_parallel>, #tpu.dimension_semantics<subcore_parallel>], iteration_bounds = array<i64: 2, 16>, scalar_prefetch = 0 : i64, scratch_operands = 6 : i64, tpu.core_type = #tpu.core_type<sc_vector_subcore>, window_params = [{transform_indices = #map}, {transform_indices = #map1}, {transform_indices = #map1}, {transform_indices = #map2}]} {
    %mul3A = arith.constant 2 : i32
    %mul3A_0 = arith.muli %arg1, %mul3A : i32
    %add3A = arith.addi %mul3A_0, %arg0 : i32
    "tpu.region"() ({
      %run_scoped3A = tpu.sem_alloc : memref<!tpu.dma_semaphore, #tpu.memory_space<semaphore_mem>>
      tpu.enqueue_dma source(%arg2 : memref<10x16xf32, #tpu.memory_space<hbm>>) target(%arg10 : memref<10x16xf32, #tpu.memory_space<vmem>>) target_semaphore(%run_scoped3A : memref<!tpu.dma_semaphore, #tpu.memory_space<semaphore_mem>>)
      tpu.wait_dma2 semaphore(%run_scoped3A : memref<!tpu.dma_semaphore, #tpu.memory_space<semaphore_mem>>) src(%arg2 : memref<10x16xf32, #tpu.memory_space<hbm>>) dst(%arg10 : memref<10x16xf32, #tpu.memory_space<vmem>>)
      tpu.yield
    }) : () -> ()
    %get3A = arith.constant 0 : i32
    %get3A_1 = arith.index_cast %get3A : i32 to index
    %get3A_2 = arith.constant 0 : index
    %get3A_3 = tpu.vector_load %arg10[%get3A_1, %get3A_2] {strides = array<i32>} : memref<10x16xf32, #tpu.memory_space<vmem>>, vector<1x16xf32>,
    %get3A_4 = vector.shape_cast %get3A_3 : vector<1x16xf32> to vector<16xf32>
    %get3A_5 = arith.constant 1 : i32
    %get3A_6 = arith.index_cast %get3A_5 : i32 to index
    %get3A_7 = arith.constant 0 : index
    %get3A_8 = tpu.vector_load %arg10[%get3A_6, %get3A_7] {strides = array<i32>} : memref<10x16xf32, #tpu.memory_space<vmem>>, vector<1x16xf32>,
    %get3A_9 = vector.shape_cast %get3A_8 : vector<1x16xf32> to vector<16xf32>
    %get3A_10 = arith.constant 2 : i32
    %get3A_11 = arith.index_cast %get3A_10 : i32 to index
    %get3A_12 = arith.constant 0 : index
    %get3A_13 = tpu.vector_load %arg10[%get3A_11, %get3A_12] {strides = array<i32>} : memref<10x16xf32, #tpu.memory_space<vmem>>, vector<1x16xf32>,
    %get3A_14 = vector.shape_cast %get3A_13 : vector<1x16xf32> to vector<16xf32>
    %get3A_15 = arith.constant 3 : i32
    %get3A_16 = arith.index_cast %get3A_15 : i32 to index
    %get3A_17 = arith.constant 0 : index
    %get3A_18 = tpu.vector_load %arg10[%get3A_16, %get3A_17] {strides = array<i32>} : memref<10x16xf32, #tpu.memory_space<vmem>>, vector<1x16xf32>,
    %get3A_19 = vector.shape_cast %get3A_18 : vector<1x16xf32> to vector<16xf32>
    %get3A_20 = arith.constant 4 : i32
    %get3A_21 = arith.index_cast %get3A_20 : i32 to index
    %get3A_22 = arith.constant 0 : index
    %get3A_23 = tpu.vector_load %arg10[%get3A_21, %get3A_22] {strides = array<i32>} : memref<10x16xf32, #tpu.memory_space<vmem>>, vector<1x16xf32>,
    %get3A_24 = vector.shape_cast %get3A_23 : vector<1x16xf32> to vector<16xf32>
    %get3A_25 = arith.constant 5 : i32
    %get3A_26 = arith.index_cast %get3A_25 : i32 to index
    %get3A_27 = arith.constant 0 : index
    %get3A_28 = tpu.vector_load %arg10[%get3A_26, %get3A_27] {strides = array<i32>} : memref<10x16xf32, #tpu.memory_space<vmem>>, vector<1x16xf32>,
    %get3A_29 = vector.shape_cast %get3A_28 : vector<1x16xf32> to vector<16xf32>
    %get3A_30 = arith.constant 6 : i32
    %get3A_31 = arith.index_cast %get3A_30 : i32 to index
    %get3A_32 = arith.constant 0 : index
    %get3A_33 = tpu.vector_load %arg10[%get3A_31, %get3A_32] {strides = array<i32>} : memref<10x16xf32, #tpu.memory_space<vmem>>, vector<1x16xf32>,
    %get3A_34 = vector.shape_cast %get3A_33 : vector<1x16xf32> to vector<16xf32>
    %get3A_35 = arith.constant 7 : i32
    %get3A_36 = arith.index_cast %get3A_35 : i32 to index
    %get3A_37 = arith.constant 0 : index
    %get3A_38 = tpu.vector_load %arg10[%get3A_36, %get3A_37] {strides = array<i32>} : memref<10x16xf32, #tpu.memory_space<vmem>>, vector<1x16xf32>,
    %get3A_39 = vector.shape_cast %get3A_38 : vector<1x16xf32> to vector<16xf32>
    %get3A_40 = arith.constant 8 : i32
    %get3A_41 = arith.index_cast %get3A_40 : i32 to index
    %get3A_42 = arith.constant 0 : index
    %get3A_43 = tpu.vector_load %arg10[%get3A_41, %get3A_42] {strides = array<i32>} : memref<10x16xf32, #tpu.memory_space<vmem>>, vector<1x16xf32>,
    %get3A_44 = vector.shape_cast %get3A_43 : vector<1x16xf32> to vector<16xf32>
    %get3A_45 = arith.constant 9 : i32
    %get3A_46 = arith.index_cast %get3A_45 : i32 to index
    %get3A_47 = arith.constant 0 : index
    %get3A_48 = tpu.vector_load %arg10[%get3A_46, %get3A_47] {strides = array<i32>} : memref<10x16xf32, #tpu.memory_space<vmem>>, vector<1x16xf32>,
    %get3A_49 = vector.shape_cast %get3A_48 : vector<1x16xf32> to vector<16xf32>
    %broadcast_in_dim3A = arith.constant 0.000000e+00 : f32
    %broadcast_in_dim3A_50 = vector.broadcast %broadcast_in_dim3A : f32 to vector<16xf32>
    %scan3A = arith.constant 0 : i32
    %scan3A_51 = arith.constant 2 : i32
    %scan3A_52 = arith.addi %scan3A, %scan3A_51 : i32
    %scan3A_53 = arith.constant 1 : i32
    %scan3A_54 = scf.for %scan3A_61 = %scan3A to %scan3A_52 step %scan3A_53 iter_args(%scan3A_62 = %broadcast_in_dim3A_50) -> (vector<16xf32>)  : i32 {
      %mul3A_63 = arith.constant 2 : i32
      %mul3A_64 = arith.muli %add3A, %mul3A_63 : i32
      %add3A_65 = arith.addi %mul3A_64, %scan3A_61 : i32
      %jit3A = arith.constant 16 : i32
      %div3A = arith.divsi %add3A_65, %jit3A : i32
      %sign3A = arith.constant 0 : i32
      %sign3A_66 = arith.cmpi sgt, %add3A_65, %sign3A : i32
      %sign3A_67 = arith.extui %sign3A_66 : i1 to i32
      %sign3A_68 = arith.constant 0 : i32
      %sign3A_69 = arith.cmpi slt, %add3A_65, %sign3A_68 : i32
      %sign3A_70 = arith.extui %sign3A_69 : i1 to i32
      %sign3A_71 = arith.subi %sign3A_67, %sign3A_70 : i32
      %sign3A_72 = arith.constant 0 : i32
      %sign3A_73 = arith.cmpi sgt, %jit3A, %sign3A_72 : i32
      %sign3A_74 = arith.extui %sign3A_73 : i1 to i32
      %sign3A_75 = arith.constant 0 : i32
      %sign3A_76 = arith.cmpi slt, %jit3A, %sign3A_75 : i32
      %sign3A_77 = arith.extui %sign3A_76 : i1 to i32
      %sign3A_78 = arith.subi %sign3A_74, %sign3A_77 : i32
      %ne3A = arith.cmpi ne, %sign3A_71, %sign3A_78 : i32
      %rem3A = arith.remsi %add3A_65, %jit3A : i32
      %ne3A_79 = arith.constant 0 : i32
      %ne3A_80 = arith.cmpi ne, %rem3A, %ne3A_79 : i32
      %and3A = arith.andi %ne3A, %ne3A_80 : i1
      %sub3A = arith.constant 1 : i32
      %sub3A_81 = arith.subi %div3A, %sub3A : i32
      %select_n3A = arith.select %and3A, %sub3A_81, %div3A : i32
      %jit3A_82 = arith.constant 16 : i32
      %eq3A = arith.constant 0 : i32
      %eq3A_83 = arith.cmpi eq, %jit3A_82, %eq3A : i32
      %jit3A_84 = arith.constant 1 : i32
      %select_n3A_85 = arith.select %eq3A_83, %jit3A_84, %jit3A_82 : i32
      %rem3A_86 = arith.remsi %add3A_65, %select_n3A_85 : i32
      %ne3A_87 = arith.constant 0 : i32
      %ne3A_88 = arith.cmpi ne, %rem3A_86, %ne3A_87 : i32
      %lt3A = arith.constant 0 : i32
      %lt3A_89 = arith.cmpi slt, %rem3A_86, %lt3A : i32
      %lt3A_90 = arith.constant 0 : i32
      %lt3A_91 = arith.cmpi slt, %select_n3A_85, %lt3A_90 : i32
      %ne3A_92 = arith.xori %lt3A_89, %lt3A_91 : i1
      %and3A_93 = arith.andi %ne3A_92, %ne3A_88 : i1
      %add3A_94 = arith.addi %rem3A_86, %select_n3A_85 : i32
      %select_n3A_95 = arith.select %and3A_93, %add3A_94, %rem3A_86 : i32
      %mul3A_96 = arith.constant 32 : i32
      %mul3A_97 = arith.muli %select_n3A_95, %mul3A_96 : i32
      %run_scoped3A = arith.constant 0 : i32
      %run_scoped3A_98 = arith.constant 0 : i32
      "tpu.region"() ({
        %run_scoped3A_137 = tpu.sem_alloc : memref<!tpu.dma_semaphore, #tpu.memory_space<semaphore_mem>>
        %dma_start3A = arith.constant 0 : i32
        %dma_start3A_138 = arith.constant 0 : i32
        %dma_start3A_139 = tpu.memref_slice %arg6[%run_scoped3A_98, %dma_start3A, %dma_start3A_138] : memref<2x40x512xf32, #tpu.memory_space<vmem>> -> memref<1x40x512xf32, #tpu.memory_space<vmem>>
        %dma_start3A_140 = tpu.memref_squeeze %dma_start3A_139 : memref<1x40x512xf32, #tpu.memory_space<vmem>> -> memref<40x512xf32, #tpu.memory_space<vmem>>
        %dma_start3A_141 = arith.constant 0 : i32
        %dma_start3A_142 = tpu.memref_slice %arg3[%select_n3A, %run_scoped3A, %mul3A_97, %dma_start3A_141] : memref<4x2x520x512xf32, #tpu.memory_space<hbm>> -> memref<1x1x40x512xf32, #tpu.memory_space<hbm>>
        %dma_start3A_143 = tpu.memref_squeeze %dma_start3A_142 : memref<1x1x40x512xf32, #tpu.memory_space<hbm>> -> memref<40x512xf32, #tpu.memory_space<hbm>>
        %dma_start3A_144 = arith.constant 0 : i32
        %dma_start3A_145 = arith.constant 0 : i32
        %dma_start3A_146 = tpu.memref_slice %arg6[%run_scoped3A_98, %dma_start3A_144, %dma_start3A_145] : memref<2x40x512xf32, #tpu.memory_space<vmem>> -> memref<1x40x512xf32, #tpu.memory_space<vmem>>
        %dma_start3A_147 = tpu.memref_squeeze %dma_start3A_146 : memref<1x40x512xf32, #tpu.memory_space<vmem>> -> memref<40x512xf32, #tpu.memory_space<vmem>>
        %dma_start3A_148 = arith.constant 0 : i32
        %dma_start3A_149 = tpu.memref_slice %arg3[%select_n3A, %run_scoped3A, %mul3A_97, %dma_start3A_148] : memref<4x2x520x512xf32, #tpu.memory_space<hbm>> -> memref<1x1x40x512xf32, #tpu.memory_space<hbm>>
        %dma_start3A_150 = tpu.memref_squeeze %dma_start3A_149 : memref<1x1x40x512xf32, #tpu.memory_space<hbm>> -> memref<40x512xf32, #tpu.memory_space<hbm>>
        tpu.enqueue_dma source(%dma_start3A_150 : memref<40x512xf32, #tpu.memory_space<hbm>>) target(%dma_start3A_147 : memref<40x512xf32, #tpu.memory_space<vmem>>) target_semaphore(%run_scoped3A_137 : memref<!tpu.dma_semaphore, #tpu.memory_space<semaphore_mem>>)
        %dma_wait3A = arith.constant 0 : i32
        %dma_wait3A_151 = arith.constant 0 : i32
        %dma_wait3A_152 = tpu.memref_slice %arg6[%run_scoped3A_98, %dma_wait3A, %dma_wait3A_151] : memref<2x40x512xf32, #tpu.memory_space<vmem>> -> memref<1x40x512xf32, #tpu.memory_space<vmem>>
        %dma_wait3A_153 = tpu.memref_squeeze %dma_wait3A_152 : memref<1x40x512xf32, #tpu.memory_space<vmem>> -> memref<40x512xf32, #tpu.memory_space<vmem>>
        %dma_wait3A_154 = arith.constant 0 : i32
        %dma_wait3A_155 = tpu.memref_slice %arg3[%select_n3A, %run_scoped3A, %mul3A_97, %dma_wait3A_154] : memref<4x2x520x512xf32, #tpu.memory_space<hbm>> -> memref<1x1x40x512xf32, #tpu.memory_space<hbm>>
        %dma_wait3A_156 = tpu.memref_squeeze %dma_wait3A_155 : memref<1x1x40x512xf32, #tpu.memory_space<hbm>> -> memref<40x512xf32, #tpu.memory_space<hbm>>
        %dma_wait3A_157 = arith.constant 0 : i32
        %dma_wait3A_158 = arith.constant 0 : i32
        %dma_wait3A_159 = tpu.memref_slice %arg6[%run_scoped3A_98, %dma_wait3A_157, %dma_wait3A_158] : memref<2x40x512xf32, #tpu.memory_space<vmem>> -> memref<1x40x512xf32, #tpu.memory_space<vmem>>
        %dma_wait3A_160 = tpu.memref_squeeze %dma_wait3A_159 : memref<1x40x512xf32, #tpu.memory_space<vmem>> -> memref<40x512xf32, #tpu.memory_space<vmem>>
        %dma_wait3A_161 = arith.constant 0 : i32
        %dma_wait3A_162 = tpu.memref_slice %arg3[%select_n3A, %run_scoped3A, %mul3A_97, %dma_wait3A_161] : memref<4x2x520x512xf32, #tpu.memory_space<hbm>> -> memref<1x1x40x512xf32, #tpu.memory_space<hbm>>
        %dma_wait3A_163 = tpu.memref_squeeze %dma_wait3A_162 : memref<1x1x40x512xf32, #tpu.memory_space<hbm>> -> memref<40x512xf32, #tpu.memory_space<hbm>>
        tpu.wait_dma2 semaphore(%run_scoped3A_137 : memref<!tpu.dma_semaphore, #tpu.memory_space<semaphore_mem>>) src(%dma_wait3A_163 : memref<40x512xf32, #tpu.memory_space<hbm>>) dst(%dma_wait3A_160 : memref<40x512xf32, #tpu.memory_space<vmem>>)
        tpu.yield
      }) : () -> ()
      %run_scoped3A_99 = arith.constant 1 : i32
      %run_scoped3A_100 = arith.constant 1 : i32
      "tpu.region"() ({
        %run_scoped3A_137 = tpu.sem_alloc : memref<!tpu.dma_semaphore, #tpu.memory_space<semaphore_mem>>
        %dma_start3A = arith.constant 0 : i32
        %dma_start3A_138 = arith.constant 0 : i32
        %dma_start3A_139 = tpu.memref_slice %arg6[%run_scoped3A_100, %dma_start3A, %dma_start3A_138] : memref<2x40x512xf32, #tpu.memory_space<vmem>> -> memref<1x40x512xf32, #tpu.memory_space<vmem>>
        %dma_start3A_140 = tpu.memref_squeeze %dma_start3A_139 : memref<1x40x512xf32, #tpu.memory_space<vmem>> -> memref<40x512xf32, #tpu.memory_space<vmem>>
        %dma_start3A_141 = arith.constant 0 : i32
        %dma_start3A_142 = tpu.memref_slice %arg3[%select_n3A, %run_scoped3A_99, %mul3A_97, %dma_start3A_141] : memref<4x2x520x512xf32, #tpu.memory_space<hbm>> -> memref<1x1x40x512xf32, #tpu.memory_space<hbm>>
        %dma_start3A_143 = tpu.memref_squeeze %dma_start3A_142 : memref<1x1x40x512xf32, #tpu.memory_space<hbm>> -> memref<40x512xf32, #tpu.memory_space<hbm>>
        %dma_start3A_144 = arith.constant 0 : i32
        %dma_start3A_145 = arith.constant 0 : i32
        %dma_start3A_146 = tpu.memref_slice %arg6[%run_scoped3A_100, %dma_start3A_144, %dma_start3A_145] : memref<2x40x512xf32, #tpu.memory_space<vmem>> -> memref<1x40x512xf32, #tpu.memory_space<vmem>>
        %dma_start3A_147 = tpu.memref_squeeze %dma_start3A_146 : memref<1x40x512xf32, #tpu.memory_space<vmem>> -> memref<40x512xf32, #tpu.memory_space<vmem>>
        %dma_start3A_148 = arith.constant 0 : i32
        %dma_start3A_149 = tpu.memref_slice %arg3[%select_n3A, %run_scoped3A_99, %mul3A_97, %dma_start3A_148] : memref<4x2x520x512xf32, #tpu.memory_space<hbm>> -> memref<1x1x40x512xf32, #tpu.memory_space<hbm>>
        %dma_start3A_150 = tpu.memref_squeeze %dma_start3A_149 : memref<1x1x40x512xf32, #tpu.memory_space<hbm>> -> memref<40x512xf32, #tpu.memory_space<hbm>>
        tpu.enqueue_dma source(%dma_start3A_150 : memref<40x512xf32, #tpu.memory_space<hbm>>) target(%dma_start3A_147 : memref<40x512xf32, #tpu.memory_space<vmem>>) target_semaphore(%run_scoped3A_137 : memref<!tpu.dma_semaphore, #tpu.memory_space<semaphore_mem>>)
        %dma_wait3A = arith.constant 0 : i32
        %dma_wait3A_151 = arith.constant 0 : i32
        %dma_wait3A_152 = tpu.memref_slice %arg6[%run_scoped3A_100, %dma_wait3A, %dma_wait3A_151] : memref<2x40x512xf32, #tpu.memory_space<vmem>> -> memref<1x40x512xf32, #tpu.memory_space<vmem>>
        %dma_wait3A_153 = tpu.memref_squeeze %dma_wait3A_152 : memref<1x40x512xf32, #tpu.memory_space<vmem>> -> memref<40x512xf32, #tpu.memory_space<vmem>>
        %dma_wait3A_154 = arith.constant 0 : i32
        %dma_wait3A_155 = tpu.memref_slice %arg3[%select_n3A, %run_scoped3A_99, %mul3A_97, %dma_wait3A_154] : memref<4x2x520x512xf32, #tpu.memory_space<hbm>> -> memref<1x1x40x512xf32, #tpu.memory_space<hbm>>
        %dma_wait3A_156 = tpu.memref_squeeze %dma_wait3A_155 : memref<1x1x40x512xf32, #tpu.memory_space<hbm>> -> memref<40x512xf32, #tpu.memory_space<hbm>>
        %dma_wait3A_157 = arith.constant 0 : i32
        %dma_wait3A_158 = arith.constant 0 : i32
        %dma_wait3A_159 = tpu.memref_slice %arg6[%run_scoped3A_100, %dma_wait3A_157, %dma_wait3A_158] : memref<2x40x512xf32, #tpu.memory_space<vmem>> -> memref<1x40x512xf32, #tpu.memory_space<vmem>>
        %dma_wait3A_160 = tpu.memref_squeeze %dma_wait3A_159 : memref<1x40x512xf32, #tpu.memory_space<vmem>> -> memref<40x512xf32, #tpu.memory_space<vmem>>
        %dma_wait3A_161 = arith.constant 0 : i32
        %dma_wait3A_162 = tpu.memref_slice %arg3[%select_n3A, %run_scoped3A_99, %mul3A_97, %dma_wait3A_161] : memref<4x2x520x512xf32, #tpu.memory_space<hbm>> -> memref<1x1x40x512xf32, #tpu.memory_space<hbm>>
        %dma_wait3A_163 = tpu.memref_squeeze %dma_wait3A_162 : memref<1x1x40x512xf32, #tpu.memory_space<hbm>> -> memref<40x512xf32, #tpu.memory_space<hbm>>
        tpu.wait_dma2 semaphore(%run_scoped3A_137 : memref<!tpu.dma_semaphore, #tpu.memory_space<semaphore_mem>>) src(%dma_wait3A_163 : memref<40x512xf32, #tpu.memory_space<hbm>>) dst(%dma_wait3A_160 : memref<40x512xf32, #tpu.memory_space<vmem>>)
        tpu.yield
      }) : () -> ()
      %scan3A_101 = arith.constant 0 : i32
      %scan3A_102 = arith.constant 0 : i32
      %scan3A_103 = arith.constant 36 : i32
      %scan3A_104 = arith.addi %scan3A_102, %scan3A_103 : i32
      %scan3A_105 = arith.constant 1 : i32
      %scan3A_106 = scf.for %scan3A_137 = %scan3A_102 to %scan3A_104 step %scan3A_105 iter_args(%scan3A_138 = %scan3A_101) -> (i32)  : i32 {
        %swap3A_139 = arith.index_cast %scan3A_137 : i32 to index
        %swap3A_140 = arith.constant 0 : index
        %swap3A_141 = tpu.vector_load %arg7[%swap3A_139, %swap3A_140] {strides = array<i32>} : memref<36x528xf32, #tpu.memory_space<vmem>>, vector<1x16xf32>,
        %swap3A_142 = vector.shape_cast %swap3A_141 : vector<1x16xf32> to vector<16xf32>
        %swap3A_143 = vector.shape_cast %broadcast_in_dim3A_50 : vector<16xf32> to vector<1x16xf32>
        tpu.vector_store %arg7[%swap3A_139, %swap3A_140], %swap3A_143 {strides = array<i32>} : memref<36x528xf32, #tpu.memory_space<vmem>>, vector<1x16xf32>,
        %swap3A_144 = arith.index_cast %scan3A_137 : i32 to index
        %swap3A_145 = arith.constant 512 : index
        %swap3A_146 = tpu.vector_load %arg7[%swap3A_144, %swap3A_145] {strides = array<i32>} : memref<36x528xf32, #tpu.memory_space<vmem>>, vector<1x16xf32>,
        %swap3A_147 = vector.shape_cast %swap3A_146 : vector<1x16xf32> to vector<16xf32>
        %swap3A_148 = vector.shape_cast %broadcast_in_dim3A_50 : vector<16xf32> to vector<1x16xf32>
        tpu.vector_store %arg7[%swap3A_144, %swap3A_145], %swap3A_148 {strides = array<i32>} : memref<36x528xf32, #tpu.memory_space<vmem>>, vector<1x16xf32>,
        %get3A_149 = arith.constant 0 : i32
        %get3A_150 = arith.index_cast %get3A_149 : i32 to index
        %get3A_151 = arith.index_cast %scan3A_137 : i32 to index
        %get3A_152 = arith.constant 0 : index
        %get3A_153 = tpu.vector_load %arg6[%get3A_150, %get3A_151, %get3A_152] {strides = array<i32>} : memref<2x40x512xf32, #tpu.memory_space<vmem>>, vector<1x1x16xf32>,
        %get3A_154 = vector.shape_cast %get3A_153 : vector<1x1x16xf32> to vector<16xf32>
        %get3A_155 = arith.constant 1 : i32
        %get3A_156 = arith.index_cast %get3A_155 : i32 to index
        %get3A_157 = arith.index_cast %scan3A_137 : i32 to index
        %get3A_158 = arith.constant 0 : index
        %get3A_159 = tpu.vector_load %arg6[%get3A_156, %get3A_157, %get3A_158] {strides = array<i32>} : memref<2x40x512xf32, #tpu.memory_space<vmem>>, vector<1x1x16xf32>,
        %get3A_160 = vector.shape_cast %get3A_159 : vector<1x1x16xf32> to vector<16xf32>
        %max3A = arith.maximumf %get3A_154, %get3A_160 : vector<16xf32>
        %neg3A = arith.constant 0.000000e+00 : f32
        %neg3A_161 = vector.broadcast %neg3A : f32 to vector<16xf32>
        %neg3A_162 = arith.subf %neg3A_161, %max3A : vector<16xf32>
        %exp3A = math.exp %neg3A_162 : vector<16xf32>
        %add3A_163 = arith.constant 1.000000e+00 : f32
        %add3A_164 = vector.broadcast %add3A_163 : f32 to vector<16xf32>
        %add3A_165 = arith.addf %add3A_164, %exp3A : vector<16xf32>
        %div3A_166 = arith.constant 1.000000e+00 : f32
        %div3A_167 = vector.broadcast %div3A_166 : f32 to vector<16xf32>
        %div3A_168 = arith.divf %div3A_167, %add3A_165 : vector<16xf32>
        %swap3A_169 = arith.index_cast %scan3A_137 : i32 to index
        %swap3A_170 = arith.constant 2 : index
        %swap3A_171 = tpu.vector_load %arg7[%swap3A_169, %swap3A_170] {strides = array<i32>} : memref<36x528xf32, #tpu.memory_space<vmem>>, vector<1x16xf32>,
        %swap3A_172 = vector.shape_cast %swap3A_171 : vector<1x16xf32> to vector<16xf32>
        %swap3A_173 = vector.shape_cast %div3A_168 : vector<16xf32> to vector<1x16xf32>
        tpu.vector_store %arg7[%swap3A_169, %swap3A_170], %swap3A_173 {strides = array<i32>} : memref<36x528xf32, #tpu.memory_space<vmem>>, vector<1x16xf32>,
        %get3A_174 = arith.constant 0 : i32
        %get3A_175 = arith.index_cast %get3A_174 : i32 to index
        %get3A_176 = arith.index_cast %scan3A_137 : i32 to index
        %get3A_177 = arith.constant 16 : index
        %get3A_178 = tpu.vector_load %arg6[%get3A_175, %get3A_176, %get3A_177] {strides = array<i32>} : memref<2x40x512xf32, #tpu.memory_space<vmem>>, vector<1x1x16xf32>,
        %get3A_179 = vector.shape_cast %get3A_178 : vector<1x1x16xf32> to vector<16xf32>
        %get3A_180 = arith.constant 1 : i32
        %get3A_181 = arith.index_cast %get3A_180 : i32 to index
        %get3A_182 = arith.index_cast %scan3A_137 : i32 to index
        %get3A_183 = arith.constant 16 : index
        %get3A_184 = tpu.vector_load %arg6[%get3A_181, %get3A_182, %get3A_183] {strides = array<i32>} : memref<2x40x512xf32, #tpu.memory_space<vmem>>, vector<1x1x16xf32>,
        %get3A_185 = vector.shape_cast %get3A_184 : vector<1x1x16xf32> to vector<16xf32>
        %max3A_186 = arith.maximumf %get3A_179, %get3A_185 : vector<16xf32>
        %neg3A_187 = arith.constant 0.000000e+00 : f32
        %neg3A_188 = vector.broadcast %neg3A_187 : f32 to vector<16xf32>
        %neg3A_189 = arith.subf %neg3A_188, %max3A_186 : vector<16xf32>
        %exp3A_190 = math.exp %neg3A_189 : vector<16xf32>
        %add3A_191 = arith.constant 1.000000e+00 : f32
        %add3A_192 = vector.broadcast %add3A_191 : f32 to vector<16xf32>
        %add3A_193 = arith.addf %add3A_192, %exp3A_190 : vector<16xf32>
        %div3A_194 = arith.constant 1.000000e+00 : f32
        %div3A_195 = vector.broadcast %div3A_194 : f32 to vector<16xf32>
        %div3A_196 = arith.divf %div3A_195, %add3A_193 : vector<16xf32>
        %swap3A_197 = arith.index_cast %scan3A_137 : i32 to index
        %swap3A_198 = arith.constant 18 : index
        %swap3A_199 = tpu.vector_load %arg7[%swap3A_197, %swap3A_198] {strides = array<i32>} : memref<36x528xf32, #tpu.memory_space<vmem>>, vector<1x16xf32>,
        %swap3A_200 = vector.shape_cast %swap3A_199 : vector<1x16xf32> to vector<16xf32>
        %swap3A_201 = vector.shape_cast %div3A_196 : vector<16xf32> to vector<1x16xf32>
        tpu.vector_store %arg7[%swap3A_197, %swap3A_198], %swap3A_201 {strides = array<i32>} : memref<36x528xf32, #tpu.memory_space<vmem>>, vector<1x16xf32>,
        %get3A_202 = arith.constant 0 : i32
        %get3A_203 = arith.index_cast %get3A_202 : i32 to index
        %get3A_204 = arith.index_cast %scan3A_137 : i32 to index
        %get3A_205 = arith.constant 32 : index
        %get3A_206 = tpu.vector_load %arg6[%get3A_203, %get3A_204, %get3A_205] {strides = array<i32>} : memref<2x40x512xf32, #tpu.memory_space<vmem>>, vector<1x1x16xf32>,
        %get3A_207 = vector.shape_cast %get3A_206 : vector<1x1x16xf32> to vector<16xf32>
        %get3A_208 = arith.constant 1 : i32
        %get3A_209 = arith.index_cast %get3A_208 : i32 to index
        %get3A_210 = arith.index_cast %scan3A_137 : i32 to index
        %get3A_211 = arith.constant 32 : index
        %get3A_212 = tpu.vector_load %arg6[%get3A_209, %get3A_210, %get3A_211] {strides = array<i32>} : memref<2x40x512xf32, #tpu.memory_space<vmem>>, vector<1x1x16xf32>,
        %get3A_213 = vector.shape_cast %get3A_212 : vector<1x1x16xf32> to vector<16xf32>
        %max3A_214 = arith.maximumf %get3A_207, %get3A_213 : vector<16xf32>
        %neg3A_215 = arith.constant 0.000000e+00 : f32
        %neg3A_216 = vector.broadcast %neg3A_215 : f32 to vector<16xf32>
        %neg3A_217 = arith.subf %neg3A_216, %max3A_214 : vector<16xf32>
        %exp3A_218 = math.exp %neg3A_217 : vector<16xf32>
        %add3A_219 = arith.constant 1.000000e+00 : f32
        %add3A_220 = vector.broadcast %add3A_219 : f32 to vector<16xf32>
        %add3A_221 = arith.addf %add3A_220, %exp3A_218 : vector<16xf32>
        %div3A_222 = arith.constant 1.000000e+00 : f32
        %div3A_223 = vector.broadcast %div3A_222 : f32 to vector<16xf32>
        %div3A_224 = arith.divf %div3A_223, %add3A_221 : vector<16xf32>
        %swap3A_225 = arith.index_cast %scan3A_137 : i32 to index
        %swap3A_226 = arith.constant 34 : index
        %swap3A_227 = tpu.vector_load %arg7[%swap3A_225, %swap3A_226] {strides = array<i32>} : memref<36x528xf32, #tpu.memory_space<vmem>>, vector<1x16xf32>,
        %swap3A_228 = vector.shape_cast %swap3A_227 : vector<1x16xf32> to vector<16xf32>
        %swap3A_229 = vector.shape_cast %div3A_224 : vector<16xf32> to vector<1x16xf32>
        tpu.vector_store %arg7[%swap3A_225, %swap3A_226], %swap3A_229 {strides = array<i32>} : memref<36x528xf32, #tpu.memory_space<vmem>>, vector<1x16xf32>,
        %get3A_230 = arith.constant 0 : i32
        %get3A_231 = arith.index_cast %get3A_230 : i32 to index
        %get3A_232 = arith.index_cast %scan3A_137 : i32 to index
        %get3A_233 = arith.constant 48 : index
        %get3A_234 = tpu.vector_load %arg6[%get3A_231, %get3A_232, %get3A_233] {strides = array<i32>} : memref<2x40x512xf32, #tpu.memory_space<vmem>>, vector<1x1x16xf32>,
        %get3A_235 = vector.shape_cast %get3A_234 : vector<1x1x16xf32> to vector<16xf32>
        %get3A_236 = arith.constant 1 : i32
        %get3A_237 = arith.index_cast %get3A_236 : i32 to index
        %get3A_238 = arith.index_cast %scan3A_137 : i32 to index
        %get3A_239 = arith.constant 48 : index
        %get3A_240 = tpu.vector_load %arg6[%get3A_237, %get3A_238, %get3A_239] {strides = array<i32>} : memref<2x40x512xf32, #tpu.memory_space<vmem>>, vector<1x1x16xf32>,
        %get3A_241 = vector.shape_cast %get3A_240 : vector<1x1x16xf32> to vector<16xf32>
        %max3A_242 = arith.maximumf %get3A_235, %get3A_241 : vector<16xf32>
        %neg3A_243 = arith.constant 0.000000e+00 : f32
        %neg3A_244 = vector.broadcast %neg3A_243 : f32 to vector<16xf32>
        %neg3A_245 = arith.subf %neg3A_244, %max3A_242 : vector<16xf32>
        %exp3A_246 = math.exp %neg3A_245 : vector<16xf32>
        %add3A_247 = arith.constant 1.000000e+00 : f32
        %add3A_248 = vector.broadcast %add3A_247 : f32 to vector<16xf32>
        %add3A_249 = arith.addf %add3A_248, %exp3A_246 : vector<16xf32>
        %div3A_250 = arith.constant 1.000000e+00 : f32
        %div3A_251 = vector.broadcast %div3A_250 : f32 to vector<16xf32>
        %div3A_252 = arith.divf %div3A_251, %add3A_249 : vector<16xf32>
        %swap3A_253 = arith.index_cast %scan3A_137 : i32 to index
        %swap3A_254 = arith.constant 50 : index
        %swap3A_255 = tpu.vector_load %arg7[%swap3A_253, %swap3A_254] {strides = array<i32>} : memref<36x528xf32, #tpu.memory_space<vmem>>, vector<1x16xf32>,
        %swap3A_256 = vector.shape_cast %swap3A_255 : vector<1x16xf32> to vector<16xf32>
        %swap3A_257 = vector.shape_cast %div3A_252 : vector<16xf32> to vector<1x16xf32>
        tpu.vector_store %arg7[%swap3A_253, %swap3A_254], %swap3A_257 {strides = array<i32>} : memref<36x528xf32, #tpu.memory_space<vmem>>, vector<1x16xf32>,
        %get3A_258 = arith.constant 0 : i32
        %get3A_259 = arith.index_cast %get3A_258 : i32 to index
        %get3A_260 = arith.index_cast %scan3A_137 : i32 to index
        %get3A_261 = arith.constant 64 : index
        %get3A_262 = tpu.vector_load %arg6[%get3A_259, %get3A_260, %get3A_261] {strides = array<i32>} : memref<2x40x512xf32, #tpu.memory_space<vmem>>, vector<1x1x16xf32>,
        %get3A_263 = vector.shape_cast %get3A_262 : vector<1x1x16xf32> to vector<16xf32>
        %get3A_264 = arith.constant 1 : i32
        %get3A_265 = arith.index_cast %get3A_264 : i32 to index
        %get3A_266 = arith.index_cast %scan3A_137 : i32 to index
        %get3A_267 = arith.constant 64 : index
        %get3A_268 = tpu.vector_load %arg6[%get3A_265, %get3A_266, %get3A_267] {strides = array<i32>} : memref<2x40x512xf32, #tpu.memory_space<vmem>>, vector<1x1x16xf32>,
        %get3A_269 = vector.shape_cast %get3A_268 : vector<1x1x16xf32> to vector<16xf32>
        %max3A_270 = arith.maximumf %get3A_263, %get3A_269 : vector<16xf32>
        %neg3A_271 = arith.constant 0.000000e+00 : f32
        %neg3A_272 = vector.broadcast %neg3A_271 : f32 to vector<16xf32>
        %neg3A_273 = arith.subf %neg3A_272, %max3A_270 : vector<16xf32>
        %exp3A_274 = math.exp %neg3A_273 : vector<16xf32>
        %add3A_275 = arith.constant 1.000000e+00 : f32
        %add3A_276 = vector.broadcast %add3A_275 : f32 to vector<16xf32>
        %add3A_277 = arith.addf %add3A_276, %exp3A_274 : vector<16xf32>
        %div3A_278 = arith.constant 1.000000e+00 : f32
        %div3A_279 = vector.broadcast %div3A_278 : f32 to vector<16xf32>
        %div3A_280 = arith.divf %div3A_279, %add3A_277 : vector<16xf32>
        %swap3A_281 = arith.index_cast %scan3A_137 : i32 to index
        %swap3A_282 = arith.constant 66 : index
        %swap3A_283 = tpu.vector_load %arg7[%swap3A_281, %swap3A_282] {strides = array<i32>} : memref<36x528xf32, #tpu.memory_space<vmem>>, vector<1x16xf32>,
        %swap3A_284 = vector.shape_cast %swap3A_283 : vector<1x16xf32> to vector<16xf32>
        %swap3A_285 = vector.shape_cast %div3A_280 : vector<16xf32> to vector<1x16xf32>
        tpu.vector_store %arg7[%swap3A_281, %swap3A_282], %swap3A_285 {strides = array<i32>} : memref<36x528xf32, #tpu.memory_space<vmem>>, vector<1x16xf32>,
        %get3A_286 = arith.constant 0 : i32
        %get3A_287 = arith.index_cast %get3A_286 : i32 to index
        %get3A_288 = arith.index_cast %scan3A_137 : i32 to index
        %get3A_289 = arith.constant 80 : index
        %get3A_290 = tpu.vector_load %arg6[%get3A_287, %get3A_288, %get3A_289] {strides = array<i32>} : memref<2x40x512xf32, #tpu.memory_space<vmem>>, vector<1x1x16xf32>,
        %get3A_291 = vector.shape_cast %get3A_290 : vector<1x1x16xf32> to vector<16xf32>
        %get3A_292 = arith.constant 1 : i32
        %get3A_293 = arith.index_cast %get3A_292 : i32 to index
        %get3A_294 = arith.index_cast %scan3A_137 : i32 to index
        %get3A_295 = arith.constant 80 : index
        %get3A_296 = tpu.vector_load %arg6[%get3A_293, %get3A_294, %get3A_295] {strides = array<i32>} : memref<2x40x512xf32, #tpu.memory_space<vmem>>, vector<1x1x16xf32>,
        %get3A_297 = vector.shape_cast %get3A_296 : vector<1x1x16xf32> to vector<16xf32>
        %max3A_298 = arith.maximumf %get3A_291, %get3A_297 : vector<16xf32>
        %neg3A_299 = arith.constant 0.000000e+00 : f32
        %neg3A_300 = vector.broadcast %neg3A_299 : f32 to vector<16xf32>
        %neg3A_301 = arith.subf %neg3A_300, %max3A_298 : vector<16xf32>
        %exp3A_302 = math.exp %neg3A_301 : vector<16xf32>
        %add3A_303 = arith.constant 1.000000e+00 : f32
        %add3A_304 = vector.broadcast %add3A_303 : f32 to vector<16xf32>
        %add3A_305 = arith.addf %add3A_304, %exp3A_302 : vector<16xf32>
        %div3A_306 = arith.constant 1.000000e+00 : f32
        %div3A_307 = vector.broadcast %div3A_306 : f32 to vector<16xf32>
        %div3A_308 = arith.divf %div3A_307, %add3A_305 : vector<16xf32>
        %swap3A_309 = arith.index_cast %scan3A_137 : i32 to index
        %swap3A_310 = arith.constant 82 : index
        %swap3A_311 = tpu.vector_load %arg7[%swap3A_309, %swap3A_310] {strides = array<i32>} : memref<36x528xf32, #tpu.memory_space<vmem>>, vector<1x16xf32>,
        %swap3A_312 = vector.shape_cast %swap3A_311 : vector<1x16xf32> to vector<16xf32>
        %swap3A_313 = vector.shape_cast %div3A_308 : vector<16xf32> to vector<1x16xf32>
        tpu.vector_store %arg7[%swap3A_309, %swap3A_310], %swap3A_313 {strides = array<i32>} : memref<36x528xf32, #tpu.memory_space<vmem>>, vector<1x16xf32>,
        %get3A_314 = arith.constant 0 : i32
        %get3A_315 = arith.index_cast %get3A_314 : i32 to index
        %get3A_316 = arith.index_cast %scan3A_137 : i32 to index
        %get3A_317 = arith.constant 96 : index
        %get3A_318 = tpu.vector_load %arg6[%get3A_315, %get3A_316, %get3A_317] {strides = array<i32>} : memref<2x40x512xf32, #tpu.memory_space<vmem>>, vector<1x1x16xf32>,
        %get3A_319 = vector.shape_cast %get3A_318 : vector<1x1x16xf32> to vector<16xf32>
        %get3A_320 = arith.constant 1 : i32
        %get3A_321 = arith.index_cast %get3A_320 : i32 to index
        %get3A_322 = arith.index_cast %scan3A_137 : i32 to index
        %get3A_323 = arith.constant 96 : index
        %get3A_324 = tpu.vector_load %arg6[%get3A_321, %get3A_322, %get3A_323] {strides = array<i32>} : memref<2x40x512xf32, #tpu.memory_space<vmem>>, vector<1x1x16xf32>,
        %get3A_325 = vector.shape_cast %get3A_324 : vector<1x1x16xf32> to vector<16xf32>
        %max3A_326 = arith.maximumf %get3A_319, %get3A_325 : vector<16xf32>
        %neg3A_327 = arith.constant 0.000000e+00 : f32
        %neg3A_328 = vector.broadcast %neg3A_327 : f32 to vector<16xf32>
        %neg3A_329 = arith.subf %neg3A_328, %max3A_326 : vector<16xf32>
        %exp3A_330 = math.exp %neg3A_329 : vector<16xf32>
        %add3A_331 = arith.constant 1.000000e+00 : f32
        %add3A_332 = vector.broadcast %add3A_331 : f32 to vector<16xf32>
        %add3A_333 = arith.addf %add3A_332, %exp3A_330 : vector<16xf32>
        %div3A_334 = arith.constant 1.000000e+00 : f32
        %div3A_335 = vector.broadcast %div3A_334 : f32 to vector<16xf32>
        %div3A_336 = arith.divf %div3A_335, %add3A_333 : vector<16xf32>
        %swap3A_337 = arith.index_cast %scan3A_137 : i32 to index
        %swap3A_338 = arith.constant 98 : index
        %swap3A_339 = tpu.vector_load %arg7[%swap3A_337, %swap3A_338] {strides = array<i32>} : memref<36x528xf32, #tpu.memory_space<vmem>>, vector<1x16xf32>,
        %swap3A_340 = vector.shape_cast %swap3A_339 : vector<1x16xf32> to vector<16xf32>
        %swap3A_341 = vector.shape_cast %div3A_336 : vector<16xf32> to vector<1x16xf32>
        tpu.vector_store %arg7[%swap3A_337, %swap3A_338], %swap3A_341 {strides = array<i32>} : memref<36x528xf32, #tpu.memory_space<vmem>>, vector<1x16xf32>,
        %get3A_342 = arith.constant 0 : i32
        %get3A_343 = arith.index_cast %get3A_342 : i32 to index
        %get3A_344 = arith.index_cast %scan3A_137 : i32 to index
        %get3A_345 = arith.constant 112 : index
        %get3A_346 = tpu.vector_load %arg6[%get3A_343, %get3A_344, %get3A_345] {strides = array<i32>} : memref<2x40x512xf32, #tpu.memory_space<vmem>>, vector<1x1x16xf32>,
        %get3A_347 = vector.shape_cast %get3A_346 : vector<1x1x16xf32> to vector<16xf32>
        %get3A_348 = arith.constant 1 : i32
        %get3A_349 = arith.index_cast %get3A_348 : i32 to index
        %get3A_350 = arith.index_cast %scan3A_137 : i32 to index
        %get3A_351 = arith.constant 112 : index
        %get3A_352 = tpu.vector_load %arg6[%get3A_349, %get3A_350, %get3A_351] {strides = array<i32>} : memref<2x40x512xf32, #tpu.memory_space<vmem>>, vector<1x1x16xf32>,
        %get3A_353 = vector.shape_cast %get3A_352 : vector<1x1x16xf32> to vector<16xf32>
        %max3A_354 = arith.maximumf %get3A_347, %get3A_353 : vector<16xf32>
        %neg3A_355 = arith.constant 0.000000e+00 : f32
        %neg3A_356 = vector.broadcast %neg3A_355 : f32 to vector<16xf32>
        %neg3A_357 = arith.subf %neg3A_356, %max3A_354 : vector<16xf32>
        %exp3A_358 = math.exp %neg3A_357 : vector<16xf32>
        %add3A_359 = arith.constant 1.000000e+00 : f32
        %add3A_360 = vector.broadcast %add3A_359 : f32 to vector<16xf32>
        %add3A_361 = arith.addf %add3A_360, %exp3A_358 : vector<16xf32>
        %div3A_362 = arith.constant 1.000000e+00 : f32
        %div3A_363 = vector.broadcast %div3A_362 : f32 to vector<16xf32>
        %div3A_364 = arith.divf %div3A_363, %add3A_361 : vector<16xf32>
        %swap3A_365 = arith.index_cast %scan3A_137 : i32 to index
        %swap3A_366 = arith.constant 114 : index
        %swap3A_367 = tpu.vector_load %arg7[%swap3A_365, %swap3A_366] {strides = array<i32>} : memref<36x528xf32, #tpu.memory_space<vmem>>, vector<1x16xf32>,
        %swap3A_368 = vector.shape_cast %swap3A_367 : vector<1x16xf32> to vector<16xf32>
        %swap3A_369 = vector.shape_cast %div3A_364 : vector<16xf32> to vector<1x16xf32>
        tpu.vector_store %arg7[%swap3A_365, %swap3A_366], %swap3A_369 {strides = array<i32>} : memref<36x528xf32, #tpu.memory_space<vmem>>, vector<1x16xf32>,
        %get3A_370 = arith.constant 0 : i32
        %get3A_371 = arith.index_cast %get3A_370 : i32 to index
        %get3A_372 = arith.index_cast %scan3A_137 : i32 to index
        %get3A_373 = arith.constant 128 : index
        %get3A_374 = tpu.vector_load %arg6[%get3A_371, %get3A_372, %get3A_373] {strides = array<i32>} : memref<2x40x512xf32, #tpu.memory_space<vmem>>, vector<1x1x16xf32>,
        %get3A_375 = vector.shape_cast %get3A_374 : vector<1x1x16xf32> to vector<16xf32>
        %get3A_376 = arith.constant 1 : i32
        %get3A_377 = arith.index_cast %get3A_376 : i32 to index
        %get3A_378 = arith.index_cast %scan3A_137 : i32 to index
        %get3A_379 = arith.constant 128 : index
        %get3A_380 = tpu.vector_load %arg6[%get3A_377, %get3A_378, %get3A_379] {strides = array<i32>} : memref<2x40x512xf32, #tpu.memory_space<vmem>>, vector<1x1x16xf32>,
        %get3A_381 = vector.shape_cast %get3A_380 : vector<1x1x16xf32> to vector<16xf32>
        %max3A_382 = arith.maximumf %get3A_375, %get3A_381 : vector<16xf32>
        %neg3A_383 = arith.constant 0.000000e+00 : f32
        %neg3A_384 = vector.broadcast %neg3A_383 : f32 to vector<16xf32>
        %neg3A_385 = arith.subf %neg3A_384, %max3A_382 : vector<16xf32>
        %exp3A_386 = math.exp %neg3A_385 : vector<16xf32>
        %add3A_387 = arith.constant 1.000000e+00 : f32
        %add3A_388 = vector.broadcast %add3A_387 : f32 to vector<16xf32>
        %add3A_389 = arith.addf %add3A_388, %exp3A_386 : vector<16xf32>
        %div3A_390 = arith.constant 1.000000e+00 : f32
        %div3A_391 = vector.broadcast %div3A_390 : f32 to vector<16xf32>
        %div3A_392 = arith.divf %div3A_391, %add3A_389 : vector<16xf32>
        %swap3A_393 = arith.index_cast %scan3A_137 : i32 to index
        %swap3A_394 = arith.constant 130 : index
        %swap3A_395 = tpu.vector_load %arg7[%swap3A_393, %swap3A_394] {strides = array<i32>} : memref<36x528xf32, #tpu.memory_space<vmem>>, vector<1x16xf32>,
        %swap3A_396 = vector.shape_cast %swap3A_395 : vector<1x16xf32> to vector<16xf32>
        %swap3A_397 = vector.shape_cast %div3A_392 : vector<16xf32> to vector<1x16xf32>
        tpu.vector_store %arg7[%swap3A_393, %swap3A_394], %swap3A_397 {strides = array<i32>} : memref<36x528xf32, #tpu.memory_space<vmem>>, vector<1x16xf32>,
        %get3A_398 = arith.constant 0 : i32
        %get3A_399 = arith.index_cast %get3A_398 : i32 to index
        %get3A_400 = arith.index_cast %scan3A_137 : i32 to index
        %get3A_401 = arith.constant 144 : index
        %get3A_402 = tpu.vector_load %arg6[%get3A_399, %get3A_400, %get3A_401] {strides = array<i32>} : memref<2x40x512xf32, #tpu.memory_space<vmem>>, vector<1x1x16xf32>,
        %get3A_403 = vector.shape_cast %get3A_402 : vector<1x1x16xf32> to vector<16xf32>
        %get3A_404 = arith.constant 1 : i32
        %get3A_405 = arith.index_cast %get3A_404 : i32 to index
        %get3A_406 = arith.index_cast %scan3A_137 : i32 to index
        %get3A_407 = arith.constant 144 : index
        %get3A_408 = tpu.vector_load %arg6[%get3A_405, %get3A_406, %get3A_407] {strides = array<i32>} : memref<2x40x512xf32, #tpu.memory_space<vmem>>, vector<1x1x16xf32>,
        %get3A_409 = vector.shape_cast %get3A_408 : vector<1x1x16xf32> to vector<16xf32>
        %max3A_410 = arith.maximumf %get3A_403, %get3A_409 : vector<16xf32>
        %neg3A_411 = arith.constant 0.000000e+00 : f32
        %neg3A_412 = vector.broadcast %neg3A_411 : f32 to vector<16xf32>
        %neg3A_413 = arith.subf %neg3A_412, %max3A_410 : vector<16xf32>
        %exp3A_414 = math.exp %neg3A_413 : vector<16xf32>
        %add3A_415 = arith.constant 1.000000e+00 : f32
        %add3A_416 = vector.broadcast %add3A_415 : f32 to vector<16xf32>
        %add3A_417 = arith.addf %add3A_416, %exp3A_414 : vector<16xf32>
        %div3A_418 = arith.constant 1.000000e+00 : f32
        %div3A_419 = vector.broadcast %div3A_418 : f32 to vector<16xf32>
        %div3A_420 = arith.divf %div3A_419, %add3A_417 : vector<16xf32>
        %swap3A_421 = arith.index_cast %scan3A_137 : i32 to index
        %swap3A_422 = arith.constant 146 : index
        %swap3A_423 = tpu.vector_load %arg7[%swap3A_421, %swap3A_422] {strides = array<i32>} : memref<36x528xf32, #tpu.memory_space<vmem>>, vector<1x16xf32>,
        %swap3A_424 = vector.shape_cast %swap3A_423 : vector<1x16xf32> to vector<16xf32>
        %swap3A_425 = vector.shape_cast %div3A_420 : vector<16xf32> to vector<1x16xf32>
        tpu.vector_store %arg7[%swap3A_421, %swap3A_422], %swap3A_425 {strides = array<i32>} : memref<36x528xf32, #tpu.memory_space<vmem>>, vector<1x16xf32>,
        %get3A_426 = arith.constant 0 : i32
        %get3A_427 = arith.index_cast %get3A_426 : i32 to index
        %get3A_428 = arith.index_cast %scan3A_137 : i32 to index
        %get3A_429 = arith.constant 160 : index
        %get3A_430 = tpu.vector_load %arg6[%get3A_427, %get3A_428, %get3A_429] {strides = array<i32>} : memref<2x40x512xf32, #tpu.memory_space<vmem>>, vector<1x1x16xf32>,
        %get3A_431 = vector.shape_cast %get3A_430 : vector<1x1x16xf32> to vector<16xf32>
        %get3A_432 = arith.constant 1 : i32
        %get3A_433 = arith.index_cast %get3A_432 : i32 to index
        %get3A_434 = arith.index_cast %scan3A_137 : i32 to index
        %get3A_435 = arith.constant 160 : index
        %get3A_436 = tpu.vector_load %arg6[%get3A_433, %get3A_434, %get3A_435] {strides = array<i32>} : memref<2x40x512xf32, #tpu.memory_space<vmem>>, vector<1x1x16xf32>,
        %get3A_437 = vector.shape_cast %get3A_436 : vector<1x1x16xf32> to vector<16xf32>
        %max3A_438 = arith.maximumf %get3A_431, %get3A_437 : vector<16xf32>
        %neg3A_439 = arith.constant 0.000000e+00 : f32
        %neg3A_440 = vector.broadcast %neg3A_439 : f32 to vector<16xf32>
        %neg3A_441 = arith.subf %neg3A_440, %max3A_438 : vector<16xf32>
        %exp3A_442 = math.exp %neg3A_441 : vector<16xf32>
        %add3A_443 = arith.constant 1.000000e+00 : f32
        %add3A_444 = vector.broadcast %add3A_443 : f32 to vector<16xf32>
        %add3A_445 = arith.addf %add3A_444, %exp3A_442 : vector<16xf32>
        %div3A_446 = arith.constant 1.000000e+00 : f32
        %div3A_447 = vector.broadcast %div3A_446 : f32 to vector<16xf32>
        %div3A_448 = arith.divf %div3A_447, %add3A_445 : vector<16xf32>
        %swap3A_449 = arith.index_cast %scan3A_137 : i32 to index
        %swap3A_450 = arith.constant 162 : index
        %swap3A_451 = tpu.vector_load %arg7[%swap3A_449, %swap3A_450] {strides = array<i32>} : memref<36x528xf32, #tpu.memory_space<vmem>>, vector<1x16xf32>,
        %swap3A_452 = vector.shape_cast %swap3A_451 : vector<1x16xf32> to vector<16xf32>
        %swap3A_453 = vector.shape_cast %div3A_448 : vector<16xf32> to vector<1x16xf32>
        tpu.vector_store %arg7[%swap3A_449, %swap3A_450], %swap3A_453 {strides = array<i32>} : memref<36x528xf32, #tpu.memory_space<vmem>>, vector<1x16xf32>,
        %get3A_454 = arith.constant 0 : i32
        %get3A_455 = arith.index_cast %get3A_454 : i32 to index
        %get3A_456 = arith.index_cast %scan3A_137 : i32 to index
        %get3A_457 = arith.constant 176 : index
        %get3A_458 = tpu.vector_load %arg6[%get3A_455, %get3A_456, %get3A_457] {strides = array<i32>} : memref<2x40x512xf32, #tpu.memory_space<vmem>>, vector<1x1x16xf32>,
        %get3A_459 = vector.shape_cast %get3A_458 : vector<1x1x16xf32> to vector<16xf32>
        %get3A_460 = arith.constant 1 : i32
        %get3A_461 = arith.index_cast %get3A_460 : i32 to index
        %get3A_462 = arith.index_cast %scan3A_137 : i32 to index
        %get3A_463 = arith.constant 176 : index
        %get3A_464 = tpu.vector_load %arg6[%get3A_461, %get3A_462, %get3A_463] {strides = array<i32>} : memref<2x40x512xf32, #tpu.memory_space<vmem>>, vector<1x1x16xf32>,
        %get3A_465 = vector.shape_cast %get3A_464 : vector<1x1x16xf32> to vector<16xf32>
        %max3A_466 = arith.maximumf %get3A_459, %get3A_465 : vector<16xf32>
        %neg3A_467 = arith.constant 0.000000e+00 : f32
        %neg3A_468 = vector.broadcast %neg3A_467 : f32 to vector<16xf32>
        %neg3A_469 = arith.subf %neg3A_468, %max3A_466 : vector<16xf32>
        %exp3A_470 = math.exp %neg3A_469 : vector<16xf32>
        %add3A_471 = arith.constant 1.000000e+00 : f32
        %add3A_472 = vector.broadcast %add3A_471 : f32 to vector<16xf32>
        %add3A_473 = arith.addf %add3A_472, %exp3A_470 : vector<16xf32>
        %div3A_474 = arith.constant 1.000000e+00 : f32
        %div3A_475 = vector.broadcast %div3A_474 : f32 to vector<16xf32>
        %div3A_476 = arith.divf %div3A_475, %add3A_473 : vector<16xf32>
        %swap3A_477 = arith.index_cast %scan3A_137 : i32 to index
        %swap3A_478 = arith.constant 178 : index
        %swap3A_479 = tpu.vector_load %arg7[%swap3A_477, %swap3A_478] {strides = array<i32>} : memref<36x528xf32, #tpu.memory_space<vmem>>, vector<1x16xf32>,
        %swap3A_480 = vector.shape_cast %swap3A_479 : vector<1x16xf32> to vector<16xf32>
        %swap3A_481 = vector.shape_cast %div3A_476 : vector<16xf32> to vector<1x16xf32>
        tpu.vector_store %arg7[%swap3A_477, %swap3A_478], %swap3A_481 {strides = array<i32>} : memref<36x528xf32, #tpu.memory_space<vmem>>, vector<1x16xf32>,
        %get3A_482 = arith.constant 0 : i32
        %get3A_483 = arith.index_cast %get3A_482 : i32 to index
        %get3A_484 = arith.index_cast %scan3A_137 : i32 to index
        %get3A_485 = arith.constant 192 : index
        %get3A_486 = tpu.vector_load %arg6[%get3A_483, %get3A_484, %get3A_485] {strides = array<i32>} : memref<2x40x512xf32, #tpu.memory_space<vmem>>, vector<1x1x16xf32>,
        %get3A_487 = vector.shape_cast %get3A_486 : vector<1x1x16xf32> to vector<16xf32>
        %get3A_488 = arith.constant 1 : i32
        %get3A_489 = arith.index_cast %get3A_488 : i32 to index
        %get3A_490 = arith.index_cast %scan3A_137 : i32 to index
        %get3A_491 = arith.constant 192 : index
        %get3A_492 = tpu.vector_load %arg6[%get3A_489, %get3A_490, %get3A_491] {strides = array<i32>} : memref<2x40x512xf32, #tpu.memory_space<vmem>>, vector<1x1x16xf32>,
        %get3A_493 = vector.shape_cast %get3A_492 : vector<1x1x16xf32> to vector<16xf32>
        %max3A_494 = arith.maximumf %get3A_487, %get3A_493 : vector<16xf32>
        %neg3A_495 = arith.constant 0.000000e+00 : f32
        %neg3A_496 = vector.broadcast %neg3A_495 : f32 to vector<16xf32>
        %neg3A_497 = arith.subf %neg3A_496, %max3A_494 : vector<16xf32>
        %exp3A_498 = math.exp %neg3A_497 : vector<16xf32>
        %add3A_499 = arith.constant 1.000000e+00 : f32
        %add3A_500 = vector.broadcast %add3A_499 : f32 to vector<16xf32>
        %add3A_501 = arith.addf %add3A_500, %exp3A_498 : vector<16xf32>
        %div3A_502 = arith.constant 1.000000e+00 : f32
        %div3A_503 = vector.broadcast %div3A_502 : f32 to vector<16xf32>
        %div3A_504 = arith.divf %div3A_503, %add3A_501 : vector<16xf32>
        %swap3A_505 = arith.index_cast %scan3A_137 : i32 to index
        %swap3A_506 = arith.constant 194 : index
        %swap3A_507 = tpu.vector_load %arg7[%swap3A_505, %swap3A_506] {strides = array<i32>} : memref<36x528xf32, #tpu.memory_space<vmem>>, vector<1x16xf32>,
        %swap3A_508 = vector.shape_cast %swap3A_507 : vector<1x16xf32> to vector<16xf32>
        %swap3A_509 = vector.shape_cast %div3A_504 : vector<16xf32> to vector<1x16xf32>
        tpu.vector_store %arg7[%swap3A_505, %swap3A_506], %swap3A_509 {strides = array<i32>} : memref<36x528xf32, #tpu.memory_space<vmem>>, vector<1x16xf32>,
        %get3A_510 = arith.constant 0 : i32
        %get3A_511 = arith.index_cast %get3A_510 : i32 to index
        %get3A_512 = arith.index_cast %scan3A_137 : i32 to index
        %get3A_513 = arith.constant 208 : index
        %get3A_514 = tpu.vector_load %arg6[%get3A_511, %get3A_512, %get3A_513] {strides = array<i32>} : memref<2x40x512xf32, #tpu.memory_space<vmem>>, vector<1x1x16xf32>,
        %get3A_515 = vector.shape_cast %get3A_514 : vector<1x1x16xf32> to vector<16xf32>
        %get3A_516 = arith.constant 1 : i32
        %get3A_517 = arith.index_cast %get3A_516 : i32 to index
        %get3A_518 = arith.index_cast %scan3A_137 : i32 to index
        %get3A_519 = arith.constant 208 : index
        %get3A_520 = tpu.vector_load %arg6[%get3A_517, %get3A_518, %get3A_519] {strides = array<i32>} : memref<2x40x512xf32, #tpu.memory_space<vmem>>, vector<1x1x16xf32>,
        %get3A_521 = vector.shape_cast %get3A_520 : vector<1x1x16xf32> to vector<16xf32>
        %max3A_522 = arith.maximumf %get3A_515, %get3A_521 : vector<16xf32>
        %neg3A_523 = arith.constant 0.000000e+00 : f32
        %neg3A_524 = vector.broadcast %neg3A_523 : f32 to vector<16xf32>
        %neg3A_525 = arith.subf %neg3A_524, %max3A_522 : vector<16xf32>
        %exp3A_526 = math.exp %neg3A_525 : vector<16xf32>
        %add3A_527 = arith.constant 1.000000e+00 : f32
        %add3A_528 = vector.broadcast %add3A_527 : f32 to vector<16xf32>
        %add3A_529 = arith.addf %add3A_528, %exp3A_526 : vector<16xf32>
        %div3A_530 = arith.constant 1.000000e+00 : f32
        %div3A_531 = vector.broadcast %div3A_530 : f32 to vector<16xf32>
        %div3A_532 = arith.divf %div3A_531, %add3A_529 : vector<16xf32>
        %swap3A_533 = arith.index_cast %scan3A_137 : i32 to index
        %swap3A_534 = arith.constant 210 : index
        %swap3A_535 = tpu.vector_load %arg7[%swap3A_533, %swap3A_534] {strides = array<i32>} : memref<36x528xf32, #tpu.memory_space<vmem>>, vector<1x16xf32>,
        %swap3A_536 = vector.shape_cast %swap3A_535 : vector<1x16xf32> to vector<16xf32>
        %swap3A_537 = vector.shape_cast %div3A_532 : vector<16xf32> to vector<1x16xf32>
        tpu.vector_store %arg7[%swap3A_533, %swap3A_534], %swap3A_537 {strides = array<i32>} : memref<36x528xf32, #tpu.memory_space<vmem>>, vector<1x16xf32>,
        %get3A_538 = arith.constant 0 : i32
        %get3A_539 = arith.index_cast %get3A_538 : i32 to index
        %get3A_540 = arith.index_cast %scan3A_137 : i32 to index
        %get3A_541 = arith.constant 224 : index
        %get3A_542 = tpu.vector_load %arg6[%get3A_539, %get3A_540, %get3A_541] {strides = array<i32>} : memref<2x40x512xf32, #tpu.memory_space<vmem>>, vector<1x1x16xf32>,
        %get3A_543 = vector.shape_cast %get3A_542 : vector<1x1x16xf32> to vector<16xf32>
        %get3A_544 = arith.constant 1 : i32
        %get3A_545 = arith.index_cast %get3A_544 : i32 to index
        %get3A_546 = arith.index_cast %scan3A_137 : i32 to index
        %get3A_547 = arith.constant 224 : index
        %get3A_548 = tpu.vector_load %arg6[%get3A_545, %get3A_546, %get3A_547] {strides = array<i32>} : memref<2x40x512xf32, #tpu.memory_space<vmem>>, vector<1x1x16xf32>,
        %get3A_549 = vector.shape_cast %get3A_548 : vector<1x1x16xf32> to vector<16xf32>
        %max3A_550 = arith.maximumf %get3A_543, %get3A_549 : vector<16xf32>
        %neg3A_551 = arith.constant 0.000000e+00 : f32
        %neg3A_552 = vector.broadcast %neg3A_551 : f32 to vector<16xf32>
        %neg3A_553 = arith.subf %neg3A_552, %max3A_550 : vector<16xf32>
        %exp3A_554 = math.exp %neg3A_553 : vector<16xf32>
        %add3A_555 = arith.constant 1.000000e+00 : f32
        %add3A_556 = vector.broadcast %add3A_555 : f32 to vector<16xf32>
        %add3A_557 = arith.addf %add3A_556, %exp3A_554 : vector<16xf32>
        %div3A_558 = arith.constant 1.000000e+00 : f32
        %div3A_559 = vector.broadcast %div3A_558 : f32 to vector<16xf32>
        %div3A_560 = arith.divf %div3A_559, %add3A_557 : vector<16xf32>
        %swap3A_561 = arith.index_cast %scan3A_137 : i32 to index
        %swap3A_562 = arith.constant 226 : index
        %swap3A_563 = tpu.vector_load %arg7[%swap3A_561, %swap3A_562] {strides = array<i32>} : memref<36x528xf32, #tpu.memory_space<vmem>>, vector<1x16xf32>,
        %swap3A_564 = vector.shape_cast %swap3A_563 : vector<1x16xf32> to vector<16xf32>
        %swap3A_565 = vector.shape_cast %div3A_560 : vector<16xf32> to vector<1x16xf32>
        tpu.vector_store %arg7[%swap3A_561, %swap3A_562], %swap3A_565 {strides = array<i32>} : memref<36x528xf32, #tpu.memory_space<vmem>>, vector<1x16xf32>,
        %get3A_566 = arith.constant 0 : i32
        %get3A_567 = arith.index_cast %get3A_566 : i32 to index
        %get3A_568 = arith.index_cast %scan3A_137 : i32 to index
        %get3A_569 = arith.constant 240 : index
        %get3A_570 = tpu.vector_load %arg6[%get3A_567, %get3A_568, %get3A_569] {strides = array<i32>} : memref<2x40x512xf32, #tpu.memory_space<vmem>>, vector<1x1x16xf32>,
        %get3A_571 = vector.shape_cast %get3A_570 : vector<1x1x16xf32> to vector<16xf32>
        %get3A_572 = arith.constant 1 : i32
        %get3A_573 = arith.index_cast %get3A_572 : i32 to index
        %get3A_574 = arith.index_cast %scan3A_137 : i32 to index
        %get3A_575 = arith.constant 240 : index
        %get3A_576 = tpu.vector_load %arg6[%get3A_573, %get3A_574, %get3A_575] {strides = array<i32>} : memref<2x40x512xf32, #tpu.memory_space<vmem>>, vector<1x1x16xf32>,
        %get3A_577 = vector.shape_cast %get3A_576 : vector<1x1x16xf32> to vector<16xf32>
        %max3A_578 = arith.maximumf %get3A_571, %get3A_577 : vector<16xf32>
        %neg3A_579 = arith.constant 0.000000e+00 : f32
        %neg3A_580 = vector.broadcast %neg3A_579 : f32 to vector<16xf32>
        %neg3A_581 = arith.subf %neg3A_580, %max3A_578 : vector<16xf32>
        %exp3A_582 = math.exp %neg3A_581 : vector<16xf32>
        %add3A_583 = arith.constant 1.000000e+00 : f32
        %add3A_584 = vector.broadcast %add3A_583 : f32 to vector<16xf32>
        %add3A_585 = arith.addf %add3A_584, %exp3A_582 : vector<16xf32>
        %div3A_586 = arith.constant 1.000000e+00 : f32
        %div3A_587 = vector.broadcast %div3A_586 : f32 to vector<16xf32>
        %div3A_588 = arith.divf %div3A_587, %add3A_585 : vector<16xf32>
        %swap3A_589 = arith.index_cast %scan3A_137 : i32 to index
        %swap3A_590 = arith.constant 242 : index
        %swap3A_591 = tpu.vector_load %arg7[%swap3A_589, %swap3A_590] {strides = array<i32>} : memref<36x528xf32, #tpu.memory_space<vmem>>, vector<1x16xf32>,
        %swap3A_592 = vector.shape_cast %swap3A_591 : vector<1x16xf32> to vector<16xf32>
        %swap3A_593 = vector.shape_cast %div3A_588 : vector<16xf32> to vector<1x16xf32>
        tpu.vector_store %arg7[%swap3A_589, %swap3A_590], %swap3A_593 {strides = array<i32>} : memref<36x528xf32, #tpu.memory_space<vmem>>, vector<1x16xf32>,
        %get3A_594 = arith.constant 0 : i32
        %get3A_595 = arith.index_cast %get3A_594 : i32 to index
        %get3A_596 = arith.index_cast %scan3A_137 : i32 to index
        %get3A_597 = arith.constant 256 : index
        %get3A_598 = tpu.vector_load %arg6[%get3A_595, %get3A_596, %get3A_597] {strides = array<i32>} : memref<2x40x512xf32, #tpu.memory_space<vmem>>, vector<1x1x16xf32>,
        %get3A_599 = vector.shape_cast %get3A_598 : vector<1x1x16xf32> to vector<16xf32>
        %get3A_600 = arith.constant 1 : i32
        %get3A_601 = arith.index_cast %get3A_600 : i32 to index
        %get3A_602 = arith.index_cast %scan3A_137 : i32 to index
        %get3A_603 = arith.constant 256 : index
        %get3A_604 = tpu.vector_load %arg6[%get3A_601, %get3A_602, %get3A_603] {strides = array<i32>} : memref<2x40x512xf32, #tpu.memory_space<vmem>>, vector<1x1x16xf32>,
        %get3A_605 = vector.shape_cast %get3A_604 : vector<1x1x16xf32> to vector<16xf32>
        %max3A_606 = arith.maximumf %get3A_599, %get3A_605 : vector<16xf32>
        %neg3A_607 = arith.constant 0.000000e+00 : f32
        %neg3A_608 = vector.broadcast %neg3A_607 : f32 to vector<16xf32>
        %neg3A_609 = arith.subf %neg3A_608, %max3A_606 : vector<16xf32>
        %exp3A_610 = math.exp %neg3A_609 : vector<16xf32>
        %add3A_611 = arith.constant 1.000000e+00 : f32
        %add3A_612 = vector.broadcast %add3A_611 : f32 to vector<16xf32>
        %add3A_613 = arith.addf %add3A_612, %exp3A_610 : vector<16xf32>
        %div3A_614 = arith.constant 1.000000e+00 : f32
        %div3A_615 = vector.broadcast %div3A_614 : f32 to vector<16xf32>
        %div3A_616 = arith.divf %div3A_615, %add3A_613 : vector<16xf32>
        %swap3A_617 = arith.index_cast %scan3A_137 : i32 to index
        %swap3A_618 = arith.constant 258 : index
        %swap3A_619 = tpu.vector_load %arg7[%swap3A_617, %swap3A_618] {strides = array<i32>} : memref<36x528xf32, #tpu.memory_space<vmem>>, vector<1x16xf32>,
        %swap3A_620 = vector.shape_cast %swap3A_619 : vector<1x16xf32> to vector<16xf32>
        %swap3A_621 = vector.shape_cast %div3A_616 : vector<16xf32> to vector<1x16xf32>
        tpu.vector_store %arg7[%swap3A_617, %swap3A_618], %swap3A_621 {strides = array<i32>} : memref<36x528xf32, #tpu.memory_space<vmem>>, vector<1x16xf32>,
        %get3A_622 = arith.constant 0 : i32
        %get3A_623 = arith.index_cast %get3A_622 : i32 to index
        %get3A_624 = arith.index_cast %scan3A_137 : i32 to index
        %get3A_625 = arith.constant 272 : index
        %get3A_626 = tpu.vector_load %arg6[%get3A_623, %get3A_624, %get3A_625] {strides = array<i32>} : memref<2x40x512xf32, #tpu.memory_space<vmem>>, vector<1x1x16xf32>,
        %get3A_627 = vector.shape_cast %get3A_626 : vector<1x1x16xf32> to vector<16xf32>
        %get3A_628 = arith.constant 1 : i32
        %get3A_629 = arith.index_cast %get3A_628 : i32 to index
        %get3A_630 = arith.index_cast %scan3A_137 : i32 to index
        %get3A_631 = arith.constant 272 : index
        %get3A_632 = tpu.vector_load %arg6[%get3A_629, %get3A_630, %get3A_631] {strides = array<i32>} : memref<2x40x512xf32, #tpu.memory_space<vmem>>, vector<1x1x16xf32>,
        %get3A_633 = vector.shape_cast %get3A_632 : vector<1x1x16xf32> to vector<16xf32>
        %max3A_634 = arith.maximumf %get3A_627, %get3A_633 : vector<16xf32>
        %neg3A_635 = arith.constant 0.000000e+00 : f32
        %neg3A_636 = vector.broadcast %neg3A_635 : f32 to vector<16xf32>
        %neg3A_637 = arith.subf %neg3A_636, %max3A_634 : vector<16xf32>
        %exp3A_638 = math.exp %neg3A_637 : vector<16xf32>
        %add3A_639 = arith.constant 1.000000e+00 : f32
        %add3A_640 = vector.broadcast %add3A_639 : f32 to vector<16xf32>
        %add3A_641 = arith.addf %add3A_640, %exp3A_638 : vector<16xf32>
        %div3A_642 = arith.constant 1.000000e+00 : f32
        %div3A_643 = vector.broadcast %div3A_642 : f32 to vector<16xf32>
        %div3A_644 = arith.divf %div3A_643, %add3A_641 : vector<16xf32>
        %swap3A_645 = arith.index_cast %scan3A_137 : i32 to index
        %swap3A_646 = arith.constant 274 : index
        %swap3A_647 = tpu.vector_load %arg7[%swap3A_645, %swap3A_646] {strides = array<i32>} : memref<36x528xf32, #tpu.memory_space<vmem>>, vector<1x16xf32>,
        %swap3A_648 = vector.shape_cast %swap3A_647 : vector<1x16xf32> to vector<16xf32>
        %swap3A_649 = vector.shape_cast %div3A_644 : vector<16xf32> to vector<1x16xf32>
        tpu.vector_store %arg7[%swap3A_645, %swap3A_646], %swap3A_649 {strides = array<i32>} : memref<36x528xf32, #tpu.memory_space<vmem>>, vector<1x16xf32>,
        %get3A_650 = arith.constant 0 : i32
        %get3A_651 = arith.index_cast %get3A_650 : i32 to index
        %get3A_652 = arith.index_cast %scan3A_137 : i32 to index
        %get3A_653 = arith.constant 288 : index
        %get3A_654 = tpu.vector_load %arg6[%get3A_651, %get3A_652, %get3A_653] {strides = array<i32>} : memref<2x40x512xf32, #tpu.memory_space<vmem>>, vector<1x1x16xf32>,
        %get3A_655 = vector.shape_cast %get3A_654 : vector<1x1x16xf32> to vector<16xf32>
        %get3A_656 = arith.constant 1 : i32
        %get3A_657 = arith.index_cast %get3A_656 : i32 to index
        %get3A_658 = arith.index_cast %scan3A_137 : i32 to index
        %get3A_659 = arith.constant 288 : index
        %get3A_660 = tpu.vector_load %arg6[%get3A_657, %get3A_658, %get3A_659] {strides = array<i32>} : memref<2x40x512xf32, #tpu.memory_space<vmem>>, vector<1x1x16xf32>,
        %get3A_661 = vector.shape_cast %get3A_660 : vector<1x1x16xf32> to vector<16xf32>
        %max3A_662 = arith.maximumf %get3A_655, %get3A_661 : vector<16xf32>
        %neg3A_663 = arith.constant 0.000000e+00 : f32
        %neg3A_664 = vector.broadcast %neg3A_663 : f32 to vector<16xf32>
        %neg3A_665 = arith.subf %neg3A_664, %max3A_662 : vector<16xf32>
        %exp3A_666 = math.exp %neg3A_665 : vector<16xf32>
        %add3A_667 = arith.constant 1.000000e+00 : f32
        %add3A_668 = vector.broadcast %add3A_667 : f32 to vector<16xf32>
        %add3A_669 = arith.addf %add3A_668, %exp3A_666 : vector<16xf32>
        %div3A_670 = arith.constant 1.000000e+00 : f32
        %div3A_671 = vector.broadcast %div3A_670 : f32 to vector<16xf32>
        %div3A_672 = arith.divf %div3A_671, %add3A_669 : vector<16xf32>
        %swap3A_673 = arith.index_cast %scan3A_137 : i32 to index
        %swap3A_674 = arith.constant 290 : index
        %swap3A_675 = tpu.vector_load %arg7[%swap3A_673, %swap3A_674] {strides = array<i32>} : memref<36x528xf32, #tpu.memory_space<vmem>>, vector<1x16xf32>,
        %swap3A_676 = vector.shape_cast %swap3A_675 : vector<1x16xf32> to vector<16xf32>
        %swap3A_677 = vector.shape_cast %div3A_672 : vector<16xf32> to vector<1x16xf32>
        tpu.vector_store %arg7[%swap3A_673, %swap3A_674], %swap3A_677 {strides = array<i32>} : memref<36x528xf32, #tpu.memory_space<vmem>>, vector<1x16xf32>,
        %get3A_678 = arith.constant 0 : i32
        %get3A_679 = arith.index_cast %get3A_678 : i32 to index
        %get3A_680 = arith.index_cast %scan3A_137 : i32 to index
        %get3A_681 = arith.constant 304 : index
        %get3A_682 = tpu.vector_load %arg6[%get3A_679, %get3A_680, %get3A_681] {strides = array<i32>} : memref<2x40x512xf32, #tpu.memory_space<vmem>>, vector<1x1x16xf32>,
        %get3A_683 = vector.shape_cast %get3A_682 : vector<1x1x16xf32> to vector<16xf32>
        %get3A_684 = arith.constant 1 : i32
        %get3A_685 = arith.index_cast %get3A_684 : i32 to index
        %get3A_686 = arith.index_cast %scan3A_137 : i32 to index
        %get3A_687 = arith.constant 304 : index
        %get3A_688 = tpu.vector_load %arg6[%get3A_685, %get3A_686, %get3A_687] {strides = array<i32>} : memref<2x40x512xf32, #tpu.memory_space<vmem>>, vector<1x1x16xf32>,
        %get3A_689 = vector.shape_cast %get3A_688 : vector<1x1x16xf32> to vector<16xf32>
        %max3A_690 = arith.maximumf %get3A_683, %get3A_689 : vector<16xf32>
        %neg3A_691 = arith.constant 0.000000e+00 : f32
        %neg3A_692 = vector.broadcast %neg3A_691 : f32 to vector<16xf32>
        %neg3A_693 = arith.subf %neg3A_692, %max3A_690 : vector<16xf32>
        %exp3A_694 = math.exp %neg3A_693 : vector<16xf32>
        %add3A_695 = arith.constant 1.000000e+00 : f32
        %add3A_696 = vector.broadcast %add3A_695 : f32 to vector<16xf32>
        %add3A_697 = arith.addf %add3A_696, %exp3A_694 : vector<16xf32>
        %div3A_698 = arith.constant 1.000000e+00 : f32
        %div3A_699 = vector.broadcast %div3A_698 : f32 to vector<16xf32>
        %div3A_700 = arith.divf %div3A_699, %add3A_697 : vector<16xf32>
        %swap3A_701 = arith.index_cast %scan3A_137 : i32 to index
        %swap3A_702 = arith.constant 306 : index
        %swap3A_703 = tpu.vector_load %arg7[%swap3A_701, %swap3A_702] {strides = array<i32>} : memref<36x528xf32, #tpu.memory_space<vmem>>, vector<1x16xf32>,
        %swap3A_704 = vector.shape_cast %swap3A_703 : vector<1x16xf32> to vector<16xf32>
        %swap3A_705 = vector.shape_cast %div3A_700 : vector<16xf32> to vector<1x16xf32>
        tpu.vector_store %arg7[%swap3A_701, %swap3A_702], %swap3A_705 {strides = array<i32>} : memref<36x528xf32, #tpu.memory_space<vmem>>, vector<1x16xf32>,
        %get3A_706 = arith.constant 0 : i32
        %get3A_707 = arith.index_cast %get3A_706 : i32 to index
        %get3A_708 = arith.index_cast %scan3A_137 : i32 to index
        %get3A_709 = arith.constant 320 : index
        %get3A_710 = tpu.vector_load %arg6[%get3A_707, %get3A_708, %get3A_709] {strides = array<i32>} : memref<2x40x512xf32, #tpu.memory_space<vmem>>, vector<1x1x16xf32>,
        %get3A_711 = vector.shape_cast %get3A_710 : vector<1x1x16xf32> to vector<16xf32>
        %get3A_712 = arith.constant 1 : i32
        %get3A_713 = arith.index_cast %get3A_712 : i32 to index
        %get3A_714 = arith.index_cast %scan3A_137 : i32 to index
        %get3A_715 = arith.constant 320 : index
        %get3A_716 = tpu.vector_load %arg6[%get3A_713, %get3A_714, %get3A_715] {strides = array<i32>} : memref<2x40x512xf32, #tpu.memory_space<vmem>>, vector<1x1x16xf32>,
        %get3A_717 = vector.shape_cast %get3A_716 : vector<1x1x16xf32> to vector<16xf32>
        %max3A_718 = arith.maximumf %get3A_711, %get3A_717 : vector<16xf32>
        %neg3A_719 = arith.constant 0.000000e+00 : f32
        %neg3A_720 = vector.broadcast %neg3A_719 : f32 to vector<16xf32>
        %neg3A_721 = arith.subf %neg3A_720, %max3A_718 : vector<16xf32>
        %exp3A_722 = math.exp %neg3A_721 : vector<16xf32>
        %add3A_723 = arith.constant 1.000000e+00 : f32
        %add3A_724 = vector.broadcast %add3A_723 : f32 to vector<16xf32>
        %add3A_725 = arith.addf %add3A_724, %exp3A_722 : vector<16xf32>
        %div3A_726 = arith.constant 1.000000e+00 : f32
        %div3A_727 = vector.broadcast %div3A_726 : f32 to vector<16xf32>
        %div3A_728 = arith.divf %div3A_727, %add3A_725 : vector<16xf32>
        %swap3A_729 = arith.index_cast %scan3A_137 : i32 to index
        %swap3A_730 = arith.constant 322 : index
        %swap3A_731 = tpu.vector_load %arg7[%swap3A_729, %swap3A_730] {strides = array<i32>} : memref<36x528xf32, #tpu.memory_space<vmem>>, vector<1x16xf32>,
        %swap3A_732 = vector.shape_cast %swap3A_731 : vector<1x16xf32> to vector<16xf32>
        %swap3A_733 = vector.shape_cast %div3A_728 : vector<16xf32> to vector<1x16xf32>
        tpu.vector_store %arg7[%swap3A_729, %swap3A_730], %swap3A_733 {strides = array<i32>} : memref<36x528xf32, #tpu.memory_space<vmem>>, vector<1x16xf32>,
        %get3A_734 = arith.constant 0 : i32
        %get3A_735 = arith.index_cast %get3A_734 : i32 to index
        %get3A_736 = arith.index_cast %scan3A_137 : i32 to index
        %get3A_737 = arith.constant 336 : index
        %get3A_738 = tpu.vector_load %arg6[%get3A_735, %get3A_736, %get3A_737] {strides = array<i32>} : memref<2x40x512xf32, #tpu.memory_space<vmem>>, vector<1x1x16xf32>,
        %get3A_739 = vector.shape_cast %get3A_738 : vector<1x1x16xf32> to vector<16xf32>
        %get3A_740 = arith.constant 1 : i32
        %get3A_741 = arith.index_cast %get3A_740 : i32 to index
        %get3A_742 = arith.index_cast %scan3A_137 : i32 to index
        %get3A_743 = arith.constant 336 : index
        %get3A_744 = tpu.vector_load %arg6[%get3A_741, %get3A_742, %get3A_743] {strides = array<i32>} : memref<2x40x512xf32, #tpu.memory_space<vmem>>, vector<1x1x16xf32>,
        %get3A_745 = vector.shape_cast %get3A_744 : vector<1x1x16xf32> to vector<16xf32>
        %max3A_746 = arith.maximumf %get3A_739, %get3A_745 : vector<16xf32>
        %neg3A_747 = arith.constant 0.000000e+00 : f32
        %neg3A_748 = vector.broadcast %neg3A_747 : f32 to vector<16xf32>
        %neg3A_749 = arith.subf %neg3A_748, %max3A_746 : vector<16xf32>
        %exp3A_750 = math.exp %neg3A_749 : vector<16xf32>
        %add3A_751 = arith.constant 1.000000e+00 : f32
        %add3A_752 = vector.broadcast %add3A_751 : f32 to vector<16xf32>
        %add3A_753 = arith.addf %add3A_752, %exp3A_750 : vector<16xf32>
        %div3A_754 = arith.constant 1.000000e+00 : f32
        %div3A_755 = vector.broadcast %div3A_754 : f32 to vector<16xf32>
        %div3A_756 = arith.divf %div3A_755, %add3A_753 : vector<16xf32>
        %swap3A_757 = arith.index_cast %scan3A_137 : i32 to index
        %swap3A_758 = arith.constant 338 : index
        %swap3A_759 = tpu.vector_load %arg7[%swap3A_757, %swap3A_758] {strides = array<i32>} : memref<36x528xf32, #tpu.memory_space<vmem>>, vector<1x16xf32>,
        %swap3A_760 = vector.shape_cast %swap3A_759 : vector<1x16xf32> to vector<16xf32>
        %swap3A_761 = vector.shape_cast %div3A_756 : vector<16xf32> to vector<1x16xf32>
        tpu.vector_store %arg7[%swap3A_757, %swap3A_758], %swap3A_761 {strides = array<i32>} : memref<36x528xf32, #tpu.memory_space<vmem>>, vector<1x16xf32>,
        %get3A_762 = arith.constant 0 : i32
        %get3A_763 = arith.index_cast %get3A_762 : i32 to index
        %get3A_764 = arith.index_cast %scan3A_137 : i32 to index
        %get3A_765 = arith.constant 352 : index
        %get3A_766 = tpu.vector_load %arg6[%get3A_763, %get3A_764, %get3A_765] {strides = array<i32>} : memref<2x40x512xf32, #tpu.memory_space<vmem>>, vector<1x1x16xf32>,
        %get3A_767 = vector.shape_cast %get3A_766 : vector<1x1x16xf32> to vector<16xf32>
        %get3A_768 = arith.constant 1 : i32
        %get3A_769 = arith.index_cast %get3A_768 : i32 to index
        %get3A_770 = arith.index_cast %scan3A_137 : i32 to index
        %get3A_771 = arith.constant 352 : index
        %get3A_772 = tpu.vector_load %arg6[%get3A_769, %get3A_770, %get3A_771] {strides = array<i32>} : memref<2x40x512xf32, #tpu.memory_space<vmem>>, vector<1x1x16xf32>,
        %get3A_773 = vector.shape_cast %get3A_772 : vector<1x1x16xf32> to vector<16xf32>
        %max3A_774 = arith.maximumf %get3A_767, %get3A_773 : vector<16xf32>
        %neg3A_775 = arith.constant 0.000000e+00 : f32
        %neg3A_776 = vector.broadcast %neg3A_775 : f32 to vector<16xf32>
        %neg3A_777 = arith.subf %neg3A_776, %max3A_774 : vector<16xf32>
        %exp3A_778 = math.exp %neg3A_777 : vector<16xf32>
        %add3A_779 = arith.constant 1.000000e+00 : f32
        %add3A_780 = vector.broadcast %add3A_779 : f32 to vector<16xf32>
        %add3A_781 = arith.addf %add3A_780, %exp3A_778 : vector<16xf32>
        %div3A_782 = arith.constant 1.000000e+00 : f32
        %div3A_783 = vector.broadcast %div3A_782 : f32 to vector<16xf32>
        %div3A_784 = arith.divf %div3A_783, %add3A_781 : vector<16xf32>
        %swap3A_785 = arith.index_cast %scan3A_137 : i32 to index
        %swap3A_786 = arith.constant 354 : index
        %swap3A_787 = tpu.vector_load %arg7[%swap3A_785, %swap3A_786] {strides = array<i32>} : memref<36x528xf32, #tpu.memory_space<vmem>>, vector<1x16xf32>,
        %swap3A_788 = vector.shape_cast %swap3A_787 : vector<1x16xf32> to vector<16xf32>
        %swap3A_789 = vector.shape_cast %div3A_784 : vector<16xf32> to vector<1x16xf32>
        tpu.vector_store %arg7[%swap3A_785, %swap3A_786], %swap3A_789 {strides = array<i32>} : memref<36x528xf32, #tpu.memory_space<vmem>>, vector<1x16xf32>,
        %get3A_790 = arith.constant 0 : i32
        %get3A_791 = arith.index_cast %get3A_790 : i32 to index
        %get3A_792 = arith.index_cast %scan3A_137 : i32 to index
        %get3A_793 = arith.constant 368 : index
        %get3A_794 = tpu.vector_load %arg6[%get3A_791, %get3A_792, %get3A_793] {strides = array<i32>} : memref<2x40x512xf32, #tpu.memory_space<vmem>>, vector<1x1x16xf32>,
        %get3A_795 = vector.shape_cast %get3A_794 : vector<1x1x16xf32> to vector<16xf32>
        %get3A_796 = arith.constant 1 : i32
        %get3A_797 = arith.index_cast %get3A_796 : i32 to index
        %get3A_798 = arith.index_cast %scan3A_137 : i32 to index
        %get3A_799 = arith.constant 368 : index
        %get3A_800 = tpu.vector_load %arg6[%get3A_797, %get3A_798, %get3A_799] {strides = array<i32>} : memref<2x40x512xf32, #tpu.memory_space<vmem>>, vector<1x1x16xf32>,
        %get3A_801 = vector.shape_cast %get3A_800 : vector<1x1x16xf32> to vector<16xf32>
        %max3A_802 = arith.maximumf %get3A_795, %get3A_801 : vector<16xf32>
        %neg3A_803 = arith.constant 0.000000e+00 : f32
        %neg3A_804 = vector.broadcast %neg3A_803 : f32 to vector<16xf32>
        %neg3A_805 = arith.subf %neg3A_804, %max3A_802 : vector<16xf32>
        %exp3A_806 = math.exp %neg3A_805 : vector<16xf32>
        %add3A_807 = arith.constant 1.000000e+00 : f32
        %add3A_808 = vector.broadcast %add3A_807 : f32 to vector<16xf32>
        %add3A_809 = arith.addf %add3A_808, %exp3A_806 : vector<16xf32>
        %div3A_810 = arith.constant 1.000000e+00 : f32
        %div3A_811 = vector.broadcast %div3A_810 : f32 to vector<16xf32>
        %div3A_812 = arith.divf %div3A_811, %add3A_809 : vector<16xf32>
        %swap3A_813 = arith.index_cast %scan3A_137 : i32 to index
        %swap3A_814 = arith.constant 370 : index
        %swap3A_815 = tpu.vector_load %arg7[%swap3A_813, %swap3A_814] {strides = array<i32>} : memref<36x528xf32, #tpu.memory_space<vmem>>, vector<1x16xf32>,
        %swap3A_816 = vector.shape_cast %swap3A_815 : vector<1x16xf32> to vector<16xf32>
        %swap3A_817 = vector.shape_cast %div3A_812 : vector<16xf32> to vector<1x16xf32>
        tpu.vector_store %arg7[%swap3A_813, %swap3A_814], %swap3A_817 {strides = array<i32>} : memref<36x528xf32, #tpu.memory_space<vmem>>, vector<1x16xf32>,
        %get3A_818 = arith.constant 0 : i32
        %get3A_819 = arith.index_cast %get3A_818 : i32 to index
        %get3A_820 = arith.index_cast %scan3A_137 : i32 to index
        %get3A_821 = arith.constant 384 : index
        %get3A_822 = tpu.vector_load %arg6[%get3A_819, %get3A_820, %get3A_821] {strides = array<i32>} : memref<2x40x512xf32, #tpu.memory_space<vmem>>, vector<1x1x16xf32>,
        %get3A_823 = vector.shape_cast %get3A_822 : vector<1x1x16xf32> to vector<16xf32>
        %get3A_824 = arith.constant 1 : i32
        %get3A_825 = arith.index_cast %get3A_824 : i32 to index
        %get3A_826 = arith.index_cast %scan3A_137 : i32 to index
        %get3A_827 = arith.constant 384 : index
        %get3A_828 = tpu.vector_load %arg6[%get3A_825, %get3A_826, %get3A_827] {strides = array<i32>} : memref<2x40x512xf32, #tpu.memory_space<vmem>>, vector<1x1x16xf32>,
        %get3A_829 = vector.shape_cast %get3A_828 : vector<1x1x16xf32> to vector<16xf32>
        %max3A_830 = arith.maximumf %get3A_823, %get3A_829 : vector<16xf32>
        %neg3A_831 = arith.constant 0.000000e+00 : f32
        %neg3A_832 = vector.broadcast %neg3A_831 : f32 to vector<16xf32>
        %neg3A_833 = arith.subf %neg3A_832, %max3A_830 : vector<16xf32>
        %exp3A_834 = math.exp %neg3A_833 : vector<16xf32>
        %add3A_835 = arith.constant 1.000000e+00 : f32
        %add3A_836 = vector.broadcast %add3A_835 : f32 to vector<16xf32>
        %add3A_837 = arith.addf %add3A_836, %exp3A_834 : vector<16xf32>
        %div3A_838 = arith.constant 1.000000e+00 : f32
        %div3A_839 = vector.broadcast %div3A_838 : f32 to vector<16xf32>
        %div3A_840 = arith.divf %div3A_839, %add3A_837 : vector<16xf32>
        %swap3A_841 = arith.index_cast %scan3A_137 : i32 to index
        %swap3A_842 = arith.constant 386 : index
        %swap3A_843 = tpu.vector_load %arg7[%swap3A_841, %swap3A_842] {strides = array<i32>} : memref<36x528xf32, #tpu.memory_space<vmem>>, vector<1x16xf32>,
        %swap3A_844 = vector.shape_cast %swap3A_843 : vector<1x16xf32> to vector<16xf32>
        %swap3A_845 = vector.shape_cast %div3A_840 : vector<16xf32> to vector<1x16xf32>
        tpu.vector_store %arg7[%swap3A_841, %swap3A_842], %swap3A_845 {strides = array<i32>} : memref<36x528xf32, #tpu.memory_space<vmem>>, vector<1x16xf32>,
        %get3A_846 = arith.constant 0 : i32
        %get3A_847 = arith.index_cast %get3A_846 : i32 to index
        %get3A_848 = arith.index_cast %scan3A_137 : i32 to index
        %get3A_849 = arith.constant 400 : index
        %get3A_850 = tpu.vector_load %arg6[%get3A_847, %get3A_848, %get3A_849] {strides = array<i32>} : memref<2x40x512xf32, #tpu.memory_space<vmem>>, vector<1x1x16xf32>,
        %get3A_851 = vector.shape_cast %get3A_850 : vector<1x1x16xf32> to vector<16xf32>
        %get3A_852 = arith.constant 1 : i32
        %get3A_853 = arith.index_cast %get3A_852 : i32 to index
        %get3A_854 = arith.index_cast %scan3A_137 : i32 to index
        %get3A_855 = arith.constant 400 : index
        %get3A_856 = tpu.vector_load %arg6[%get3A_853, %get3A_854, %get3A_855] {strides = array<i32>} : memref<2x40x512xf32, #tpu.memory_space<vmem>>, vector<1x1x16xf32>,
        %get3A_857 = vector.shape_cast %get3A_856 : vector<1x1x16xf32> to vector<16xf32>
        %max3A_858 = arith.maximumf %get3A_851, %get3A_857 : vector<16xf32>
        %neg3A_859 = arith.constant 0.000000e+00 : f32
        %neg3A_860 = vector.broadcast %neg3A_859 : f32 to vector<16xf32>
        %neg3A_861 = arith.subf %neg3A_860, %max3A_858 : vector<16xf32>
        %exp3A_862 = math.exp %neg3A_861 : vector<16xf32>
        %add3A_863 = arith.constant 1.000000e+00 : f32
        %add3A_864 = vector.broadcast %add3A_863 : f32 to vector<16xf32>
        %add3A_865 = arith.addf %add3A_864, %exp3A_862 : vector<16xf32>
        %div3A_866 = arith.constant 1.000000e+00 : f32
        %div3A_867 = vector.broadcast %div3A_866 : f32 to vector<16xf32>
        %div3A_868 = arith.divf %div3A_867, %add3A_865 : vector<16xf32>
        %swap3A_869 = arith.index_cast %scan3A_137 : i32 to index
        %swap3A_870 = arith.constant 402 : index
        %swap3A_871 = tpu.vector_load %arg7[%swap3A_869, %swap3A_870] {strides = array<i32>} : memref<36x528xf32, #tpu.memory_space<vmem>>, vector<1x16xf32>,
        %swap3A_872 = vector.shape_cast %swap3A_871 : vector<1x16xf32> to vector<16xf32>
        %swap3A_873 = vector.shape_cast %div3A_868 : vector<16xf32> to vector<1x16xf32>
        tpu.vector_store %arg7[%swap3A_869, %swap3A_870], %swap3A_873 {strides = array<i32>} : memref<36x528xf32, #tpu.memory_space<vmem>>, vector<1x16xf32>,
        %get3A_874 = arith.constant 0 : i32
        %get3A_875 = arith.index_cast %get3A_874 : i32 to index
        %get3A_876 = arith.index_cast %scan3A_137 : i32 to index
        %get3A_877 = arith.constant 416 : index
        %get3A_878 = tpu.vector_load %arg6[%get3A_875, %get3A_876, %get3A_877] {strides = array<i32>} : memref<2x40x512xf32, #tpu.memory_space<vmem>>, vector<1x1x16xf32>,
        %get3A_879 = vector.shape_cast %get3A_878 : vector<1x1x16xf32> to vector<16xf32>
        %get3A_880 = arith.constant 1 : i32
        %get3A_881 = arith.index_cast %get3A_880 : i32 to index
        %get3A_882 = arith.index_cast %scan3A_137 : i32 to index
        %get3A_883 = arith.constant 416 : index
        %get3A_884 = tpu.vector_load %arg6[%get3A_881, %get3A_882, %get3A_883] {strides = array<i32>} : memref<2x40x512xf32, #tpu.memory_space<vmem>>, vector<1x1x16xf32>,
        %get3A_885 = vector.shape_cast %get3A_884 : vector<1x1x16xf32> to vector<16xf32>
        %max3A_886 = arith.maximumf %get3A_879, %get3A_885 : vector<16xf32>
        %neg3A_887 = arith.constant 0.000000e+00 : f32
        %neg3A_888 = vector.broadcast %neg3A_887 : f32 to vector<16xf32>
        %neg3A_889 = arith.subf %neg3A_888, %max3A_886 : vector<16xf32>
        %exp3A_890 = math.exp %neg3A_889 : vector<16xf32>
        %add3A_891 = arith.constant 1.000000e+00 : f32
        %add3A_892 = vector.broadcast %add3A_891 : f32 to vector<16xf32>
        %add3A_893 = arith.addf %add3A_892, %exp3A_890 : vector<16xf32>
        %div3A_894 = arith.constant 1.000000e+00 : f32
        %div3A_895 = vector.broadcast %div3A_894 : f32 to vector<16xf32>
        %div3A_896 = arith.divf %div3A_895, %add3A_893 : vector<16xf32>
        %swap3A_897 = arith.index_cast %scan3A_137 : i32 to index
        %swap3A_898 = arith.constant 418 : index
        %swap3A_899 = tpu.vector_load %arg7[%swap3A_897, %swap3A_898] {strides = array<i32>} : memref<36x528xf32, #tpu.memory_space<vmem>>, vector<1x16xf32>,
        %swap3A_900 = vector.shape_cast %swap3A_899 : vector<1x16xf32> to vector<16xf32>
        %swap3A_901 = vector.shape_cast %div3A_896 : vector<16xf32> to vector<1x16xf32>
        tpu.vector_store %arg7[%swap3A_897, %swap3A_898], %swap3A_901 {strides = array<i32>} : memref<36x528xf32, #tpu.memory_space<vmem>>, vector<1x16xf32>,
        %get3A_902 = arith.constant 0 : i32
        %get3A_903 = arith.index_cast %get3A_902 : i32 to index
        %get3A_904 = arith.index_cast %scan3A_137 : i32 to index
        %get3A_905 = arith.constant 432 : index
        %get3A_906 = tpu.vector_load %arg6[%get3A_903, %get3A_904, %get3A_905] {strides = array<i32>} : memref<2x40x512xf32, #tpu.memory_space<vmem>>, vector<1x1x16xf32>,
        %get3A_907 = vector.shape_cast %get3A_906 : vector<1x1x16xf32> to vector<16xf32>
        %get3A_908 = arith.constant 1 : i32
        %get3A_909 = arith.index_cast %get3A_908 : i32 to index
        %get3A_910 = arith.index_cast %scan3A_137 : i32 to index
        %get3A_911 = arith.constant 432 : index
        %get3A_912 = tpu.vector_load %arg6[%get3A_909, %get3A_910, %get3A_911] {strides = array<i32>} : memref<2x40x512xf32, #tpu.memory_space<vmem>>, vector<1x1x16xf32>,
        %get3A_913 = vector.shape_cast %get3A_912 : vector<1x1x16xf32> to vector<16xf32>
        %max3A_914 = arith.maximumf %get3A_907, %get3A_913 : vector<16xf32>
        %neg3A_915 = arith.constant 0.000000e+00 : f32
        %neg3A_916 = vector.broadcast %neg3A_915 : f32 to vector<16xf32>
        %neg3A_917 = arith.subf %neg3A_916, %max3A_914 : vector<16xf32>
        %exp3A_918 = math.exp %neg3A_917 : vector<16xf32>
        %add3A_919 = arith.constant 1.000000e+00 : f32
        %add3A_920 = vector.broadcast %add3A_919 : f32 to vector<16xf32>
        %add3A_921 = arith.addf %add3A_920, %exp3A_918 : vector<16xf32>
        %div3A_922 = arith.constant 1.000000e+00 : f32
        %div3A_923 = vector.broadcast %div3A_922 : f32 to vector<16xf32>
        %div3A_924 = arith.divf %div3A_923, %add3A_921 : vector<16xf32>
        %swap3A_925 = arith.index_cast %scan3A_137 : i32 to index
        %swap3A_926 = arith.constant 434 : index
        %swap3A_927 = tpu.vector_load %arg7[%swap3A_925, %swap3A_926] {strides = array<i32>} : memref<36x528xf32, #tpu.memory_space<vmem>>, vector<1x16xf32>,
        %swap3A_928 = vector.shape_cast %swap3A_927 : vector<1x16xf32> to vector<16xf32>
        %swap3A_929 = vector.shape_cast %div3A_924 : vector<16xf32> to vector<1x16xf32>
        tpu.vector_store %arg7[%swap3A_925, %swap3A_926], %swap3A_929 {strides = array<i32>} : memref<36x528xf32, #tpu.memory_space<vmem>>, vector<1x16xf32>,
        %get3A_930 = arith.constant 0 : i32
        %get3A_931 = arith.index_cast %get3A_930 : i32 to index
        %get3A_932 = arith.index_cast %scan3A_137 : i32 to index
        %get3A_933 = arith.constant 448 : index
        %get3A_934 = tpu.vector_load %arg6[%get3A_931, %get3A_932, %get3A_933] {strides = array<i32>} : memref<2x40x512xf32, #tpu.memory_space<vmem>>, vector<1x1x16xf32>,
        %get3A_935 = vector.shape_cast %get3A_934 : vector<1x1x16xf32> to vector<16xf32>
        %get3A_936 = arith.constant 1 : i32
        %get3A_937 = arith.index_cast %get3A_936 : i32 to index
        %get3A_938 = arith.index_cast %scan3A_137 : i32 to index
        %get3A_939 = arith.constant 448 : index
        %get3A_940 = tpu.vector_load %arg6[%get3A_937, %get3A_938, %get3A_939] {strides = array<i32>} : memref<2x40x512xf32, #tpu.memory_space<vmem>>, vector<1x1x16xf32>,
        %get3A_941 = vector.shape_cast %get3A_940 : vector<1x1x16xf32> to vector<16xf32>
        %max3A_942 = arith.maximumf %get3A_935, %get3A_941 : vector<16xf32>
        %neg3A_943 = arith.constant 0.000000e+00 : f32
        %neg3A_944 = vector.broadcast %neg3A_943 : f32 to vector<16xf32>
        %neg3A_945 = arith.subf %neg3A_944, %max3A_942 : vector<16xf32>
        %exp3A_946 = math.exp %neg3A_945 : vector<16xf32>
        %add3A_947 = arith.constant 1.000000e+00 : f32
        %add3A_948 = vector.broadcast %add3A_947 : f32 to vector<16xf32>
        %add3A_949 = arith.addf %add3A_948, %exp3A_946 : vector<16xf32>
        %div3A_950 = arith.constant 1.000000e+00 : f32
        %div3A_951 = vector.broadcast %div3A_950 : f32 to vector<16xf32>
        %div3A_952 = arith.divf %div3A_951, %add3A_949 : vector<16xf32>
        %swap3A_953 = arith.index_cast %scan3A_137 : i32 to index
        %swap3A_954 = arith.constant 450 : index
        %swap3A_955 = tpu.vector_load %arg7[%swap3A_953, %swap3A_954] {strides = array<i32>} : memref<36x528xf32, #tpu.memory_space<vmem>>, vector<1x16xf32>,
        %swap3A_956 = vector.shape_cast %swap3A_955 : vector<1x16xf32> to vector<16xf32>
        %swap3A_957 = vector.shape_cast %div3A_952 : vector<16xf32> to vector<1x16xf32>
        tpu.vector_store %arg7[%swap3A_953, %swap3A_954], %swap3A_957 {strides = array<i32>} : memref<36x528xf32, #tpu.memory_space<vmem>>, vector<1x16xf32>,
        %get3A_958 = arith.constant 0 : i32
        %get3A_959 = arith.index_cast %get3A_958 : i32 to index
        %get3A_960 = arith.index_cast %scan3A_137 : i32 to index
        %get3A_961 = arith.constant 464 : index
        %get3A_962 = tpu.vector_load %arg6[%get3A_959, %get3A_960, %get3A_961] {strides = array<i32>} : memref<2x40x512xf32, #tpu.memory_space<vmem>>, vector<1x1x16xf32>,
        %get3A_963 = vector.shape_cast %get3A_962 : vector<1x1x16xf32> to vector<16xf32>
        %get3A_964 = arith.constant 1 : i32
        %get3A_965 = arith.index_cast %get3A_964 : i32 to index
        %get3A_966 = arith.index_cast %scan3A_137 : i32 to index
        %get3A_967 = arith.constant 464 : index
        %get3A_968 = tpu.vector_load %arg6[%get3A_965, %get3A_966, %get3A_967] {strides = array<i32>} : memref<2x40x512xf32, #tpu.memory_space<vmem>>, vector<1x1x16xf32>,
        %get3A_969 = vector.shape_cast %get3A_968 : vector<1x1x16xf32> to vector<16xf32>
        %max3A_970 = arith.maximumf %get3A_963, %get3A_969 : vector<16xf32>
        %neg3A_971 = arith.constant 0.000000e+00 : f32
        %neg3A_972 = vector.broadcast %neg3A_971 : f32 to vector<16xf32>
        %neg3A_973 = arith.subf %neg3A_972, %max3A_970 : vector<16xf32>
        %exp3A_974 = math.exp %neg3A_973 : vector<16xf32>
        %add3A_975 = arith.constant 1.000000e+00 : f32
        %add3A_976 = vector.broadcast %add3A_975 : f32 to vector<16xf32>
        %add3A_977 = arith.addf %add3A_976, %exp3A_974 : vector<16xf32>
        %div3A_978 = arith.constant 1.000000e+00 : f32
        %div3A_979 = vector.broadcast %div3A_978 : f32 to vector<16xf32>
        %div3A_980 = arith.divf %div3A_979, %add3A_977 : vector<16xf32>
        %swap3A_981 = arith.index_cast %scan3A_137 : i32 to index
        %swap3A_982 = arith.constant 466 : index
        %swap3A_983 = tpu.vector_load %arg7[%swap3A_981, %swap3A_982] {strides = array<i32>} : memref<36x528xf32, #tpu.memory_space<vmem>>, vector<1x16xf32>,
        %swap3A_984 = vector.shape_cast %swap3A_983 : vector<1x16xf32> to vector<16xf32>
        %swap3A_985 = vector.shape_cast %div3A_980 : vector<16xf32> to vector<1x16xf32>
        tpu.vector_store %arg7[%swap3A_981, %swap3A_982], %swap3A_985 {strides = array<i32>} : memref<36x528xf32, #tpu.memory_space<vmem>>, vector<1x16xf32>,
        %get3A_986 = arith.constant 0 : i32
        %get3A_987 = arith.index_cast %get3A_986 : i32 to index
        %get3A_988 = arith.index_cast %scan3A_137 : i32 to index
        %get3A_989 = arith.constant 480 : index
        %get3A_990 = tpu.vector_load %arg6[%get3A_987, %get3A_988, %get3A_989] {strides = array<i32>} : memref<2x40x512xf32, #tpu.memory_space<vmem>>, vector<1x1x16xf32>,
        %get3A_991 = vector.shape_cast %get3A_990 : vector<1x1x16xf32> to vector<16xf32>
        %get3A_992 = arith.constant 1 : i32
        %get3A_993 = arith.index_cast %get3A_992 : i32 to index
        %get3A_994 = arith.index_cast %scan3A_137 : i32 to index
        %get3A_995 = arith.constant 480 : index
        %get3A_996 = tpu.vector_load %arg6[%get3A_993, %get3A_994, %get3A_995] {strides = array<i32>} : memref<2x40x512xf32, #tpu.memory_space<vmem>>, vector<1x1x16xf32>,
        %get3A_997 = vector.shape_cast %get3A_996 : vector<1x1x16xf32> to vector<16xf32>
        %max3A_998 = arith.maximumf %get3A_991, %get3A_997 : vector<16xf32>
        %neg3A_999 = arith.constant 0.000000e+00 : f32
        %neg3A_1000 = vector.broadcast %neg3A_999 : f32 to vector<16xf32>
        %neg3A_1001 = arith.subf %neg3A_1000, %max3A_998 : vector<16xf32>
        %exp3A_1002 = math.exp %neg3A_1001 : vector<16xf32>
        %add3A_1003 = arith.constant 1.000000e+00 : f32
        %add3A_1004 = vector.broadcast %add3A_1003 : f32 to vector<16xf32>
        %add3A_1005 = arith.addf %add3A_1004, %exp3A_1002 : vector<16xf32>
        %div3A_1006 = arith.constant 1.000000e+00 : f32
        %div3A_1007 = vector.broadcast %div3A_1006 : f32 to vector<16xf32>
        %div3A_1008 = arith.divf %div3A_1007, %add3A_1005 : vector<16xf32>
        %swap3A_1009 = arith.index_cast %scan3A_137 : i32 to index
        %swap3A_1010 = arith.constant 482 : index
        %swap3A_1011 = tpu.vector_load %arg7[%swap3A_1009, %swap3A_1010] {strides = array<i32>} : memref<36x528xf32, #tpu.memory_space<vmem>>, vector<1x16xf32>,
        %swap3A_1012 = vector.shape_cast %swap3A_1011 : vector<1x16xf32> to vector<16xf32>
        %swap3A_1013 = vector.shape_cast %div3A_1008 : vector<16xf32> to vector<1x16xf32>
        tpu.vector_store %arg7[%swap3A_1009, %swap3A_1010], %swap3A_1013 {strides = array<i32>} : memref<36x528xf32, #tpu.memory_space<vmem>>, vector<1x16xf32>,
        %get3A_1014 = arith.constant 0 : i32
        %get3A_1015 = arith.index_cast %get3A_1014 : i32 to index
        %get3A_1016 = arith.index_cast %scan3A_137 : i32 to index
        %get3A_1017 = arith.constant 496 : index
        %get3A_1018 = tpu.vector_load %arg6[%get3A_1015, %get3A_1016, %get3A_1017] {strides = array<i32>} : memref<2x40x512xf32, #tpu.memory_space<vmem>>, vector<1x1x16xf32>,
        %get3A_1019 = vector.shape_cast %get3A_1018 : vector<1x1x16xf32> to vector<16xf32>
        %get3A_1020 = arith.constant 1 : i32
        %get3A_1021 = arith.index_cast %get3A_1020 : i32 to index
        %get3A_1022 = arith.index_cast %scan3A_137 : i32 to index
        %get3A_1023 = arith.constant 496 : index
        %get3A_1024 = tpu.vector_load %arg6[%get3A_1021, %get3A_1022, %get3A_1023] {strides = array<i32>} : memref<2x40x512xf32, #tpu.memory_space<vmem>>, vector<1x1x16xf32>,
        %get3A_1025 = vector.shape_cast %get3A_1024 : vector<1x1x16xf32> to vector<16xf32>
        %max3A_1026 = arith.maximumf %get3A_1019, %get3A_1025 : vector<16xf32>
        %neg3A_1027 = arith.constant 0.000000e+00 : f32
        %neg3A_1028 = vector.broadcast %neg3A_1027 : f32 to vector<16xf32>
        %neg3A_1029 = arith.subf %neg3A_1028, %max3A_1026 : vector<16xf32>
        %exp3A_1030 = math.exp %neg3A_1029 : vector<16xf32>
        %add3A_1031 = arith.constant 1.000000e+00 : f32
        %add3A_1032 = vector.broadcast %add3A_1031 : f32 to vector<16xf32>
        %add3A_1033 = arith.addf %add3A_1032, %exp3A_1030 : vector<16xf32>
        %div3A_1034 = arith.constant 1.000000e+00 : f32
        %div3A_1035 = vector.broadcast %div3A_1034 : f32 to vector<16xf32>
        %div3A_1036 = arith.divf %div3A_1035, %add3A_1033 : vector<16xf32>
        %swap3A_1037 = arith.index_cast %scan3A_137 : i32 to index
        %swap3A_1038 = arith.constant 498 : index
        %swap3A_1039 = tpu.vector_load %arg7[%swap3A_1037, %swap3A_1038] {strides = array<i32>} : memref<36x528xf32, #tpu.memory_space<vmem>>, vector<1x16xf32>,
        %swap3A_1040 = vector.shape_cast %swap3A_1039 : vector<1x16xf32> to vector<16xf32>
        %swap3A_1041 = vector.shape_cast %div3A_1036 : vector<16xf32> to vector<1x16xf32>
        tpu.vector_store %arg7[%swap3A_1037, %swap3A_1038], %swap3A_1041 {strides = array<i32>} : memref<36x528xf32, #tpu.memory_space<vmem>>, vector<1x16xf32>,
        %scan3A_1042 = arith.constant 0 : i32
        scf.yield %scan3A_1042 : i32
      }
      %scan3A_107 = arith.constant 36 : i32
      %jit3A_108 = arith.constant 5 : i32
      %eq3A_109 = arith.constant 0 : i32
      %eq3A_110 = arith.cmpi eq, %jit3A_108, %eq3A_109 : i32
      %jit3A_111 = arith.constant 1 : i32
      %select_n3A_112 = arith.select %eq3A_110, %jit3A_111, %jit3A_108 : i32
      %rem3A_113 = arith.remsi %select_n3A, %select_n3A_112 : i32
      %ne3A_114 = arith.constant 0 : i32
      %ne3A_115 = arith.cmpi ne, %rem3A_113, %ne3A_114 : i32
      %lt3A_116 = arith.constant 0 : i32
      %lt3A_117 = arith.cmpi slt, %rem3A_113, %lt3A_116 : i32
      %lt3A_118 = arith.constant 0 : i32
      %lt3A_119 = arith.cmpi slt, %select_n3A_112, %lt3A_118 : i32
      %ne3A_120 = arith.xori %lt3A_117, %lt3A_119 : i1
      %and3A_121 = arith.andi %ne3A_120, %ne3A_115 : i1
      %add3A_122 = arith.addi %rem3A_113, %select_n3A_112 : i32
      %select_n3A_123 = arith.select %and3A_121, %add3A_122, %rem3A_113 : i32
      %eq3A_124 = arith.constant 0 : i32
      %eq3A_125 = arith.cmpi eq, %select_n3A_123, %eq3A_124 : i32
      %jit3A_126 = arith.constant 1.000000e+00 : f32
      %jit3A_127 = arith.constant 0.000000e+00 : f32
      %select_n3A_128 = arith.select %eq3A_125, %jit3A_126, %jit3A_127 : f32
      %broadcast_in_dim3A_129 = vector.broadcast %select_n3A_128 : f32 to vector<16xf32>
      %scan3A_130 = arith.constant 0 : i32
      %scan3A_131 = arith.constant 32 : i32
      %scan3A_132 = arith.addi %scan3A_130, %scan3A_131 : i32
      %scan3A_133 = arith.constant 1 : i32
      %scan3A_134 = scf.for %scan3A_137 = %scan3A_130 to %scan3A_132 step %scan3A_133 iter_args(%scan3A_138 = %scan3A_62) -> (vector<16xf32>)  : i32 {
        %get3A_139 = arith.index_cast %scan3A_137 : i32 to index
        %get3A_140 = arith.constant 0 : index
        %get3A_141 = tpu.vector_load %arg7[%get3A_139, %get3A_140] {strides = array<i32>} : memref<36x528xf32, #tpu.memory_space<vmem>>, vector<1x16xf32>,
        %get3A_142 = vector.shape_cast %get3A_141 : vector<1x16xf32> to vector<16xf32>
        %mul3A_143 = arith.mulf %get3A_4, %get3A_142 : vector<16xf32>
        %add3A_144 = arith.constant 1 : i32
        %add3A_145 = arith.addi %scan3A_137, %add3A_144 : i32
        %get3A_146 = arith.index_cast %add3A_145 : i32 to index
        %get3A_147 = arith.constant 0 : index
        %get3A_148 = tpu.vector_load %arg7[%get3A_146, %get3A_147] {strides = array<i32>} : memref<36x528xf32, #tpu.memory_space<vmem>>, vector<1x16xf32>,
        %get3A_149 = vector.shape_cast %get3A_148 : vector<1x16xf32> to vector<16xf32>
        %mul3A_150 = arith.mulf %get3A_9, %get3A_149 : vector<16xf32>
        %add3A_151 = arith.addf %mul3A_143, %mul3A_150 : vector<16xf32>
        %add3A_152 = arith.constant 2 : i32
        %add3A_153 = arith.addi %scan3A_137, %add3A_152 : i32
        %get3A_154 = arith.index_cast %add3A_153 : i32 to index
        %get3A_155 = arith.constant 0 : index
        %get3A_156 = tpu.vector_load %arg7[%get3A_154, %get3A_155] {strides = array<i32>} : memref<36x528xf32, #tpu.memory_space<vmem>>, vector<1x16xf32>,
        %get3A_157 = vector.shape_cast %get3A_156 : vector<1x16xf32> to vector<16xf32>
        %mul3A_158 = arith.mulf %get3A_14, %get3A_157 : vector<16xf32>
        %add3A_159 = arith.addf %add3A_151, %mul3A_158 : vector<16xf32>
        %add3A_160 = arith.constant 3 : i32
        %add3A_161 = arith.addi %scan3A_137, %add3A_160 : i32
        %get3A_162 = arith.index_cast %add3A_161 : i32 to index
        %get3A_163 = arith.constant 0 : index
        %get3A_164 = tpu.vector_load %arg7[%get3A_162, %get3A_163] {strides = array<i32>} : memref<36x528xf32, #tpu.memory_space<vmem>>, vector<1x16xf32>,
        %get3A_165 = vector.shape_cast %get3A_164 : vector<1x16xf32> to vector<16xf32>
        %mul3A_166 = arith.mulf %get3A_19, %get3A_165 : vector<16xf32>
        %add3A_167 = arith.addf %add3A_159, %mul3A_166 : vector<16xf32>
        %add3A_168 = arith.constant 4 : i32
        %add3A_169 = arith.addi %scan3A_137, %add3A_168 : i32
        %get3A_170 = arith.index_cast %add3A_169 : i32 to index
        %get3A_171 = arith.constant 0 : index
        %get3A_172 = tpu.vector_load %arg7[%get3A_170, %get3A_171] {strides = array<i32>} : memref<36x528xf32, #tpu.memory_space<vmem>>, vector<1x16xf32>,
        %get3A_173 = vector.shape_cast %get3A_172 : vector<1x16xf32> to vector<16xf32>
        %mul3A_174 = arith.mulf %get3A_24, %get3A_173 : vector<16xf32>
        %add3A_175 = arith.addf %add3A_167, %mul3A_174 : vector<16xf32>
        %swap3A_176 = arith.constant 0 : index
        %swap3A_177 = tpu.vector_load %arg8[%swap3A_176] {strides = array<i32>} : memref<528xf32, #tpu.memory_space<vmem>>, vector<16xf32>,
        %swap3A_178 = vector.shape_cast %swap3A_177 : vector<16xf32> to vector<16xf32>
        %swap3A_179 = vector.shape_cast %add3A_175 : vector<16xf32> to vector<16xf32>
        tpu.vector_store %arg8[%swap3A_176], %swap3A_179 {strides = array<i32>} : memref<528xf32, #tpu.memory_space<vmem>>, vector<16xf32>,
        %get3A_180 = arith.index_cast %scan3A_137 : i32 to index
        %get3A_181 = arith.constant 16 : index
        %get3A_182 = tpu.vector_load %arg7[%get3A_180, %get3A_181] {strides = array<i32>} : memref<36x528xf32, #tpu.memory_space<vmem>>, vector<1x16xf32>,
        %get3A_183 = vector.shape_cast %get3A_182 : vector<1x16xf32> to vector<16xf32>
        %mul3A_184 = arith.mulf %get3A_4, %get3A_183 : vector<16xf32>
        %add3A_185 = arith.constant 1 : i32
        %add3A_186 = arith.addi %scan3A_137, %add3A_185 : i32
        %get3A_187 = arith.index_cast %add3A_186 : i32 to index
        %get3A_188 = arith.constant 16 : index
        %get3A_189 = tpu.vector_load %arg7[%get3A_187, %get3A_188] {strides = array<i32>} : memref<36x528xf32, #tpu.memory_space<vmem>>, vector<1x16xf32>,
        %get3A_190 = vector.shape_cast %get3A_189 : vector<1x16xf32> to vector<16xf32>
        %mul3A_191 = arith.mulf %get3A_9, %get3A_190 : vector<16xf32>
        %add3A_192 = arith.addf %mul3A_184, %mul3A_191 : vector<16xf32>
        %add3A_193 = arith.constant 2 : i32
        %add3A_194 = arith.addi %scan3A_137, %add3A_193 : i32
        %get3A_195 = arith.index_cast %add3A_194 : i32 to index
        %get3A_196 = arith.constant 16 : index
        %get3A_197 = tpu.vector_load %arg7[%get3A_195, %get3A_196] {strides = array<i32>} : memref<36x528xf32, #tpu.memory_space<vmem>>, vector<1x16xf32>,
        %get3A_198 = vector.shape_cast %get3A_197 : vector<1x16xf32> to vector<16xf32>
        %mul3A_199 = arith.mulf %get3A_14, %get3A_198 : vector<16xf32>
        %add3A_200 = arith.addf %add3A_192, %mul3A_199 : vector<16xf32>
        %add3A_201 = arith.constant 3 : i32
        %add3A_202 = arith.addi %scan3A_137, %add3A_201 : i32
        %get3A_203 = arith.index_cast %add3A_202 : i32 to index
        %get3A_204 = arith.constant 16 : index
        %get3A_205 = tpu.vector_load %arg7[%get3A_203, %get3A_204] {strides = array<i32>} : memref<36x528xf32, #tpu.memory_space<vmem>>, vector<1x16xf32>,
        %get3A_206 = vector.shape_cast %get3A_205 : vector<1x16xf32> to vector<16xf32>
        %mul3A_207 = arith.mulf %get3A_19, %get3A_206 : vector<16xf32>
        %add3A_208 = arith.addf %add3A_200, %mul3A_207 : vector<16xf32>
        %add3A_209 = arith.constant 4 : i32
        %add3A_210 = arith.addi %scan3A_137, %add3A_209 : i32
        %get3A_211 = arith.index_cast %add3A_210 : i32 to index
        %get3A_212 = arith.constant 16 : index
        %get3A_213 = tpu.vector_load %arg7[%get3A_211, %get3A_212] {strides = array<i32>} : memref<36x528xf32, #tpu.memory_space<vmem>>, vector<1x16xf32>,
        %get3A_214 = vector.shape_cast %get3A_213 : vector<1x16xf32> to vector<16xf32>
        %mul3A_215 = arith.mulf %get3A_24, %get3A_214 : vector<16xf32>
        %add3A_216 = arith.addf %add3A_208, %mul3A_215 : vector<16xf32>
        %swap3A_217 = arith.constant 16 : index
        %swap3A_218 = tpu.vector_load %arg8[%swap3A_217] {strides = array<i32>} : memref<528xf32, #tpu.memory_space<vmem>>, vector<16xf32>,
        %swap3A_219 = vector.shape_cast %swap3A_218 : vector<16xf32> to vector<16xf32>
        %swap3A_220 = vector.shape_cast %add3A_216 : vector<16xf32> to vector<16xf32>
        tpu.vector_store %arg8[%swap3A_217], %swap3A_220 {strides = array<i32>} : memref<528xf32, #tpu.memory_space<vmem>>, vector<16xf32>,
        %get3A_221 = arith.index_cast %scan3A_137 : i32 to index
        %get3A_222 = arith.constant 32 : index
        %get3A_223 = tpu.vector_load %arg7[%get3A_221, %get3A_222] {strides = array<i32>} : memref<36x528xf32, #tpu.memory_space<vmem>>, vector<1x16xf32>,
        %get3A_224 = vector.shape_cast %get3A_223 : vector<1x16xf32> to vector<16xf32>
        %mul3A_225 = arith.mulf %get3A_4, %get3A_224 : vector<16xf32>
        %add3A_226 = arith.constant 1 : i32
        %add3A_227 = arith.addi %scan3A_137, %add3A_226 : i32
        %get3A_228 = arith.index_cast %add3A_227 : i32 to index
        %get3A_229 = arith.constant 32 : index
        %get3A_230 = tpu.vector_load %arg7[%get3A_228, %get3A_229] {strides = array<i32>} : memref<36x528xf32, #tpu.memory_space<vmem>>, vector<1x16xf32>,
        %get3A_231 = vector.shape_cast %get3A_230 : vector<1x16xf32> to vector<16xf32>
        %mul3A_232 = arith.mulf %get3A_9, %get3A_231 : vector<16xf32>
        %add3A_233 = arith.addf %mul3A_225, %mul3A_232 : vector<16xf32>
        %add3A_234 = arith.constant 2 : i32
        %add3A_235 = arith.addi %scan3A_137, %add3A_234 : i32
        %get3A_236 = arith.index_cast %add3A_235 : i32 to index
        %get3A_237 = arith.constant 32 : index
        %get3A_238 = tpu.vector_load %arg7[%get3A_236, %get3A_237] {strides = array<i32>} : memref<36x528xf32, #tpu.memory_space<vmem>>, vector<1x16xf32>,
        %get3A_239 = vector.shape_cast %get3A_238 : vector<1x16xf32> to vector<16xf32>
        %mul3A_240 = arith.mulf %get3A_14, %get3A_239 : vector<16xf32>
        %add3A_241 = arith.addf %add3A_233, %mul3A_240 : vector<16xf32>
        %add3A_242 = arith.constant 3 : i32
        %add3A_243 = arith.addi %scan3A_137, %add3A_242 : i32
        %get3A_244 = arith.index_cast %add3A_243 : i32 to index
        %get3A_245 = arith.constant 32 : index
        %get3A_246 = tpu.vector_load %arg7[%get3A_244, %get3A_245] {strides = array<i32>} : memref<36x528xf32, #tpu.memory_space<vmem>>, vector<1x16xf32>,
        %get3A_247 = vector.shape_cast %get3A_246 : vector<1x16xf32> to vector<16xf32>
        %mul3A_248 = arith.mulf %get3A_19, %get3A_247 : vector<16xf32>
        %add3A_249 = arith.addf %add3A_241, %mul3A_248 : vector<16xf32>
        %add3A_250 = arith.constant 4 : i32
        %add3A_251 = arith.addi %scan3A_137, %add3A_250 : i32
        %get3A_252 = arith.index_cast %add3A_251 : i32 to index
        %get3A_253 = arith.constant 32 : index
        %get3A_254 = tpu.vector_load %arg7[%get3A_252, %get3A_253] {strides = array<i32>} : memref<36x528xf32, #tpu.memory_space<vmem>>, vector<1x16xf32>,
        %get3A_255 = vector.shape_cast %get3A_254 : vector<1x16xf32> to vector<16xf32>
        %mul3A_256 = arith.mulf %get3A_24, %get3A_255 : vector<16xf32>
        %add3A_257 = arith.addf %add3A_249, %mul3A_256 : vector<16xf32>
        %swap3A_258 = arith.constant 32 : index
        %swap3A_259 = tpu.vector_load %arg8[%swap3A_258] {strides = array<i32>} : memref<528xf32, #tpu.memory_space<vmem>>, vector<16xf32>,
        %swap3A_260 = vector.shape_cast %swap3A_259 : vector<16xf32> to vector<16xf32>
        %swap3A_261 = vector.shape_cast %add3A_257 : vector<16xf32> to vector<16xf32>
        tpu.vector_store %arg8[%swap3A_258], %swap3A_261 {strides = array<i32>} : memref<528xf32, #tpu.memory_space<vmem>>, vector<16xf32>,
        %get3A_262 = arith.index_cast %scan3A_137 : i32 to index
        %get3A_263 = arith.constant 48 : index
        %get3A_264 = tpu.vector_load %arg7[%get3A_262, %get3A_263] {strides = array<i32>} : memref<36x528xf32, #tpu.memory_space<vmem>>, vector<1x16xf32>,
        %get3A_265 = vector.shape_cast %get3A_264 : vector<1x16xf32> to vector<16xf32>
        %mul3A_266 = arith.mulf %get3A_4, %get3A_265 : vector<16xf32>
        %add3A_267 = arith.constant 1 : i32
        %add3A_268 = arith.addi %scan3A_137, %add3A_267 : i32
        %get3A_269 = arith.index_cast %add3A_268 : i32 to index
        %get3A_270 = arith.constant 48 : index
        %get3A_271 = tpu.vector_load %arg7[%get3A_269, %get3A_270] {strides = array<i32>} : memref<36x528xf32, #tpu.memory_space<vmem>>, vector<1x16xf32>,
        %get3A_272 = vector.shape_cast %get3A_271 : vector<1x16xf32> to vector<16xf32>
        %mul3A_273 = arith.mulf %get3A_9, %get3A_272 : vector<16xf32>
        %add3A_274 = arith.addf %mul3A_266, %mul3A_273 : vector<16xf32>
        %add3A_275 = arith.constant 2 : i32
        %add3A_276 = arith.addi %scan3A_137, %add3A_275 : i32
        %get3A_277 = arith.index_cast %add3A_276 : i32 to index
        %get3A_278 = arith.constant 48 : index
        %get3A_279 = tpu.vector_load %arg7[%get3A_277, %get3A_278] {strides = array<i32>} : memref<36x528xf32, #tpu.memory_space<vmem>>, vector<1x16xf32>,
        %get3A_280 = vector.shape_cast %get3A_279 : vector<1x16xf32> to vector<16xf32>
        %mul3A_281 = arith.mulf %get3A_14, %get3A_280 : vector<16xf32>
        %add3A_282 = arith.addf %add3A_274, %mul3A_281 : vector<16xf32>
        %add3A_283 = arith.constant 3 : i32
        %add3A_284 = arith.addi %scan3A_137, %add3A_283 : i32
        %get3A_285 = arith.index_cast %add3A_284 : i32 to index
        %get3A_286 = arith.constant 48 : index
        %get3A_287 = tpu.vector_load %arg7[%get3A_285, %get3A_286] {strides = array<i32>} : memref<36x528xf32, #tpu.memory_space<vmem>>, vector<1x16xf32>,
        %get3A_288 = vector.shape_cast %get3A_287 : vector<1x16xf32> to vector<16xf32>
        %mul3A_289 = arith.mulf %get3A_19, %get3A_288 : vector<16xf32>
        %add3A_290 = arith.addf %add3A_282, %mul3A_289 : vector<16xf32>
        %add3A_291 = arith.constant 4 : i32
        %add3A_292 = arith.addi %scan3A_137, %add3A_291 : i32
        %get3A_293 = arith.index_cast %add3A_292 : i32 to index
        %get3A_294 = arith.constant 48 : index
        %get3A_295 = tpu.vector_load %arg7[%get3A_293, %get3A_294] {strides = array<i32>} : memref<36x528xf32, #tpu.memory_space<vmem>>, vector<1x16xf32>,
        %get3A_296 = vector.shape_cast %get3A_295 : vector<1x16xf32> to vector<16xf32>
        %mul3A_297 = arith.mulf %get3A_24, %get3A_296 : vector<16xf32>
        %add3A_298 = arith.addf %add3A_290, %mul3A_297 : vector<16xf32>
        %swap3A_299 = arith.constant 48 : index
        %swap3A_300 = tpu.vector_load %arg8[%swap3A_299] {strides = array<i32>} : memref<528xf32, #tpu.memory_space<vmem>>, vector<16xf32>,
        %swap3A_301 = vector.shape_cast %swap3A_300 : vector<16xf32> to vector<16xf32>
        %swap3A_302 = vector.shape_cast %add3A_298 : vector<16xf32> to vector<16xf32>
        tpu.vector_store %arg8[%swap3A_299], %swap3A_302 {strides = array<i32>} : memref<528xf32, #tpu.memory_space<vmem>>, vector<16xf32>,
        %get3A_303 = arith.index_cast %scan3A_137 : i32 to index
        %get3A_304 = arith.constant 64 : index
        %get3A_305 = tpu.vector_load %arg7[%get3A_303, %get3A_304] {strides = array<i32>} : memref<36x528xf32, #tpu.memory_space<vmem>>, vector<1x16xf32>,
        %get3A_306 = vector.shape_cast %get3A_305 : vector<1x16xf32> to vector<16xf32>
        %mul3A_307 = arith.mulf %get3A_4, %get3A_306 : vector<16xf32>
        %add3A_308 = arith.constant 1 : i32
        %add3A_309 = arith.addi %scan3A_137, %add3A_308 : i32
        %get3A_310 = arith.index_cast %add3A_309 : i32 to index
        %get3A_311 = arith.constant 64 : index
        %get3A_312 = tpu.vector_load %arg7[%get3A_310, %get3A_311] {strides = array<i32>} : memref<36x528xf32, #tpu.memory_space<vmem>>, vector<1x16xf32>,
        %get3A_313 = vector.shape_cast %get3A_312 : vector<1x16xf32> to vector<16xf32>
        %mul3A_314 = arith.mulf %get3A_9, %get3A_313 : vector<16xf32>
        %add3A_315 = arith.addf %mul3A_307, %mul3A_314 : vector<16xf32>
        %add3A_316 = arith.constant 2 : i32
        %add3A_317 = arith.addi %scan3A_137, %add3A_316 : i32
        %get3A_318 = arith.index_cast %add3A_317 : i32 to index
        %get3A_319 = arith.constant 64 : index
        %get3A_320 = tpu.vector_load %arg7[%get3A_318, %get3A_319] {strides = array<i32>} : memref<36x528xf32, #tpu.memory_space<vmem>>, vector<1x16xf32>,
        %get3A_321 = vector.shape_cast %get3A_320 : vector<1x16xf32> to vector<16xf32>
        %mul3A_322 = arith.mulf %get3A_14, %get3A_321 : vector<16xf32>
        %add3A_323 = arith.addf %add3A_315, %mul3A_322 : vector<16xf32>
        %add3A_324 = arith.constant 3 : i32
        %add3A_325 = arith.addi %scan3A_137, %add3A_324 : i32
        %get3A_326 = arith.index_cast %add3A_325 : i32 to index
        %get3A_327 = arith.constant 64 : index
        %get3A_328 = tpu.vector_load %arg7[%get3A_326, %get3A_327] {strides = array<i32>} : memref<36x528xf32, #tpu.memory_space<vmem>>, vector<1x16xf32>,
        %get3A_329 = vector.shape_cast %get3A_328 : vector<1x16xf32> to vector<16xf32>
        %mul3A_330 = arith.mulf %get3A_19, %get3A_329 : vector<16xf32>
        %add3A_331 = arith.addf %add3A_323, %mul3A_330 : vector<16xf32>
        %add3A_332 = arith.constant 4 : i32
        %add3A_333 = arith.addi %scan3A_137, %add3A_332 : i32
        %get3A_334 = arith.index_cast %add3A_333 : i32 to index
        %get3A_335 = arith.constant 64 : index
        %get3A_336 = tpu.vector_load %arg7[%get3A_334, %get3A_335] {strides = array<i32>} : memref<36x528xf32, #tpu.memory_space<vmem>>, vector<1x16xf32>,
        %get3A_337 = vector.shape_cast %get3A_336 : vector<1x16xf32> to vector<16xf32>
        %mul3A_338 = arith.mulf %get3A_24, %get3A_337 : vector<16xf32>
        %add3A_339 = arith.addf %add3A_331, %mul3A_338 : vector<16xf32>
        %swap3A_340 = arith.constant 64 : index
        %swap3A_341 = tpu.vector_load %arg8[%swap3A_340] {strides = array<i32>} : memref<528xf32, #tpu.memory_space<vmem>>, vector<16xf32>,
        %swap3A_342 = vector.shape_cast %swap3A_341 : vector<16xf32> to vector<16xf32>
        %swap3A_343 = vector.shape_cast %add3A_339 : vector<16xf32> to vector<16xf32>
        tpu.vector_store %arg8[%swap3A_340], %swap3A_343 {strides = array<i32>} : memref<528xf32, #tpu.memory_space<vmem>>, vector<16xf32>,
        %get3A_344 = arith.index_cast %scan3A_137 : i32 to index
        %get3A_345 = arith.constant 80 : index
        %get3A_346 = tpu.vector_load %arg7[%get3A_344, %get3A_345] {strides = array<i32>} : memref<36x528xf32, #tpu.memory_space<vmem>>, vector<1x16xf32>,
        %get3A_347 = vector.shape_cast %get3A_346 : vector<1x16xf32> to vector<16xf32>
        %mul3A_348 = arith.mulf %get3A_4, %get3A_347 : vector<16xf32>
        %add3A_349 = arith.constant 1 : i32
        %add3A_350 = arith.addi %scan3A_137, %add3A_349 : i32
        %get3A_351 = arith.index_cast %add3A_350 : i32 to index
        %get3A_352 = arith.constant 80 : index
        %get3A_353 = tpu.vector_load %arg7[%get3A_351, %get3A_352] {strides = array<i32>} : memref<36x528xf32, #tpu.memory_space<vmem>>, vector<1x16xf32>,
        %get3A_354 = vector.shape_cast %get3A_353 : vector<1x16xf32> to vector<16xf32>
        %mul3A_355 = arith.mulf %get3A_9, %get3A_354 : vector<16xf32>
        %add3A_356 = arith.addf %mul3A_348, %mul3A_355 : vector<16xf32>
        %add3A_357 = arith.constant 2 : i32
        %add3A_358 = arith.addi %scan3A_137, %add3A_357 : i32
        %get3A_359 = arith.index_cast %add3A_358 : i32 to index
        %get3A_360 = arith.constant 80 : index
        %get3A_361 = tpu.vector_load %arg7[%get3A_359, %get3A_360] {strides = array<i32>} : memref<36x528xf32, #tpu.memory_space<vmem>>, vector<1x16xf32>,
        %get3A_362 = vector.shape_cast %get3A_361 : vector<1x16xf32> to vector<16xf32>
        %mul3A_363 = arith.mulf %get3A_14, %get3A_362 : vector<16xf32>
        %add3A_364 = arith.addf %add3A_356, %mul3A_363 : vector<16xf32>
        %add3A_365 = arith.constant 3 : i32
        %add3A_366 = arith.addi %scan3A_137, %add3A_365 : i32
        %get3A_367 = arith.index_cast %add3A_366 : i32 to index
        %get3A_368 = arith.constant 80 : index
        %get3A_369 = tpu.vector_load %arg7[%get3A_367, %get3A_368] {strides = array<i32>} : memref<36x528xf32, #tpu.memory_space<vmem>>, vector<1x16xf32>,
        %get3A_370 = vector.shape_cast %get3A_369 : vector<1x16xf32> to vector<16xf32>
        %mul3A_371 = arith.mulf %get3A_19, %get3A_370 : vector<16xf32>
        %add3A_372 = arith.addf %add3A_364, %mul3A_371 : vector<16xf32>
        %add3A_373 = arith.constant 4 : i32
        %add3A_374 = arith.addi %scan3A_137, %add3A_373 : i32
        %get3A_375 = arith.index_cast %add3A_374 : i32 to index
        %get3A_376 = arith.constant 80 : index
        %get3A_377 = tpu.vector_load %arg7[%get3A_375, %get3A_376] {strides = array<i32>} : memref<36x528xf32, #tpu.memory_space<vmem>>, vector<1x16xf32>,
        %get3A_378 = vector.shape_cast %get3A_377 : vector<1x16xf32> to vector<16xf32>
        %mul3A_379 = arith.mulf %get3A_24, %get3A_378 : vector<16xf32>
        %add3A_380 = arith.addf %add3A_372, %mul3A_379 : vector<16xf32>
        %swap3A_381 = arith.constant 80 : index
        %swap3A_382 = tpu.vector_load %arg8[%swap3A_381] {strides = array<i32>} : memref<528xf32, #tpu.memory_space<vmem>>, vector<16xf32>,
        %swap3A_383 = vector.shape_cast %swap3A_382 : vector<16xf32> to vector<16xf32>
        %swap3A_384 = vector.shape_cast %add3A_380 : vector<16xf32> to vector<16xf32>
        tpu.vector_store %arg8[%swap3A_381], %swap3A_384 {strides = array<i32>} : memref<528xf32, #tpu.memory_space<vmem>>, vector<16xf32>,
        %get3A_385 = arith.index_cast %scan3A_137 : i32 to index
        %get3A_386 = arith.constant 96 : index
        %get3A_387 = tpu.vector_load %arg7[%get3A_385, %get3A_386] {strides = array<i32>} : memref<36x528xf32, #tpu.memory_space<vmem>>, vector<1x16xf32>,
        %get3A_388 = vector.shape_cast %get3A_387 : vector<1x16xf32> to vector<16xf32>
        %mul3A_389 = arith.mulf %get3A_4, %get3A_388 : vector<16xf32>
        %add3A_390 = arith.constant 1 : i32
        %add3A_391 = arith.addi %scan3A_137, %add3A_390 : i32
        %get3A_392 = arith.index_cast %add3A_391 : i32 to index
        %get3A_393 = arith.constant 96 : index
        %get3A_394 = tpu.vector_load %arg7[%get3A_392, %get3A_393] {strides = array<i32>} : memref<36x528xf32, #tpu.memory_space<vmem>>, vector<1x16xf32>,
        %get3A_395 = vector.shape_cast %get3A_394 : vector<1x16xf32> to vector<16xf32>
        %mul3A_396 = arith.mulf %get3A_9, %get3A_395 : vector<16xf32>
        %add3A_397 = arith.addf %mul3A_389, %mul3A_396 : vector<16xf32>
        %add3A_398 = arith.constant 2 : i32
        %add3A_399 = arith.addi %scan3A_137, %add3A_398 : i32
        %get3A_400 = arith.index_cast %add3A_399 : i32 to index
        %get3A_401 = arith.constant 96 : index
        %get3A_402 = tpu.vector_load %arg7[%get3A_400, %get3A_401] {strides = array<i32>} : memref<36x528xf32, #tpu.memory_space<vmem>>, vector<1x16xf32>,
        %get3A_403 = vector.shape_cast %get3A_402 : vector<1x16xf32> to vector<16xf32>
        %mul3A_404 = arith.mulf %get3A_14, %get3A_403 : vector<16xf32>
        %add3A_405 = arith.addf %add3A_397, %mul3A_404 : vector<16xf32>
        %add3A_406 = arith.constant 3 : i32
        %add3A_407 = arith.addi %scan3A_137, %add3A_406 : i32
        %get3A_408 = arith.index_cast %add3A_407 : i32 to index
        %get3A_409 = arith.constant 96 : index
        %get3A_410 = tpu.vector_load %arg7[%get3A_408, %get3A_409] {strides = array<i32>} : memref<36x528xf32, #tpu.memory_space<vmem>>, vector<1x16xf32>,
        %get3A_411 = vector.shape_cast %get3A_410 : vector<1x16xf32> to vector<16xf32>
        %mul3A_412 = arith.mulf %get3A_19, %get3A_411 : vector<16xf32>
        %add3A_413 = arith.addf %add3A_405, %mul3A_412 : vector<16xf32>
        %add3A_414 = arith.constant 4 : i32
        %add3A_415 = arith.addi %scan3A_137, %add3A_414 : i32
        %get3A_416 = arith.index_cast %add3A_415 : i32 to index
        %get3A_417 = arith.constant 96 : index
        %get3A_418 = tpu.vector_load %arg7[%get3A_416, %get3A_417] {strides = array<i32>} : memref<36x528xf32, #tpu.memory_space<vmem>>, vector<1x16xf32>,
        %get3A_419 = vector.shape_cast %get3A_418 : vector<1x16xf32> to vector<16xf32>
        %mul3A_420 = arith.mulf %get3A_24, %get3A_419 : vector<16xf32>
        %add3A_421 = arith.addf %add3A_413, %mul3A_420 : vector<16xf32>
        %swap3A_422 = arith.constant 96 : index
        %swap3A_423 = tpu.vector_load %arg8[%swap3A_422] {strides = array<i32>} : memref<528xf32, #tpu.memory_space<vmem>>, vector<16xf32>,
        %swap3A_424 = vector.shape_cast %swap3A_423 : vector<16xf32> to vector<16xf32>
        %swap3A_425 = vector.shape_cast %add3A_421 : vector<16xf32> to vector<16xf32>
        tpu.vector_store %arg8[%swap3A_422], %swap3A_425 {strides = array<i32>} : memref<528xf32, #tpu.memory_space<vmem>>, vector<16xf32>,
        %get3A_426 = arith.index_cast %scan3A_137 : i32 to index
        %get3A_427 = arith.constant 112 : index
        %get3A_428 = tpu.vector_load %arg7[%get3A_426, %get3A_427] {strides = array<i32>} : memref<36x528xf32, #tpu.memory_space<vmem>>, vector<1x16xf32>,
        %get3A_429 = vector.shape_cast %get3A_428 : vector<1x16xf32> to vector<16xf32>
        %mul3A_430 = arith.mulf %get3A_4, %get3A_429 : vector<16xf32>
        %add3A_431 = arith.constant 1 : i32
        %add3A_432 = arith.addi %scan3A_137, %add3A_431 : i32
        %get3A_433 = arith.index_cast %add3A_432 : i32 to index
        %get3A_434 = arith.constant 112 : index
        %get3A_435 = tpu.vector_load %arg7[%get3A_433, %get3A_434] {strides = array<i32>} : memref<36x528xf32, #tpu.memory_space<vmem>>, vector<1x16xf32>,
        %get3A_436 = vector.shape_cast %get3A_435 : vector<1x16xf32> to vector<16xf32>
        %mul3A_437 = arith.mulf %get3A_9, %get3A_436 : vector<16xf32>
        %add3A_438 = arith.addf %mul3A_430, %mul3A_437 : vector<16xf32>
        %add3A_439 = arith.constant 2 : i32
        %add3A_440 = arith.addi %scan3A_137, %add3A_439 : i32
        %get3A_441 = arith.index_cast %add3A_440 : i32 to index
        %get3A_442 = arith.constant 112 : index
        %get3A_443 = tpu.vector_load %arg7[%get3A_441, %get3A_442] {strides = array<i32>} : memref<36x528xf32, #tpu.memory_space<vmem>>, vector<1x16xf32>,
        %get3A_444 = vector.shape_cast %get3A_443 : vector<1x16xf32> to vector<16xf32>
        %mul3A_445 = arith.mulf %get3A_14, %get3A_444 : vector<16xf32>
        %add3A_446 = arith.addf %add3A_438, %mul3A_445 : vector<16xf32>
        %add3A_447 = arith.constant 3 : i32
        %add3A_448 = arith.addi %scan3A_137, %add3A_447 : i32
        %get3A_449 = arith.index_cast %add3A_448 : i32 to index
        %get3A_450 = arith.constant 112 : index
        %get3A_451 = tpu.vector_load %arg7[%get3A_449, %get3A_450] {strides = array<i32>} : memref<36x528xf32, #tpu.memory_space<vmem>>, vector<1x16xf32>,
        %get3A_452 = vector.shape_cast %get3A_451 : vector<1x16xf32> to vector<16xf32>
        %mul3A_453 = arith.mulf %get3A_19, %get3A_452 : vector<16xf32>
        %add3A_454 = arith.addf %add3A_446, %mul3A_453 : vector<16xf32>
        %add3A_455 = arith.constant 4 : i32
        %add3A_456 = arith.addi %scan3A_137, %add3A_455 : i32
        %get3A_457 = arith.index_cast %add3A_456 : i32 to index
        %get3A_458 = arith.constant 112 : index
        %get3A_459 = tpu.vector_load %arg7[%get3A_457, %get3A_458] {strides = array<i32>} : memref<36x528xf32, #tpu.memory_space<vmem>>, vector<1x16xf32>,
        %get3A_460 = vector.shape_cast %get3A_459 : vector<1x16xf32> to vector<16xf32>
        %mul3A_461 = arith.mulf %get3A_24, %get3A_460 : vector<16xf32>
        %add3A_462 = arith.addf %add3A_454, %mul3A_461 : vector<16xf32>
        %swap3A_463 = arith.constant 112 : index
        %swap3A_464 = tpu.vector_load %arg8[%swap3A_463] {strides = array<i32>} : memref<528xf32, #tpu.memory_space<vmem>>, vector<16xf32>,
        %swap3A_465 = vector.shape_cast %swap3A_464 : vector<16xf32> to vector<16xf32>
        %swap3A_466 = vector.shape_cast %add3A_462 : vector<16xf32> to vector<16xf32>
        tpu.vector_store %arg8[%swap3A_463], %swap3A_466 {strides = array<i32>} : memref<528xf32, #tpu.memory_space<vmem>>, vector<16xf32>,
        %get3A_467 = arith.index_cast %scan3A_137 : i32 to index
        %get3A_468 = arith.constant 128 : index
        %get3A_469 = tpu.vector_load %arg7[%get3A_467, %get3A_468] {strides = array<i32>} : memref<36x528xf32, #tpu.memory_space<vmem>>, vector<1x16xf32>,
        %get3A_470 = vector.shape_cast %get3A_469 : vector<1x16xf32> to vector<16xf32>
        %mul3A_471 = arith.mulf %get3A_4, %get3A_470 : vector<16xf32>
        %add3A_472 = arith.constant 1 : i32
        %add3A_473 = arith.addi %scan3A_137, %add3A_472 : i32
        %get3A_474 = arith.index_cast %add3A_473 : i32 to index
        %get3A_475 = arith.constant 128 : index
        %get3A_476 = tpu.vector_load %arg7[%get3A_474, %get3A_475] {strides = array<i32>} : memref<36x528xf32, #tpu.memory_space<vmem>>, vector<1x16xf32>,
        %get3A_477 = vector.shape_cast %get3A_476 : vector<1x16xf32> to vector<16xf32>
        %mul3A_478 = arith.mulf %get3A_9, %get3A_477 : vector<16xf32>
        %add3A_479 = arith.addf %mul3A_471, %mul3A_478 : vector<16xf32>
        %add3A_480 = arith.constant 2 : i32
        %add3A_481 = arith.addi %scan3A_137, %add3A_480 : i32
        %get3A_482 = arith.index_cast %add3A_481 : i32 to index
        %get3A_483 = arith.constant 128 : index
        %get3A_484 = tpu.vector_load %arg7[%get3A_482, %get3A_483] {strides = array<i32>} : memref<36x528xf32, #tpu.memory_space<vmem>>, vector<1x16xf32>,
        %get3A_485 = vector.shape_cast %get3A_484 : vector<1x16xf32> to vector<16xf32>
        %mul3A_486 = arith.mulf %get3A_14, %get3A_485 : vector<16xf32>
        %add3A_487 = arith.addf %add3A_479, %mul3A_486 : vector<16xf32>
        %add3A_488 = arith.constant 3 : i32
        %add3A_489 = arith.addi %scan3A_137, %add3A_488 : i32
        %get3A_490 = arith.index_cast %add3A_489 : i32 to index
        %get3A_491 = arith.constant 128 : index
        %get3A_492 = tpu.vector_load %arg7[%get3A_490, %get3A_491] {strides = array<i32>} : memref<36x528xf32, #tpu.memory_space<vmem>>, vector<1x16xf32>,
        %get3A_493 = vector.shape_cast %get3A_492 : vector<1x16xf32> to vector<16xf32>
        %mul3A_494 = arith.mulf %get3A_19, %get3A_493 : vector<16xf32>
        %add3A_495 = arith.addf %add3A_487, %mul3A_494 : vector<16xf32>
        %add3A_496 = arith.constant 4 : i32
        %add3A_497 = arith.addi %scan3A_137, %add3A_496 : i32
        %get3A_498 = arith.index_cast %add3A_497 : i32 to index
        %get3A_499 = arith.constant 128 : index
        %get3A_500 = tpu.vector_load %arg7[%get3A_498, %get3A_499] {strides = array<i32>} : memref<36x528xf32, #tpu.memory_space<vmem>>, vector<1x16xf32>,
        %get3A_501 = vector.shape_cast %get3A_500 : vector<1x16xf32> to vector<16xf32>
        %mul3A_502 = arith.mulf %get3A_24, %get3A_501 : vector<16xf32>
        %add3A_503 = arith.addf %add3A_495, %mul3A_502 : vector<16xf32>
        %swap3A_504 = arith.constant 128 : index
        %swap3A_505 = tpu.vector_load %arg8[%swap3A_504] {strides = array<i32>} : memref<528xf32, #tpu.memory_space<vmem>>, vector<16xf32>,
        %swap3A_506 = vector.shape_cast %swap3A_505 : vector<16xf32> to vector<16xf32>
        %swap3A_507 = vector.shape_cast %add3A_503 : vector<16xf32> to vector<16xf32>
        tpu.vector_store %arg8[%swap3A_504], %swap3A_507 {strides = array<i32>} : memref<528xf32, #tpu.memory_space<vmem>>, vector<16xf32>,
        %get3A_508 = arith.index_cast %scan3A_137 : i32 to index
        %get3A_509 = arith.constant 144 : index
        %get3A_510 = tpu.vector_load %arg7[%get3A_508, %get3A_509] {strides = array<i32>} : memref<36x528xf32, #tpu.memory_space<vmem>>, vector<1x16xf32>,
        %get3A_511 = vector.shape_cast %get3A_510 : vector<1x16xf32> to vector<16xf32>
        %mul3A_512 = arith.mulf %get3A_4, %get3A_511 : vector<16xf32>
        %add3A_513 = arith.constant 1 : i32
        %add3A_514 = arith.addi %scan3A_137, %add3A_513 : i32
        %get3A_515 = arith.index_cast %add3A_514 : i32 to index
        %get3A_516 = arith.constant 144 : index
        %get3A_517 = tpu.vector_load %arg7[%get3A_515, %get3A_516] {strides = array<i32>} : memref<36x528xf32, #tpu.memory_space<vmem>>, vector<1x16xf32>,
        %get3A_518 = vector.shape_cast %get3A_517 : vector<1x16xf32> to vector<16xf32>
        %mul3A_519 = arith.mulf %get3A_9, %get3A_518 : vector<16xf32>
        %add3A_520 = arith.addf %mul3A_512, %mul3A_519 : vector<16xf32>
        %add3A_521 = arith.constant 2 : i32
        %add3A_522 = arith.addi %scan3A_137, %add3A_521 : i32
        %get3A_523 = arith.index_cast %add3A_522 : i32 to index
        %get3A_524 = arith.constant 144 : index
        %get3A_525 = tpu.vector_load %arg7[%get3A_523, %get3A_524] {strides = array<i32>} : memref<36x528xf32, #tpu.memory_space<vmem>>, vector<1x16xf32>,
        %get3A_526 = vector.shape_cast %get3A_525 : vector<1x16xf32> to vector<16xf32>
        %mul3A_527 = arith.mulf %get3A_14, %get3A_526 : vector<16xf32>
        %add3A_528 = arith.addf %add3A_520, %mul3A_527 : vector<16xf32>
        %add3A_529 = arith.constant 3 : i32
        %add3A_530 = arith.addi %scan3A_137, %add3A_529 : i32
        %get3A_531 = arith.index_cast %add3A_530 : i32 to index
        %get3A_532 = arith.constant 144 : index
        %get3A_533 = tpu.vector_load %arg7[%get3A_531, %get3A_532] {strides = array<i32>} : memref<36x528xf32, #tpu.memory_space<vmem>>, vector<1x16xf32>,
        %get3A_534 = vector.shape_cast %get3A_533 : vector<1x16xf32> to vector<16xf32>
        %mul3A_535 = arith.mulf %get3A_19, %get3A_534 : vector<16xf32>
        %add3A_536 = arith.addf %add3A_528, %mul3A_535 : vector<16xf32>
        %add3A_537 = arith.constant 4 : i32
        %add3A_538 = arith.addi %scan3A_137, %add3A_537 : i32
        %get3A_539 = arith.index_cast %add3A_538 : i32 to index
        %get3A_540 = arith.constant 144 : index
        %get3A_541 = tpu.vector_load %arg7[%get3A_539, %get3A_540] {strides = array<i32>} : memref<36x528xf32, #tpu.memory_space<vmem>>, vector<1x16xf32>,
        %get3A_542 = vector.shape_cast %get3A_541 : vector<1x16xf32> to vector<16xf32>
        %mul3A_543 = arith.mulf %get3A_24, %get3A_542 : vector<16xf32>
        %add3A_544 = arith.addf %add3A_536, %mul3A_543 : vector<16xf32>
        %swap3A_545 = arith.constant 144 : index
        %swap3A_546 = tpu.vector_load %arg8[%swap3A_545] {strides = array<i32>} : memref<528xf32, #tpu.memory_space<vmem>>, vector<16xf32>,
        %swap3A_547 = vector.shape_cast %swap3A_546 : vector<16xf32> to vector<16xf32>
        %swap3A_548 = vector.shape_cast %add3A_544 : vector<16xf32> to vector<16xf32>
        tpu.vector_store %arg8[%swap3A_545], %swap3A_548 {strides = array<i32>} : memref<528xf32, #tpu.memory_space<vmem>>, vector<16xf32>,
        %get3A_549 = arith.index_cast %scan3A_137 : i32 to index
        %get3A_550 = arith.constant 160 : index
        %get3A_551 = tpu.vector_load %arg7[%get3A_549, %get3A_550] {strides = array<i32>} : memref<36x528xf32, #tpu.memory_space<vmem>>, vector<1x16xf32>,
        %get3A_552 = vector.shape_cast %get3A_551 : vector<1x16xf32> to vector<16xf32>
        %mul3A_553 = arith.mulf %get3A_4, %get3A_552 : vector<16xf32>
        %add3A_554 = arith.constant 1 : i32
        %add3A_555 = arith.addi %scan3A_137, %add3A_554 : i32
        %get3A_556 = arith.index_cast %add3A_555 : i32 to index
        %get3A_557 = arith.constant 160 : index
        %get3A_558 = tpu.vector_load %arg7[%get3A_556, %get3A_557] {strides = array<i32>} : memref<36x528xf32, #tpu.memory_space<vmem>>, vector<1x16xf32>,
        %get3A_559 = vector.shape_cast %get3A_558 : vector<1x16xf32> to vector<16xf32>
        %mul3A_560 = arith.mulf %get3A_9, %get3A_559 : vector<16xf32>
        %add3A_561 = arith.addf %mul3A_553, %mul3A_560 : vector<16xf32>
        %add3A_562 = arith.constant 2 : i32
        %add3A_563 = arith.addi %scan3A_137, %add3A_562 : i32
        %get3A_564 = arith.index_cast %add3A_563 : i32 to index
        %get3A_565 = arith.constant 160 : index
        %get3A_566 = tpu.vector_load %arg7[%get3A_564, %get3A_565] {strides = array<i32>} : memref<36x528xf32, #tpu.memory_space<vmem>>, vector<1x16xf32>,
        %get3A_567 = vector.shape_cast %get3A_566 : vector<1x16xf32> to vector<16xf32>
        %mul3A_568 = arith.mulf %get3A_14, %get3A_567 : vector<16xf32>
        %add3A_569 = arith.addf %add3A_561, %mul3A_568 : vector<16xf32>
        %add3A_570 = arith.constant 3 : i32
        %add3A_571 = arith.addi %scan3A_137, %add3A_570 : i32
        %get3A_572 = arith.index_cast %add3A_571 : i32 to index
        %get3A_573 = arith.constant 160 : index
        %get3A_574 = tpu.vector_load %arg7[%get3A_572, %get3A_573] {strides = array<i32>} : memref<36x528xf32, #tpu.memory_space<vmem>>, vector<1x16xf32>,
        %get3A_575 = vector.shape_cast %get3A_574 : vector<1x16xf32> to vector<16xf32>
        %mul3A_576 = arith.mulf %get3A_19, %get3A_575 : vector<16xf32>
        %add3A_577 = arith.addf %add3A_569, %mul3A_576 : vector<16xf32>
        %add3A_578 = arith.constant 4 : i32
        %add3A_579 = arith.addi %scan3A_137, %add3A_578 : i32
        %get3A_580 = arith.index_cast %add3A_579 : i32 to index
        %get3A_581 = arith.constant 160 : index
        %get3A_582 = tpu.vector_load %arg7[%get3A_580, %get3A_581] {strides = array<i32>} : memref<36x528xf32, #tpu.memory_space<vmem>>, vector<1x16xf32>,
        %get3A_583 = vector.shape_cast %get3A_582 : vector<1x16xf32> to vector<16xf32>
        %mul3A_584 = arith.mulf %get3A_24, %get3A_583 : vector<16xf32>
        %add3A_585 = arith.addf %add3A_577, %mul3A_584 : vector<16xf32>
        %swap3A_586 = arith.constant 160 : index
        %swap3A_587 = tpu.vector_load %arg8[%swap3A_586] {strides = array<i32>} : memref<528xf32, #tpu.memory_space<vmem>>, vector<16xf32>,
        %swap3A_588 = vector.shape_cast %swap3A_587 : vector<16xf32> to vector<16xf32>
        %swap3A_589 = vector.shape_cast %add3A_585 : vector<16xf32> to vector<16xf32>
        tpu.vector_store %arg8[%swap3A_586], %swap3A_589 {strides = array<i32>} : memref<528xf32, #tpu.memory_space<vmem>>, vector<16xf32>,
        %get3A_590 = arith.index_cast %scan3A_137 : i32 to index
        %get3A_591 = arith.constant 176 : index
        %get3A_592 = tpu.vector_load %arg7[%get3A_590, %get3A_591] {strides = array<i32>} : memref<36x528xf32, #tpu.memory_space<vmem>>, vector<1x16xf32>,
        %get3A_593 = vector.shape_cast %get3A_592 : vector<1x16xf32> to vector<16xf32>
        %mul3A_594 = arith.mulf %get3A_4, %get3A_593 : vector<16xf32>
        %add3A_595 = arith.constant 1 : i32
        %add3A_596 = arith.addi %scan3A_137, %add3A_595 : i32
        %get3A_597 = arith.index_cast %add3A_596 : i32 to index
        %get3A_598 = arith.constant 176 : index
        %get3A_599 = tpu.vector_load %arg7[%get3A_597, %get3A_598] {strides = array<i32>} : memref<36x528xf32, #tpu.memory_space<vmem>>, vector<1x16xf32>,
        %get3A_600 = vector.shape_cast %get3A_599 : vector<1x16xf32> to vector<16xf32>
        %mul3A_601 = arith.mulf %get3A_9, %get3A_600 : vector<16xf32>
        %add3A_602 = arith.addf %mul3A_594, %mul3A_601 : vector<16xf32>
        %add3A_603 = arith.constant 2 : i32
        %add3A_604 = arith.addi %scan3A_137, %add3A_603 : i32
        %get3A_605 = arith.index_cast %add3A_604 : i32 to index
        %get3A_606 = arith.constant 176 : index
        %get3A_607 = tpu.vector_load %arg7[%get3A_605, %get3A_606] {strides = array<i32>} : memref<36x528xf32, #tpu.memory_space<vmem>>, vector<1x16xf32>,
        %get3A_608 = vector.shape_cast %get3A_607 : vector<1x16xf32> to vector<16xf32>
        %mul3A_609 = arith.mulf %get3A_14, %get3A_608 : vector<16xf32>
        %add3A_610 = arith.addf %add3A_602, %mul3A_609 : vector<16xf32>
        %add3A_611 = arith.constant 3 : i32
        %add3A_612 = arith.addi %scan3A_137, %add3A_611 : i32
        %get3A_613 = arith.index_cast %add3A_612 : i32 to index
        %get3A_614 = arith.constant 176 : index
        %get3A_615 = tpu.vector_load %arg7[%get3A_613, %get3A_614] {strides = array<i32>} : memref<36x528xf32, #tpu.memory_space<vmem>>, vector<1x16xf32>,
        %get3A_616 = vector.shape_cast %get3A_615 : vector<1x16xf32> to vector<16xf32>
        %mul3A_617 = arith.mulf %get3A_19, %get3A_616 : vector<16xf32>
        %add3A_618 = arith.addf %add3A_610, %mul3A_617 : vector<16xf32>
        %add3A_619 = arith.constant 4 : i32
        %add3A_620 = arith.addi %scan3A_137, %add3A_619 : i32
        %get3A_621 = arith.index_cast %add3A_620 : i32 to index
        %get3A_622 = arith.constant 176 : index
        %get3A_623 = tpu.vector_load %arg7[%get3A_621, %get3A_622] {strides = array<i32>} : memref<36x528xf32, #tpu.memory_space<vmem>>, vector<1x16xf32>,
        %get3A_624 = vector.shape_cast %get3A_623 : vector<1x16xf32> to vector<16xf32>
        %mul3A_625 = arith.mulf %get3A_24, %get3A_624 : vector<16xf32>
        %add3A_626 = arith.addf %add3A_618, %mul3A_625 : vector<16xf32>
        %swap3A_627 = arith.constant 176 : index
        %swap3A_628 = tpu.vector_load %arg8[%swap3A_627] {strides = array<i32>} : memref<528xf32, #tpu.memory_space<vmem>>, vector<16xf32>,
        %swap3A_629 = vector.shape_cast %swap3A_628 : vector<16xf32> to vector<16xf32>
        %swap3A_630 = vector.shape_cast %add3A_626 : vector<16xf32> to vector<16xf32>
        tpu.vector_store %arg8[%swap3A_627], %swap3A_630 {strides = array<i32>} : memref<528xf32, #tpu.memory_space<vmem>>, vector<16xf32>,
        %get3A_631 = arith.index_cast %scan3A_137 : i32 to index
        %get3A_632 = arith.constant 192 : index
        %get3A_633 = tpu.vector_load %arg7[%get3A_631, %get3A_632] {strides = array<i32>} : memref<36x528xf32, #tpu.memory_space<vmem>>, vector<1x16xf32>,
        %get3A_634 = vector.shape_cast %get3A_633 : vector<1x16xf32> to vector<16xf32>
        %mul3A_635 = arith.mulf %get3A_4, %get3A_634 : vector<16xf32>
        %add3A_636 = arith.constant 1 : i32
        %add3A_637 = arith.addi %scan3A_137, %add3A_636 : i32
        %get3A_638 = arith.index_cast %add3A_637 : i32 to index
        %get3A_639 = arith.constant 192 : index
        %get3A_640 = tpu.vector_load %arg7[%get3A_638, %get3A_639] {strides = array<i32>} : memref<36x528xf32, #tpu.memory_space<vmem>>, vector<1x16xf32>,
        %get3A_641 = vector.shape_cast %get3A_640 : vector<1x16xf32> to vector<16xf32>
        %mul3A_642 = arith.mulf %get3A_9, %get3A_641 : vector<16xf32>
        %add3A_643 = arith.addf %mul3A_635, %mul3A_642 : vector<16xf32>
        %add3A_644 = arith.constant 2 : i32
        %add3A_645 = arith.addi %scan3A_137, %add3A_644 : i32
        %get3A_646 = arith.index_cast %add3A_645 : i32 to index
        %get3A_647 = arith.constant 192 : index
        %get3A_648 = tpu.vector_load %arg7[%get3A_646, %get3A_647] {strides = array<i32>} : memref<36x528xf32, #tpu.memory_space<vmem>>, vector<1x16xf32>,
        %get3A_649 = vector.shape_cast %get3A_648 : vector<1x16xf32> to vector<16xf32>
        %mul3A_650 = arith.mulf %get3A_14, %get3A_649 : vector<16xf32>
        %add3A_651 = arith.addf %add3A_643, %mul3A_650 : vector<16xf32>
        %add3A_652 = arith.constant 3 : i32
        %add3A_653 = arith.addi %scan3A_137, %add3A_652 : i32
        %get3A_654 = arith.index_cast %add3A_653 : i32 to index
        %get3A_655 = arith.constant 192 : index
        %get3A_656 = tpu.vector_load %arg7[%get3A_654, %get3A_655] {strides = array<i32>} : memref<36x528xf32, #tpu.memory_space<vmem>>, vector<1x16xf32>,
        %get3A_657 = vector.shape_cast %get3A_656 : vector<1x16xf32> to vector<16xf32>
        %mul3A_658 = arith.mulf %get3A_19, %get3A_657 : vector<16xf32>
        %add3A_659 = arith.addf %add3A_651, %mul3A_658 : vector<16xf32>
        %add3A_660 = arith.constant 4 : i32
        %add3A_661 = arith.addi %scan3A_137, %add3A_660 : i32
        %get3A_662 = arith.index_cast %add3A_661 : i32 to index
        %get3A_663 = arith.constant 192 : index
        %get3A_664 = tpu.vector_load %arg7[%get3A_662, %get3A_663] {strides = array<i32>} : memref<36x528xf32, #tpu.memory_space<vmem>>, vector<1x16xf32>,
        %get3A_665 = vector.shape_cast %get3A_664 : vector<1x16xf32> to vector<16xf32>
        %mul3A_666 = arith.mulf %get3A_24, %get3A_665 : vector<16xf32>
        %add3A_667 = arith.addf %add3A_659, %mul3A_666 : vector<16xf32>
        %swap3A_668 = arith.constant 192 : index
        %swap3A_669 = tpu.vector_load %arg8[%swap3A_668] {strides = array<i32>} : memref<528xf32, #tpu.memory_space<vmem>>, vector<16xf32>,
        %swap3A_670 = vector.shape_cast %swap3A_669 : vector<16xf32> to vector<16xf32>
        %swap3A_671 = vector.shape_cast %add3A_667 : vector<16xf32> to vector<16xf32>
        tpu.vector_store %arg8[%swap3A_668], %swap3A_671 {strides = array<i32>} : memref<528xf32, #tpu.memory_space<vmem>>, vector<16xf32>,
        %get3A_672 = arith.index_cast %scan3A_137 : i32 to index
        %get3A_673 = arith.constant 208 : index
        %get3A_674 = tpu.vector_load %arg7[%get3A_672, %get3A_673] {strides = array<i32>} : memref<36x528xf32, #tpu.memory_space<vmem>>, vector<1x16xf32>,
        %get3A_675 = vector.shape_cast %get3A_674 : vector<1x16xf32> to vector<16xf32>
        %mul3A_676 = arith.mulf %get3A_4, %get3A_675 : vector<16xf32>
        %add3A_677 = arith.constant 1 : i32
        %add3A_678 = arith.addi %scan3A_137, %add3A_677 : i32
        %get3A_679 = arith.index_cast %add3A_678 : i32 to index
        %get3A_680 = arith.constant 208 : index
        %get3A_681 = tpu.vector_load %arg7[%get3A_679, %get3A_680] {strides = array<i32>} : memref<36x528xf32, #tpu.memory_space<vmem>>, vector<1x16xf32>,
        %get3A_682 = vector.shape_cast %get3A_681 : vector<1x16xf32> to vector<16xf32>
        %mul3A_683 = arith.mulf %get3A_9, %get3A_682 : vector<16xf32>
        %add3A_684 = arith.addf %mul3A_676, %mul3A_683 : vector<16xf32>
        %add3A_685 = arith.constant 2 : i32
        %add3A_686 = arith.addi %scan3A_137, %add3A_685 : i32
        %get3A_687 = arith.index_cast %add3A_686 : i32 to index
        %get3A_688 = arith.constant 208 : index
        %get3A_689 = tpu.vector_load %arg7[%get3A_687, %get3A_688] {strides = array<i32>} : memref<36x528xf32, #tpu.memory_space<vmem>>, vector<1x16xf32>,
        %get3A_690 = vector.shape_cast %get3A_689 : vector<1x16xf32> to vector<16xf32>
        %mul3A_691 = arith.mulf %get3A_14, %get3A_690 : vector<16xf32>
        %add3A_692 = arith.addf %add3A_684, %mul3A_691 : vector<16xf32>
        %add3A_693 = arith.constant 3 : i32
        %add3A_694 = arith.addi %scan3A_137, %add3A_693 : i32
        %get3A_695 = arith.index_cast %add3A_694 : i32 to index
        %get3A_696 = arith.constant 208 : index
        %get3A_697 = tpu.vector_load %arg7[%get3A_695, %get3A_696] {strides = array<i32>} : memref<36x528xf32, #tpu.memory_space<vmem>>, vector<1x16xf32>,
        %get3A_698 = vector.shape_cast %get3A_697 : vector<1x16xf32> to vector<16xf32>
        %mul3A_699 = arith.mulf %get3A_19, %get3A_698 : vector<16xf32>
        %add3A_700 = arith.addf %add3A_692, %mul3A_699 : vector<16xf32>
        %add3A_701 = arith.constant 4 : i32
        %add3A_702 = arith.addi %scan3A_137, %add3A_701 : i32
        %get3A_703 = arith.index_cast %add3A_702 : i32 to index
        %get3A_704 = arith.constant 208 : index
        %get3A_705 = tpu.vector_load %arg7[%get3A_703, %get3A_704] {strides = array<i32>} : memref<36x528xf32, #tpu.memory_space<vmem>>, vector<1x16xf32>,
        %get3A_706 = vector.shape_cast %get3A_705 : vector<1x16xf32> to vector<16xf32>
        %mul3A_707 = arith.mulf %get3A_24, %get3A_706 : vector<16xf32>
        %add3A_708 = arith.addf %add3A_700, %mul3A_707 : vector<16xf32>
        %swap3A_709 = arith.constant 208 : index
        %swap3A_710 = tpu.vector_load %arg8[%swap3A_709] {strides = array<i32>} : memref<528xf32, #tpu.memory_space<vmem>>, vector<16xf32>,
        %swap3A_711 = vector.shape_cast %swap3A_710 : vector<16xf32> to vector<16xf32>
        %swap3A_712 = vector.shape_cast %add3A_708 : vector<16xf32> to vector<16xf32>
        tpu.vector_store %arg8[%swap3A_709], %swap3A_712 {strides = array<i32>} : memref<528xf32, #tpu.memory_space<vmem>>, vector<16xf32>,
        %get3A_713 = arith.index_cast %scan3A_137 : i32 to index
        %get3A_714 = arith.constant 224 : index
        %get3A_715 = tpu.vector_load %arg7[%get3A_713, %get3A_714] {strides = array<i32>} : memref<36x528xf32, #tpu.memory_space<vmem>>, vector<1x16xf32>,
        %get3A_716 = vector.shape_cast %get3A_715 : vector<1x16xf32> to vector<16xf32>
        %mul3A_717 = arith.mulf %get3A_4, %get3A_716 : vector<16xf32>
        %add3A_718 = arith.constant 1 : i32
        %add3A_719 = arith.addi %scan3A_137, %add3A_718 : i32
        %get3A_720 = arith.index_cast %add3A_719 : i32 to index
        %get3A_721 = arith.constant 224 : index
        %get3A_722 = tpu.vector_load %arg7[%get3A_720, %get3A_721] {strides = array<i32>} : memref<36x528xf32, #tpu.memory_space<vmem>>, vector<1x16xf32>,
        %get3A_723 = vector.shape_cast %get3A_722 : vector<1x16xf32> to vector<16xf32>
        %mul3A_724 = arith.mulf %get3A_9, %get3A_723 : vector<16xf32>
        %add3A_725 = arith.addf %mul3A_717, %mul3A_724 : vector<16xf32>
        %add3A_726 = arith.constant 2 : i32
        %add3A_727 = arith.addi %scan3A_137, %add3A_726 : i32
        %get3A_728 = arith.index_cast %add3A_727 : i32 to index
        %get3A_729 = arith.constant 224 : index
        %get3A_730 = tpu.vector_load %arg7[%get3A_728, %get3A_729] {strides = array<i32>} : memref<36x528xf32, #tpu.memory_space<vmem>>, vector<1x16xf32>,
        %get3A_731 = vector.shape_cast %get3A_730 : vector<1x16xf32> to vector<16xf32>
        %mul3A_732 = arith.mulf %get3A_14, %get3A_731 : vector<16xf32>
        %add3A_733 = arith.addf %add3A_725, %mul3A_732 : vector<16xf32>
        %add3A_734 = arith.constant 3 : i32
        %add3A_735 = arith.addi %scan3A_137, %add3A_734 : i32
        %get3A_736 = arith.index_cast %add3A_735 : i32 to index
        %get3A_737 = arith.constant 224 : index
        %get3A_738 = tpu.vector_load %arg7[%get3A_736, %get3A_737] {strides = array<i32>} : memref<36x528xf32, #tpu.memory_space<vmem>>, vector<1x16xf32>,
        %get3A_739 = vector.shape_cast %get3A_738 : vector<1x16xf32> to vector<16xf32>
        %mul3A_740 = arith.mulf %get3A_19, %get3A_739 : vector<16xf32>
        %add3A_741 = arith.addf %add3A_733, %mul3A_740 : vector<16xf32>
        %add3A_742 = arith.constant 4 : i32
        %add3A_743 = arith.addi %scan3A_137, %add3A_742 : i32
        %get3A_744 = arith.index_cast %add3A_743 : i32 to index
        %get3A_745 = arith.constant 224 : index
        %get3A_746 = tpu.vector_load %arg7[%get3A_744, %get3A_745] {strides = array<i32>} : memref<36x528xf32, #tpu.memory_space<vmem>>, vector<1x16xf32>,
        %get3A_747 = vector.shape_cast %get3A_746 : vector<1x16xf32> to vector<16xf32>
        %mul3A_748 = arith.mulf %get3A_24, %get3A_747 : vector<16xf32>
        %add3A_749 = arith.addf %add3A_741, %mul3A_748 : vector<16xf32>
        %swap3A_750 = arith.constant 224 : index
        %swap3A_751 = tpu.vector_load %arg8[%swap3A_750] {strides = array<i32>} : memref<528xf32, #tpu.memory_space<vmem>>, vector<16xf32>,
        %swap3A_752 = vector.shape_cast %swap3A_751 : vector<16xf32> to vector<16xf32>
        %swap3A_753 = vector.shape_cast %add3A_749 : vector<16xf32> to vector<16xf32>
        tpu.vector_store %arg8[%swap3A_750], %swap3A_753 {strides = array<i32>} : memref<528xf32, #tpu.memory_space<vmem>>, vector<16xf32>,
        %get3A_754 = arith.index_cast %scan3A_137 : i32 to index
        %get3A_755 = arith.constant 240 : index
        %get3A_756 = tpu.vector_load %arg7[%get3A_754, %get3A_755] {strides = array<i32>} : memref<36x528xf32, #tpu.memory_space<vmem>>, vector<1x16xf32>,
        %get3A_757 = vector.shape_cast %get3A_756 : vector<1x16xf32> to vector<16xf32>
        %mul3A_758 = arith.mulf %get3A_4, %get3A_757 : vector<16xf32>
        %add3A_759 = arith.constant 1 : i32
        %add3A_760 = arith.addi %scan3A_137, %add3A_759 : i32
        %get3A_761 = arith.index_cast %add3A_760 : i32 to index
        %get3A_762 = arith.constant 240 : index
        %get3A_763 = tpu.vector_load %arg7[%get3A_761, %get3A_762] {strides = array<i32>} : memref<36x528xf32, #tpu.memory_space<vmem>>, vector<1x16xf32>,
        %get3A_764 = vector.shape_cast %get3A_763 : vector<1x16xf32> to vector<16xf32>
        %mul3A_765 = arith.mulf %get3A_9, %get3A_764 : vector<16xf32>
        %add3A_766 = arith.addf %mul3A_758, %mul3A_765 : vector<16xf32>
        %add3A_767 = arith.constant 2 : i32
        %add3A_768 = arith.addi %scan3A_137, %add3A_767 : i32
        %get3A_769 = arith.index_cast %add3A_768 : i32 to index
        %get3A_770 = arith.constant 240 : index
        %get3A_771 = tpu.vector_load %arg7[%get3A_769, %get3A_770] {strides = array<i32>} : memref<36x528xf32, #tpu.memory_space<vmem>>, vector<1x16xf32>,
        %get3A_772 = vector.shape_cast %get3A_771 : vector<1x16xf32> to vector<16xf32>
        %mul3A_773 = arith.mulf %get3A_14, %get3A_772 : vector<16xf32>
        %add3A_774 = arith.addf %add3A_766, %mul3A_773 : vector<16xf32>
        %add3A_775 = arith.constant 3 : i32
        %add3A_776 = arith.addi %scan3A_137, %add3A_775 : i32
        %get3A_777 = arith.index_cast %add3A_776 : i32 to index
        %get3A_778 = arith.constant 240 : index
        %get3A_779 = tpu.vector_load %arg7[%get3A_777, %get3A_778] {strides = array<i32>} : memref<36x528xf32, #tpu.memory_space<vmem>>, vector<1x16xf32>,
        %get3A_780 = vector.shape_cast %get3A_779 : vector<1x16xf32> to vector<16xf32>
        %mul3A_781 = arith.mulf %get3A_19, %get3A_780 : vector<16xf32>
        %add3A_782 = arith.addf %add3A_774, %mul3A_781 : vector<16xf32>
        %add3A_783 = arith.constant 4 : i32
        %add3A_784 = arith.addi %scan3A_137, %add3A_783 : i32
        %get3A_785 = arith.index_cast %add3A_784 : i32 to index
        %get3A_786 = arith.constant 240 : index
        %get3A_787 = tpu.vector_load %arg7[%get3A_785, %get3A_786] {strides = array<i32>} : memref<36x528xf32, #tpu.memory_space<vmem>>, vector<1x16xf32>,
        %get3A_788 = vector.shape_cast %get3A_787 : vector<1x16xf32> to vector<16xf32>
        %mul3A_789 = arith.mulf %get3A_24, %get3A_788 : vector<16xf32>
        %add3A_790 = arith.addf %add3A_782, %mul3A_789 : vector<16xf32>
        %swap3A_791 = arith.constant 240 : index
        %swap3A_792 = tpu.vector_load %arg8[%swap3A_791] {strides = array<i32>} : memref<528xf32, #tpu.memory_space<vmem>>, vector<16xf32>,
        %swap3A_793 = vector.shape_cast %swap3A_792 : vector<16xf32> to vector<16xf32>
        %swap3A_794 = vector.shape_cast %add3A_790 : vector<16xf32> to vector<16xf32>
        tpu.vector_store %arg8[%swap3A_791], %swap3A_794 {strides = array<i32>} : memref<528xf32, #tpu.memory_space<vmem>>, vector<16xf32>,
        %get3A_795 = arith.index_cast %scan3A_137 : i32 to index
        %get3A_796 = arith.constant 256 : index
        %get3A_797 = tpu.vector_load %arg7[%get3A_795, %get3A_796] {strides = array<i32>} : memref<36x528xf32, #tpu.memory_space<vmem>>, vector<1x16xf32>,
        %get3A_798 = vector.shape_cast %get3A_797 : vector<1x16xf32> to vector<16xf32>
        %mul3A_799 = arith.mulf %get3A_4, %get3A_798 : vector<16xf32>
        %add3A_800 = arith.constant 1 : i32
        %add3A_801 = arith.addi %scan3A_137, %add3A_800 : i32
        %get3A_802 = arith.index_cast %add3A_801 : i32 to index
        %get3A_803 = arith.constant 256 : index
        %get3A_804 = tpu.vector_load %arg7[%get3A_802, %get3A_803] {strides = array<i32>} : memref<36x528xf32, #tpu.memory_space<vmem>>, vector<1x16xf32>,
        %get3A_805 = vector.shape_cast %get3A_804 : vector<1x16xf32> to vector<16xf32>
        %mul3A_806 = arith.mulf %get3A_9, %get3A_805 : vector<16xf32>
        %add3A_807 = arith.addf %mul3A_799, %mul3A_806 : vector<16xf32>
        %add3A_808 = arith.constant 2 : i32
        %add3A_809 = arith.addi %scan3A_137, %add3A_808 : i32
        %get3A_810 = arith.index_cast %add3A_809 : i32 to index
        %get3A_811 = arith.constant 256 : index
        %get3A_812 = tpu.vector_load %arg7[%get3A_810, %get3A_811] {strides = array<i32>} : memref<36x528xf32, #tpu.memory_space<vmem>>, vector<1x16xf32>,
        %get3A_813 = vector.shape_cast %get3A_812 : vector<1x16xf32> to vector<16xf32>
        %mul3A_814 = arith.mulf %get3A_14, %get3A_813 : vector<16xf32>
        %add3A_815 = arith.addf %add3A_807, %mul3A_814 : vector<16xf32>
        %add3A_816 = arith.constant 3 : i32
        %add3A_817 = arith.addi %scan3A_137, %add3A_816 : i32
        %get3A_818 = arith.index_cast %add3A_817 : i32 to index
        %get3A_819 = arith.constant 256 : index
        %get3A_820 = tpu.vector_load %arg7[%get3A_818, %get3A_819] {strides = array<i32>} : memref<36x528xf32, #tpu.memory_space<vmem>>, vector<1x16xf32>,
        %get3A_821 = vector.shape_cast %get3A_820 : vector<1x16xf32> to vector<16xf32>
        %mul3A_822 = arith.mulf %get3A_19, %get3A_821 : vector<16xf32>
        %add3A_823 = arith.addf %add3A_815, %mul3A_822 : vector<16xf32>
        %add3A_824 = arith.constant 4 : i32
        %add3A_825 = arith.addi %scan3A_137, %add3A_824 : i32
        %get3A_826 = arith.index_cast %add3A_825 : i32 to index
        %get3A_827 = arith.constant 256 : index
        %get3A_828 = tpu.vector_load %arg7[%get3A_826, %get3A_827] {strides = array<i32>} : memref<36x528xf32, #tpu.memory_space<vmem>>, vector<1x16xf32>,
        %get3A_829 = vector.shape_cast %get3A_828 : vector<1x16xf32> to vector<16xf32>
        %mul3A_830 = arith.mulf %get3A_24, %get3A_829 : vector<16xf32>
        %add3A_831 = arith.addf %add3A_823, %mul3A_830 : vector<16xf32>
        %swap3A_832 = arith.constant 256 : index
        %swap3A_833 = tpu.vector_load %arg8[%swap3A_832] {strides = array<i32>} : memref<528xf32, #tpu.memory_space<vmem>>, vector<16xf32>,
        %swap3A_834 = vector.shape_cast %swap3A_833 : vector<16xf32> to vector<16xf32>
        %swap3A_835 = vector.shape_cast %add3A_831 : vector<16xf32> to vector<16xf32>
        tpu.vector_store %arg8[%swap3A_832], %swap3A_835 {strides = array<i32>} : memref<528xf32, #tpu.memory_space<vmem>>, vector<16xf32>,
        %get3A_836 = arith.index_cast %scan3A_137 : i32 to index
        %get3A_837 = arith.constant 272 : index
        %get3A_838 = tpu.vector_load %arg7[%get3A_836, %get3A_837] {strides = array<i32>} : memref<36x528xf32, #tpu.memory_space<vmem>>, vector<1x16xf32>,
        %get3A_839 = vector.shape_cast %get3A_838 : vector<1x16xf32> to vector<16xf32>
        %mul3A_840 = arith.mulf %get3A_4, %get3A_839 : vector<16xf32>
        %add3A_841 = arith.constant 1 : i32
        %add3A_842 = arith.addi %scan3A_137, %add3A_841 : i32
        %get3A_843 = arith.index_cast %add3A_842 : i32 to index
        %get3A_844 = arith.constant 272 : index
        %get3A_845 = tpu.vector_load %arg7[%get3A_843, %get3A_844] {strides = array<i32>} : memref<36x528xf32, #tpu.memory_space<vmem>>, vector<1x16xf32>,
        %get3A_846 = vector.shape_cast %get3A_845 : vector<1x16xf32> to vector<16xf32>
        %mul3A_847 = arith.mulf %get3A_9, %get3A_846 : vector<16xf32>
        %add3A_848 = arith.addf %mul3A_840, %mul3A_847 : vector<16xf32>
        %add3A_849 = arith.constant 2 : i32
        %add3A_850 = arith.addi %scan3A_137, %add3A_849 : i32
        %get3A_851 = arith.index_cast %add3A_850 : i32 to index
        %get3A_852 = arith.constant 272 : index
        %get3A_853 = tpu.vector_load %arg7[%get3A_851, %get3A_852] {strides = array<i32>} : memref<36x528xf32, #tpu.memory_space<vmem>>, vector<1x16xf32>,
        %get3A_854 = vector.shape_cast %get3A_853 : vector<1x16xf32> to vector<16xf32>
        %mul3A_855 = arith.mulf %get3A_14, %get3A_854 : vector<16xf32>
        %add3A_856 = arith.addf %add3A_848, %mul3A_855 : vector<16xf32>
        %add3A_857 = arith.constant 3 : i32
        %add3A_858 = arith.addi %scan3A_137, %add3A_857 : i32
        %get3A_859 = arith.index_cast %add3A_858 : i32 to index
        %get3A_860 = arith.constant 272 : index
        %get3A_861 = tpu.vector_load %arg7[%get3A_859, %get3A_860] {strides = array<i32>} : memref<36x528xf32, #tpu.memory_space<vmem>>, vector<1x16xf32>,
        %get3A_862 = vector.shape_cast %get3A_861 : vector<1x16xf32> to vector<16xf32>
        %mul3A_863 = arith.mulf %get3A_19, %get3A_862 : vector<16xf32>
        %add3A_864 = arith.addf %add3A_856, %mul3A_863 : vector<16xf32>
        %add3A_865 = arith.constant 4 : i32
        %add3A_866 = arith.addi %scan3A_137, %add3A_865 : i32
        %get3A_867 = arith.index_cast %add3A_866 : i32 to index
        %get3A_868 = arith.constant 272 : index
        %get3A_869 = tpu.vector_load %arg7[%get3A_867, %get3A_868] {strides = array<i32>} : memref<36x528xf32, #tpu.memory_space<vmem>>, vector<1x16xf32>,
        %get3A_870 = vector.shape_cast %get3A_869 : vector<1x16xf32> to vector<16xf32>
        %mul3A_871 = arith.mulf %get3A_24, %get3A_870 : vector<16xf32>
        %add3A_872 = arith.addf %add3A_864, %mul3A_871 : vector<16xf32>
        %swap3A_873 = arith.constant 272 : index
        %swap3A_874 = tpu.vector_load %arg8[%swap3A_873] {strides = array<i32>} : memref<528xf32, #tpu.memory_space<vmem>>, vector<16xf32>,
        %swap3A_875 = vector.shape_cast %swap3A_874 : vector<16xf32> to vector<16xf32>
        %swap3A_876 = vector.shape_cast %add3A_872 : vector<16xf32> to vector<16xf32>
        tpu.vector_store %arg8[%swap3A_873], %swap3A_876 {strides = array<i32>} : memref<528xf32, #tpu.memory_space<vmem>>, vector<16xf32>,
        %get3A_877 = arith.index_cast %scan3A_137 : i32 to index
        %get3A_878 = arith.constant 288 : index
        %get3A_879 = tpu.vector_load %arg7[%get3A_877, %get3A_878] {strides = array<i32>} : memref<36x528xf32, #tpu.memory_space<vmem>>, vector<1x16xf32>,
        %get3A_880 = vector.shape_cast %get3A_879 : vector<1x16xf32> to vector<16xf32>
        %mul3A_881 = arith.mulf %get3A_4, %get3A_880 : vector<16xf32>
        %add3A_882 = arith.constant 1 : i32
        %add3A_883 = arith.addi %scan3A_137, %add3A_882 : i32
        %get3A_884 = arith.index_cast %add3A_883 : i32 to index
        %get3A_885 = arith.constant 288 : index
        %get3A_886 = tpu.vector_load %arg7[%get3A_884, %get3A_885] {strides = array<i32>} : memref<36x528xf32, #tpu.memory_space<vmem>>, vector<1x16xf32>,
        %get3A_887 = vector.shape_cast %get3A_886 : vector<1x16xf32> to vector<16xf32>
        %mul3A_888 = arith.mulf %get3A_9, %get3A_887 : vector<16xf32>
        %add3A_889 = arith.addf %mul3A_881, %mul3A_888 : vector<16xf32>
        %add3A_890 = arith.constant 2 : i32
        %add3A_891 = arith.addi %scan3A_137, %add3A_890 : i32
        %get3A_892 = arith.index_cast %add3A_891 : i32 to index
        %get3A_893 = arith.constant 288 : index
        %get3A_894 = tpu.vector_load %arg7[%get3A_892, %get3A_893] {strides = array<i32>} : memref<36x528xf32, #tpu.memory_space<vmem>>, vector<1x16xf32>,
        %get3A_895 = vector.shape_cast %get3A_894 : vector<1x16xf32> to vector<16xf32>
        %mul3A_896 = arith.mulf %get3A_14, %get3A_895 : vector<16xf32>
        %add3A_897 = arith.addf %add3A_889, %mul3A_896 : vector<16xf32>
        %add3A_898 = arith.constant 3 : i32
        %add3A_899 = arith.addi %scan3A_137, %add3A_898 : i32
        %get3A_900 = arith.index_cast %add3A_899 : i32 to index
        %get3A_901 = arith.constant 288 : index
        %get3A_902 = tpu.vector_load %arg7[%get3A_900, %get3A_901] {strides = array<i32>} : memref<36x528xf32, #tpu.memory_space<vmem>>, vector<1x16xf32>,
        %get3A_903 = vector.shape_cast %get3A_902 : vector<1x16xf32> to vector<16xf32>
        %mul3A_904 = arith.mulf %get3A_19, %get3A_903 : vector<16xf32>
        %add3A_905 = arith.addf %add3A_897, %mul3A_904 : vector<16xf32>
        %add3A_906 = arith.constant 4 : i32
        %add3A_907 = arith.addi %scan3A_137, %add3A_906 : i32
        %get3A_908 = arith.index_cast %add3A_907 : i32 to index
        %get3A_909 = arith.constant 288 : index
        %get3A_910 = tpu.vector_load %arg7[%get3A_908, %get3A_909] {strides = array<i32>} : memref<36x528xf32, #tpu.memory_space<vmem>>, vector<1x16xf32>,
        %get3A_911 = vector.shape_cast %get3A_910 : vector<1x16xf32> to vector<16xf32>
        %mul3A_912 = arith.mulf %get3A_24, %get3A_911 : vector<16xf32>
        %add3A_913 = arith.addf %add3A_905, %mul3A_912 : vector<16xf32>
        %swap3A_914 = arith.constant 288 : index
        %swap3A_915 = tpu.vector_load %arg8[%swap3A_914] {strides = array<i32>} : memref<528xf32, #tpu.memory_space<vmem>>, vector<16xf32>,
        %swap3A_916 = vector.shape_cast %swap3A_915 : vector<16xf32> to vector<16xf32>
        %swap3A_917 = vector.shape_cast %add3A_913 : vector<16xf32> to vector<16xf32>
        tpu.vector_store %arg8[%swap3A_914], %swap3A_917 {strides = array<i32>} : memref<528xf32, #tpu.memory_space<vmem>>, vector<16xf32>,
        %get3A_918 = arith.index_cast %scan3A_137 : i32 to index
        %get3A_919 = arith.constant 304 : index
        %get3A_920 = tpu.vector_load %arg7[%get3A_918, %get3A_919] {strides = array<i32>} : memref<36x528xf32, #tpu.memory_space<vmem>>, vector<1x16xf32>,
        %get3A_921 = vector.shape_cast %get3A_920 : vector<1x16xf32> to vector<16xf32>
        %mul3A_922 = arith.mulf %get3A_4, %get3A_921 : vector<16xf32>
        %add3A_923 = arith.constant 1 : i32
        %add3A_924 = arith.addi %scan3A_137, %add3A_923 : i32
        %get3A_925 = arith.index_cast %add3A_924 : i32 to index
        %get3A_926 = arith.constant 304 : index
        %get3A_927 = tpu.vector_load %arg7[%get3A_925, %get3A_926] {strides = array<i32>} : memref<36x528xf32, #tpu.memory_space<vmem>>, vector<1x16xf32>,
        %get3A_928 = vector.shape_cast %get3A_927 : vector<1x16xf32> to vector<16xf32>
        %mul3A_929 = arith.mulf %get3A_9, %get3A_928 : vector<16xf32>
        %add3A_930 = arith.addf %mul3A_922, %mul3A_929 : vector<16xf32>
        %add3A_931 = arith.constant 2 : i32
        %add3A_932 = arith.addi %scan3A_137, %add3A_931 : i32
        %get3A_933 = arith.index_cast %add3A_932 : i32 to index
        %get3A_934 = arith.constant 304 : index
        %get3A_935 = tpu.vector_load %arg7[%get3A_933, %get3A_934] {strides = array<i32>} : memref<36x528xf32, #tpu.memory_space<vmem>>, vector<1x16xf32>,
        %get3A_936 = vector.shape_cast %get3A_935 : vector<1x16xf32> to vector<16xf32>
        %mul3A_937 = arith.mulf %get3A_14, %get3A_936 : vector<16xf32>
        %add3A_938 = arith.addf %add3A_930, %mul3A_937 : vector<16xf32>
        %add3A_939 = arith.constant 3 : i32
        %add3A_940 = arith.addi %scan3A_137, %add3A_939 : i32
        %get3A_941 = arith.index_cast %add3A_940 : i32 to index
        %get3A_942 = arith.constant 304 : index
        %get3A_943 = tpu.vector_load %arg7[%get3A_941, %get3A_942] {strides = array<i32>} : memref<36x528xf32, #tpu.memory_space<vmem>>, vector<1x16xf32>,
        %get3A_944 = vector.shape_cast %get3A_943 : vector<1x16xf32> to vector<16xf32>
        %mul3A_945 = arith.mulf %get3A_19, %get3A_944 : vector<16xf32>
        %add3A_946 = arith.addf %add3A_938, %mul3A_945 : vector<16xf32>
        %add3A_947 = arith.constant 4 : i32
        %add3A_948 = arith.addi %scan3A_137, %add3A_947 : i32
        %get3A_949 = arith.index_cast %add3A_948 : i32 to index
        %get3A_950 = arith.constant 304 : index
        %get3A_951 = tpu.vector_load %arg7[%get3A_949, %get3A_950] {strides = array<i32>} : memref<36x528xf32, #tpu.memory_space<vmem>>, vector<1x16xf32>,
        %get3A_952 = vector.shape_cast %get3A_951 : vector<1x16xf32> to vector<16xf32>
        %mul3A_953 = arith.mulf %get3A_24, %get3A_952 : vector<16xf32>
        %add3A_954 = arith.addf %add3A_946, %mul3A_953 : vector<16xf32>
        %swap3A_955 = arith.constant 304 : index
        %swap3A_956 = tpu.vector_load %arg8[%swap3A_955] {strides = array<i32>} : memref<528xf32, #tpu.memory_space<vmem>>, vector<16xf32>,
        %swap3A_957 = vector.shape_cast %swap3A_956 : vector<16xf32> to vector<16xf32>
        %swap3A_958 = vector.shape_cast %add3A_954 : vector<16xf32> to vector<16xf32>
        tpu.vector_store %arg8[%swap3A_955], %swap3A_958 {strides = array<i32>} : memref<528xf32, #tpu.memory_space<vmem>>, vector<16xf32>,
        %get3A_959 = arith.index_cast %scan3A_137 : i32 to index
        %get3A_960 = arith.constant 320 : index
        %get3A_961 = tpu.vector_load %arg7[%get3A_959, %get3A_960] {strides = array<i32>} : memref<36x528xf32, #tpu.memory_space<vmem>>, vector<1x16xf32>,
        %get3A_962 = vector.shape_cast %get3A_961 : vector<1x16xf32> to vector<16xf32>
        %mul3A_963 = arith.mulf %get3A_4, %get3A_962 : vector<16xf32>
        %add3A_964 = arith.constant 1 : i32
        %add3A_965 = arith.addi %scan3A_137, %add3A_964 : i32
        %get3A_966 = arith.index_cast %add3A_965 : i32 to index
        %get3A_967 = arith.constant 320 : index
        %get3A_968 = tpu.vector_load %arg7[%get3A_966, %get3A_967] {strides = array<i32>} : memref<36x528xf32, #tpu.memory_space<vmem>>, vector<1x16xf32>,
        %get3A_969 = vector.shape_cast %get3A_968 : vector<1x16xf32> to vector<16xf32>
        %mul3A_970 = arith.mulf %get3A_9, %get3A_969 : vector<16xf32>
        %add3A_971 = arith.addf %mul3A_963, %mul3A_970 : vector<16xf32>
        %add3A_972 = arith.constant 2 : i32
        %add3A_973 = arith.addi %scan3A_137, %add3A_972 : i32
        %get3A_974 = arith.index_cast %add3A_973 : i32 to index
        %get3A_975 = arith.constant 320 : index
        %get3A_976 = tpu.vector_load %arg7[%get3A_974, %get3A_975] {strides = array<i32>} : memref<36x528xf32, #tpu.memory_space<vmem>>, vector<1x16xf32>,
        %get3A_977 = vector.shape_cast %get3A_976 : vector<1x16xf32> to vector<16xf32>
        %mul3A_978 = arith.mulf %get3A_14, %get3A_977 : vector<16xf32>
        %add3A_979 = arith.addf %add3A_971, %mul3A_978 : vector<16xf32>
        %add3A_980 = arith.constant 3 : i32
        %add3A_981 = arith.addi %scan3A_137, %add3A_980 : i32
        %get3A_982 = arith.index_cast %add3A_981 : i32 to index
        %get3A_983 = arith.constant 320 : index
        %get3A_984 = tpu.vector_load %arg7[%get3A_982, %get3A_983] {strides = array<i32>} : memref<36x528xf32, #tpu.memory_space<vmem>>, vector<1x16xf32>,
        %get3A_985 = vector.shape_cast %get3A_984 : vector<1x16xf32> to vector<16xf32>
        %mul3A_986 = arith.mulf %get3A_19, %get3A_985 : vector<16xf32>
        %add3A_987 = arith.addf %add3A_979, %mul3A_986 : vector<16xf32>
        %add3A_988 = arith.constant 4 : i32
        %add3A_989 = arith.addi %scan3A_137, %add3A_988 : i32
        %get3A_990 = arith.index_cast %add3A_989 : i32 to index
        %get3A_991 = arith.constant 320 : index
        %get3A_992 = tpu.vector_load %arg7[%get3A_990, %get3A_991] {strides = array<i32>} : memref<36x528xf32, #tpu.memory_space<vmem>>, vector<1x16xf32>,
        %get3A_993 = vector.shape_cast %get3A_992 : vector<1x16xf32> to vector<16xf32>
        %mul3A_994 = arith.mulf %get3A_24, %get3A_993 : vector<16xf32>
        %add3A_995 = arith.addf %add3A_987, %mul3A_994 : vector<16xf32>
        %swap3A_996 = arith.constant 320 : index
        %swap3A_997 = tpu.vector_load %arg8[%swap3A_996] {strides = array<i32>} : memref<528xf32, #tpu.memory_space<vmem>>, vector<16xf32>,
        %swap3A_998 = vector.shape_cast %swap3A_997 : vector<16xf32> to vector<16xf32>
        %swap3A_999 = vector.shape_cast %add3A_995 : vector<16xf32> to vector<16xf32>
        tpu.vector_store %arg8[%swap3A_996], %swap3A_999 {strides = array<i32>} : memref<528xf32, #tpu.memory_space<vmem>>, vector<16xf32>,
        %get3A_1000 = arith.index_cast %scan3A_137 : i32 to index
        %get3A_1001 = arith.constant 336 : index
        %get3A_1002 = tpu.vector_load %arg7[%get3A_1000, %get3A_1001] {strides = array<i32>} : memref<36x528xf32, #tpu.memory_space<vmem>>, vector<1x16xf32>,
        %get3A_1003 = vector.shape_cast %get3A_1002 : vector<1x16xf32> to vector<16xf32>
        %mul3A_1004 = arith.mulf %get3A_4, %get3A_1003 : vector<16xf32>
        %add3A_1005 = arith.constant 1 : i32
        %add3A_1006 = arith.addi %scan3A_137, %add3A_1005 : i32
        %get3A_1007 = arith.index_cast %add3A_1006 : i32 to index
        %get3A_1008 = arith.constant 336 : index
        %get3A_1009 = tpu.vector_load %arg7[%get3A_1007, %get3A_1008] {strides = array<i32>} : memref<36x528xf32, #tpu.memory_space<vmem>>, vector<1x16xf32>,
        %get3A_1010 = vector.shape_cast %get3A_1009 : vector<1x16xf32> to vector<16xf32>
        %mul3A_1011 = arith.mulf %get3A_9, %get3A_1010 : vector<16xf32>
        %add3A_1012 = arith.addf %mul3A_1004, %mul3A_1011 : vector<16xf32>
        %add3A_1013 = arith.constant 2 : i32
        %add3A_1014 = arith.addi %scan3A_137, %add3A_1013 : i32
        %get3A_1015 = arith.index_cast %add3A_1014 : i32 to index
        %get3A_1016 = arith.constant 336 : index
        %get3A_1017 = tpu.vector_load %arg7[%get3A_1015, %get3A_1016] {strides = array<i32>} : memref<36x528xf32, #tpu.memory_space<vmem>>, vector<1x16xf32>,
        %get3A_1018 = vector.shape_cast %get3A_1017 : vector<1x16xf32> to vector<16xf32>
        %mul3A_1019 = arith.mulf %get3A_14, %get3A_1018 : vector<16xf32>
        %add3A_1020 = arith.addf %add3A_1012, %mul3A_1019 : vector<16xf32>
        %add3A_1021 = arith.constant 3 : i32
        %add3A_1022 = arith.addi %scan3A_137, %add3A_1021 : i32
        %get3A_1023 = arith.index_cast %add3A_1022 : i32 to index
        %get3A_1024 = arith.constant 336 : index
        %get3A_1025 = tpu.vector_load %arg7[%get3A_1023, %get3A_1024] {strides = array<i32>} : memref<36x528xf32, #tpu.memory_space<vmem>>, vector<1x16xf32>,
        %get3A_1026 = vector.shape_cast %get3A_1025 : vector<1x16xf32> to vector<16xf32>
        %mul3A_1027 = arith.mulf %get3A_19, %get3A_1026 : vector<16xf32>
        %add3A_1028 = arith.addf %add3A_1020, %mul3A_1027 : vector<16xf32>
        %add3A_1029 = arith.constant 4 : i32
        %add3A_1030 = arith.addi %scan3A_137, %add3A_1029 : i32
        %get3A_1031 = arith.index_cast %add3A_1030 : i32 to index
        %get3A_1032 = arith.constant 336 : index
        %get3A_1033 = tpu.vector_load %arg7[%get3A_1031, %get3A_1032] {strides = array<i32>} : memref<36x528xf32, #tpu.memory_space<vmem>>, vector<1x16xf32>,
        %get3A_1034 = vector.shape_cast %get3A_1033 : vector<1x16xf32> to vector<16xf32>
        %mul3A_1035 = arith.mulf %get3A_24, %get3A_1034 : vector<16xf32>
        %add3A_1036 = arith.addf %add3A_1028, %mul3A_1035 : vector<16xf32>
        %swap3A_1037 = arith.constant 336 : index
        %swap3A_1038 = tpu.vector_load %arg8[%swap3A_1037] {strides = array<i32>} : memref<528xf32, #tpu.memory_space<vmem>>, vector<16xf32>,
        %swap3A_1039 = vector.shape_cast %swap3A_1038 : vector<16xf32> to vector<16xf32>
        %swap3A_1040 = vector.shape_cast %add3A_1036 : vector<16xf32> to vector<16xf32>
        tpu.vector_store %arg8[%swap3A_1037], %swap3A_1040 {strides = array<i32>} : memref<528xf32, #tpu.memory_space<vmem>>, vector<16xf32>,
        %get3A_1041 = arith.index_cast %scan3A_137 : i32 to index
        %get3A_1042 = arith.constant 352 : index
        %get3A_1043 = tpu.vector_load %arg7[%get3A_1041, %get3A_1042] {strides = array<i32>} : memref<36x528xf32, #tpu.memory_space<vmem>>, vector<1x16xf32>,
        %get3A_1044 = vector.shape_cast %get3A_1043 : vector<1x16xf32> to vector<16xf32>
        %mul3A_1045 = arith.mulf %get3A_4, %get3A_1044 : vector<16xf32>
        %add3A_1046 = arith.constant 1 : i32
        %add3A_1047 = arith.addi %scan3A_137, %add3A_1046 : i32
        %get3A_1048 = arith.index_cast %add3A_1047 : i32 to index
        %get3A_1049 = arith.constant 352 : index
        %get3A_1050 = tpu.vector_load %arg7[%get3A_1048, %get3A_1049] {strides = array<i32>} : memref<36x528xf32, #tpu.memory_space<vmem>>, vector<1x16xf32>,
        %get3A_1051 = vector.shape_cast %get3A_1050 : vector<1x16xf32> to vector<16xf32>
        %mul3A_1052 = arith.mulf %get3A_9, %get3A_1051 : vector<16xf32>
        %add3A_1053 = arith.addf %mul3A_1045, %mul3A_1052 : vector<16xf32>
        %add3A_1054 = arith.constant 2 : i32
        %add3A_1055 = arith.addi %scan3A_137, %add3A_1054 : i32
        %get3A_1056 = arith.index_cast %add3A_1055 : i32 to index
        %get3A_1057 = arith.constant 352 : index
        %get3A_1058 = tpu.vector_load %arg7[%get3A_1056, %get3A_1057] {strides = array<i32>} : memref<36x528xf32, #tpu.memory_space<vmem>>, vector<1x16xf32>,
        %get3A_1059 = vector.shape_cast %get3A_1058 : vector<1x16xf32> to vector<16xf32>
        %mul3A_1060 = arith.mulf %get3A_14, %get3A_1059 : vector<16xf32>
        %add3A_1061 = arith.addf %add3A_1053, %mul3A_1060 : vector<16xf32>
        %add3A_1062 = arith.constant 3 : i32
        %add3A_1063 = arith.addi %scan3A_137, %add3A_1062 : i32
        %get3A_1064 = arith.index_cast %add3A_1063 : i32 to index
        %get3A_1065 = arith.constant 352 : index
        %get3A_1066 = tpu.vector_load %arg7[%get3A_1064, %get3A_1065] {strides = array<i32>} : memref<36x528xf32, #tpu.memory_space<vmem>>, vector<1x16xf32>,
        %get3A_1067 = vector.shape_cast %get3A_1066 : vector<1x16xf32> to vector<16xf32>
        %mul3A_1068 = arith.mulf %get3A_19, %get3A_1067 : vector<16xf32>
        %add3A_1069 = arith.addf %add3A_1061, %mul3A_1068 : vector<16xf32>
        %add3A_1070 = arith.constant 4 : i32
        %add3A_1071 = arith.addi %scan3A_137, %add3A_1070 : i32
        %get3A_1072 = arith.index_cast %add3A_1071 : i32 to index
        %get3A_1073 = arith.constant 352 : index
        %get3A_1074 = tpu.vector_load %arg7[%get3A_1072, %get3A_1073] {strides = array<i32>} : memref<36x528xf32, #tpu.memory_space<vmem>>, vector<1x16xf32>,
        %get3A_1075 = vector.shape_cast %get3A_1074 : vector<1x16xf32> to vector<16xf32>
        %mul3A_1076 = arith.mulf %get3A_24, %get3A_1075 : vector<16xf32>
        %add3A_1077 = arith.addf %add3A_1069, %mul3A_1076 : vector<16xf32>
        %swap3A_1078 = arith.constant 352 : index
        %swap3A_1079 = tpu.vector_load %arg8[%swap3A_1078] {strides = array<i32>} : memref<528xf32, #tpu.memory_space<vmem>>, vector<16xf32>,
        %swap3A_1080 = vector.shape_cast %swap3A_1079 : vector<16xf32> to vector<16xf32>
        %swap3A_1081 = vector.shape_cast %add3A_1077 : vector<16xf32> to vector<16xf32>
        tpu.vector_store %arg8[%swap3A_1078], %swap3A_1081 {strides = array<i32>} : memref<528xf32, #tpu.memory_space<vmem>>, vector<16xf32>,
        %get3A_1082 = arith.index_cast %scan3A_137 : i32 to index
        %get3A_1083 = arith.constant 368 : index
        %get3A_1084 = tpu.vector_load %arg7[%get3A_1082, %get3A_1083] {strides = array<i32>} : memref<36x528xf32, #tpu.memory_space<vmem>>, vector<1x16xf32>,
        %get3A_1085 = vector.shape_cast %get3A_1084 : vector<1x16xf32> to vector<16xf32>
        %mul3A_1086 = arith.mulf %get3A_4, %get3A_1085 : vector<16xf32>
        %add3A_1087 = arith.constant 1 : i32
        %add3A_1088 = arith.addi %scan3A_137, %add3A_1087 : i32
        %get3A_1089 = arith.index_cast %add3A_1088 : i32 to index
        %get3A_1090 = arith.constant 368 : index
        %get3A_1091 = tpu.vector_load %arg7[%get3A_1089, %get3A_1090] {strides = array<i32>} : memref<36x528xf32, #tpu.memory_space<vmem>>, vector<1x16xf32>,
        %get3A_1092 = vector.shape_cast %get3A_1091 : vector<1x16xf32> to vector<16xf32>
        %mul3A_1093 = arith.mulf %get3A_9, %get3A_1092 : vector<16xf32>
        %add3A_1094 = arith.addf %mul3A_1086, %mul3A_1093 : vector<16xf32>
        %add3A_1095 = arith.constant 2 : i32
        %add3A_1096 = arith.addi %scan3A_137, %add3A_1095 : i32
        %get3A_1097 = arith.index_cast %add3A_1096 : i32 to index
        %get3A_1098 = arith.constant 368 : index
        %get3A_1099 = tpu.vector_load %arg7[%get3A_1097, %get3A_1098] {strides = array<i32>} : memref<36x528xf32, #tpu.memory_space<vmem>>, vector<1x16xf32>,
        %get3A_1100 = vector.shape_cast %get3A_1099 : vector<1x16xf32> to vector<16xf32>
        %mul3A_1101 = arith.mulf %get3A_14, %get3A_1100 : vector<16xf32>
        %add3A_1102 = arith.addf %add3A_1094, %mul3A_1101 : vector<16xf32>
        %add3A_1103 = arith.constant 3 : i32
        %add3A_1104 = arith.addi %scan3A_137, %add3A_1103 : i32
        %get3A_1105 = arith.index_cast %add3A_1104 : i32 to index
        %get3A_1106 = arith.constant 368 : index
        %get3A_1107 = tpu.vector_load %arg7[%get3A_1105, %get3A_1106] {strides = array<i32>} : memref<36x528xf32, #tpu.memory_space<vmem>>, vector<1x16xf32>,
        %get3A_1108 = vector.shape_cast %get3A_1107 : vector<1x16xf32> to vector<16xf32>
        %mul3A_1109 = arith.mulf %get3A_19, %get3A_1108 : vector<16xf32>
        %add3A_1110 = arith.addf %add3A_1102, %mul3A_1109 : vector<16xf32>
        %add3A_1111 = arith.constant 4 : i32
        %add3A_1112 = arith.addi %scan3A_137, %add3A_1111 : i32
        %get3A_1113 = arith.index_cast %add3A_1112 : i32 to index
        %get3A_1114 = arith.constant 368 : index
        %get3A_1115 = tpu.vector_load %arg7[%get3A_1113, %get3A_1114] {strides = array<i32>} : memref<36x528xf32, #tpu.memory_space<vmem>>, vector<1x16xf32>,
        %get3A_1116 = vector.shape_cast %get3A_1115 : vector<1x16xf32> to vector<16xf32>
        %mul3A_1117 = arith.mulf %get3A_24, %get3A_1116 : vector<16xf32>
        %add3A_1118 = arith.addf %add3A_1110, %mul3A_1117 : vector<16xf32>
        %swap3A_1119 = arith.constant 368 : index
        %swap3A_1120 = tpu.vector_load %arg8[%swap3A_1119] {strides = array<i32>} : memref<528xf32, #tpu.memory_space<vmem>>, vector<16xf32>,
        %swap3A_1121 = vector.shape_cast %swap3A_1120 : vector<16xf32> to vector<16xf32>
        %swap3A_1122 = vector.shape_cast %add3A_1118 : vector<16xf32> to vector<16xf32>
        tpu.vector_store %arg8[%swap3A_1119], %swap3A_1122 {strides = array<i32>} : memref<528xf32, #tpu.memory_space<vmem>>, vector<16xf32>,
        %get3A_1123 = arith.index_cast %scan3A_137 : i32 to index
        %get3A_1124 = arith.constant 384 : index
        %get3A_1125 = tpu.vector_load %arg7[%get3A_1123, %get3A_1124] {strides = array<i32>} : memref<36x528xf32, #tpu.memory_space<vmem>>, vector<1x16xf32>,
        %get3A_1126 = vector.shape_cast %get3A_1125 : vector<1x16xf32> to vector<16xf32>
        %mul3A_1127 = arith.mulf %get3A_4, %get3A_1126 : vector<16xf32>
        %add3A_1128 = arith.constant 1 : i32
        %add3A_1129 = arith.addi %scan3A_137, %add3A_1128 : i32
        %get3A_1130 = arith.index_cast %add3A_1129 : i32 to index
        %get3A_1131 = arith.constant 384 : index
        %get3A_1132 = tpu.vector_load %arg7[%get3A_1130, %get3A_1131] {strides = array<i32>} : memref<36x528xf32, #tpu.memory_space<vmem>>, vector<1x16xf32>,
        %get3A_1133 = vector.shape_cast %get3A_1132 : vector<1x16xf32> to vector<16xf32>
        %mul3A_1134 = arith.mulf %get3A_9, %get3A_1133 : vector<16xf32>
        %add3A_1135 = arith.addf %mul3A_1127, %mul3A_1134 : vector<16xf32>
        %add3A_1136 = arith.constant 2 : i32
        %add3A_1137 = arith.addi %scan3A_137, %add3A_1136 : i32
        %get3A_1138 = arith.index_cast %add3A_1137 : i32 to index
        %get3A_1139 = arith.constant 384 : index
        %get3A_1140 = tpu.vector_load %arg7[%get3A_1138, %get3A_1139] {strides = array<i32>} : memref<36x528xf32, #tpu.memory_space<vmem>>, vector<1x16xf32>,
        %get3A_1141 = vector.shape_cast %get3A_1140 : vector<1x16xf32> to vector<16xf32>
        %mul3A_1142 = arith.mulf %get3A_14, %get3A_1141 : vector<16xf32>
        %add3A_1143 = arith.addf %add3A_1135, %mul3A_1142 : vector<16xf32>
        %add3A_1144 = arith.constant 3 : i32
        %add3A_1145 = arith.addi %scan3A_137, %add3A_1144 : i32
        %get3A_1146 = arith.index_cast %add3A_1145 : i32 to index
        %get3A_1147 = arith.constant 384 : index
        %get3A_1148 = tpu.vector_load %arg7[%get3A_1146, %get3A_1147] {strides = array<i32>} : memref<36x528xf32, #tpu.memory_space<vmem>>, vector<1x16xf32>,
        %get3A_1149 = vector.shape_cast %get3A_1148 : vector<1x16xf32> to vector<16xf32>
        %mul3A_1150 = arith.mulf %get3A_19, %get3A_1149 : vector<16xf32>
        %add3A_1151 = arith.addf %add3A_1143, %mul3A_1150 : vector<16xf32>
        %add3A_1152 = arith.constant 4 : i32
        %add3A_1153 = arith.addi %scan3A_137, %add3A_1152 : i32
        %get3A_1154 = arith.index_cast %add3A_1153 : i32 to index
        %get3A_1155 = arith.constant 384 : index
        %get3A_1156 = tpu.vector_load %arg7[%get3A_1154, %get3A_1155] {strides = array<i32>} : memref<36x528xf32, #tpu.memory_space<vmem>>, vector<1x16xf32>,
        %get3A_1157 = vector.shape_cast %get3A_1156 : vector<1x16xf32> to vector<16xf32>
        %mul3A_1158 = arith.mulf %get3A_24, %get3A_1157 : vector<16xf32>
        %add3A_1159 = arith.addf %add3A_1151, %mul3A_1158 : vector<16xf32>
        %swap3A_1160 = arith.constant 384 : index
        %swap3A_1161 = tpu.vector_load %arg8[%swap3A_1160] {strides = array<i32>} : memref<528xf32, #tpu.memory_space<vmem>>, vector<16xf32>,
        %swap3A_1162 = vector.shape_cast %swap3A_1161 : vector<16xf32> to vector<16xf32>
        %swap3A_1163 = vector.shape_cast %add3A_1159 : vector<16xf32> to vector<16xf32>
        tpu.vector_store %arg8[%swap3A_1160], %swap3A_1163 {strides = array<i32>} : memref<528xf32, #tpu.memory_space<vmem>>, vector<16xf32>,
        %get3A_1164 = arith.index_cast %scan3A_137 : i32 to index
        %get3A_1165 = arith.constant 400 : index
        %get3A_1166 = tpu.vector_load %arg7[%get3A_1164, %get3A_1165] {strides = array<i32>} : memref<36x528xf32, #tpu.memory_space<vmem>>, vector<1x16xf32>,
        %get3A_1167 = vector.shape_cast %get3A_1166 : vector<1x16xf32> to vector<16xf32>
        %mul3A_1168 = arith.mulf %get3A_4, %get3A_1167 : vector<16xf32>
        %add3A_1169 = arith.constant 1 : i32
        %add3A_1170 = arith.addi %scan3A_137, %add3A_1169 : i32
        %get3A_1171 = arith.index_cast %add3A_1170 : i32 to index
        %get3A_1172 = arith.constant 400 : index
        %get3A_1173 = tpu.vector_load %arg7[%get3A_1171, %get3A_1172] {strides = array<i32>} : memref<36x528xf32, #tpu.memory_space<vmem>>, vector<1x16xf32>,
        %get3A_1174 = vector.shape_cast %get3A_1173 : vector<1x16xf32> to vector<16xf32>
        %mul3A_1175 = arith.mulf %get3A_9, %get3A_1174 : vector<16xf32>
        %add3A_1176 = arith.addf %mul3A_1168, %mul3A_1175 : vector<16xf32>
        %add3A_1177 = arith.constant 2 : i32
        %add3A_1178 = arith.addi %scan3A_137, %add3A_1177 : i32
        %get3A_1179 = arith.index_cast %add3A_1178 : i32 to index
        %get3A_1180 = arith.constant 400 : index
        %get3A_1181 = tpu.vector_load %arg7[%get3A_1179, %get3A_1180] {strides = array<i32>} : memref<36x528xf32, #tpu.memory_space<vmem>>, vector<1x16xf32>,
        %get3A_1182 = vector.shape_cast %get3A_1181 : vector<1x16xf32> to vector<16xf32>
        %mul3A_1183 = arith.mulf %get3A_14, %get3A_1182 : vector<16xf32>
        %add3A_1184 = arith.addf %add3A_1176, %mul3A_1183 : vector<16xf32>
        %add3A_1185 = arith.constant 3 : i32
        %add3A_1186 = arith.addi %scan3A_137, %add3A_1185 : i32
        %get3A_1187 = arith.index_cast %add3A_1186 : i32 to index
        %get3A_1188 = arith.constant 400 : index
        %get3A_1189 = tpu.vector_load %arg7[%get3A_1187, %get3A_1188] {strides = array<i32>} : memref<36x528xf32, #tpu.memory_space<vmem>>, vector<1x16xf32>,
        %get3A_1190 = vector.shape_cast %get3A_1189 : vector<1x16xf32> to vector<16xf32>
        %mul3A_1191 = arith.mulf %get3A_19, %get3A_1190 : vector<16xf32>
        %add3A_1192 = arith.addf %add3A_1184, %mul3A_1191 : vector<16xf32>
        %add3A_1193 = arith.constant 4 : i32
        %add3A_1194 = arith.addi %scan3A_137, %add3A_1193 : i32
        %get3A_1195 = arith.index_cast %add3A_1194 : i32 to index
        %get3A_1196 = arith.constant 400 : index
        %get3A_1197 = tpu.vector_load %arg7[%get3A_1195, %get3A_1196] {strides = array<i32>} : memref<36x528xf32, #tpu.memory_space<vmem>>, vector<1x16xf32>,
        %get3A_1198 = vector.shape_cast %get3A_1197 : vector<1x16xf32> to vector<16xf32>
        %mul3A_1199 = arith.mulf %get3A_24, %get3A_1198 : vector<16xf32>
        %add3A_1200 = arith.addf %add3A_1192, %mul3A_1199 : vector<16xf32>
        %swap3A_1201 = arith.constant 400 : index
        %swap3A_1202 = tpu.vector_load %arg8[%swap3A_1201] {strides = array<i32>} : memref<528xf32, #tpu.memory_space<vmem>>, vector<16xf32>,
        %swap3A_1203 = vector.shape_cast %swap3A_1202 : vector<16xf32> to vector<16xf32>
        %swap3A_1204 = vector.shape_cast %add3A_1200 : vector<16xf32> to vector<16xf32>
        tpu.vector_store %arg8[%swap3A_1201], %swap3A_1204 {strides = array<i32>} : memref<528xf32, #tpu.memory_space<vmem>>, vector<16xf32>,
        %get3A_1205 = arith.index_cast %scan3A_137 : i32 to index
        %get3A_1206 = arith.constant 416 : index
        %get3A_1207 = tpu.vector_load %arg7[%get3A_1205, %get3A_1206] {strides = array<i32>} : memref<36x528xf32, #tpu.memory_space<vmem>>, vector<1x16xf32>,
        %get3A_1208 = vector.shape_cast %get3A_1207 : vector<1x16xf32> to vector<16xf32>
        %mul3A_1209 = arith.mulf %get3A_4, %get3A_1208 : vector<16xf32>
        %add3A_1210 = arith.constant 1 : i32
        %add3A_1211 = arith.addi %scan3A_137, %add3A_1210 : i32
        %get3A_1212 = arith.index_cast %add3A_1211 : i32 to index
        %get3A_1213 = arith.constant 416 : index
        %get3A_1214 = tpu.vector_load %arg7[%get3A_1212, %get3A_1213] {strides = array<i32>} : memref<36x528xf32, #tpu.memory_space<vmem>>, vector<1x16xf32>,
        %get3A_1215 = vector.shape_cast %get3A_1214 : vector<1x16xf32> to vector<16xf32>
        %mul3A_1216 = arith.mulf %get3A_9, %get3A_1215 : vector<16xf32>
        %add3A_1217 = arith.addf %mul3A_1209, %mul3A_1216 : vector<16xf32>
        %add3A_1218 = arith.constant 2 : i32
        %add3A_1219 = arith.addi %scan3A_137, %add3A_1218 : i32
        %get3A_1220 = arith.index_cast %add3A_1219 : i32 to index
        %get3A_1221 = arith.constant 416 : index
        %get3A_1222 = tpu.vector_load %arg7[%get3A_1220, %get3A_1221] {strides = array<i32>} : memref<36x528xf32, #tpu.memory_space<vmem>>, vector<1x16xf32>,
        %get3A_1223 = vector.shape_cast %get3A_1222 : vector<1x16xf32> to vector<16xf32>
        %mul3A_1224 = arith.mulf %get3A_14, %get3A_1223 : vector<16xf32>
        %add3A_1225 = arith.addf %add3A_1217, %mul3A_1224 : vector<16xf32>
        %add3A_1226 = arith.constant 3 : i32
        %add3A_1227 = arith.addi %scan3A_137, %add3A_1226 : i32
        %get3A_1228 = arith.index_cast %add3A_1227 : i32 to index
        %get3A_1229 = arith.constant 416 : index
        %get3A_1230 = tpu.vector_load %arg7[%get3A_1228, %get3A_1229] {strides = array<i32>} : memref<36x528xf32, #tpu.memory_space<vmem>>, vector<1x16xf32>,
        %get3A_1231 = vector.shape_cast %get3A_1230 : vector<1x16xf32> to vector<16xf32>
        %mul3A_1232 = arith.mulf %get3A_19, %get3A_1231 : vector<16xf32>
        %add3A_1233 = arith.addf %add3A_1225, %mul3A_1232 : vector<16xf32>
        %add3A_1234 = arith.constant 4 : i32
        %add3A_1235 = arith.addi %scan3A_137, %add3A_1234 : i32
        %get3A_1236 = arith.index_cast %add3A_1235 : i32 to index
        %get3A_1237 = arith.constant 416 : index
        %get3A_1238 = tpu.vector_load %arg7[%get3A_1236, %get3A_1237] {strides = array<i32>} : memref<36x528xf32, #tpu.memory_space<vmem>>, vector<1x16xf32>,
        %get3A_1239 = vector.shape_cast %get3A_1238 : vector<1x16xf32> to vector<16xf32>
        %mul3A_1240 = arith.mulf %get3A_24, %get3A_1239 : vector<16xf32>
        %add3A_1241 = arith.addf %add3A_1233, %mul3A_1240 : vector<16xf32>
        %swap3A_1242 = arith.constant 416 : index
        %swap3A_1243 = tpu.vector_load %arg8[%swap3A_1242] {strides = array<i32>} : memref<528xf32, #tpu.memory_space<vmem>>, vector<16xf32>,
        %swap3A_1244 = vector.shape_cast %swap3A_1243 : vector<16xf32> to vector<16xf32>
        %swap3A_1245 = vector.shape_cast %add3A_1241 : vector<16xf32> to vector<16xf32>
        tpu.vector_store %arg8[%swap3A_1242], %swap3A_1245 {strides = array<i32>} : memref<528xf32, #tpu.memory_space<vmem>>, vector<16xf32>,
        %get3A_1246 = arith.index_cast %scan3A_137 : i32 to index
        %get3A_1247 = arith.constant 432 : index
        %get3A_1248 = tpu.vector_load %arg7[%get3A_1246, %get3A_1247] {strides = array<i32>} : memref<36x528xf32, #tpu.memory_space<vmem>>, vector<1x16xf32>,
        %get3A_1249 = vector.shape_cast %get3A_1248 : vector<1x16xf32> to vector<16xf32>
        %mul3A_1250 = arith.mulf %get3A_4, %get3A_1249 : vector<16xf32>
        %add3A_1251 = arith.constant 1 : i32
        %add3A_1252 = arith.addi %scan3A_137, %add3A_1251 : i32
        %get3A_1253 = arith.index_cast %add3A_1252 : i32 to index
        %get3A_1254 = arith.constant 432 : index
        %get3A_1255 = tpu.vector_load %arg7[%get3A_1253, %get3A_1254] {strides = array<i32>} : memref<36x528xf32, #tpu.memory_space<vmem>>, vector<1x16xf32>,
        %get3A_1256 = vector.shape_cast %get3A_1255 : vector<1x16xf32> to vector<16xf32>
        %mul3A_1257 = arith.mulf %get3A_9, %get3A_1256 : vector<16xf32>
        %add3A_1258 = arith.addf %mul3A_1250, %mul3A_1257 : vector<16xf32>
        %add3A_1259 = arith.constant 2 : i32
        %add3A_1260 = arith.addi %scan3A_137, %add3A_1259 : i32
        %get3A_1261 = arith.index_cast %add3A_1260 : i32 to index
        %get3A_1262 = arith.constant 432 : index
        %get3A_1263 = tpu.vector_load %arg7[%get3A_1261, %get3A_1262] {strides = array<i32>} : memref<36x528xf32, #tpu.memory_space<vmem>>, vector<1x16xf32>,
        %get3A_1264 = vector.shape_cast %get3A_1263 : vector<1x16xf32> to vector<16xf32>
        %mul3A_1265 = arith.mulf %get3A_14, %get3A_1264 : vector<16xf32>
        %add3A_1266 = arith.addf %add3A_1258, %mul3A_1265 : vector<16xf32>
        %add3A_1267 = arith.constant 3 : i32
        %add3A_1268 = arith.addi %scan3A_137, %add3A_1267 : i32
        %get3A_1269 = arith.index_cast %add3A_1268 : i32 to index
        %get3A_1270 = arith.constant 432 : index
        %get3A_1271 = tpu.vector_load %arg7[%get3A_1269, %get3A_1270] {strides = array<i32>} : memref<36x528xf32, #tpu.memory_space<vmem>>, vector<1x16xf32>,
        %get3A_1272 = vector.shape_cast %get3A_1271 : vector<1x16xf32> to vector<16xf32>
        %mul3A_1273 = arith.mulf %get3A_19, %get3A_1272 : vector<16xf32>
        %add3A_1274 = arith.addf %add3A_1266, %mul3A_1273 : vector<16xf32>
        %add3A_1275 = arith.constant 4 : i32
        %add3A_1276 = arith.addi %scan3A_137, %add3A_1275 : i32
        %get3A_1277 = arith.index_cast %add3A_1276 : i32 to index
        %get3A_1278 = arith.constant 432 : index
        %get3A_1279 = tpu.vector_load %arg7[%get3A_1277, %get3A_1278] {strides = array<i32>} : memref<36x528xf32, #tpu.memory_space<vmem>>, vector<1x16xf32>,
        %get3A_1280 = vector.shape_cast %get3A_1279 : vector<1x16xf32> to vector<16xf32>
        %mul3A_1281 = arith.mulf %get3A_24, %get3A_1280 : vector<16xf32>
        %add3A_1282 = arith.addf %add3A_1274, %mul3A_1281 : vector<16xf32>
        %swap3A_1283 = arith.constant 432 : index
        %swap3A_1284 = tpu.vector_load %arg8[%swap3A_1283] {strides = array<i32>} : memref<528xf32, #tpu.memory_space<vmem>>, vector<16xf32>,
        %swap3A_1285 = vector.shape_cast %swap3A_1284 : vector<16xf32> to vector<16xf32>
        %swap3A_1286 = vector.shape_cast %add3A_1282 : vector<16xf32> to vector<16xf32>
        tpu.vector_store %arg8[%swap3A_1283], %swap3A_1286 {strides = array<i32>} : memref<528xf32, #tpu.memory_space<vmem>>, vector<16xf32>,
        %get3A_1287 = arith.index_cast %scan3A_137 : i32 to index
        %get3A_1288 = arith.constant 448 : index
        %get3A_1289 = tpu.vector_load %arg7[%get3A_1287, %get3A_1288] {strides = array<i32>} : memref<36x528xf32, #tpu.memory_space<vmem>>, vector<1x16xf32>,
        %get3A_1290 = vector.shape_cast %get3A_1289 : vector<1x16xf32> to vector<16xf32>
        %mul3A_1291 = arith.mulf %get3A_4, %get3A_1290 : vector<16xf32>
        %add3A_1292 = arith.constant 1 : i32
        %add3A_1293 = arith.addi %scan3A_137, %add3A_1292 : i32
        %get3A_1294 = arith.index_cast %add3A_1293 : i32 to index
        %get3A_1295 = arith.constant 448 : index
        %get3A_1296 = tpu.vector_load %arg7[%get3A_1294, %get3A_1295] {strides = array<i32>} : memref<36x528xf32, #tpu.memory_space<vmem>>, vector<1x16xf32>,
        %get3A_1297 = vector.shape_cast %get3A_1296 : vector<1x16xf32> to vector<16xf32>
        %mul3A_1298 = arith.mulf %get3A_9, %get3A_1297 : vector<16xf32>
        %add3A_1299 = arith.addf %mul3A_1291, %mul3A_1298 : vector<16xf32>
        %add3A_1300 = arith.constant 2 : i32
        %add3A_1301 = arith.addi %scan3A_137, %add3A_1300 : i32
        %get3A_1302 = arith.index_cast %add3A_1301 : i32 to index
        %get3A_1303 = arith.constant 448 : index
        %get3A_1304 = tpu.vector_load %arg7[%get3A_1302, %get3A_1303] {strides = array<i32>} : memref<36x528xf32, #tpu.memory_space<vmem>>, vector<1x16xf32>,
        %get3A_1305 = vector.shape_cast %get3A_1304 : vector<1x16xf32> to vector<16xf32>
        %mul3A_1306 = arith.mulf %get3A_14, %get3A_1305 : vector<16xf32>
        %add3A_1307 = arith.addf %add3A_1299, %mul3A_1306 : vector<16xf32>
        %add3A_1308 = arith.constant 3 : i32
        %add3A_1309 = arith.addi %scan3A_137, %add3A_1308 : i32
        %get3A_1310 = arith.index_cast %add3A_1309 : i32 to index
        %get3A_1311 = arith.constant 448 : index
        %get3A_1312 = tpu.vector_load %arg7[%get3A_1310, %get3A_1311] {strides = array<i32>} : memref<36x528xf32, #tpu.memory_space<vmem>>, vector<1x16xf32>,
        %get3A_1313 = vector.shape_cast %get3A_1312 : vector<1x16xf32> to vector<16xf32>
        %mul3A_1314 = arith.mulf %get3A_19, %get3A_1313 : vector<16xf32>
        %add3A_1315 = arith.addf %add3A_1307, %mul3A_1314 : vector<16xf32>
        %add3A_1316 = arith.constant 4 : i32
        %add3A_1317 = arith.addi %scan3A_137, %add3A_1316 : i32
        %get3A_1318 = arith.index_cast %add3A_1317 : i32 to index
        %get3A_1319 = arith.constant 448 : index
        %get3A_1320 = tpu.vector_load %arg7[%get3A_1318, %get3A_1319] {strides = array<i32>} : memref<36x528xf32, #tpu.memory_space<vmem>>, vector<1x16xf32>,
        %get3A_1321 = vector.shape_cast %get3A_1320 : vector<1x16xf32> to vector<16xf32>
        %mul3A_1322 = arith.mulf %get3A_24, %get3A_1321 : vector<16xf32>
        %add3A_1323 = arith.addf %add3A_1315, %mul3A_1322 : vector<16xf32>
        %swap3A_1324 = arith.constant 448 : index
        %swap3A_1325 = tpu.vector_load %arg8[%swap3A_1324] {strides = array<i32>} : memref<528xf32, #tpu.memory_space<vmem>>, vector<16xf32>,
        %swap3A_1326 = vector.shape_cast %swap3A_1325 : vector<16xf32> to vector<16xf32>
        %swap3A_1327 = vector.shape_cast %add3A_1323 : vector<16xf32> to vector<16xf32>
        tpu.vector_store %arg8[%swap3A_1324], %swap3A_1327 {strides = array<i32>} : memref<528xf32, #tpu.memory_space<vmem>>, vector<16xf32>,
        %get3A_1328 = arith.index_cast %scan3A_137 : i32 to index
        %get3A_1329 = arith.constant 464 : index
        %get3A_1330 = tpu.vector_load %arg7[%get3A_1328, %get3A_1329] {strides = array<i32>} : memref<36x528xf32, #tpu.memory_space<vmem>>, vector<1x16xf32>,
        %get3A_1331 = vector.shape_cast %get3A_1330 : vector<1x16xf32> to vector<16xf32>
        %mul3A_1332 = arith.mulf %get3A_4, %get3A_1331 : vector<16xf32>
        %add3A_1333 = arith.constant 1 : i32
        %add3A_1334 = arith.addi %scan3A_137, %add3A_1333 : i32
        %get3A_1335 = arith.index_cast %add3A_1334 : i32 to index
        %get3A_1336 = arith.constant 464 : index
        %get3A_1337 = tpu.vector_load %arg7[%get3A_1335, %get3A_1336] {strides = array<i32>} : memref<36x528xf32, #tpu.memory_space<vmem>>, vector<1x16xf32>,
        %get3A_1338 = vector.shape_cast %get3A_1337 : vector<1x16xf32> to vector<16xf32>
        %mul3A_1339 = arith.mulf %get3A_9, %get3A_1338 : vector<16xf32>
        %add3A_1340 = arith.addf %mul3A_1332, %mul3A_1339 : vector<16xf32>
        %add3A_1341 = arith.constant 2 : i32
        %add3A_1342 = arith.addi %scan3A_137, %add3A_1341 : i32
        %get3A_1343 = arith.index_cast %add3A_1342 : i32 to index
        %get3A_1344 = arith.constant 464 : index
        %get3A_1345 = tpu.vector_load %arg7[%get3A_1343, %get3A_1344] {strides = array<i32>} : memref<36x528xf32, #tpu.memory_space<vmem>>, vector<1x16xf32>,
        %get3A_1346 = vector.shape_cast %get3A_1345 : vector<1x16xf32> to vector<16xf32>
        %mul3A_1347 = arith.mulf %get3A_14, %get3A_1346 : vector<16xf32>
        %add3A_1348 = arith.addf %add3A_1340, %mul3A_1347 : vector<16xf32>
        %add3A_1349 = arith.constant 3 : i32
        %add3A_1350 = arith.addi %scan3A_137, %add3A_1349 : i32
        %get3A_1351 = arith.index_cast %add3A_1350 : i32 to index
        %get3A_1352 = arith.constant 464 : index
        %get3A_1353 = tpu.vector_load %arg7[%get3A_1351, %get3A_1352] {strides = array<i32>} : memref<36x528xf32, #tpu.memory_space<vmem>>, vector<1x16xf32>,
        %get3A_1354 = vector.shape_cast %get3A_1353 : vector<1x16xf32> to vector<16xf32>
        %mul3A_1355 = arith.mulf %get3A_19, %get3A_1354 : vector<16xf32>
        %add3A_1356 = arith.addf %add3A_1348, %mul3A_1355 : vector<16xf32>
        %add3A_1357 = arith.constant 4 : i32
        %add3A_1358 = arith.addi %scan3A_137, %add3A_1357 : i32
        %get3A_1359 = arith.index_cast %add3A_1358 : i32 to index
        %get3A_1360 = arith.constant 464 : index
        %get3A_1361 = tpu.vector_load %arg7[%get3A_1359, %get3A_1360] {strides = array<i32>} : memref<36x528xf32, #tpu.memory_space<vmem>>, vector<1x16xf32>,
        %get3A_1362 = vector.shape_cast %get3A_1361 : vector<1x16xf32> to vector<16xf32>
        %mul3A_1363 = arith.mulf %get3A_24, %get3A_1362 : vector<16xf32>
        %add3A_1364 = arith.addf %add3A_1356, %mul3A_1363 : vector<16xf32>
        %swap3A_1365 = arith.constant 464 : index
        %swap3A_1366 = tpu.vector_load %arg8[%swap3A_1365] {strides = array<i32>} : memref<528xf32, #tpu.memory_space<vmem>>, vector<16xf32>,
        %swap3A_1367 = vector.shape_cast %swap3A_1366 : vector<16xf32> to vector<16xf32>
        %swap3A_1368 = vector.shape_cast %add3A_1364 : vector<16xf32> to vector<16xf32>
        tpu.vector_store %arg8[%swap3A_1365], %swap3A_1368 {strides = array<i32>} : memref<528xf32, #tpu.memory_space<vmem>>, vector<16xf32>,
        %get3A_1369 = arith.index_cast %scan3A_137 : i32 to index
        %get3A_1370 = arith.constant 480 : index
        %get3A_1371 = tpu.vector_load %arg7[%get3A_1369, %get3A_1370] {strides = array<i32>} : memref<36x528xf32, #tpu.memory_space<vmem>>, vector<1x16xf32>,
        %get3A_1372 = vector.shape_cast %get3A_1371 : vector<1x16xf32> to vector<16xf32>
        %mul3A_1373 = arith.mulf %get3A_4, %get3A_1372 : vector<16xf32>
        %add3A_1374 = arith.constant 1 : i32
        %add3A_1375 = arith.addi %scan3A_137, %add3A_1374 : i32
        %get3A_1376 = arith.index_cast %add3A_1375 : i32 to index
        %get3A_1377 = arith.constant 480 : index
        %get3A_1378 = tpu.vector_load %arg7[%get3A_1376, %get3A_1377] {strides = array<i32>} : memref<36x528xf32, #tpu.memory_space<vmem>>, vector<1x16xf32>,
        %get3A_1379 = vector.shape_cast %get3A_1378 : vector<1x16xf32> to vector<16xf32>
        %mul3A_1380 = arith.mulf %get3A_9, %get3A_1379 : vector<16xf32>
        %add3A_1381 = arith.addf %mul3A_1373, %mul3A_1380 : vector<16xf32>
        %add3A_1382 = arith.constant 2 : i32
        %add3A_1383 = arith.addi %scan3A_137, %add3A_1382 : i32
        %get3A_1384 = arith.index_cast %add3A_1383 : i32 to index
        %get3A_1385 = arith.constant 480 : index
        %get3A_1386 = tpu.vector_load %arg7[%get3A_1384, %get3A_1385] {strides = array<i32>} : memref<36x528xf32, #tpu.memory_space<vmem>>, vector<1x16xf32>,
        %get3A_1387 = vector.shape_cast %get3A_1386 : vector<1x16xf32> to vector<16xf32>
        %mul3A_1388 = arith.mulf %get3A_14, %get3A_1387 : vector<16xf32>
        %add3A_1389 = arith.addf %add3A_1381, %mul3A_1388 : vector<16xf32>
        %add3A_1390 = arith.constant 3 : i32
        %add3A_1391 = arith.addi %scan3A_137, %add3A_1390 : i32
        %get3A_1392 = arith.index_cast %add3A_1391 : i32 to index
        %get3A_1393 = arith.constant 480 : index
        %get3A_1394 = tpu.vector_load %arg7[%get3A_1392, %get3A_1393] {strides = array<i32>} : memref<36x528xf32, #tpu.memory_space<vmem>>, vector<1x16xf32>,
        %get3A_1395 = vector.shape_cast %get3A_1394 : vector<1x16xf32> to vector<16xf32>
        %mul3A_1396 = arith.mulf %get3A_19, %get3A_1395 : vector<16xf32>
        %add3A_1397 = arith.addf %add3A_1389, %mul3A_1396 : vector<16xf32>
        %add3A_1398 = arith.constant 4 : i32
        %add3A_1399 = arith.addi %scan3A_137, %add3A_1398 : i32
        %get3A_1400 = arith.index_cast %add3A_1399 : i32 to index
        %get3A_1401 = arith.constant 480 : index
        %get3A_1402 = tpu.vector_load %arg7[%get3A_1400, %get3A_1401] {strides = array<i32>} : memref<36x528xf32, #tpu.memory_space<vmem>>, vector<1x16xf32>,
        %get3A_1403 = vector.shape_cast %get3A_1402 : vector<1x16xf32> to vector<16xf32>
        %mul3A_1404 = arith.mulf %get3A_24, %get3A_1403 : vector<16xf32>
        %add3A_1405 = arith.addf %add3A_1397, %mul3A_1404 : vector<16xf32>
        %swap3A_1406 = arith.constant 480 : index
        %swap3A_1407 = tpu.vector_load %arg8[%swap3A_1406] {strides = array<i32>} : memref<528xf32, #tpu.memory_space<vmem>>, vector<16xf32>,
        %swap3A_1408 = vector.shape_cast %swap3A_1407 : vector<16xf32> to vector<16xf32>
        %swap3A_1409 = vector.shape_cast %add3A_1405 : vector<16xf32> to vector<16xf32>
        tpu.vector_store %arg8[%swap3A_1406], %swap3A_1409 {strides = array<i32>} : memref<528xf32, #tpu.memory_space<vmem>>, vector<16xf32>,
        %get3A_1410 = arith.index_cast %scan3A_137 : i32 to index
        %get3A_1411 = arith.constant 496 : index
        %get3A_1412 = tpu.vector_load %arg7[%get3A_1410, %get3A_1411] {strides = array<i32>} : memref<36x528xf32, #tpu.memory_space<vmem>>, vector<1x16xf32>,
        %get3A_1413 = vector.shape_cast %get3A_1412 : vector<1x16xf32> to vector<16xf32>
        %mul3A_1414 = arith.mulf %get3A_4, %get3A_1413 : vector<16xf32>
        %add3A_1415 = arith.constant 1 : i32
        %add3A_1416 = arith.addi %scan3A_137, %add3A_1415 : i32
        %get3A_1417 = arith.index_cast %add3A_1416 : i32 to index
        %get3A_1418 = arith.constant 496 : index
        %get3A_1419 = tpu.vector_load %arg7[%get3A_1417, %get3A_1418] {strides = array<i32>} : memref<36x528xf32, #tpu.memory_space<vmem>>, vector<1x16xf32>,
        %get3A_1420 = vector.shape_cast %get3A_1419 : vector<1x16xf32> to vector<16xf32>
        %mul3A_1421 = arith.mulf %get3A_9, %get3A_1420 : vector<16xf32>
        %add3A_1422 = arith.addf %mul3A_1414, %mul3A_1421 : vector<16xf32>
        %add3A_1423 = arith.constant 2 : i32
        %add3A_1424 = arith.addi %scan3A_137, %add3A_1423 : i32
        %get3A_1425 = arith.index_cast %add3A_1424 : i32 to index
        %get3A_1426 = arith.constant 496 : index
        %get3A_1427 = tpu.vector_load %arg7[%get3A_1425, %get3A_1426] {strides = array<i32>} : memref<36x528xf32, #tpu.memory_space<vmem>>, vector<1x16xf32>,
        %get3A_1428 = vector.shape_cast %get3A_1427 : vector<1x16xf32> to vector<16xf32>
        %mul3A_1429 = arith.mulf %get3A_14, %get3A_1428 : vector<16xf32>
        %add3A_1430 = arith.addf %add3A_1422, %mul3A_1429 : vector<16xf32>
        %add3A_1431 = arith.constant 3 : i32
        %add3A_1432 = arith.addi %scan3A_137, %add3A_1431 : i32
        %get3A_1433 = arith.index_cast %add3A_1432 : i32 to index
        %get3A_1434 = arith.constant 496 : index
        %get3A_1435 = tpu.vector_load %arg7[%get3A_1433, %get3A_1434] {strides = array<i32>} : memref<36x528xf32, #tpu.memory_space<vmem>>, vector<1x16xf32>,
        %get3A_1436 = vector.shape_cast %get3A_1435 : vector<1x16xf32> to vector<16xf32>
        %mul3A_1437 = arith.mulf %get3A_19, %get3A_1436 : vector<16xf32>
        %add3A_1438 = arith.addf %add3A_1430, %mul3A_1437 : vector<16xf32>
        %add3A_1439 = arith.constant 4 : i32
        %add3A_1440 = arith.addi %scan3A_137, %add3A_1439 : i32
        %get3A_1441 = arith.index_cast %add3A_1440 : i32 to index
        %get3A_1442 = arith.constant 496 : index
        %get3A_1443 = tpu.vector_load %arg7[%get3A_1441, %get3A_1442] {strides = array<i32>} : memref<36x528xf32, #tpu.memory_space<vmem>>, vector<1x16xf32>,
        %get3A_1444 = vector.shape_cast %get3A_1443 : vector<1x16xf32> to vector<16xf32>
        %mul3A_1445 = arith.mulf %get3A_24, %get3A_1444 : vector<16xf32>
        %add3A_1446 = arith.addf %add3A_1438, %mul3A_1445 : vector<16xf32>
        %swap3A_1447 = arith.constant 496 : index
        %swap3A_1448 = tpu.vector_load %arg8[%swap3A_1447] {strides = array<i32>} : memref<528xf32, #tpu.memory_space<vmem>>, vector<16xf32>,
        %swap3A_1449 = vector.shape_cast %swap3A_1448 : vector<16xf32> to vector<16xf32>
        %swap3A_1450 = vector.shape_cast %add3A_1446 : vector<16xf32> to vector<16xf32>
        tpu.vector_store %arg8[%swap3A_1447], %swap3A_1450 {strides = array<i32>} : memref<528xf32, #tpu.memory_space<vmem>>, vector<16xf32>,
        %get3A_1451 = arith.index_cast %scan3A_137 : i32 to index
        %get3A_1452 = arith.constant 512 : index
        %get3A_1453 = tpu.vector_load %arg7[%get3A_1451, %get3A_1452] {strides = array<i32>} : memref<36x528xf32, #tpu.memory_space<vmem>>, vector<1x16xf32>,
        %get3A_1454 = vector.shape_cast %get3A_1453 : vector<1x16xf32> to vector<16xf32>
        %mul3A_1455 = arith.mulf %get3A_4, %get3A_1454 : vector<16xf32>
        %add3A_1456 = arith.constant 1 : i32
        %add3A_1457 = arith.addi %scan3A_137, %add3A_1456 : i32
        %get3A_1458 = arith.index_cast %add3A_1457 : i32 to index
        %get3A_1459 = arith.constant 512 : index
        %get3A_1460 = tpu.vector_load %arg7[%get3A_1458, %get3A_1459] {strides = array<i32>} : memref<36x528xf32, #tpu.memory_space<vmem>>, vector<1x16xf32>,
        %get3A_1461 = vector.shape_cast %get3A_1460 : vector<1x16xf32> to vector<16xf32>
        %mul3A_1462 = arith.mulf %get3A_9, %get3A_1461 : vector<16xf32>
        %add3A_1463 = arith.addf %mul3A_1455, %mul3A_1462 : vector<16xf32>
        %add3A_1464 = arith.constant 2 : i32
        %add3A_1465 = arith.addi %scan3A_137, %add3A_1464 : i32
        %get3A_1466 = arith.index_cast %add3A_1465 : i32 to index
        %get3A_1467 = arith.constant 512 : index
        %get3A_1468 = tpu.vector_load %arg7[%get3A_1466, %get3A_1467] {strides = array<i32>} : memref<36x528xf32, #tpu.memory_space<vmem>>, vector<1x16xf32>,
        %get3A_1469 = vector.shape_cast %get3A_1468 : vector<1x16xf32> to vector<16xf32>
        %mul3A_1470 = arith.mulf %get3A_14, %get3A_1469 : vector<16xf32>
        %add3A_1471 = arith.addf %add3A_1463, %mul3A_1470 : vector<16xf32>
        %add3A_1472 = arith.constant 3 : i32
        %add3A_1473 = arith.addi %scan3A_137, %add3A_1472 : i32
        %get3A_1474 = arith.index_cast %add3A_1473 : i32 to index
        %get3A_1475 = arith.constant 512 : index
        %get3A_1476 = tpu.vector_load %arg7[%get3A_1474, %get3A_1475] {strides = array<i32>} : memref<36x528xf32, #tpu.memory_space<vmem>>, vector<1x16xf32>,
        %get3A_1477 = vector.shape_cast %get3A_1476 : vector<1x16xf32> to vector<16xf32>
        %mul3A_1478 = arith.mulf %get3A_19, %get3A_1477 : vector<16xf32>
        %add3A_1479 = arith.addf %add3A_1471, %mul3A_1478 : vector<16xf32>
        %add3A_1480 = arith.constant 4 : i32
        %add3A_1481 = arith.addi %scan3A_137, %add3A_1480 : i32
        %get3A_1482 = arith.index_cast %add3A_1481 : i32 to index
        %get3A_1483 = arith.constant 512 : index
        %get3A_1484 = tpu.vector_load %arg7[%get3A_1482, %get3A_1483] {strides = array<i32>} : memref<36x528xf32, #tpu.memory_space<vmem>>, vector<1x16xf32>,
        %get3A_1485 = vector.shape_cast %get3A_1484 : vector<1x16xf32> to vector<16xf32>
        %mul3A_1486 = arith.mulf %get3A_24, %get3A_1485 : vector<16xf32>
        %add3A_1487 = arith.addf %add3A_1479, %mul3A_1486 : vector<16xf32>
        %swap3A_1488 = arith.constant 512 : index
        %swap3A_1489 = tpu.vector_load %arg8[%swap3A_1488] {strides = array<i32>} : memref<528xf32, #tpu.memory_space<vmem>>, vector<16xf32>,
        %swap3A_1490 = vector.shape_cast %swap3A_1489 : vector<16xf32> to vector<16xf32>
        %swap3A_1491 = vector.shape_cast %add3A_1487 : vector<16xf32> to vector<16xf32>
        tpu.vector_store %arg8[%swap3A_1488], %swap3A_1491 {strides = array<i32>} : memref<528xf32, #tpu.memory_space<vmem>>, vector<16xf32>,
        %get3A_1492 = arith.constant 0 : index
        %get3A_1493 = tpu.vector_load %arg8[%get3A_1492] {strides = array<i32>} : memref<528xf32, #tpu.memory_space<vmem>>, vector<16xf32>,
        %get3A_1494 = vector.shape_cast %get3A_1493 : vector<16xf32> to vector<16xf32>
        %mul3A_1495 = arith.mulf %get3A_29, %get3A_1494 : vector<16xf32>
        %get3A_1496 = arith.constant 1 : index
        %get3A_1497 = tpu.vector_load %arg8[%get3A_1496] {strides = array<i32>} : memref<528xf32, #tpu.memory_space<vmem>>, vector<16xf32>,
        %get3A_1498 = vector.shape_cast %get3A_1497 : vector<16xf32> to vector<16xf32>
        %mul3A_1499 = arith.mulf %get3A_34, %get3A_1498 : vector<16xf32>
        %add3A_1500 = arith.addf %mul3A_1495, %mul3A_1499 : vector<16xf32>
        %get3A_1501 = arith.constant 2 : index
        %get3A_1502 = tpu.vector_load %arg8[%get3A_1501] {strides = array<i32>} : memref<528xf32, #tpu.memory_space<vmem>>, vector<16xf32>,
        %get3A_1503 = vector.shape_cast %get3A_1502 : vector<16xf32> to vector<16xf32>
        %mul3A_1504 = arith.mulf %get3A_39, %get3A_1503 : vector<16xf32>
        %add3A_1505 = arith.addf %add3A_1500, %mul3A_1504 : vector<16xf32>
        %get3A_1506 = arith.constant 3 : index
        %get3A_1507 = tpu.vector_load %arg8[%get3A_1506] {strides = array<i32>} : memref<528xf32, #tpu.memory_space<vmem>>, vector<16xf32>,
        %get3A_1508 = vector.shape_cast %get3A_1507 : vector<16xf32> to vector<16xf32>
        %mul3A_1509 = arith.mulf %get3A_44, %get3A_1508 : vector<16xf32>
        %add3A_1510 = arith.addf %add3A_1505, %mul3A_1509 : vector<16xf32>
        %get3A_1511 = arith.constant 4 : index
        %get3A_1512 = tpu.vector_load %arg8[%get3A_1511] {strides = array<i32>} : memref<528xf32, #tpu.memory_space<vmem>>, vector<16xf32>,
        %get3A_1513 = vector.shape_cast %get3A_1512 : vector<16xf32> to vector<16xf32>
        %mul3A_1514 = arith.mulf %get3A_49, %get3A_1513 : vector<16xf32>
        %add3A_1515 = arith.addf %add3A_1510, %mul3A_1514 : vector<16xf32>
        %gt3A = arith.constant 0.00999999977 : f32
        %gt3A_1516 = vector.broadcast %gt3A : f32 to vector<16xf32>
        %gt3A_1517 = arith.cmpf ogt, %add3A_1515, %gt3A_1516 : vector<16xf32>
        %jit3A_1518 = arith.constant 1.000000e+00 : f32
        %jit3A_1519 = arith.constant 0.000000e+00 : f32
        %broadcast_in_dim3A_1520 = vector.broadcast %jit3A_1518 : f32 to vector<16xf32>
        %broadcast_in_dim3A_1521 = vector.broadcast %jit3A_1519 : f32 to vector<16xf32>
        %select_n3A_1522 = arith.select %gt3A_1517, %broadcast_in_dim3A_1520, %broadcast_in_dim3A_1521 : vector<16xi1>, vector<16xf32>
        %max3A = arith.maximumf %select_n3A_1522, %broadcast_in_dim3A_129 : vector<16xf32>
        %swap3A_1523 = arith.index_cast %scan3A_137 : i32 to index
        %swap3A_1524 = arith.constant 0 : index
        %swap3A_1525 = tpu.vector_load %arg9[%swap3A_1523, %swap3A_1524] {strides = array<i32>} : memref<32x512xf32, #tpu.memory_space<vmem>>, vector<1x16xf32>,
        %swap3A_1526 = vector.shape_cast %swap3A_1525 : vector<1x16xf32> to vector<16xf32>
        %swap3A_1527 = vector.shape_cast %max3A : vector<16xf32> to vector<1x16xf32>
        tpu.vector_store %arg9[%swap3A_1523, %swap3A_1524], %swap3A_1527 {strides = array<i32>} : memref<32x512xf32, #tpu.memory_space<vmem>>, vector<1x16xf32>,
        %add3A_1528 = arith.addf %scan3A_138, %select_n3A_1522 : vector<16xf32>
        %get3A_1529 = arith.constant 16 : index
        %get3A_1530 = tpu.vector_load %arg8[%get3A_1529] {strides = array<i32>} : memref<528xf32, #tpu.memory_space<vmem>>, vector<16xf32>,
        %get3A_1531 = vector.shape_cast %get3A_1530 : vector<16xf32> to vector<16xf32>
        %mul3A_1532 = arith.mulf %get3A_29, %get3A_1531 : vector<16xf32>
        %get3A_1533 = arith.constant 17 : index
        %get3A_1534 = tpu.vector_load %arg8[%get3A_1533] {strides = array<i32>} : memref<528xf32, #tpu.memory_space<vmem>>, vector<16xf32>,
        %get3A_1535 = vector.shape_cast %get3A_1534 : vector<16xf32> to vector<16xf32>
        %mul3A_1536 = arith.mulf %get3A_34, %get3A_1535 : vector<16xf32>
        %add3A_1537 = arith.addf %mul3A_1532, %mul3A_1536 : vector<16xf32>
        %get3A_1538 = arith.constant 18 : index
        %get3A_1539 = tpu.vector_load %arg8[%get3A_1538] {strides = array<i32>} : memref<528xf32, #tpu.memory_space<vmem>>, vector<16xf32>,
        %get3A_1540 = vector.shape_cast %get3A_1539 : vector<16xf32> to vector<16xf32>
        %mul3A_1541 = arith.mulf %get3A_39, %get3A_1540 : vector<16xf32>
        %add3A_1542 = arith.addf %add3A_1537, %mul3A_1541 : vector<16xf32>
        %get3A_1543 = arith.constant 19 : index
        %get3A_1544 = tpu.vector_load %arg8[%get3A_1543] {strides = array<i32>} : memref<528xf32, #tpu.memory_space<vmem>>, vector<16xf32>,
        %get3A_1545 = vector.shape_cast %get3A_1544 : vector<16xf32> to vector<16xf32>
        %mul3A_1546 = arith.mulf %get3A_44, %get3A_1545 : vector<16xf32>
        %add3A_1547 = arith.addf %add3A_1542, %mul3A_1546 : vector<16xf32>
        %get3A_1548 = arith.constant 20 : index
        %get3A_1549 = tpu.vector_load %arg8[%get3A_1548] {strides = array<i32>} : memref<528xf32, #tpu.memory_space<vmem>>, vector<16xf32>,
        %get3A_1550 = vector.shape_cast %get3A_1549 : vector<16xf32> to vector<16xf32>
        %mul3A_1551 = arith.mulf %get3A_49, %get3A_1550 : vector<16xf32>
        %add3A_1552 = arith.addf %add3A_1547, %mul3A_1551 : vector<16xf32>
        %gt3A_1553 = arith.constant 0.00999999977 : f32
        %gt3A_1554 = vector.broadcast %gt3A_1553 : f32 to vector<16xf32>
        %gt3A_1555 = arith.cmpf ogt, %add3A_1552, %gt3A_1554 : vector<16xf32>
        %jit3A_1556 = arith.constant 1.000000e+00 : f32
        %jit3A_1557 = arith.constant 0.000000e+00 : f32
        %broadcast_in_dim3A_1558 = vector.broadcast %jit3A_1556 : f32 to vector<16xf32>
        %broadcast_in_dim3A_1559 = vector.broadcast %jit3A_1557 : f32 to vector<16xf32>
        %select_n3A_1560 = arith.select %gt3A_1555, %broadcast_in_dim3A_1558, %broadcast_in_dim3A_1559 : vector<16xi1>, vector<16xf32>
        %max3A_1561 = arith.maximumf %select_n3A_1560, %broadcast_in_dim3A_129 : vector<16xf32>
        %swap3A_1562 = arith.index_cast %scan3A_137 : i32 to index
        %swap3A_1563 = arith.constant 16 : index
        %swap3A_1564 = tpu.vector_load %arg9[%swap3A_1562, %swap3A_1563] {strides = array<i32>} : memref<32x512xf32, #tpu.memory_space<vmem>>, vector<1x16xf32>,
        %swap3A_1565 = vector.shape_cast %swap3A_1564 : vector<1x16xf32> to vector<16xf32>
        %swap3A_1566 = vector.shape_cast %max3A_1561 : vector<16xf32> to vector<1x16xf32>
        tpu.vector_store %arg9[%swap3A_1562, %swap3A_1563], %swap3A_1566 {strides = array<i32>} : memref<32x512xf32, #tpu.memory_space<vmem>>, vector<1x16xf32>,
        %add3A_1567 = arith.addf %add3A_1528, %select_n3A_1560 : vector<16xf32>
        %get3A_1568 = arith.constant 32 : index
        %get3A_1569 = tpu.vector_load %arg8[%get3A_1568] {strides = array<i32>} : memref<528xf32, #tpu.memory_space<vmem>>, vector<16xf32>,
        %get3A_1570 = vector.shape_cast %get3A_1569 : vector<16xf32> to vector<16xf32>
        %mul3A_1571 = arith.mulf %get3A_29, %get3A_1570 : vector<16xf32>
        %get3A_1572 = arith.constant 33 : index
        %get3A_1573 = tpu.vector_load %arg8[%get3A_1572] {strides = array<i32>} : memref<528xf32, #tpu.memory_space<vmem>>, vector<16xf32>,
        %get3A_1574 = vector.shape_cast %get3A_1573 : vector<16xf32> to vector<16xf32>
        %mul3A_1575 = arith.mulf %get3A_34, %get3A_1574 : vector<16xf32>
        %add3A_1576 = arith.addf %mul3A_1571, %mul3A_1575 : vector<16xf32>
        %get3A_1577 = arith.constant 34 : index
        %get3A_1578 = tpu.vector_load %arg8[%get3A_1577] {strides = array<i32>} : memref<528xf32, #tpu.memory_space<vmem>>, vector<16xf32>,
        %get3A_1579 = vector.shape_cast %get3A_1578 : vector<16xf32> to vector<16xf32>
        %mul3A_1580 = arith.mulf %get3A_39, %get3A_1579 : vector<16xf32>
        %add3A_1581 = arith.addf %add3A_1576, %mul3A_1580 : vector<16xf32>
        %get3A_1582 = arith.constant 35 : index
        %get3A_1583 = tpu.vector_load %arg8[%get3A_1582] {strides = array<i32>} : memref<528xf32, #tpu.memory_space<vmem>>, vector<16xf32>,
        %get3A_1584 = vector.shape_cast %get3A_1583 : vector<16xf32> to vector<16xf32>
        %mul3A_1585 = arith.mulf %get3A_44, %get3A_1584 : vector<16xf32>
        %add3A_1586 = arith.addf %add3A_1581, %mul3A_1585 : vector<16xf32>
        %get3A_1587 = arith.constant 36 : index
        %get3A_1588 = tpu.vector_load %arg8[%get3A_1587] {strides = array<i32>} : memref<528xf32, #tpu.memory_space<vmem>>, vector<16xf32>,
        %get3A_1589 = vector.shape_cast %get3A_1588 : vector<16xf32> to vector<16xf32>
        %mul3A_1590 = arith.mulf %get3A_49, %get3A_1589 : vector<16xf32>
        %add3A_1591 = arith.addf %add3A_1586, %mul3A_1590 : vector<16xf32>
        %gt3A_1592 = arith.constant 0.00999999977 : f32
        %gt3A_1593 = vector.broadcast %gt3A_1592 : f32 to vector<16xf32>
        %gt3A_1594 = arith.cmpf ogt, %add3A_1591, %gt3A_1593 : vector<16xf32>
        %jit3A_1595 = arith.constant 1.000000e+00 : f32
        %jit3A_1596 = arith.constant 0.000000e+00 : f32
        %broadcast_in_dim3A_1597 = vector.broadcast %jit3A_1595 : f32 to vector<16xf32>
        %broadcast_in_dim3A_1598 = vector.broadcast %jit3A_1596 : f32 to vector<16xf32>
        %select_n3A_1599 = arith.select %gt3A_1594, %broadcast_in_dim3A_1597, %broadcast_in_dim3A_1598 : vector<16xi1>, vector<16xf32>
        %max3A_1600 = arith.maximumf %select_n3A_1599, %broadcast_in_dim3A_129 : vector<16xf32>
        %swap3A_1601 = arith.index_cast %scan3A_137 : i32 to index
        %swap3A_1602 = arith.constant 32 : index
        %swap3A_1603 = tpu.vector_load %arg9[%swap3A_1601, %swap3A_1602] {strides = array<i32>} : memref<32x512xf32, #tpu.memory_space<vmem>>, vector<1x16xf32>,
        %swap3A_1604 = vector.shape_cast %swap3A_1603 : vector<1x16xf32> to vector<16xf32>
        %swap3A_1605 = vector.shape_cast %max3A_1600 : vector<16xf32> to vector<1x16xf32>
        tpu.vector_store %arg9[%swap3A_1601, %swap3A_1602], %swap3A_1605 {strides = array<i32>} : memref<32x512xf32, #tpu.memory_space<vmem>>, vector<1x16xf32>,
        %add3A_1606 = arith.addf %add3A_1567, %select_n3A_1599 : vector<16xf32>
        %get3A_1607 = arith.constant 48 : index
        %get3A_1608 = tpu.vector_load %arg8[%get3A_1607] {strides = array<i32>} : memref<528xf32, #tpu.memory_space<vmem>>, vector<16xf32>,
        %get3A_1609 = vector.shape_cast %get3A_1608 : vector<16xf32> to vector<16xf32>
        %mul3A_1610 = arith.mulf %get3A_29, %get3A_1609 : vector<16xf32>
        %get3A_1611 = arith.constant 49 : index
        %get3A_1612 = tpu.vector_load %arg8[%get3A_1611] {strides = array<i32>} : memref<528xf32, #tpu.memory_space<vmem>>, vector<16xf32>,
        %get3A_1613 = vector.shape_cast %get3A_1612 : vector<16xf32> to vector<16xf32>
        %mul3A_1614 = arith.mulf %get3A_34, %get3A_1613 : vector<16xf32>
        %add3A_1615 = arith.addf %mul3A_1610, %mul3A_1614 : vector<16xf32>
        %get3A_1616 = arith.constant 50 : index
        %get3A_1617 = tpu.vector_load %arg8[%get3A_1616] {strides = array<i32>} : memref<528xf32, #tpu.memory_space<vmem>>, vector<16xf32>,
        %get3A_1618 = vector.shape_cast %get3A_1617 : vector<16xf32> to vector<16xf32>
        %mul3A_1619 = arith.mulf %get3A_39, %get3A_1618 : vector<16xf32>
        %add3A_1620 = arith.addf %add3A_1615, %mul3A_1619 : vector<16xf32>
        %get3A_1621 = arith.constant 51 : index
        %get3A_1622 = tpu.vector_load %arg8[%get3A_1621] {strides = array<i32>} : memref<528xf32, #tpu.memory_space<vmem>>, vector<16xf32>,
        %get3A_1623 = vector.shape_cast %get3A_1622 : vector<16xf32> to vector<16xf32>
        %mul3A_1624 = arith.mulf %get3A_44, %get3A_1623 : vector<16xf32>
        %add3A_1625 = arith.addf %add3A_1620, %mul3A_1624 : vector<16xf32>
        %get3A_1626 = arith.constant 52 : index
        %get3A_1627 = tpu.vector_load %arg8[%get3A_1626] {strides = array<i32>} : memref<528xf32, #tpu.memory_space<vmem>>, vector<16xf32>,
        %get3A_1628 = vector.shape_cast %get3A_1627 : vector<16xf32> to vector<16xf32>
        %mul3A_1629 = arith.mulf %get3A_49, %get3A_1628 : vector<16xf32>
        %add3A_1630 = arith.addf %add3A_1625, %mul3A_1629 : vector<16xf32>
        %gt3A_1631 = arith.constant 0.00999999977 : f32
        %gt3A_1632 = vector.broadcast %gt3A_1631 : f32 to vector<16xf32>
        %gt3A_1633 = arith.cmpf ogt, %add3A_1630, %gt3A_1632 : vector<16xf32>
        %jit3A_1634 = arith.constant 1.000000e+00 : f32
        %jit3A_1635 = arith.constant 0.000000e+00 : f32
        %broadcast_in_dim3A_1636 = vector.broadcast %jit3A_1634 : f32 to vector<16xf32>
        %broadcast_in_dim3A_1637 = vector.broadcast %jit3A_1635 : f32 to vector<16xf32>
        %select_n3A_1638 = arith.select %gt3A_1633, %broadcast_in_dim3A_1636, %broadcast_in_dim3A_1637 : vector<16xi1>, vector<16xf32>
        %max3A_1639 = arith.maximumf %select_n3A_1638, %broadcast_in_dim3A_129 : vector<16xf32>
        %swap3A_1640 = arith.index_cast %scan3A_137 : i32 to index
        %swap3A_1641 = arith.constant 48 : index
        %swap3A_1642 = tpu.vector_load %arg9[%swap3A_1640, %swap3A_1641] {strides = array<i32>} : memref<32x512xf32, #tpu.memory_space<vmem>>, vector<1x16xf32>,
        %swap3A_1643 = vector.shape_cast %swap3A_1642 : vector<1x16xf32> to vector<16xf32>
        %swap3A_1644 = vector.shape_cast %max3A_1639 : vector<16xf32> to vector<1x16xf32>
        tpu.vector_store %arg9[%swap3A_1640, %swap3A_1641], %swap3A_1644 {strides = array<i32>} : memref<32x512xf32, #tpu.memory_space<vmem>>, vector<1x16xf32>,
        %add3A_1645 = arith.addf %add3A_1606, %select_n3A_1638 : vector<16xf32>
        %get3A_1646 = arith.constant 64 : index
        %get3A_1647 = tpu.vector_load %arg8[%get3A_1646] {strides = array<i32>} : memref<528xf32, #tpu.memory_space<vmem>>, vector<16xf32>,
        %get3A_1648 = vector.shape_cast %get3A_1647 : vector<16xf32> to vector<16xf32>
        %mul3A_1649 = arith.mulf %get3A_29, %get3A_1648 : vector<16xf32>
        %get3A_1650 = arith.constant 65 : index
        %get3A_1651 = tpu.vector_load %arg8[%get3A_1650] {strides = array<i32>} : memref<528xf32, #tpu.memory_space<vmem>>, vector<16xf32>,
        %get3A_1652 = vector.shape_cast %get3A_1651 : vector<16xf32> to vector<16xf32>
        %mul3A_1653 = arith.mulf %get3A_34, %get3A_1652 : vector<16xf32>
        %add3A_1654 = arith.addf %mul3A_1649, %mul3A_1653 : vector<16xf32>
        %get3A_1655 = arith.constant 66 : index
        %get3A_1656 = tpu.vector_load %arg8[%get3A_1655] {strides = array<i32>} : memref<528xf32, #tpu.memory_space<vmem>>, vector<16xf32>,
        %get3A_1657 = vector.shape_cast %get3A_1656 : vector<16xf32> to vector<16xf32>
        %mul3A_1658 = arith.mulf %get3A_39, %get3A_1657 : vector<16xf32>
        %add3A_1659 = arith.addf %add3A_1654, %mul3A_1658 : vector<16xf32>
        %get3A_1660 = arith.constant 67 : index
        %get3A_1661 = tpu.vector_load %arg8[%get3A_1660] {strides = array<i32>} : memref<528xf32, #tpu.memory_space<vmem>>, vector<16xf32>,
        %get3A_1662 = vector.shape_cast %get3A_1661 : vector<16xf32> to vector<16xf32>
        %mul3A_1663 = arith.mulf %get3A_44, %get3A_1662 : vector<16xf32>
        %add3A_1664 = arith.addf %add3A_1659, %mul3A_1663 : vector<16xf32>
        %get3A_1665 = arith.constant 68 : index
        %get3A_1666 = tpu.vector_load %arg8[%get3A_1665] {strides = array<i32>} : memref<528xf32, #tpu.memory_space<vmem>>, vector<16xf32>,
        %get3A_1667 = vector.shape_cast %get3A_1666 : vector<16xf32> to vector<16xf32>
        %mul3A_1668 = arith.mulf %get3A_49, %get3A_1667 : vector<16xf32>
        %add3A_1669 = arith.addf %add3A_1664, %mul3A_1668 : vector<16xf32>
        %gt3A_1670 = arith.constant 0.00999999977 : f32
        %gt3A_1671 = vector.broadcast %gt3A_1670 : f32 to vector<16xf32>
        %gt3A_1672 = arith.cmpf ogt, %add3A_1669, %gt3A_1671 : vector<16xf32>
        %jit3A_1673 = arith.constant 1.000000e+00 : f32
        %jit3A_1674 = arith.constant 0.000000e+00 : f32
        %broadcast_in_dim3A_1675 = vector.broadcast %jit3A_1673 : f32 to vector<16xf32>
        %broadcast_in_dim3A_1676 = vector.broadcast %jit3A_1674 : f32 to vector<16xf32>
        %select_n3A_1677 = arith.select %gt3A_1672, %broadcast_in_dim3A_1675, %broadcast_in_dim3A_1676 : vector<16xi1>, vector<16xf32>
        %max3A_1678 = arith.maximumf %select_n3A_1677, %broadcast_in_dim3A_129 : vector<16xf32>
        %swap3A_1679 = arith.index_cast %scan3A_137 : i32 to index
        %swap3A_1680 = arith.constant 64 : index
        %swap3A_1681 = tpu.vector_load %arg9[%swap3A_1679, %swap3A_1680] {strides = array<i32>} : memref<32x512xf32, #tpu.memory_space<vmem>>, vector<1x16xf32>,
        %swap3A_1682 = vector.shape_cast %swap3A_1681 : vector<1x16xf32> to vector<16xf32>
        %swap3A_1683 = vector.shape_cast %max3A_1678 : vector<16xf32> to vector<1x16xf32>
        tpu.vector_store %arg9[%swap3A_1679, %swap3A_1680], %swap3A_1683 {strides = array<i32>} : memref<32x512xf32, #tpu.memory_space<vmem>>, vector<1x16xf32>,
        %add3A_1684 = arith.addf %add3A_1645, %select_n3A_1677 : vector<16xf32>
        %get3A_1685 = arith.constant 80 : index
        %get3A_1686 = tpu.vector_load %arg8[%get3A_1685] {strides = array<i32>} : memref<528xf32, #tpu.memory_space<vmem>>, vector<16xf32>,
        %get3A_1687 = vector.shape_cast %get3A_1686 : vector<16xf32> to vector<16xf32>
        %mul3A_1688 = arith.mulf %get3A_29, %get3A_1687 : vector<16xf32>
        %get3A_1689 = arith.constant 81 : index
        %get3A_1690 = tpu.vector_load %arg8[%get3A_1689] {strides = array<i32>} : memref<528xf32, #tpu.memory_space<vmem>>, vector<16xf32>,
        %get3A_1691 = vector.shape_cast %get3A_1690 : vector<16xf32> to vector<16xf32>
        %mul3A_1692 = arith.mulf %get3A_34, %get3A_1691 : vector<16xf32>
        %add3A_1693 = arith.addf %mul3A_1688, %mul3A_1692 : vector<16xf32>
        %get3A_1694 = arith.constant 82 : index
        %get3A_1695 = tpu.vector_load %arg8[%get3A_1694] {strides = array<i32>} : memref<528xf32, #tpu.memory_space<vmem>>, vector<16xf32>,
        %get3A_1696 = vector.shape_cast %get3A_1695 : vector<16xf32> to vector<16xf32>
        %mul3A_1697 = arith.mulf %get3A_39, %get3A_1696 : vector<16xf32>
        %add3A_1698 = arith.addf %add3A_1693, %mul3A_1697 : vector<16xf32>
        %get3A_1699 = arith.constant 83 : index
        %get3A_1700 = tpu.vector_load %arg8[%get3A_1699] {strides = array<i32>} : memref<528xf32, #tpu.memory_space<vmem>>, vector<16xf32>,
        %get3A_1701 = vector.shape_cast %get3A_1700 : vector<16xf32> to vector<16xf32>
        %mul3A_1702 = arith.mulf %get3A_44, %get3A_1701 : vector<16xf32>
        %add3A_1703 = arith.addf %add3A_1698, %mul3A_1702 : vector<16xf32>
        %get3A_1704 = arith.constant 84 : index
        %get3A_1705 = tpu.vector_load %arg8[%get3A_1704] {strides = array<i32>} : memref<528xf32, #tpu.memory_space<vmem>>, vector<16xf32>,
        %get3A_1706 = vector.shape_cast %get3A_1705 : vector<16xf32> to vector<16xf32>
        %mul3A_1707 = arith.mulf %get3A_49, %get3A_1706 : vector<16xf32>
        %add3A_1708 = arith.addf %add3A_1703, %mul3A_1707 : vector<16xf32>
        %gt3A_1709 = arith.constant 0.00999999977 : f32
        %gt3A_1710 = vector.broadcast %gt3A_1709 : f32 to vector<16xf32>
        %gt3A_1711 = arith.cmpf ogt, %add3A_1708, %gt3A_1710 : vector<16xf32>
        %jit3A_1712 = arith.constant 1.000000e+00 : f32
        %jit3A_1713 = arith.constant 0.000000e+00 : f32
        %broadcast_in_dim3A_1714 = vector.broadcast %jit3A_1712 : f32 to vector<16xf32>
        %broadcast_in_dim3A_1715 = vector.broadcast %jit3A_1713 : f32 to vector<16xf32>
        %select_n3A_1716 = arith.select %gt3A_1711, %broadcast_in_dim3A_1714, %broadcast_in_dim3A_1715 : vector<16xi1>, vector<16xf32>
        %max3A_1717 = arith.maximumf %select_n3A_1716, %broadcast_in_dim3A_129 : vector<16xf32>
        %swap3A_1718 = arith.index_cast %scan3A_137 : i32 to index
        %swap3A_1719 = arith.constant 80 : index
        %swap3A_1720 = tpu.vector_load %arg9[%swap3A_1718, %swap3A_1719] {strides = array<i32>} : memref<32x512xf32, #tpu.memory_space<vmem>>, vector<1x16xf32>,
        %swap3A_1721 = vector.shape_cast %swap3A_1720 : vector<1x16xf32> to vector<16xf32>
        %swap3A_1722 = vector.shape_cast %max3A_1717 : vector<16xf32> to vector<1x16xf32>
        tpu.vector_store %arg9[%swap3A_1718, %swap3A_1719], %swap3A_1722 {strides = array<i32>} : memref<32x512xf32, #tpu.memory_space<vmem>>, vector<1x16xf32>,
        %add3A_1723 = arith.addf %add3A_1684, %select_n3A_1716 : vector<16xf32>
        %get3A_1724 = arith.constant 96 : index
        %get3A_1725 = tpu.vector_load %arg8[%get3A_1724] {strides = array<i32>} : memref<528xf32, #tpu.memory_space<vmem>>, vector<16xf32>,
        %get3A_1726 = vector.shape_cast %get3A_1725 : vector<16xf32> to vector<16xf32>
        %mul3A_1727 = arith.mulf %get3A_29, %get3A_1726 : vector<16xf32>
        %get3A_1728 = arith.constant 97 : index
        %get3A_1729 = tpu.vector_load %arg8[%get3A_1728] {strides = array<i32>} : memref<528xf32, #tpu.memory_space<vmem>>, vector<16xf32>,
        %get3A_1730 = vector.shape_cast %get3A_1729 : vector<16xf32> to vector<16xf32>
        %mul3A_1731 = arith.mulf %get3A_34, %get3A_1730 : vector<16xf32>
        %add3A_1732 = arith.addf %mul3A_1727, %mul3A_1731 : vector<16xf32>
        %get3A_1733 = arith.constant 98 : index
        %get3A_1734 = tpu.vector_load %arg8[%get3A_1733] {strides = array<i32>} : memref<528xf32, #tpu.memory_space<vmem>>, vector<16xf32>,
        %get3A_1735 = vector.shape_cast %get3A_1734 : vector<16xf32> to vector<16xf32>
        %mul3A_1736 = arith.mulf %get3A_39, %get3A_1735 : vector<16xf32>
        %add3A_1737 = arith.addf %add3A_1732, %mul3A_1736 : vector<16xf32>
        %get3A_1738 = arith.constant 99 : index
        %get3A_1739 = tpu.vector_load %arg8[%get3A_1738] {strides = array<i32>} : memref<528xf32, #tpu.memory_space<vmem>>, vector<16xf32>,
        %get3A_1740 = vector.shape_cast %get3A_1739 : vector<16xf32> to vector<16xf32>
        %mul3A_1741 = arith.mulf %get3A_44, %get3A_1740 : vector<16xf32>
        %add3A_1742 = arith.addf %add3A_1737, %mul3A_1741 : vector<16xf32>
        %get3A_1743 = arith.constant 100 : index
        %get3A_1744 = tpu.vector_load %arg8[%get3A_1743] {strides = array<i32>} : memref<528xf32, #tpu.memory_space<vmem>>, vector<16xf32>,
        %get3A_1745 = vector.shape_cast %get3A_1744 : vector<16xf32> to vector<16xf32>
        %mul3A_1746 = arith.mulf %get3A_49, %get3A_1745 : vector<16xf32>
        %add3A_1747 = arith.addf %add3A_1742, %mul3A_1746 : vector<16xf32>
        %gt3A_1748 = arith.constant 0.00999999977 : f32
        %gt3A_1749 = vector.broadcast %gt3A_1748 : f32 to vector<16xf32>
        %gt3A_1750 = arith.cmpf ogt, %add3A_1747, %gt3A_1749 : vector<16xf32>
        %jit3A_1751 = arith.constant 1.000000e+00 : f32
        %jit3A_1752 = arith.constant 0.000000e+00 : f32
        %broadcast_in_dim3A_1753 = vector.broadcast %jit3A_1751 : f32 to vector<16xf32>
        %broadcast_in_dim3A_1754 = vector.broadcast %jit3A_1752 : f32 to vector<16xf32>
        %select_n3A_1755 = arith.select %gt3A_1750, %broadcast_in_dim3A_1753, %broadcast_in_dim3A_1754 : vector<16xi1>, vector<16xf32>
        %max3A_1756 = arith.maximumf %select_n3A_1755, %broadcast_in_dim3A_129 : vector<16xf32>
        %swap3A_1757 = arith.index_cast %scan3A_137 : i32 to index
        %swap3A_1758 = arith.constant 96 : index
        %swap3A_1759 = tpu.vector_load %arg9[%swap3A_1757, %swap3A_1758] {strides = array<i32>} : memref<32x512xf32, #tpu.memory_space<vmem>>, vector<1x16xf32>,
        %swap3A_1760 = vector.shape_cast %swap3A_1759 : vector<1x16xf32> to vector<16xf32>
        %swap3A_1761 = vector.shape_cast %max3A_1756 : vector<16xf32> to vector<1x16xf32>
        tpu.vector_store %arg9[%swap3A_1757, %swap3A_1758], %swap3A_1761 {strides = array<i32>} : memref<32x512xf32, #tpu.memory_space<vmem>>, vector<1x16xf32>,
        %add3A_1762 = arith.addf %add3A_1723, %select_n3A_1755 : vector<16xf32>
        %get3A_1763 = arith.constant 112 : index
        %get3A_1764 = tpu.vector_load %arg8[%get3A_1763] {strides = array<i32>} : memref<528xf32, #tpu.memory_space<vmem>>, vector<16xf32>,
        %get3A_1765 = vector.shape_cast %get3A_1764 : vector<16xf32> to vector<16xf32>
        %mul3A_1766 = arith.mulf %get3A_29, %get3A_1765 : vector<16xf32>
        %get3A_1767 = arith.constant 113 : index
        %get3A_1768 = tpu.vector_load %arg8[%get3A_1767] {strides = array<i32>} : memref<528xf32, #tpu.memory_space<vmem>>, vector<16xf32>,
        %get3A_1769 = vector.shape_cast %get3A_1768 : vector<16xf32> to vector<16xf32>
        %mul3A_1770 = arith.mulf %get3A_34, %get3A_1769 : vector<16xf32>
        %add3A_1771 = arith.addf %mul3A_1766, %mul3A_1770 : vector<16xf32>
        %get3A_1772 = arith.constant 114 : index
        %get3A_1773 = tpu.vector_load %arg8[%get3A_1772] {strides = array<i32>} : memref<528xf32, #tpu.memory_space<vmem>>, vector<16xf32>,
        %get3A_1774 = vector.shape_cast %get3A_1773 : vector<16xf32> to vector<16xf32>
        %mul3A_1775 = arith.mulf %get3A_39, %get3A_1774 : vector<16xf32>
        %add3A_1776 = arith.addf %add3A_1771, %mul3A_1775 : vector<16xf32>
        %get3A_1777 = arith.constant 115 : index
        %get3A_1778 = tpu.vector_load %arg8[%get3A_1777] {strides = array<i32>} : memref<528xf32, #tpu.memory_space<vmem>>, vector<16xf32>,
        %get3A_1779 = vector.shape_cast %get3A_1778 : vector<16xf32> to vector<16xf32>
        %mul3A_1780 = arith.mulf %get3A_44, %get3A_1779 : vector<16xf32>
        %add3A_1781 = arith.addf %add3A_1776, %mul3A_1780 : vector<16xf32>
        %get3A_1782 = arith.constant 116 : index
        %get3A_1783 = tpu.vector_load %arg8[%get3A_1782] {strides = array<i32>} : memref<528xf32, #tpu.memory_space<vmem>>, vector<16xf32>,
        %get3A_1784 = vector.shape_cast %get3A_1783 : vector<16xf32> to vector<16xf32>
        %mul3A_1785 = arith.mulf %get3A_49, %get3A_1784 : vector<16xf32>
        %add3A_1786 = arith.addf %add3A_1781, %mul3A_1785 : vector<16xf32>
        %gt3A_1787 = arith.constant 0.00999999977 : f32
        %gt3A_1788 = vector.broadcast %gt3A_1787 : f32 to vector<16xf32>
        %gt3A_1789 = arith.cmpf ogt, %add3A_1786, %gt3A_1788 : vector<16xf32>
        %jit3A_1790 = arith.constant 1.000000e+00 : f32
        %jit3A_1791 = arith.constant 0.000000e+00 : f32
        %broadcast_in_dim3A_1792 = vector.broadcast %jit3A_1790 : f32 to vector<16xf32>
        %broadcast_in_dim3A_1793 = vector.broadcast %jit3A_1791 : f32 to vector<16xf32>
        %select_n3A_1794 = arith.select %gt3A_1789, %broadcast_in_dim3A_1792, %broadcast_in_dim3A_1793 : vector<16xi1>, vector<16xf32>
        %max3A_1795 = arith.maximumf %select_n3A_1794, %broadcast_in_dim3A_129 : vector<16xf32>
        %swap3A_1796 = arith.index_cast %scan3A_137 : i32 to index
        %swap3A_1797 = arith.constant 112 : index
        %swap3A_1798 = tpu.vector_load %arg9[%swap3A_1796, %swap3A_1797] {strides = array<i32>} : memref<32x512xf32, #tpu.memory_space<vmem>>, vector<1x16xf32>,
        %swap3A_1799 = vector.shape_cast %swap3A_1798 : vector<1x16xf32> to vector<16xf32>
        %swap3A_1800 = vector.shape_cast %max3A_1795 : vector<16xf32> to vector<1x16xf32>
        tpu.vector_store %arg9[%swap3A_1796, %swap3A_1797], %swap3A_1800 {strides = array<i32>} : memref<32x512xf32, #tpu.memory_space<vmem>>, vector<1x16xf32>,
        %add3A_1801 = arith.addf %add3A_1762, %select_n3A_1794 : vector<16xf32>
        %get3A_1802 = arith.constant 128 : index
        %get3A_1803 = tpu.vector_load %arg8[%get3A_1802] {strides = array<i32>} : memref<528xf32, #tpu.memory_space<vmem>>, vector<16xf32>,
        %get3A_1804 = vector.shape_cast %get3A_1803 : vector<16xf32> to vector<16xf32>
        %mul3A_1805 = arith.mulf %get3A_29, %get3A_1804 : vector<16xf32>
        %get3A_1806 = arith.constant 129 : index
        %get3A_1807 = tpu.vector_load %arg8[%get3A_1806] {strides = array<i32>} : memref<528xf32, #tpu.memory_space<vmem>>, vector<16xf32>,
        %get3A_1808 = vector.shape_cast %get3A_1807 : vector<16xf32> to vector<16xf32>
        %mul3A_1809 = arith.mulf %get3A_34, %get3A_1808 : vector<16xf32>
        %add3A_1810 = arith.addf %mul3A_1805, %mul3A_1809 : vector<16xf32>
        %get3A_1811 = arith.constant 130 : index
        %get3A_1812 = tpu.vector_load %arg8[%get3A_1811] {strides = array<i32>} : memref<528xf32, #tpu.memory_space<vmem>>, vector<16xf32>,
        %get3A_1813 = vector.shape_cast %get3A_1812 : vector<16xf32> to vector<16xf32>
        %mul3A_1814 = arith.mulf %get3A_39, %get3A_1813 : vector<16xf32>
        %add3A_1815 = arith.addf %add3A_1810, %mul3A_1814 : vector<16xf32>
        %get3A_1816 = arith.constant 131 : index
        %get3A_1817 = tpu.vector_load %arg8[%get3A_1816] {strides = array<i32>} : memref<528xf32, #tpu.memory_space<vmem>>, vector<16xf32>,
        %get3A_1818 = vector.shape_cast %get3A_1817 : vector<16xf32> to vector<16xf32>
        %mul3A_1819 = arith.mulf %get3A_44, %get3A_1818 : vector<16xf32>
        %add3A_1820 = arith.addf %add3A_1815, %mul3A_1819 : vector<16xf32>
        %get3A_1821 = arith.constant 132 : index
        %get3A_1822 = tpu.vector_load %arg8[%get3A_1821] {strides = array<i32>} : memref<528xf32, #tpu.memory_space<vmem>>, vector<16xf32>,
        %get3A_1823 = vector.shape_cast %get3A_1822 : vector<16xf32> to vector<16xf32>
        %mul3A_1824 = arith.mulf %get3A_49, %get3A_1823 : vector<16xf32>
        %add3A_1825 = arith.addf %add3A_1820, %mul3A_1824 : vector<16xf32>
        %gt3A_1826 = arith.constant 0.00999999977 : f32
        %gt3A_1827 = vector.broadcast %gt3A_1826 : f32 to vector<16xf32>
        %gt3A_1828 = arith.cmpf ogt, %add3A_1825, %gt3A_1827 : vector<16xf32>
        %jit3A_1829 = arith.constant 1.000000e+00 : f32
        %jit3A_1830 = arith.constant 0.000000e+00 : f32
        %broadcast_in_dim3A_1831 = vector.broadcast %jit3A_1829 : f32 to vector<16xf32>
        %broadcast_in_dim3A_1832 = vector.broadcast %jit3A_1830 : f32 to vector<16xf32>
        %select_n3A_1833 = arith.select %gt3A_1828, %broadcast_in_dim3A_1831, %broadcast_in_dim3A_1832 : vector<16xi1>, vector<16xf32>
        %max3A_1834 = arith.maximumf %select_n3A_1833, %broadcast_in_dim3A_129 : vector<16xf32>
        %swap3A_1835 = arith.index_cast %scan3A_137 : i32 to index
        %swap3A_1836 = arith.constant 128 : index
        %swap3A_1837 = tpu.vector_load %arg9[%swap3A_1835, %swap3A_1836] {strides = array<i32>} : memref<32x512xf32, #tpu.memory_space<vmem>>, vector<1x16xf32>,
        %swap3A_1838 = vector.shape_cast %swap3A_1837 : vector<1x16xf32> to vector<16xf32>
        %swap3A_1839 = vector.shape_cast %max3A_1834 : vector<16xf32> to vector<1x16xf32>
        tpu.vector_store %arg9[%swap3A_1835, %swap3A_1836], %swap3A_1839 {strides = array<i32>} : memref<32x512xf32, #tpu.memory_space<vmem>>, vector<1x16xf32>,
        %add3A_1840 = arith.addf %add3A_1801, %select_n3A_1833 : vector<16xf32>
        %get3A_1841 = arith.constant 144 : index
        %get3A_1842 = tpu.vector_load %arg8[%get3A_1841] {strides = array<i32>} : memref<528xf32, #tpu.memory_space<vmem>>, vector<16xf32>,
        %get3A_1843 = vector.shape_cast %get3A_1842 : vector<16xf32> to vector<16xf32>
        %mul3A_1844 = arith.mulf %get3A_29, %get3A_1843 : vector<16xf32>
        %get3A_1845 = arith.constant 145 : index
        %get3A_1846 = tpu.vector_load %arg8[%get3A_1845] {strides = array<i32>} : memref<528xf32, #tpu.memory_space<vmem>>, vector<16xf32>,
        %get3A_1847 = vector.shape_cast %get3A_1846 : vector<16xf32> to vector<16xf32>
        %mul3A_1848 = arith.mulf %get3A_34, %get3A_1847 : vector<16xf32>
        %add3A_1849 = arith.addf %mul3A_1844, %mul3A_1848 : vector<16xf32>
        %get3A_1850 = arith.constant 146 : index
        %get3A_1851 = tpu.vector_load %arg8[%get3A_1850] {strides = array<i32>} : memref<528xf32, #tpu.memory_space<vmem>>, vector<16xf32>,
        %get3A_1852 = vector.shape_cast %get3A_1851 : vector<16xf32> to vector<16xf32>
        %mul3A_1853 = arith.mulf %get3A_39, %get3A_1852 : vector<16xf32>
        %add3A_1854 = arith.addf %add3A_1849, %mul3A_1853 : vector<16xf32>
        %get3A_1855 = arith.constant 147 : index
        %get3A_1856 = tpu.vector_load %arg8[%get3A_1855] {strides = array<i32>} : memref<528xf32, #tpu.memory_space<vmem>>, vector<16xf32>,
        %get3A_1857 = vector.shape_cast %get3A_1856 : vector<16xf32> to vector<16xf32>
        %mul3A_1858 = arith.mulf %get3A_44, %get3A_1857 : vector<16xf32>
        %add3A_1859 = arith.addf %add3A_1854, %mul3A_1858 : vector<16xf32>
        %get3A_1860 = arith.constant 148 : index
        %get3A_1861 = tpu.vector_load %arg8[%get3A_1860] {strides = array<i32>} : memref<528xf32, #tpu.memory_space<vmem>>, vector<16xf32>,
        %get3A_1862 = vector.shape_cast %get3A_1861 : vector<16xf32> to vector<16xf32>
        %mul3A_1863 = arith.mulf %get3A_49, %get3A_1862 : vector<16xf32>
        %add3A_1864 = arith.addf %add3A_1859, %mul3A_1863 : vector<16xf32>
        %gt3A_1865 = arith.constant 0.00999999977 : f32
        %gt3A_1866 = vector.broadcast %gt3A_1865 : f32 to vector<16xf32>
        %gt3A_1867 = arith.cmpf ogt, %add3A_1864, %gt3A_1866 : vector<16xf32>
        %jit3A_1868 = arith.constant 1.000000e+00 : f32
        %jit3A_1869 = arith.constant 0.000000e+00 : f32
        %broadcast_in_dim3A_1870 = vector.broadcast %jit3A_1868 : f32 to vector<16xf32>
        %broadcast_in_dim3A_1871 = vector.broadcast %jit3A_1869 : f32 to vector<16xf32>
        %select_n3A_1872 = arith.select %gt3A_1867, %broadcast_in_dim3A_1870, %broadcast_in_dim3A_1871 : vector<16xi1>, vector<16xf32>
        %max3A_1873 = arith.maximumf %select_n3A_1872, %broadcast_in_dim3A_129 : vector<16xf32>
        %swap3A_1874 = arith.index_cast %scan3A_137 : i32 to index
        %swap3A_1875 = arith.constant 144 : index
        %swap3A_1876 = tpu.vector_load %arg9[%swap3A_1874, %swap3A_1875] {strides = array<i32>} : memref<32x512xf32, #tpu.memory_space<vmem>>, vector<1x16xf32>,
        %swap3A_1877 = vector.shape_cast %swap3A_1876 : vector<1x16xf32> to vector<16xf32>
        %swap3A_1878 = vector.shape_cast %max3A_1873 : vector<16xf32> to vector<1x16xf32>
        tpu.vector_store %arg9[%swap3A_1874, %swap3A_1875], %swap3A_1878 {strides = array<i32>} : memref<32x512xf32, #tpu.memory_space<vmem>>, vector<1x16xf32>,
        %add3A_1879 = arith.addf %add3A_1840, %select_n3A_1872 : vector<16xf32>
        %get3A_1880 = arith.constant 160 : index
        %get3A_1881 = tpu.vector_load %arg8[%get3A_1880] {strides = array<i32>} : memref<528xf32, #tpu.memory_space<vmem>>, vector<16xf32>,
        %get3A_1882 = vector.shape_cast %get3A_1881 : vector<16xf32> to vector<16xf32>
        %mul3A_1883 = arith.mulf %get3A_29, %get3A_1882 : vector<16xf32>
        %get3A_1884 = arith.constant 161 : index
        %get3A_1885 = tpu.vector_load %arg8[%get3A_1884] {strides = array<i32>} : memref<528xf32, #tpu.memory_space<vmem>>, vector<16xf32>,
        %get3A_1886 = vector.shape_cast %get3A_1885 : vector<16xf32> to vector<16xf32>
        %mul3A_1887 = arith.mulf %get3A_34, %get3A_1886 : vector<16xf32>
        %add3A_1888 = arith.addf %mul3A_1883, %mul3A_1887 : vector<16xf32>
        %get3A_1889 = arith.constant 162 : index
        %get3A_1890 = tpu.vector_load %arg8[%get3A_1889] {strides = array<i32>} : memref<528xf32, #tpu.memory_space<vmem>>, vector<16xf32>,
        %get3A_1891 = vector.shape_cast %get3A_1890 : vector<16xf32> to vector<16xf32>
        %mul3A_1892 = arith.mulf %get3A_39, %get3A_1891 : vector<16xf32>
        %add3A_1893 = arith.addf %add3A_1888, %mul3A_1892 : vector<16xf32>
        %get3A_1894 = arith.constant 163 : index
        %get3A_1895 = tpu.vector_load %arg8[%get3A_1894] {strides = array<i32>} : memref<528xf32, #tpu.memory_space<vmem>>, vector<16xf32>,
        %get3A_1896 = vector.shape_cast %get3A_1895 : vector<16xf32> to vector<16xf32>
        %mul3A_1897 = arith.mulf %get3A_44, %get3A_1896 : vector<16xf32>
        %add3A_1898 = arith.addf %add3A_1893, %mul3A_1897 : vector<16xf32>
        %get3A_1899 = arith.constant 164 : index
        %get3A_1900 = tpu.vector_load %arg8[%get3A_1899] {strides = array<i32>} : memref<528xf32, #tpu.memory_space<vmem>>, vector<16xf32>,
        %get3A_1901 = vector.shape_cast %get3A_1900 : vector<16xf32> to vector<16xf32>
        %mul3A_1902 = arith.mulf %get3A_49, %get3A_1901 : vector<16xf32>
        %add3A_1903 = arith.addf %add3A_1898, %mul3A_1902 : vector<16xf32>
        %gt3A_1904 = arith.constant 0.00999999977 : f32
        %gt3A_1905 = vector.broadcast %gt3A_1904 : f32 to vector<16xf32>
        %gt3A_1906 = arith.cmpf ogt, %add3A_1903, %gt3A_1905 : vector<16xf32>
        %jit3A_1907 = arith.constant 1.000000e+00 : f32
        %jit3A_1908 = arith.constant 0.000000e+00 : f32
        %broadcast_in_dim3A_1909 = vector.broadcast %jit3A_1907 : f32 to vector<16xf32>
        %broadcast_in_dim3A_1910 = vector.broadcast %jit3A_1908 : f32 to vector<16xf32>
        %select_n3A_1911 = arith.select %gt3A_1906, %broadcast_in_dim3A_1909, %broadcast_in_dim3A_1910 : vector<16xi1>, vector<16xf32>
        %max3A_1912 = arith.maximumf %select_n3A_1911, %broadcast_in_dim3A_129 : vector<16xf32>
        %swap3A_1913 = arith.index_cast %scan3A_137 : i32 to index
        %swap3A_1914 = arith.constant 160 : index
        %swap3A_1915 = tpu.vector_load %arg9[%swap3A_1913, %swap3A_1914] {strides = array<i32>} : memref<32x512xf32, #tpu.memory_space<vmem>>, vector<1x16xf32>,
        %swap3A_1916 = vector.shape_cast %swap3A_1915 : vector<1x16xf32> to vector<16xf32>
        %swap3A_1917 = vector.shape_cast %max3A_1912 : vector<16xf32> to vector<1x16xf32>
        tpu.vector_store %arg9[%swap3A_1913, %swap3A_1914], %swap3A_1917 {strides = array<i32>} : memref<32x512xf32, #tpu.memory_space<vmem>>, vector<1x16xf32>,
        %add3A_1918 = arith.addf %add3A_1879, %select_n3A_1911 : vector<16xf32>
        %get3A_1919 = arith.constant 176 : index
        %get3A_1920 = tpu.vector_load %arg8[%get3A_1919] {strides = array<i32>} : memref<528xf32, #tpu.memory_space<vmem>>, vector<16xf32>,
        %get3A_1921 = vector.shape_cast %get3A_1920 : vector<16xf32> to vector<16xf32>
        %mul3A_1922 = arith.mulf %get3A_29, %get3A_1921 : vector<16xf32>
        %get3A_1923 = arith.constant 177 : index
        %get3A_1924 = tpu.vector_load %arg8[%get3A_1923] {strides = array<i32>} : memref<528xf32, #tpu.memory_space<vmem>>, vector<16xf32>,
        %get3A_1925 = vector.shape_cast %get3A_1924 : vector<16xf32> to vector<16xf32>
        %mul3A_1926 = arith.mulf %get3A_34, %get3A_1925 : vector<16xf32>
        %add3A_1927 = arith.addf %mul3A_1922, %mul3A_1926 : vector<16xf32>
        %get3A_1928 = arith.constant 178 : index
        %get3A_1929 = tpu.vector_load %arg8[%get3A_1928] {strides = array<i32>} : memref<528xf32, #tpu.memory_space<vmem>>, vector<16xf32>,
        %get3A_1930 = vector.shape_cast %get3A_1929 : vector<16xf32> to vector<16xf32>
        %mul3A_1931 = arith.mulf %get3A_39, %get3A_1930 : vector<16xf32>
        %add3A_1932 = arith.addf %add3A_1927, %mul3A_1931 : vector<16xf32>
        %get3A_1933 = arith.constant 179 : index
        %get3A_1934 = tpu.vector_load %arg8[%get3A_1933] {strides = array<i32>} : memref<528xf32, #tpu.memory_space<vmem>>, vector<16xf32>,
        %get3A_1935 = vector.shape_cast %get3A_1934 : vector<16xf32> to vector<16xf32>
        %mul3A_1936 = arith.mulf %get3A_44, %get3A_1935 : vector<16xf32>
        %add3A_1937 = arith.addf %add3A_1932, %mul3A_1936 : vector<16xf32>
        %get3A_1938 = arith.constant 180 : index
        %get3A_1939 = tpu.vector_load %arg8[%get3A_1938] {strides = array<i32>} : memref<528xf32, #tpu.memory_space<vmem>>, vector<16xf32>,
        %get3A_1940 = vector.shape_cast %get3A_1939 : vector<16xf32> to vector<16xf32>
        %mul3A_1941 = arith.mulf %get3A_49, %get3A_1940 : vector<16xf32>
        %add3A_1942 = arith.addf %add3A_1937, %mul3A_1941 : vector<16xf32>
        %gt3A_1943 = arith.constant 0.00999999977 : f32
        %gt3A_1944 = vector.broadcast %gt3A_1943 : f32 to vector<16xf32>
        %gt3A_1945 = arith.cmpf ogt, %add3A_1942, %gt3A_1944 : vector<16xf32>
        %jit3A_1946 = arith.constant 1.000000e+00 : f32
        %jit3A_1947 = arith.constant 0.000000e+00 : f32
        %broadcast_in_dim3A_1948 = vector.broadcast %jit3A_1946 : f32 to vector<16xf32>
        %broadcast_in_dim3A_1949 = vector.broadcast %jit3A_1947 : f32 to vector<16xf32>
        %select_n3A_1950 = arith.select %gt3A_1945, %broadcast_in_dim3A_1948, %broadcast_in_dim3A_1949 : vector<16xi1>, vector<16xf32>
        %max3A_1951 = arith.maximumf %select_n3A_1950, %broadcast_in_dim3A_129 : vector<16xf32>
        %swap3A_1952 = arith.index_cast %scan3A_137 : i32 to index
        %swap3A_1953 = arith.constant 176 : index
        %swap3A_1954 = tpu.vector_load %arg9[%swap3A_1952, %swap3A_1953] {strides = array<i32>} : memref<32x512xf32, #tpu.memory_space<vmem>>, vector<1x16xf32>,
        %swap3A_1955 = vector.shape_cast %swap3A_1954 : vector<1x16xf32> to vector<16xf32>
        %swap3A_1956 = vector.shape_cast %max3A_1951 : vector<16xf32> to vector<1x16xf32>
        tpu.vector_store %arg9[%swap3A_1952, %swap3A_1953], %swap3A_1956 {strides = array<i32>} : memref<32x512xf32, #tpu.memory_space<vmem>>, vector<1x16xf32>,
        %add3A_1957 = arith.addf %add3A_1918, %select_n3A_1950 : vector<16xf32>
        %get3A_1958 = arith.constant 192 : index
        %get3A_1959 = tpu.vector_load %arg8[%get3A_1958] {strides = array<i32>} : memref<528xf32, #tpu.memory_space<vmem>>, vector<16xf32>,
        %get3A_1960 = vector.shape_cast %get3A_1959 : vector<16xf32> to vector<16xf32>
        %mul3A_1961 = arith.mulf %get3A_29, %get3A_1960 : vector<16xf32>
        %get3A_1962 = arith.constant 193 : index
        %get3A_1963 = tpu.vector_load %arg8[%get3A_1962] {strides = array<i32>} : memref<528xf32, #tpu.memory_space<vmem>>, vector<16xf32>,
        %get3A_1964 = vector.shape_cast %get3A_1963 : vector<16xf32> to vector<16xf32>
        %mul3A_1965 = arith.mulf %get3A_34, %get3A_1964 : vector<16xf32>
        %add3A_1966 = arith.addf %mul3A_1961, %mul3A_1965 : vector<16xf32>
        %get3A_1967 = arith.constant 194 : index
        %get3A_1968 = tpu.vector_load %arg8[%get3A_1967] {strides = array<i32>} : memref<528xf32, #tpu.memory_space<vmem>>, vector<16xf32>,
        %get3A_1969 = vector.shape_cast %get3A_1968 : vector<16xf32> to vector<16xf32>
        %mul3A_1970 = arith.mulf %get3A_39, %get3A_1969 : vector<16xf32>
        %add3A_1971 = arith.addf %add3A_1966, %mul3A_1970 : vector<16xf32>
        %get3A_1972 = arith.constant 195 : index
        %get3A_1973 = tpu.vector_load %arg8[%get3A_1972] {strides = array<i32>} : memref<528xf32, #tpu.memory_space<vmem>>, vector<16xf32>,
        %get3A_1974 = vector.shape_cast %get3A_1973 : vector<16xf32> to vector<16xf32>
        %mul3A_1975 = arith.mulf %get3A_44, %get3A_1974 : vector<16xf32>
        %add3A_1976 = arith.addf %add3A_1971, %mul3A_1975 : vector<16xf32>
        %get3A_1977 = arith.constant 196 : index
        %get3A_1978 = tpu.vector_load %arg8[%get3A_1977] {strides = array<i32>} : memref<528xf32, #tpu.memory_space<vmem>>, vector<16xf32>,
        %get3A_1979 = vector.shape_cast %get3A_1978 : vector<16xf32> to vector<16xf32>
        %mul3A_1980 = arith.mulf %get3A_49, %get3A_1979 : vector<16xf32>
        %add3A_1981 = arith.addf %add3A_1976, %mul3A_1980 : vector<16xf32>
        %gt3A_1982 = arith.constant 0.00999999977 : f32
        %gt3A_1983 = vector.broadcast %gt3A_1982 : f32 to vector<16xf32>
        %gt3A_1984 = arith.cmpf ogt, %add3A_1981, %gt3A_1983 : vector<16xf32>
        %jit3A_1985 = arith.constant 1.000000e+00 : f32
        %jit3A_1986 = arith.constant 0.000000e+00 : f32
        %broadcast_in_dim3A_1987 = vector.broadcast %jit3A_1985 : f32 to vector<16xf32>
        %broadcast_in_dim3A_1988 = vector.broadcast %jit3A_1986 : f32 to vector<16xf32>
        %select_n3A_1989 = arith.select %gt3A_1984, %broadcast_in_dim3A_1987, %broadcast_in_dim3A_1988 : vector<16xi1>, vector<16xf32>
        %max3A_1990 = arith.maximumf %select_n3A_1989, %broadcast_in_dim3A_129 : vector<16xf32>
        %swap3A_1991 = arith.index_cast %scan3A_137 : i32 to index
        %swap3A_1992 = arith.constant 192 : index
        %swap3A_1993 = tpu.vector_load %arg9[%swap3A_1991, %swap3A_1992] {strides = array<i32>} : memref<32x512xf32, #tpu.memory_space<vmem>>, vector<1x16xf32>,
        %swap3A_1994 = vector.shape_cast %swap3A_1993 : vector<1x16xf32> to vector<16xf32>
        %swap3A_1995 = vector.shape_cast %max3A_1990 : vector<16xf32> to vector<1x16xf32>
        tpu.vector_store %arg9[%swap3A_1991, %swap3A_1992], %swap3A_1995 {strides = array<i32>} : memref<32x512xf32, #tpu.memory_space<vmem>>, vector<1x16xf32>,
        %add3A_1996 = arith.addf %add3A_1957, %select_n3A_1989 : vector<16xf32>
        %get3A_1997 = arith.constant 208 : index
        %get3A_1998 = tpu.vector_load %arg8[%get3A_1997] {strides = array<i32>} : memref<528xf32, #tpu.memory_space<vmem>>, vector<16xf32>,
        %get3A_1999 = vector.shape_cast %get3A_1998 : vector<16xf32> to vector<16xf32>
        %mul3A_2000 = arith.mulf %get3A_29, %get3A_1999 : vector<16xf32>
        %get3A_2001 = arith.constant 209 : index
        %get3A_2002 = tpu.vector_load %arg8[%get3A_2001] {strides = array<i32>} : memref<528xf32, #tpu.memory_space<vmem>>, vector<16xf32>,
        %get3A_2003 = vector.shape_cast %get3A_2002 : vector<16xf32> to vector<16xf32>
        %mul3A_2004 = arith.mulf %get3A_34, %get3A_2003 : vector<16xf32>
        %add3A_2005 = arith.addf %mul3A_2000, %mul3A_2004 : vector<16xf32>
        %get3A_2006 = arith.constant 210 : index
        %get3A_2007 = tpu.vector_load %arg8[%get3A_2006] {strides = array<i32>} : memref<528xf32, #tpu.memory_space<vmem>>, vector<16xf32>,
        %get3A_2008 = vector.shape_cast %get3A_2007 : vector<16xf32> to vector<16xf32>
        %mul3A_2009 = arith.mulf %get3A_39, %get3A_2008 : vector<16xf32>
        %add3A_2010 = arith.addf %add3A_2005, %mul3A_2009 : vector<16xf32>
        %get3A_2011 = arith.constant 211 : index
        %get3A_2012 = tpu.vector_load %arg8[%get3A_2011] {strides = array<i32>} : memref<528xf32, #tpu.memory_space<vmem>>, vector<16xf32>,
        %get3A_2013 = vector.shape_cast %get3A_2012 : vector<16xf32> to vector<16xf32>
        %mul3A_2014 = arith.mulf %get3A_44, %get3A_2013 : vector<16xf32>
        %add3A_2015 = arith.addf %add3A_2010, %mul3A_2014 : vector<16xf32>
        %get3A_2016 = arith.constant 212 : index
        %get3A_2017 = tpu.vector_load %arg8[%get3A_2016] {strides = array<i32>} : memref<528xf32, #tpu.memory_space<vmem>>, vector<16xf32>,
        %get3A_2018 = vector.shape_cast %get3A_2017 : vector<16xf32> to vector<16xf32>
        %mul3A_2019 = arith.mulf %get3A_49, %get3A_2018 : vector<16xf32>
        %add3A_2020 = arith.addf %add3A_2015, %mul3A_2019 : vector<16xf32>
        %gt3A_2021 = arith.constant 0.00999999977 : f32
        %gt3A_2022 = vector.broadcast %gt3A_2021 : f32 to vector<16xf32>
        %gt3A_2023 = arith.cmpf ogt, %add3A_2020, %gt3A_2022 : vector<16xf32>
        %jit3A_2024 = arith.constant 1.000000e+00 : f32
        %jit3A_2025 = arith.constant 0.000000e+00 : f32
        %broadcast_in_dim3A_2026 = vector.broadcast %jit3A_2024 : f32 to vector<16xf32>
        %broadcast_in_dim3A_2027 = vector.broadcast %jit3A_2025 : f32 to vector<16xf32>
        %select_n3A_2028 = arith.select %gt3A_2023, %broadcast_in_dim3A_2026, %broadcast_in_dim3A_2027 : vector<16xi1>, vector<16xf32>
        %max3A_2029 = arith.maximumf %select_n3A_2028, %broadcast_in_dim3A_129 : vector<16xf32>
        %swap3A_2030 = arith.index_cast %scan3A_137 : i32 to index
        %swap3A_2031 = arith.constant 208 : index
        %swap3A_2032 = tpu.vector_load %arg9[%swap3A_2030, %swap3A_2031] {strides = array<i32>} : memref<32x512xf32, #tpu.memory_space<vmem>>, vector<1x16xf32>,
        %swap3A_2033 = vector.shape_cast %swap3A_2032 : vector<1x16xf32> to vector<16xf32>
        %swap3A_2034 = vector.shape_cast %max3A_2029 : vector<16xf32> to vector<1x16xf32>
        tpu.vector_store %arg9[%swap3A_2030, %swap3A_2031], %swap3A_2034 {strides = array<i32>} : memref<32x512xf32, #tpu.memory_space<vmem>>, vector<1x16xf32>,
        %add3A_2035 = arith.addf %add3A_1996, %select_n3A_2028 : vector<16xf32>
        %get3A_2036 = arith.constant 224 : index
        %get3A_2037 = tpu.vector_load %arg8[%get3A_2036] {strides = array<i32>} : memref<528xf32, #tpu.memory_space<vmem>>, vector<16xf32>,
        %get3A_2038 = vector.shape_cast %get3A_2037 : vector<16xf32> to vector<16xf32>
        %mul3A_2039 = arith.mulf %get3A_29, %get3A_2038 : vector<16xf32>
        %get3A_2040 = arith.constant 225 : index
        %get3A_2041 = tpu.vector_load %arg8[%get3A_2040] {strides = array<i32>} : memref<528xf32, #tpu.memory_space<vmem>>, vector<16xf32>,
        %get3A_2042 = vector.shape_cast %get3A_2041 : vector<16xf32> to vector<16xf32>
        %mul3A_2043 = arith.mulf %get3A_34, %get3A_2042 : vector<16xf32>
        %add3A_2044 = arith.addf %mul3A_2039, %mul3A_2043 : vector<16xf32>
        %get3A_2045 = arith.constant 226 : index
        %get3A_2046 = tpu.vector_load %arg8[%get3A_2045] {strides = array<i32>} : memref<528xf32, #tpu.memory_space<vmem>>, vector<16xf32>,
        %get3A_2047 = vector.shape_cast %get3A_2046 : vector<16xf32> to vector<16xf32>
        %mul3A_2048 = arith.mulf %get3A_39, %get3A_2047 : vector<16xf32>
        %add3A_2049 = arith.addf %add3A_2044, %mul3A_2048 : vector<16xf32>
        %get3A_2050 = arith.constant 227 : index
        %get3A_2051 = tpu.vector_load %arg8[%get3A_2050] {strides = array<i32>} : memref<528xf32, #tpu.memory_space<vmem>>, vector<16xf32>,
        %get3A_2052 = vector.shape_cast %get3A_2051 : vector<16xf32> to vector<16xf32>
        %mul3A_2053 = arith.mulf %get3A_44, %get3A_2052 : vector<16xf32>
        %add3A_2054 = arith.addf %add3A_2049, %mul3A_2053 : vector<16xf32>
        %get3A_2055 = arith.constant 228 : index
        %get3A_2056 = tpu.vector_load %arg8[%get3A_2055] {strides = array<i32>} : memref<528xf32, #tpu.memory_space<vmem>>, vector<16xf32>,
        %get3A_2057 = vector.shape_cast %get3A_2056 : vector<16xf32> to vector<16xf32>
        %mul3A_2058 = arith.mulf %get3A_49, %get3A_2057 : vector<16xf32>
        %add3A_2059 = arith.addf %add3A_2054, %mul3A_2058 : vector<16xf32>
        %gt3A_2060 = arith.constant 0.00999999977 : f32
        %gt3A_2061 = vector.broadcast %gt3A_2060 : f32 to vector<16xf32>
        %gt3A_2062 = arith.cmpf ogt, %add3A_2059, %gt3A_2061 : vector<16xf32>
        %jit3A_2063 = arith.constant 1.000000e+00 : f32
        %jit3A_2064 = arith.constant 0.000000e+00 : f32
        %broadcast_in_dim3A_2065 = vector.broadcast %jit3A_2063 : f32 to vector<16xf32>
        %broadcast_in_dim3A_2066 = vector.broadcast %jit3A_2064 : f32 to vector<16xf32>
        %select_n3A_2067 = arith.select %gt3A_2062, %broadcast_in_dim3A_2065, %broadcast_in_dim3A_2066 : vector<16xi1>, vector<16xf32>
        %max3A_2068 = arith.maximumf %select_n3A_2067, %broadcast_in_dim3A_129 : vector<16xf32>
        %swap3A_2069 = arith.index_cast %scan3A_137 : i32 to index
        %swap3A_2070 = arith.constant 224 : index
        %swap3A_2071 = tpu.vector_load %arg9[%swap3A_2069, %swap3A_2070] {strides = array<i32>} : memref<32x512xf32, #tpu.memory_space<vmem>>, vector<1x16xf32>,
        %swap3A_2072 = vector.shape_cast %swap3A_2071 : vector<1x16xf32> to vector<16xf32>
        %swap3A_2073 = vector.shape_cast %max3A_2068 : vector<16xf32> to vector<1x16xf32>
        tpu.vector_store %arg9[%swap3A_2069, %swap3A_2070], %swap3A_2073 {strides = array<i32>} : memref<32x512xf32, #tpu.memory_space<vmem>>, vector<1x16xf32>,
        %add3A_2074 = arith.addf %add3A_2035, %select_n3A_2067 : vector<16xf32>
        %get3A_2075 = arith.constant 240 : index
        %get3A_2076 = tpu.vector_load %arg8[%get3A_2075] {strides = array<i32>} : memref<528xf32, #tpu.memory_space<vmem>>, vector<16xf32>,
        %get3A_2077 = vector.shape_cast %get3A_2076 : vector<16xf32> to vector<16xf32>
        %mul3A_2078 = arith.mulf %get3A_29, %get3A_2077 : vector<16xf32>
        %get3A_2079 = arith.constant 241 : index
        %get3A_2080 = tpu.vector_load %arg8[%get3A_2079] {strides = array<i32>} : memref<528xf32, #tpu.memory_space<vmem>>, vector<16xf32>,
        %get3A_2081 = vector.shape_cast %get3A_2080 : vector<16xf32> to vector<16xf32>
        %mul3A_2082 = arith.mulf %get3A_34, %get3A_2081 : vector<16xf32>
        %add3A_2083 = arith.addf %mul3A_2078, %mul3A_2082 : vector<16xf32>
        %get3A_2084 = arith.constant 242 : index
        %get3A_2085 = tpu.vector_load %arg8[%get3A_2084] {strides = array<i32>} : memref<528xf32, #tpu.memory_space<vmem>>, vector<16xf32>,
        %get3A_2086 = vector.shape_cast %get3A_2085 : vector<16xf32> to vector<16xf32>
        %mul3A_2087 = arith.mulf %get3A_39, %get3A_2086 : vector<16xf32>
        %add3A_2088 = arith.addf %add3A_2083, %mul3A_2087 : vector<16xf32>
        %get3A_2089 = arith.constant 243 : index
        %get3A_2090 = tpu.vector_load %arg8[%get3A_2089] {strides = array<i32>} : memref<528xf32, #tpu.memory_space<vmem>>, vector<16xf32>,
        %get3A_2091 = vector.shape_cast %get3A_2090 : vector<16xf32> to vector<16xf32>
        %mul3A_2092 = arith.mulf %get3A_44, %get3A_2091 : vector<16xf32>
        %add3A_2093 = arith.addf %add3A_2088, %mul3A_2092 : vector<16xf32>
        %get3A_2094 = arith.constant 244 : index
        %get3A_2095 = tpu.vector_load %arg8[%get3A_2094] {strides = array<i32>} : memref<528xf32, #tpu.memory_space<vmem>>, vector<16xf32>,
        %get3A_2096 = vector.shape_cast %get3A_2095 : vector<16xf32> to vector<16xf32>
        %mul3A_2097 = arith.mulf %get3A_49, %get3A_2096 : vector<16xf32>
        %add3A_2098 = arith.addf %add3A_2093, %mul3A_2097 : vector<16xf32>
        %gt3A_2099 = arith.constant 0.00999999977 : f32
        %gt3A_2100 = vector.broadcast %gt3A_2099 : f32 to vector<16xf32>
        %gt3A_2101 = arith.cmpf ogt, %add3A_2098, %gt3A_2100 : vector<16xf32>
        %jit3A_2102 = arith.constant 1.000000e+00 : f32
        %jit3A_2103 = arith.constant 0.000000e+00 : f32
        %broadcast_in_dim3A_2104 = vector.broadcast %jit3A_2102 : f32 to vector<16xf32>
        %broadcast_in_dim3A_2105 = vector.broadcast %jit3A_2103 : f32 to vector<16xf32>
        %select_n3A_2106 = arith.select %gt3A_2101, %broadcast_in_dim3A_2104, %broadcast_in_dim3A_2105 : vector<16xi1>, vector<16xf32>
        %max3A_2107 = arith.maximumf %select_n3A_2106, %broadcast_in_dim3A_129 : vector<16xf32>
        %swap3A_2108 = arith.index_cast %scan3A_137 : i32 to index
        %swap3A_2109 = arith.constant 240 : index
        %swap3A_2110 = tpu.vector_load %arg9[%swap3A_2108, %swap3A_2109] {strides = array<i32>} : memref<32x512xf32, #tpu.memory_space<vmem>>, vector<1x16xf32>,
        %swap3A_2111 = vector.shape_cast %swap3A_2110 : vector<1x16xf32> to vector<16xf32>
        %swap3A_2112 = vector.shape_cast %max3A_2107 : vector<16xf32> to vector<1x16xf32>
        tpu.vector_store %arg9[%swap3A_2108, %swap3A_2109], %swap3A_2112 {strides = array<i32>} : memref<32x512xf32, #tpu.memory_space<vmem>>, vector<1x16xf32>,
        %add3A_2113 = arith.addf %add3A_2074, %select_n3A_2106 : vector<16xf32>
        %get3A_2114 = arith.constant 256 : index
        %get3A_2115 = tpu.vector_load %arg8[%get3A_2114] {strides = array<i32>} : memref<528xf32, #tpu.memory_space<vmem>>, vector<16xf32>,
        %get3A_2116 = vector.shape_cast %get3A_2115 : vector<16xf32> to vector<16xf32>
        %mul3A_2117 = arith.mulf %get3A_29, %get3A_2116 : vector<16xf32>
        %get3A_2118 = arith.constant 257 : index
        %get3A_2119 = tpu.vector_load %arg8[%get3A_2118] {strides = array<i32>} : memref<528xf32, #tpu.memory_space<vmem>>, vector<16xf32>,
        %get3A_2120 = vector.shape_cast %get3A_2119 : vector<16xf32> to vector<16xf32>
        %mul3A_2121 = arith.mulf %get3A_34, %get3A_2120 : vector<16xf32>
        %add3A_2122 = arith.addf %mul3A_2117, %mul3A_2121 : vector<16xf32>
        %get3A_2123 = arith.constant 258 : index
        %get3A_2124 = tpu.vector_load %arg8[%get3A_2123] {strides = array<i32>} : memref<528xf32, #tpu.memory_space<vmem>>, vector<16xf32>,
        %get3A_2125 = vector.shape_cast %get3A_2124 : vector<16xf32> to vector<16xf32>
        %mul3A_2126 = arith.mulf %get3A_39, %get3A_2125 : vector<16xf32>
        %add3A_2127 = arith.addf %add3A_2122, %mul3A_2126 : vector<16xf32>
        %get3A_2128 = arith.constant 259 : index
        %get3A_2129 = tpu.vector_load %arg8[%get3A_2128] {strides = array<i32>} : memref<528xf32, #tpu.memory_space<vmem>>, vector<16xf32>,
        %get3A_2130 = vector.shape_cast %get3A_2129 : vector<16xf32> to vector<16xf32>
        %mul3A_2131 = arith.mulf %get3A_44, %get3A_2130 : vector<16xf32>
        %add3A_2132 = arith.addf %add3A_2127, %mul3A_2131 : vector<16xf32>
        %get3A_2133 = arith.constant 260 : index
        %get3A_2134 = tpu.vector_load %arg8[%get3A_2133] {strides = array<i32>} : memref<528xf32, #tpu.memory_space<vmem>>, vector<16xf32>,
        %get3A_2135 = vector.shape_cast %get3A_2134 : vector<16xf32> to vector<16xf32>
        %mul3A_2136 = arith.mulf %get3A_49, %get3A_2135 : vector<16xf32>
        %add3A_2137 = arith.addf %add3A_2132, %mul3A_2136 : vector<16xf32>
        %gt3A_2138 = arith.constant 0.00999999977 : f32
        %gt3A_2139 = vector.broadcast %gt3A_2138 : f32 to vector<16xf32>
        %gt3A_2140 = arith.cmpf ogt, %add3A_2137, %gt3A_2139 : vector<16xf32>
        %jit3A_2141 = arith.constant 1.000000e+00 : f32
        %jit3A_2142 = arith.constant 0.000000e+00 : f32
        %broadcast_in_dim3A_2143 = vector.broadcast %jit3A_2141 : f32 to vector<16xf32>
        %broadcast_in_dim3A_2144 = vector.broadcast %jit3A_2142 : f32 to vector<16xf32>
        %select_n3A_2145 = arith.select %gt3A_2140, %broadcast_in_dim3A_2143, %broadcast_in_dim3A_2144 : vector<16xi1>, vector<16xf32>
        %max3A_2146 = arith.maximumf %select_n3A_2145, %broadcast_in_dim3A_129 : vector<16xf32>
        %swap3A_2147 = arith.index_cast %scan3A_137 : i32 to index
        %swap3A_2148 = arith.constant 256 : index
        %swap3A_2149 = tpu.vector_load %arg9[%swap3A_2147, %swap3A_2148] {strides = array<i32>} : memref<32x512xf32, #tpu.memory_space<vmem>>, vector<1x16xf32>,
        %swap3A_2150 = vector.shape_cast %swap3A_2149 : vector<1x16xf32> to vector<16xf32>
        %swap3A_2151 = vector.shape_cast %max3A_2146 : vector<16xf32> to vector<1x16xf32>
        tpu.vector_store %arg9[%swap3A_2147, %swap3A_2148], %swap3A_2151 {strides = array<i32>} : memref<32x512xf32, #tpu.memory_space<vmem>>, vector<1x16xf32>,
        %add3A_2152 = arith.addf %add3A_2113, %select_n3A_2145 : vector<16xf32>
        %get3A_2153 = arith.constant 272 : index
        %get3A_2154 = tpu.vector_load %arg8[%get3A_2153] {strides = array<i32>} : memref<528xf32, #tpu.memory_space<vmem>>, vector<16xf32>,
        %get3A_2155 = vector.shape_cast %get3A_2154 : vector<16xf32> to vector<16xf32>
        %mul3A_2156 = arith.mulf %get3A_29, %get3A_2155 : vector<16xf32>
        %get3A_2157 = arith.constant 273 : index
        %get3A_2158 = tpu.vector_load %arg8[%get3A_2157] {strides = array<i32>} : memref<528xf32, #tpu.memory_space<vmem>>, vector<16xf32>,
        %get3A_2159 = vector.shape_cast %get3A_2158 : vector<16xf32> to vector<16xf32>
        %mul3A_2160 = arith.mulf %get3A_34, %get3A_2159 : vector<16xf32>
        %add3A_2161 = arith.addf %mul3A_2156, %mul3A_2160 : vector<16xf32>
        %get3A_2162 = arith.constant 274 : index
        %get3A_2163 = tpu.vector_load %arg8[%get3A_2162] {strides = array<i32>} : memref<528xf32, #tpu.memory_space<vmem>>, vector<16xf32>,
        %get3A_2164 = vector.shape_cast %get3A_2163 : vector<16xf32> to vector<16xf32>
        %mul3A_2165 = arith.mulf %get3A_39, %get3A_2164 : vector<16xf32>
        %add3A_2166 = arith.addf %add3A_2161, %mul3A_2165 : vector<16xf32>
        %get3A_2167 = arith.constant 275 : index
        %get3A_2168 = tpu.vector_load %arg8[%get3A_2167] {strides = array<i32>} : memref<528xf32, #tpu.memory_space<vmem>>, vector<16xf32>,
        %get3A_2169 = vector.shape_cast %get3A_2168 : vector<16xf32> to vector<16xf32>
        %mul3A_2170 = arith.mulf %get3A_44, %get3A_2169 : vector<16xf32>
        %add3A_2171 = arith.addf %add3A_2166, %mul3A_2170 : vector<16xf32>
        %get3A_2172 = arith.constant 276 : index
        %get3A_2173 = tpu.vector_load %arg8[%get3A_2172] {strides = array<i32>} : memref<528xf32, #tpu.memory_space<vmem>>, vector<16xf32>,
        %get3A_2174 = vector.shape_cast %get3A_2173 : vector<16xf32> to vector<16xf32>
        %mul3A_2175 = arith.mulf %get3A_49, %get3A_2174 : vector<16xf32>
        %add3A_2176 = arith.addf %add3A_2171, %mul3A_2175 : vector<16xf32>
        %gt3A_2177 = arith.constant 0.00999999977 : f32
        %gt3A_2178 = vector.broadcast %gt3A_2177 : f32 to vector<16xf32>
        %gt3A_2179 = arith.cmpf ogt, %add3A_2176, %gt3A_2178 : vector<16xf32>
        %jit3A_2180 = arith.constant 1.000000e+00 : f32
        %jit3A_2181 = arith.constant 0.000000e+00 : f32
        %broadcast_in_dim3A_2182 = vector.broadcast %jit3A_2180 : f32 to vector<16xf32>
        %broadcast_in_dim3A_2183 = vector.broadcast %jit3A_2181 : f32 to vector<16xf32>
        %select_n3A_2184 = arith.select %gt3A_2179, %broadcast_in_dim3A_2182, %broadcast_in_dim3A_2183 : vector<16xi1>, vector<16xf32>
        %max3A_2185 = arith.maximumf %select_n3A_2184, %broadcast_in_dim3A_129 : vector<16xf32>
        %swap3A_2186 = arith.index_cast %scan3A_137 : i32 to index
        %swap3A_2187 = arith.constant 272 : index
        %swap3A_2188 = tpu.vector_load %arg9[%swap3A_2186, %swap3A_2187] {strides = array<i32>} : memref<32x512xf32, #tpu.memory_space<vmem>>, vector<1x16xf32>,
        %swap3A_2189 = vector.shape_cast %swap3A_2188 : vector<1x16xf32> to vector<16xf32>
        %swap3A_2190 = vector.shape_cast %max3A_2185 : vector<16xf32> to vector<1x16xf32>
        tpu.vector_store %arg9[%swap3A_2186, %swap3A_2187], %swap3A_2190 {strides = array<i32>} : memref<32x512xf32, #tpu.memory_space<vmem>>, vector<1x16xf32>,
        %add3A_2191 = arith.addf %add3A_2152, %select_n3A_2184 : vector<16xf32>
        %get3A_2192 = arith.constant 288 : index
        %get3A_2193 = tpu.vector_load %arg8[%get3A_2192] {strides = array<i32>} : memref<528xf32, #tpu.memory_space<vmem>>, vector<16xf32>,
        %get3A_2194 = vector.shape_cast %get3A_2193 : vector<16xf32> to vector<16xf32>
        %mul3A_2195 = arith.mulf %get3A_29, %get3A_2194 : vector<16xf32>
        %get3A_2196 = arith.constant 289 : index
        %get3A_2197 = tpu.vector_load %arg8[%get3A_2196] {strides = array<i32>} : memref<528xf32, #tpu.memory_space<vmem>>, vector<16xf32>,
        %get3A_2198 = vector.shape_cast %get3A_2197 : vector<16xf32> to vector<16xf32>
        %mul3A_2199 = arith.mulf %get3A_34, %get3A_2198 : vector<16xf32>
        %add3A_2200 = arith.addf %mul3A_2195, %mul3A_2199 : vector<16xf32>
        %get3A_2201 = arith.constant 290 : index
        %get3A_2202 = tpu.vector_load %arg8[%get3A_2201] {strides = array<i32>} : memref<528xf32, #tpu.memory_space<vmem>>, vector<16xf32>,
        %get3A_2203 = vector.shape_cast %get3A_2202 : vector<16xf32> to vector<16xf32>
        %mul3A_2204 = arith.mulf %get3A_39, %get3A_2203 : vector<16xf32>
        %add3A_2205 = arith.addf %add3A_2200, %mul3A_2204 : vector<16xf32>
        %get3A_2206 = arith.constant 291 : index
        %get3A_2207 = tpu.vector_load %arg8[%get3A_2206] {strides = array<i32>} : memref<528xf32, #tpu.memory_space<vmem>>, vector<16xf32>,
        %get3A_2208 = vector.shape_cast %get3A_2207 : vector<16xf32> to vector<16xf32>
        %mul3A_2209 = arith.mulf %get3A_44, %get3A_2208 : vector<16xf32>
        %add3A_2210 = arith.addf %add3A_2205, %mul3A_2209 : vector<16xf32>
        %get3A_2211 = arith.constant 292 : index
        %get3A_2212 = tpu.vector_load %arg8[%get3A_2211] {strides = array<i32>} : memref<528xf32, #tpu.memory_space<vmem>>, vector<16xf32>,
        %get3A_2213 = vector.shape_cast %get3A_2212 : vector<16xf32> to vector<16xf32>
        %mul3A_2214 = arith.mulf %get3A_49, %get3A_2213 : vector<16xf32>
        %add3A_2215 = arith.addf %add3A_2210, %mul3A_2214 : vector<16xf32>
        %gt3A_2216 = arith.constant 0.00999999977 : f32
        %gt3A_2217 = vector.broadcast %gt3A_2216 : f32 to vector<16xf32>
        %gt3A_2218 = arith.cmpf ogt, %add3A_2215, %gt3A_2217 : vector<16xf32>
        %jit3A_2219 = arith.constant 1.000000e+00 : f32
        %jit3A_2220 = arith.constant 0.000000e+00 : f32
        %broadcast_in_dim3A_2221 = vector.broadcast %jit3A_2219 : f32 to vector<16xf32>
        %broadcast_in_dim3A_2222 = vector.broadcast %jit3A_2220 : f32 to vector<16xf32>
        %select_n3A_2223 = arith.select %gt3A_2218, %broadcast_in_dim3A_2221, %broadcast_in_dim3A_2222 : vector<16xi1>, vector<16xf32>
        %max3A_2224 = arith.maximumf %select_n3A_2223, %broadcast_in_dim3A_129 : vector<16xf32>
        %swap3A_2225 = arith.index_cast %scan3A_137 : i32 to index
        %swap3A_2226 = arith.constant 288 : index
        %swap3A_2227 = tpu.vector_load %arg9[%swap3A_2225, %swap3A_2226] {strides = array<i32>} : memref<32x512xf32, #tpu.memory_space<vmem>>, vector<1x16xf32>,
        %swap3A_2228 = vector.shape_cast %swap3A_2227 : vector<1x16xf32> to vector<16xf32>
        %swap3A_2229 = vector.shape_cast %max3A_2224 : vector<16xf32> to vector<1x16xf32>
        tpu.vector_store %arg9[%swap3A_2225, %swap3A_2226], %swap3A_2229 {strides = array<i32>} : memref<32x512xf32, #tpu.memory_space<vmem>>, vector<1x16xf32>,
        %add3A_2230 = arith.addf %add3A_2191, %select_n3A_2223 : vector<16xf32>
        %get3A_2231 = arith.constant 304 : index
        %get3A_2232 = tpu.vector_load %arg8[%get3A_2231] {strides = array<i32>} : memref<528xf32, #tpu.memory_space<vmem>>, vector<16xf32>,
        %get3A_2233 = vector.shape_cast %get3A_2232 : vector<16xf32> to vector<16xf32>
        %mul3A_2234 = arith.mulf %get3A_29, %get3A_2233 : vector<16xf32>
        %get3A_2235 = arith.constant 305 : index
        %get3A_2236 = tpu.vector_load %arg8[%get3A_2235] {strides = array<i32>} : memref<528xf32, #tpu.memory_space<vmem>>, vector<16xf32>,
        %get3A_2237 = vector.shape_cast %get3A_2236 : vector<16xf32> to vector<16xf32>
        %mul3A_2238 = arith.mulf %get3A_34, %get3A_2237 : vector<16xf32>
        %add3A_2239 = arith.addf %mul3A_2234, %mul3A_2238 : vector<16xf32>
        %get3A_2240 = arith.constant 306 : index
        %get3A_2241 = tpu.vector_load %arg8[%get3A_2240] {strides = array<i32>} : memref<528xf32, #tpu.memory_space<vmem>>, vector<16xf32>,
        %get3A_2242 = vector.shape_cast %get3A_2241 : vector<16xf32> to vector<16xf32>
        %mul3A_2243 = arith.mulf %get3A_39, %get3A_2242 : vector<16xf32>
        %add3A_2244 = arith.addf %add3A_2239, %mul3A_2243 : vector<16xf32>
        %get3A_2245 = arith.constant 307 : index
        %get3A_2246 = tpu.vector_load %arg8[%get3A_2245] {strides = array<i32>} : memref<528xf32, #tpu.memory_space<vmem>>, vector<16xf32>,
        %get3A_2247 = vector.shape_cast %get3A_2246 : vector<16xf32> to vector<16xf32>
        %mul3A_2248 = arith.mulf %get3A_44, %get3A_2247 : vector<16xf32>
        %add3A_2249 = arith.addf %add3A_2244, %mul3A_2248 : vector<16xf32>
        %get3A_2250 = arith.constant 308 : index
        %get3A_2251 = tpu.vector_load %arg8[%get3A_2250] {strides = array<i32>} : memref<528xf32, #tpu.memory_space<vmem>>, vector<16xf32>,
        %get3A_2252 = vector.shape_cast %get3A_2251 : vector<16xf32> to vector<16xf32>
        %mul3A_2253 = arith.mulf %get3A_49, %get3A_2252 : vector<16xf32>
        %add3A_2254 = arith.addf %add3A_2249, %mul3A_2253 : vector<16xf32>
        %gt3A_2255 = arith.constant 0.00999999977 : f32
        %gt3A_2256 = vector.broadcast %gt3A_2255 : f32 to vector<16xf32>
        %gt3A_2257 = arith.cmpf ogt, %add3A_2254, %gt3A_2256 : vector<16xf32>
        %jit3A_2258 = arith.constant 1.000000e+00 : f32
        %jit3A_2259 = arith.constant 0.000000e+00 : f32
        %broadcast_in_dim3A_2260 = vector.broadcast %jit3A_2258 : f32 to vector<16xf32>
        %broadcast_in_dim3A_2261 = vector.broadcast %jit3A_2259 : f32 to vector<16xf32>
        %select_n3A_2262 = arith.select %gt3A_2257, %broadcast_in_dim3A_2260, %broadcast_in_dim3A_2261 : vector<16xi1>, vector<16xf32>
        %max3A_2263 = arith.maximumf %select_n3A_2262, %broadcast_in_dim3A_129 : vector<16xf32>
        %swap3A_2264 = arith.index_cast %scan3A_137 : i32 to index
        %swap3A_2265 = arith.constant 304 : index
        %swap3A_2266 = tpu.vector_load %arg9[%swap3A_2264, %swap3A_2265] {strides = array<i32>} : memref<32x512xf32, #tpu.memory_space<vmem>>, vector<1x16xf32>,
        %swap3A_2267 = vector.shape_cast %swap3A_2266 : vector<1x16xf32> to vector<16xf32>
        %swap3A_2268 = vector.shape_cast %max3A_2263 : vector<16xf32> to vector<1x16xf32>
        tpu.vector_store %arg9[%swap3A_2264, %swap3A_2265], %swap3A_2268 {strides = array<i32>} : memref<32x512xf32, #tpu.memory_space<vmem>>, vector<1x16xf32>,
        %add3A_2269 = arith.addf %add3A_2230, %select_n3A_2262 : vector<16xf32>
        %get3A_2270 = arith.constant 320 : index
        %get3A_2271 = tpu.vector_load %arg8[%get3A_2270] {strides = array<i32>} : memref<528xf32, #tpu.memory_space<vmem>>, vector<16xf32>,
        %get3A_2272 = vector.shape_cast %get3A_2271 : vector<16xf32> to vector<16xf32>
        %mul3A_2273 = arith.mulf %get3A_29, %get3A_2272 : vector<16xf32>
        %get3A_2274 = arith.constant 321 : index
        %get3A_2275 = tpu.vector_load %arg8[%get3A_2274] {strides = array<i32>} : memref<528xf32, #tpu.memory_space<vmem>>, vector<16xf32>,
        %get3A_2276 = vector.shape_cast %get3A_2275 : vector<16xf32> to vector<16xf32>
        %mul3A_2277 = arith.mulf %get3A_34, %get3A_2276 : vector<16xf32>
        %add3A_2278 = arith.addf %mul3A_2273, %mul3A_2277 : vector<16xf32>
        %get3A_2279 = arith.constant 322 : index
        %get3A_2280 = tpu.vector_load %arg8[%get3A_2279] {strides = array<i32>} : memref<528xf32, #tpu.memory_space<vmem>>, vector<16xf32>,
        %get3A_2281 = vector.shape_cast %get3A_2280 : vector<16xf32> to vector<16xf32>
        %mul3A_2282 = arith.mulf %get3A_39, %get3A_2281 : vector<16xf32>
        %add3A_2283 = arith.addf %add3A_2278, %mul3A_2282 : vector<16xf32>
        %get3A_2284 = arith.constant 323 : index
        %get3A_2285 = tpu.vector_load %arg8[%get3A_2284] {strides = array<i32>} : memref<528xf32, #tpu.memory_space<vmem>>, vector<16xf32>,
        %get3A_2286 = vector.shape_cast %get3A_2285 : vector<16xf32> to vector<16xf32>
        %mul3A_2287 = arith.mulf %get3A_44, %get3A_2286 : vector<16xf32>
        %add3A_2288 = arith.addf %add3A_2283, %mul3A_2287 : vector<16xf32>
        %get3A_2289 = arith.constant 324 : index
        %get3A_2290 = tpu.vector_load %arg8[%get3A_2289] {strides = array<i32>} : memref<528xf32, #tpu.memory_space<vmem>>, vector<16xf32>,
        %get3A_2291 = vector.shape_cast %get3A_2290 : vector<16xf32> to vector<16xf32>
        %mul3A_2292 = arith.mulf %get3A_49, %get3A_2291 : vector<16xf32>
        %add3A_2293 = arith.addf %add3A_2288, %mul3A_2292 : vector<16xf32>
        %gt3A_2294 = arith.constant 0.00999999977 : f32
        %gt3A_2295 = vector.broadcast %gt3A_2294 : f32 to vector<16xf32>
        %gt3A_2296 = arith.cmpf ogt, %add3A_2293, %gt3A_2295 : vector<16xf32>
        %jit3A_2297 = arith.constant 1.000000e+00 : f32
        %jit3A_2298 = arith.constant 0.000000e+00 : f32
        %broadcast_in_dim3A_2299 = vector.broadcast %jit3A_2297 : f32 to vector<16xf32>
        %broadcast_in_dim3A_2300 = vector.broadcast %jit3A_2298 : f32 to vector<16xf32>
        %select_n3A_2301 = arith.select %gt3A_2296, %broadcast_in_dim3A_2299, %broadcast_in_dim3A_2300 : vector<16xi1>, vector<16xf32>
        %max3A_2302 = arith.maximumf %select_n3A_2301, %broadcast_in_dim3A_129 : vector<16xf32>
        %swap3A_2303 = arith.index_cast %scan3A_137 : i32 to index
        %swap3A_2304 = arith.constant 320 : index
        %swap3A_2305 = tpu.vector_load %arg9[%swap3A_2303, %swap3A_2304] {strides = array<i32>} : memref<32x512xf32, #tpu.memory_space<vmem>>, vector<1x16xf32>,
        %swap3A_2306 = vector.shape_cast %swap3A_2305 : vector<1x16xf32> to vector<16xf32>
        %swap3A_2307 = vector.shape_cast %max3A_2302 : vector<16xf32> to vector<1x16xf32>
        tpu.vector_store %arg9[%swap3A_2303, %swap3A_2304], %swap3A_2307 {strides = array<i32>} : memref<32x512xf32, #tpu.memory_space<vmem>>, vector<1x16xf32>,
        %add3A_2308 = arith.addf %add3A_2269, %select_n3A_2301 : vector<16xf32>
        %get3A_2309 = arith.constant 336 : index
        %get3A_2310 = tpu.vector_load %arg8[%get3A_2309] {strides = array<i32>} : memref<528xf32, #tpu.memory_space<vmem>>, vector<16xf32>,
        %get3A_2311 = vector.shape_cast %get3A_2310 : vector<16xf32> to vector<16xf32>
        %mul3A_2312 = arith.mulf %get3A_29, %get3A_2311 : vector<16xf32>
        %get3A_2313 = arith.constant 337 : index
        %get3A_2314 = tpu.vector_load %arg8[%get3A_2313] {strides = array<i32>} : memref<528xf32, #tpu.memory_space<vmem>>, vector<16xf32>,
        %get3A_2315 = vector.shape_cast %get3A_2314 : vector<16xf32> to vector<16xf32>
        %mul3A_2316 = arith.mulf %get3A_34, %get3A_2315 : vector<16xf32>
        %add3A_2317 = arith.addf %mul3A_2312, %mul3A_2316 : vector<16xf32>
        %get3A_2318 = arith.constant 338 : index
        %get3A_2319 = tpu.vector_load %arg8[%get3A_2318] {strides = array<i32>} : memref<528xf32, #tpu.memory_space<vmem>>, vector<16xf32>,
        %get3A_2320 = vector.shape_cast %get3A_2319 : vector<16xf32> to vector<16xf32>
        %mul3A_2321 = arith.mulf %get3A_39, %get3A_2320 : vector<16xf32>
        %add3A_2322 = arith.addf %add3A_2317, %mul3A_2321 : vector<16xf32>
        %get3A_2323 = arith.constant 339 : index
        %get3A_2324 = tpu.vector_load %arg8[%get3A_2323] {strides = array<i32>} : memref<528xf32, #tpu.memory_space<vmem>>, vector<16xf32>,
        %get3A_2325 = vector.shape_cast %get3A_2324 : vector<16xf32> to vector<16xf32>
        %mul3A_2326 = arith.mulf %get3A_44, %get3A_2325 : vector<16xf32>
        %add3A_2327 = arith.addf %add3A_2322, %mul3A_2326 : vector<16xf32>
        %get3A_2328 = arith.constant 340 : index
        %get3A_2329 = tpu.vector_load %arg8[%get3A_2328] {strides = array<i32>} : memref<528xf32, #tpu.memory_space<vmem>>, vector<16xf32>,
        %get3A_2330 = vector.shape_cast %get3A_2329 : vector<16xf32> to vector<16xf32>
        %mul3A_2331 = arith.mulf %get3A_49, %get3A_2330 : vector<16xf32>
        %add3A_2332 = arith.addf %add3A_2327, %mul3A_2331 : vector<16xf32>
        %gt3A_2333 = arith.constant 0.00999999977 : f32
        %gt3A_2334 = vector.broadcast %gt3A_2333 : f32 to vector<16xf32>
        %gt3A_2335 = arith.cmpf ogt, %add3A_2332, %gt3A_2334 : vector<16xf32>
        %jit3A_2336 = arith.constant 1.000000e+00 : f32
        %jit3A_2337 = arith.constant 0.000000e+00 : f32
        %broadcast_in_dim3A_2338 = vector.broadcast %jit3A_2336 : f32 to vector<16xf32>
        %broadcast_in_dim3A_2339 = vector.broadcast %jit3A_2337 : f32 to vector<16xf32>
        %select_n3A_2340 = arith.select %gt3A_2335, %broadcast_in_dim3A_2338, %broadcast_in_dim3A_2339 : vector<16xi1>, vector<16xf32>
        %max3A_2341 = arith.maximumf %select_n3A_2340, %broadcast_in_dim3A_129 : vector<16xf32>
        %swap3A_2342 = arith.index_cast %scan3A_137 : i32 to index
        %swap3A_2343 = arith.constant 336 : index
        %swap3A_2344 = tpu.vector_load %arg9[%swap3A_2342, %swap3A_2343] {strides = array<i32>} : memref<32x512xf32, #tpu.memory_space<vmem>>, vector<1x16xf32>,
        %swap3A_2345 = vector.shape_cast %swap3A_2344 : vector<1x16xf32> to vector<16xf32>
        %swap3A_2346 = vector.shape_cast %max3A_2341 : vector<16xf32> to vector<1x16xf32>
        tpu.vector_store %arg9[%swap3A_2342, %swap3A_2343], %swap3A_2346 {strides = array<i32>} : memref<32x512xf32, #tpu.memory_space<vmem>>, vector<1x16xf32>,
        %add3A_2347 = arith.addf %add3A_2308, %select_n3A_2340 : vector<16xf32>
        %get3A_2348 = arith.constant 352 : index
        %get3A_2349 = tpu.vector_load %arg8[%get3A_2348] {strides = array<i32>} : memref<528xf32, #tpu.memory_space<vmem>>, vector<16xf32>,
        %get3A_2350 = vector.shape_cast %get3A_2349 : vector<16xf32> to vector<16xf32>
        %mul3A_2351 = arith.mulf %get3A_29, %get3A_2350 : vector<16xf32>
        %get3A_2352 = arith.constant 353 : index
        %get3A_2353 = tpu.vector_load %arg8[%get3A_2352] {strides = array<i32>} : memref<528xf32, #tpu.memory_space<vmem>>, vector<16xf32>,
        %get3A_2354 = vector.shape_cast %get3A_2353 : vector<16xf32> to vector<16xf32>
        %mul3A_2355 = arith.mulf %get3A_34, %get3A_2354 : vector<16xf32>
        %add3A_2356 = arith.addf %mul3A_2351, %mul3A_2355 : vector<16xf32>
        %get3A_2357 = arith.constant 354 : index
        %get3A_2358 = tpu.vector_load %arg8[%get3A_2357] {strides = array<i32>} : memref<528xf32, #tpu.memory_space<vmem>>, vector<16xf32>,
        %get3A_2359 = vector.shape_cast %get3A_2358 : vector<16xf32> to vector<16xf32>
        %mul3A_2360 = arith.mulf %get3A_39, %get3A_2359 : vector<16xf32>
        %add3A_2361 = arith.addf %add3A_2356, %mul3A_2360 : vector<16xf32>
        %get3A_2362 = arith.constant 355 : index
        %get3A_2363 = tpu.vector_load %arg8[%get3A_2362] {strides = array<i32>} : memref<528xf32, #tpu.memory_space<vmem>>, vector<16xf32>,
        %get3A_2364 = vector.shape_cast %get3A_2363 : vector<16xf32> to vector<16xf32>
        %mul3A_2365 = arith.mulf %get3A_44, %get3A_2364 : vector<16xf32>
        %add3A_2366 = arith.addf %add3A_2361, %mul3A_2365 : vector<16xf32>
        %get3A_2367 = arith.constant 356 : index
        %get3A_2368 = tpu.vector_load %arg8[%get3A_2367] {strides = array<i32>} : memref<528xf32, #tpu.memory_space<vmem>>, vector<16xf32>,
        %get3A_2369 = vector.shape_cast %get3A_2368 : vector<16xf32> to vector<16xf32>
        %mul3A_2370 = arith.mulf %get3A_49, %get3A_2369 : vector<16xf32>
        %add3A_2371 = arith.addf %add3A_2366, %mul3A_2370 : vector<16xf32>
        %gt3A_2372 = arith.constant 0.00999999977 : f32
        %gt3A_2373 = vector.broadcast %gt3A_2372 : f32 to vector<16xf32>
        %gt3A_2374 = arith.cmpf ogt, %add3A_2371, %gt3A_2373 : vector<16xf32>
        %jit3A_2375 = arith.constant 1.000000e+00 : f32
        %jit3A_2376 = arith.constant 0.000000e+00 : f32
        %broadcast_in_dim3A_2377 = vector.broadcast %jit3A_2375 : f32 to vector<16xf32>
        %broadcast_in_dim3A_2378 = vector.broadcast %jit3A_2376 : f32 to vector<16xf32>
        %select_n3A_2379 = arith.select %gt3A_2374, %broadcast_in_dim3A_2377, %broadcast_in_dim3A_2378 : vector<16xi1>, vector<16xf32>
        %max3A_2380 = arith.maximumf %select_n3A_2379, %broadcast_in_dim3A_129 : vector<16xf32>
        %swap3A_2381 = arith.index_cast %scan3A_137 : i32 to index
        %swap3A_2382 = arith.constant 352 : index
        %swap3A_2383 = tpu.vector_load %arg9[%swap3A_2381, %swap3A_2382] {strides = array<i32>} : memref<32x512xf32, #tpu.memory_space<vmem>>, vector<1x16xf32>,
        %swap3A_2384 = vector.shape_cast %swap3A_2383 : vector<1x16xf32> to vector<16xf32>
        %swap3A_2385 = vector.shape_cast %max3A_2380 : vector<16xf32> to vector<1x16xf32>
        tpu.vector_store %arg9[%swap3A_2381, %swap3A_2382], %swap3A_2385 {strides = array<i32>} : memref<32x512xf32, #tpu.memory_space<vmem>>, vector<1x16xf32>,
        %add3A_2386 = arith.addf %add3A_2347, %select_n3A_2379 : vector<16xf32>
        %get3A_2387 = arith.constant 368 : index
        %get3A_2388 = tpu.vector_load %arg8[%get3A_2387] {strides = array<i32>} : memref<528xf32, #tpu.memory_space<vmem>>, vector<16xf32>,
        %get3A_2389 = vector.shape_cast %get3A_2388 : vector<16xf32> to vector<16xf32>
        %mul3A_2390 = arith.mulf %get3A_29, %get3A_2389 : vector<16xf32>
        %get3A_2391 = arith.constant 369 : index
        %get3A_2392 = tpu.vector_load %arg8[%get3A_2391] {strides = array<i32>} : memref<528xf32, #tpu.memory_space<vmem>>, vector<16xf32>,
        %get3A_2393 = vector.shape_cast %get3A_2392 : vector<16xf32> to vector<16xf32>
        %mul3A_2394 = arith.mulf %get3A_34, %get3A_2393 : vector<16xf32>
        %add3A_2395 = arith.addf %mul3A_2390, %mul3A_2394 : vector<16xf32>
        %get3A_2396 = arith.constant 370 : index
        %get3A_2397 = tpu.vector_load %arg8[%get3A_2396] {strides = array<i32>} : memref<528xf32, #tpu.memory_space<vmem>>, vector<16xf32>,
        %get3A_2398 = vector.shape_cast %get3A_2397 : vector<16xf32> to vector<16xf32>
        %mul3A_2399 = arith.mulf %get3A_39, %get3A_2398 : vector<16xf32>
        %add3A_2400 = arith.addf %add3A_2395, %mul3A_2399 : vector<16xf32>
        %get3A_2401 = arith.constant 371 : index
        %get3A_2402 = tpu.vector_load %arg8[%get3A_2401] {strides = array<i32>} : memref<528xf32, #tpu.memory_space<vmem>>, vector<16xf32>,
        %get3A_2403 = vector.shape_cast %get3A_2402 : vector<16xf32> to vector<16xf32>
        %mul3A_2404 = arith.mulf %get3A_44, %get3A_2403 : vector<16xf32>
        %add3A_2405 = arith.addf %add3A_2400, %mul3A_2404 : vector<16xf32>
        %get3A_2406 = arith.constant 372 : index
        %get3A_2407 = tpu.vector_load %arg8[%get3A_2406] {strides = array<i32>} : memref<528xf32, #tpu.memory_space<vmem>>, vector<16xf32>,
        %get3A_2408 = vector.shape_cast %get3A_2407 : vector<16xf32> to vector<16xf32>
        %mul3A_2409 = arith.mulf %get3A_49, %get3A_2408 : vector<16xf32>
        %add3A_2410 = arith.addf %add3A_2405, %mul3A_2409 : vector<16xf32>
        %gt3A_2411 = arith.constant 0.00999999977 : f32
        %gt3A_2412 = vector.broadcast %gt3A_2411 : f32 to vector<16xf32>
        %gt3A_2413 = arith.cmpf ogt, %add3A_2410, %gt3A_2412 : vector<16xf32>
        %jit3A_2414 = arith.constant 1.000000e+00 : f32
        %jit3A_2415 = arith.constant 0.000000e+00 : f32
        %broadcast_in_dim3A_2416 = vector.broadcast %jit3A_2414 : f32 to vector<16xf32>
        %broadcast_in_dim3A_2417 = vector.broadcast %jit3A_2415 : f32 to vector<16xf32>
        %select_n3A_2418 = arith.select %gt3A_2413, %broadcast_in_dim3A_2416, %broadcast_in_dim3A_2417 : vector<16xi1>, vector<16xf32>
        %max3A_2419 = arith.maximumf %select_n3A_2418, %broadcast_in_dim3A_129 : vector<16xf32>
        %swap3A_2420 = arith.index_cast %scan3A_137 : i32 to index
        %swap3A_2421 = arith.constant 368 : index
        %swap3A_2422 = tpu.vector_load %arg9[%swap3A_2420, %swap3A_2421] {strides = array<i32>} : memref<32x512xf32, #tpu.memory_space<vmem>>, vector<1x16xf32>,
        %swap3A_2423 = vector.shape_cast %swap3A_2422 : vector<1x16xf32> to vector<16xf32>
        %swap3A_2424 = vector.shape_cast %max3A_2419 : vector<16xf32> to vector<1x16xf32>
        tpu.vector_store %arg9[%swap3A_2420, %swap3A_2421], %swap3A_2424 {strides = array<i32>} : memref<32x512xf32, #tpu.memory_space<vmem>>, vector<1x16xf32>,
        %add3A_2425 = arith.addf %add3A_2386, %select_n3A_2418 : vector<16xf32>
        %get3A_2426 = arith.constant 384 : index
        %get3A_2427 = tpu.vector_load %arg8[%get3A_2426] {strides = array<i32>} : memref<528xf32, #tpu.memory_space<vmem>>, vector<16xf32>,
        %get3A_2428 = vector.shape_cast %get3A_2427 : vector<16xf32> to vector<16xf32>
        %mul3A_2429 = arith.mulf %get3A_29, %get3A_2428 : vector<16xf32>
        %get3A_2430 = arith.constant 385 : index
        %get3A_2431 = tpu.vector_load %arg8[%get3A_2430] {strides = array<i32>} : memref<528xf32, #tpu.memory_space<vmem>>, vector<16xf32>,
        %get3A_2432 = vector.shape_cast %get3A_2431 : vector<16xf32> to vector<16xf32>
        %mul3A_2433 = arith.mulf %get3A_34, %get3A_2432 : vector<16xf32>
        %add3A_2434 = arith.addf %mul3A_2429, %mul3A_2433 : vector<16xf32>
        %get3A_2435 = arith.constant 386 : index
        %get3A_2436 = tpu.vector_load %arg8[%get3A_2435] {strides = array<i32>} : memref<528xf32, #tpu.memory_space<vmem>>, vector<16xf32>,
        %get3A_2437 = vector.shape_cast %get3A_2436 : vector<16xf32> to vector<16xf32>
        %mul3A_2438 = arith.mulf %get3A_39, %get3A_2437 : vector<16xf32>
        %add3A_2439 = arith.addf %add3A_2434, %mul3A_2438 : vector<16xf32>
        %get3A_2440 = arith.constant 387 : index
        %get3A_2441 = tpu.vector_load %arg8[%get3A_2440] {strides = array<i32>} : memref<528xf32, #tpu.memory_space<vmem>>, vector<16xf32>,
        %get3A_2442 = vector.shape_cast %get3A_2441 : vector<16xf32> to vector<16xf32>
        %mul3A_2443 = arith.mulf %get3A_44, %get3A_2442 : vector<16xf32>
        %add3A_2444 = arith.addf %add3A_2439, %mul3A_2443 : vector<16xf32>
        %get3A_2445 = arith.constant 388 : index
        %get3A_2446 = tpu.vector_load %arg8[%get3A_2445] {strides = array<i32>} : memref<528xf32, #tpu.memory_space<vmem>>, vector<16xf32>,
        %get3A_2447 = vector.shape_cast %get3A_2446 : vector<16xf32> to vector<16xf32>
        %mul3A_2448 = arith.mulf %get3A_49, %get3A_2447 : vector<16xf32>
        %add3A_2449 = arith.addf %add3A_2444, %mul3A_2448 : vector<16xf32>
        %gt3A_2450 = arith.constant 0.00999999977 : f32
        %gt3A_2451 = vector.broadcast %gt3A_2450 : f32 to vector<16xf32>
        %gt3A_2452 = arith.cmpf ogt, %add3A_2449, %gt3A_2451 : vector<16xf32>
        %jit3A_2453 = arith.constant 1.000000e+00 : f32
        %jit3A_2454 = arith.constant 0.000000e+00 : f32
        %broadcast_in_dim3A_2455 = vector.broadcast %jit3A_2453 : f32 to vector<16xf32>
        %broadcast_in_dim3A_2456 = vector.broadcast %jit3A_2454 : f32 to vector<16xf32>
        %select_n3A_2457 = arith.select %gt3A_2452, %broadcast_in_dim3A_2455, %broadcast_in_dim3A_2456 : vector<16xi1>, vector<16xf32>
        %max3A_2458 = arith.maximumf %select_n3A_2457, %broadcast_in_dim3A_129 : vector<16xf32>
        %swap3A_2459 = arith.index_cast %scan3A_137 : i32 to index
        %swap3A_2460 = arith.constant 384 : index
        %swap3A_2461 = tpu.vector_load %arg9[%swap3A_2459, %swap3A_2460] {strides = array<i32>} : memref<32x512xf32, #tpu.memory_space<vmem>>, vector<1x16xf32>,
        %swap3A_2462 = vector.shape_cast %swap3A_2461 : vector<1x16xf32> to vector<16xf32>
        %swap3A_2463 = vector.shape_cast %max3A_2458 : vector<16xf32> to vector<1x16xf32>
        tpu.vector_store %arg9[%swap3A_2459, %swap3A_2460], %swap3A_2463 {strides = array<i32>} : memref<32x512xf32, #tpu.memory_space<vmem>>, vector<1x16xf32>,
        %add3A_2464 = arith.addf %add3A_2425, %select_n3A_2457 : vector<16xf32>
        %get3A_2465 = arith.constant 400 : index
        %get3A_2466 = tpu.vector_load %arg8[%get3A_2465] {strides = array<i32>} : memref<528xf32, #tpu.memory_space<vmem>>, vector<16xf32>,
        %get3A_2467 = vector.shape_cast %get3A_2466 : vector<16xf32> to vector<16xf32>
        %mul3A_2468 = arith.mulf %get3A_29, %get3A_2467 : vector<16xf32>
        %get3A_2469 = arith.constant 401 : index
        %get3A_2470 = tpu.vector_load %arg8[%get3A_2469] {strides = array<i32>} : memref<528xf32, #tpu.memory_space<vmem>>, vector<16xf32>,
        %get3A_2471 = vector.shape_cast %get3A_2470 : vector<16xf32> to vector<16xf32>
        %mul3A_2472 = arith.mulf %get3A_34, %get3A_2471 : vector<16xf32>
        %add3A_2473 = arith.addf %mul3A_2468, %mul3A_2472 : vector<16xf32>
        %get3A_2474 = arith.constant 402 : index
        %get3A_2475 = tpu.vector_load %arg8[%get3A_2474] {strides = array<i32>} : memref<528xf32, #tpu.memory_space<vmem>>, vector<16xf32>,
        %get3A_2476 = vector.shape_cast %get3A_2475 : vector<16xf32> to vector<16xf32>
        %mul3A_2477 = arith.mulf %get3A_39, %get3A_2476 : vector<16xf32>
        %add3A_2478 = arith.addf %add3A_2473, %mul3A_2477 : vector<16xf32>
        %get3A_2479 = arith.constant 403 : index
        %get3A_2480 = tpu.vector_load %arg8[%get3A_2479] {strides = array<i32>} : memref<528xf32, #tpu.memory_space<vmem>>, vector<16xf32>,
        %get3A_2481 = vector.shape_cast %get3A_2480 : vector<16xf32> to vector<16xf32>
        %mul3A_2482 = arith.mulf %get3A_44, %get3A_2481 : vector<16xf32>
        %add3A_2483 = arith.addf %add3A_2478, %mul3A_2482 : vector<16xf32>
        %get3A_2484 = arith.constant 404 : index
        %get3A_2485 = tpu.vector_load %arg8[%get3A_2484] {strides = array<i32>} : memref<528xf32, #tpu.memory_space<vmem>>, vector<16xf32>,
        %get3A_2486 = vector.shape_cast %get3A_2485 : vector<16xf32> to vector<16xf32>
        %mul3A_2487 = arith.mulf %get3A_49, %get3A_2486 : vector<16xf32>
        %add3A_2488 = arith.addf %add3A_2483, %mul3A_2487 : vector<16xf32>
        %gt3A_2489 = arith.constant 0.00999999977 : f32
        %gt3A_2490 = vector.broadcast %gt3A_2489 : f32 to vector<16xf32>
        %gt3A_2491 = arith.cmpf ogt, %add3A_2488, %gt3A_2490 : vector<16xf32>
        %jit3A_2492 = arith.constant 1.000000e+00 : f32
        %jit3A_2493 = arith.constant 0.000000e+00 : f32
        %broadcast_in_dim3A_2494 = vector.broadcast %jit3A_2492 : f32 to vector<16xf32>
        %broadcast_in_dim3A_2495 = vector.broadcast %jit3A_2493 : f32 to vector<16xf32>
        %select_n3A_2496 = arith.select %gt3A_2491, %broadcast_in_dim3A_2494, %broadcast_in_dim3A_2495 : vector<16xi1>, vector<16xf32>
        %max3A_2497 = arith.maximumf %select_n3A_2496, %broadcast_in_dim3A_129 : vector<16xf32>
        %swap3A_2498 = arith.index_cast %scan3A_137 : i32 to index
        %swap3A_2499 = arith.constant 400 : index
        %swap3A_2500 = tpu.vector_load %arg9[%swap3A_2498, %swap3A_2499] {strides = array<i32>} : memref<32x512xf32, #tpu.memory_space<vmem>>, vector<1x16xf32>,
        %swap3A_2501 = vector.shape_cast %swap3A_2500 : vector<1x16xf32> to vector<16xf32>
        %swap3A_2502 = vector.shape_cast %max3A_2497 : vector<16xf32> to vector<1x16xf32>
        tpu.vector_store %arg9[%swap3A_2498, %swap3A_2499], %swap3A_2502 {strides = array<i32>} : memref<32x512xf32, #tpu.memory_space<vmem>>, vector<1x16xf32>,
        %add3A_2503 = arith.addf %add3A_2464, %select_n3A_2496 : vector<16xf32>
        %get3A_2504 = arith.constant 416 : index
        %get3A_2505 = tpu.vector_load %arg8[%get3A_2504] {strides = array<i32>} : memref<528xf32, #tpu.memory_space<vmem>>, vector<16xf32>,
        %get3A_2506 = vector.shape_cast %get3A_2505 : vector<16xf32> to vector<16xf32>
        %mul3A_2507 = arith.mulf %get3A_29, %get3A_2506 : vector<16xf32>
        %get3A_2508 = arith.constant 417 : index
        %get3A_2509 = tpu.vector_load %arg8[%get3A_2508] {strides = array<i32>} : memref<528xf32, #tpu.memory_space<vmem>>, vector<16xf32>,
        %get3A_2510 = vector.shape_cast %get3A_2509 : vector<16xf32> to vector<16xf32>
        %mul3A_2511 = arith.mulf %get3A_34, %get3A_2510 : vector<16xf32>
        %add3A_2512 = arith.addf %mul3A_2507, %mul3A_2511 : vector<16xf32>
        %get3A_2513 = arith.constant 418 : index
        %get3A_2514 = tpu.vector_load %arg8[%get3A_2513] {strides = array<i32>} : memref<528xf32, #tpu.memory_space<vmem>>, vector<16xf32>,
        %get3A_2515 = vector.shape_cast %get3A_2514 : vector<16xf32> to vector<16xf32>
        %mul3A_2516 = arith.mulf %get3A_39, %get3A_2515 : vector<16xf32>
        %add3A_2517 = arith.addf %add3A_2512, %mul3A_2516 : vector<16xf32>
        %get3A_2518 = arith.constant 419 : index
        %get3A_2519 = tpu.vector_load %arg8[%get3A_2518] {strides = array<i32>} : memref<528xf32, #tpu.memory_space<vmem>>, vector<16xf32>,
        %get3A_2520 = vector.shape_cast %get3A_2519 : vector<16xf32> to vector<16xf32>
        %mul3A_2521 = arith.mulf %get3A_44, %get3A_2520 : vector<16xf32>
        %add3A_2522 = arith.addf %add3A_2517, %mul3A_2521 : vector<16xf32>
        %get3A_2523 = arith.constant 420 : index
        %get3A_2524 = tpu.vector_load %arg8[%get3A_2523] {strides = array<i32>} : memref<528xf32, #tpu.memory_space<vmem>>, vector<16xf32>,
        %get3A_2525 = vector.shape_cast %get3A_2524 : vector<16xf32> to vector<16xf32>
        %mul3A_2526 = arith.mulf %get3A_49, %get3A_2525 : vector<16xf32>
        %add3A_2527 = arith.addf %add3A_2522, %mul3A_2526 : vector<16xf32>
        %gt3A_2528 = arith.constant 0.00999999977 : f32
        %gt3A_2529 = vector.broadcast %gt3A_2528 : f32 to vector<16xf32>
        %gt3A_2530 = arith.cmpf ogt, %add3A_2527, %gt3A_2529 : vector<16xf32>
        %jit3A_2531 = arith.constant 1.000000e+00 : f32
        %jit3A_2532 = arith.constant 0.000000e+00 : f32
        %broadcast_in_dim3A_2533 = vector.broadcast %jit3A_2531 : f32 to vector<16xf32>
        %broadcast_in_dim3A_2534 = vector.broadcast %jit3A_2532 : f32 to vector<16xf32>
        %select_n3A_2535 = arith.select %gt3A_2530, %broadcast_in_dim3A_2533, %broadcast_in_dim3A_2534 : vector<16xi1>, vector<16xf32>
        %max3A_2536 = arith.maximumf %select_n3A_2535, %broadcast_in_dim3A_129 : vector<16xf32>
        %swap3A_2537 = arith.index_cast %scan3A_137 : i32 to index
        %swap3A_2538 = arith.constant 416 : index
        %swap3A_2539 = tpu.vector_load %arg9[%swap3A_2537, %swap3A_2538] {strides = array<i32>} : memref<32x512xf32, #tpu.memory_space<vmem>>, vector<1x16xf32>,
        %swap3A_2540 = vector.shape_cast %swap3A_2539 : vector<1x16xf32> to vector<16xf32>
        %swap3A_2541 = vector.shape_cast %max3A_2536 : vector<16xf32> to vector<1x16xf32>
        tpu.vector_store %arg9[%swap3A_2537, %swap3A_2538], %swap3A_2541 {strides = array<i32>} : memref<32x512xf32, #tpu.memory_space<vmem>>, vector<1x16xf32>,
        %add3A_2542 = arith.addf %add3A_2503, %select_n3A_2535 : vector<16xf32>
        %get3A_2543 = arith.constant 432 : index
        %get3A_2544 = tpu.vector_load %arg8[%get3A_2543] {strides = array<i32>} : memref<528xf32, #tpu.memory_space<vmem>>, vector<16xf32>,
        %get3A_2545 = vector.shape_cast %get3A_2544 : vector<16xf32> to vector<16xf32>
        %mul3A_2546 = arith.mulf %get3A_29, %get3A_2545 : vector<16xf32>
        %get3A_2547 = arith.constant 433 : index
        %get3A_2548 = tpu.vector_load %arg8[%get3A_2547] {strides = array<i32>} : memref<528xf32, #tpu.memory_space<vmem>>, vector<16xf32>,
        %get3A_2549 = vector.shape_cast %get3A_2548 : vector<16xf32> to vector<16xf32>
        %mul3A_2550 = arith.mulf %get3A_34, %get3A_2549 : vector<16xf32>
        %add3A_2551 = arith.addf %mul3A_2546, %mul3A_2550 : vector<16xf32>
        %get3A_2552 = arith.constant 434 : index
        %get3A_2553 = tpu.vector_load %arg8[%get3A_2552] {strides = array<i32>} : memref<528xf32, #tpu.memory_space<vmem>>, vector<16xf32>,
        %get3A_2554 = vector.shape_cast %get3A_2553 : vector<16xf32> to vector<16xf32>
        %mul3A_2555 = arith.mulf %get3A_39, %get3A_2554 : vector<16xf32>
        %add3A_2556 = arith.addf %add3A_2551, %mul3A_2555 : vector<16xf32>
        %get3A_2557 = arith.constant 435 : index
        %get3A_2558 = tpu.vector_load %arg8[%get3A_2557] {strides = array<i32>} : memref<528xf32, #tpu.memory_space<vmem>>, vector<16xf32>,
        %get3A_2559 = vector.shape_cast %get3A_2558 : vector<16xf32> to vector<16xf32>
        %mul3A_2560 = arith.mulf %get3A_44, %get3A_2559 : vector<16xf32>
        %add3A_2561 = arith.addf %add3A_2556, %mul3A_2560 : vector<16xf32>
        %get3A_2562 = arith.constant 436 : index
        %get3A_2563 = tpu.vector_load %arg8[%get3A_2562] {strides = array<i32>} : memref<528xf32, #tpu.memory_space<vmem>>, vector<16xf32>,
        %get3A_2564 = vector.shape_cast %get3A_2563 : vector<16xf32> to vector<16xf32>
        %mul3A_2565 = arith.mulf %get3A_49, %get3A_2564 : vector<16xf32>
        %add3A_2566 = arith.addf %add3A_2561, %mul3A_2565 : vector<16xf32>
        %gt3A_2567 = arith.constant 0.00999999977 : f32
        %gt3A_2568 = vector.broadcast %gt3A_2567 : f32 to vector<16xf32>
        %gt3A_2569 = arith.cmpf ogt, %add3A_2566, %gt3A_2568 : vector<16xf32>
        %jit3A_2570 = arith.constant 1.000000e+00 : f32
        %jit3A_2571 = arith.constant 0.000000e+00 : f32
        %broadcast_in_dim3A_2572 = vector.broadcast %jit3A_2570 : f32 to vector<16xf32>
        %broadcast_in_dim3A_2573 = vector.broadcast %jit3A_2571 : f32 to vector<16xf32>
        %select_n3A_2574 = arith.select %gt3A_2569, %broadcast_in_dim3A_2572, %broadcast_in_dim3A_2573 : vector<16xi1>, vector<16xf32>
        %max3A_2575 = arith.maximumf %select_n3A_2574, %broadcast_in_dim3A_129 : vector<16xf32>
        %swap3A_2576 = arith.index_cast %scan3A_137 : i32 to index
        %swap3A_2577 = arith.constant 432 : index
        %swap3A_2578 = tpu.vector_load %arg9[%swap3A_2576, %swap3A_2577] {strides = array<i32>} : memref<32x512xf32, #tpu.memory_space<vmem>>, vector<1x16xf32>,
        %swap3A_2579 = vector.shape_cast %swap3A_2578 : vector<1x16xf32> to vector<16xf32>
        %swap3A_2580 = vector.shape_cast %max3A_2575 : vector<16xf32> to vector<1x16xf32>
        tpu.vector_store %arg9[%swap3A_2576, %swap3A_2577], %swap3A_2580 {strides = array<i32>} : memref<32x512xf32, #tpu.memory_space<vmem>>, vector<1x16xf32>,
        %add3A_2581 = arith.addf %add3A_2542, %select_n3A_2574 : vector<16xf32>
        %get3A_2582 = arith.constant 448 : index
        %get3A_2583 = tpu.vector_load %arg8[%get3A_2582] {strides = array<i32>} : memref<528xf32, #tpu.memory_space<vmem>>, vector<16xf32>,
        %get3A_2584 = vector.shape_cast %get3A_2583 : vector<16xf32> to vector<16xf32>
        %mul3A_2585 = arith.mulf %get3A_29, %get3A_2584 : vector<16xf32>
        %get3A_2586 = arith.constant 449 : index
        %get3A_2587 = tpu.vector_load %arg8[%get3A_2586] {strides = array<i32>} : memref<528xf32, #tpu.memory_space<vmem>>, vector<16xf32>,
        %get3A_2588 = vector.shape_cast %get3A_2587 : vector<16xf32> to vector<16xf32>
        %mul3A_2589 = arith.mulf %get3A_34, %get3A_2588 : vector<16xf32>
        %add3A_2590 = arith.addf %mul3A_2585, %mul3A_2589 : vector<16xf32>
        %get3A_2591 = arith.constant 450 : index
        %get3A_2592 = tpu.vector_load %arg8[%get3A_2591] {strides = array<i32>} : memref<528xf32, #tpu.memory_space<vmem>>, vector<16xf32>,
        %get3A_2593 = vector.shape_cast %get3A_2592 : vector<16xf32> to vector<16xf32>
        %mul3A_2594 = arith.mulf %get3A_39, %get3A_2593 : vector<16xf32>
        %add3A_2595 = arith.addf %add3A_2590, %mul3A_2594 : vector<16xf32>
        %get3A_2596 = arith.constant 451 : index
        %get3A_2597 = tpu.vector_load %arg8[%get3A_2596] {strides = array<i32>} : memref<528xf32, #tpu.memory_space<vmem>>, vector<16xf32>,
        %get3A_2598 = vector.shape_cast %get3A_2597 : vector<16xf32> to vector<16xf32>
        %mul3A_2599 = arith.mulf %get3A_44, %get3A_2598 : vector<16xf32>
        %add3A_2600 = arith.addf %add3A_2595, %mul3A_2599 : vector<16xf32>
        %get3A_2601 = arith.constant 452 : index
        %get3A_2602 = tpu.vector_load %arg8[%get3A_2601] {strides = array<i32>} : memref<528xf32, #tpu.memory_space<vmem>>, vector<16xf32>,
        %get3A_2603 = vector.shape_cast %get3A_2602 : vector<16xf32> to vector<16xf32>
        %mul3A_2604 = arith.mulf %get3A_49, %get3A_2603 : vector<16xf32>
        %add3A_2605 = arith.addf %add3A_2600, %mul3A_2604 : vector<16xf32>
        %gt3A_2606 = arith.constant 0.00999999977 : f32
        %gt3A_2607 = vector.broadcast %gt3A_2606 : f32 to vector<16xf32>
        %gt3A_2608 = arith.cmpf ogt, %add3A_2605, %gt3A_2607 : vector<16xf32>
        %jit3A_2609 = arith.constant 1.000000e+00 : f32
        %jit3A_2610 = arith.constant 0.000000e+00 : f32
        %broadcast_in_dim3A_2611 = vector.broadcast %jit3A_2609 : f32 to vector<16xf32>
        %broadcast_in_dim3A_2612 = vector.broadcast %jit3A_2610 : f32 to vector<16xf32>
        %select_n3A_2613 = arith.select %gt3A_2608, %broadcast_in_dim3A_2611, %broadcast_in_dim3A_2612 : vector<16xi1>, vector<16xf32>
        %max3A_2614 = arith.maximumf %select_n3A_2613, %broadcast_in_dim3A_129 : vector<16xf32>
        %swap3A_2615 = arith.index_cast %scan3A_137 : i32 to index
        %swap3A_2616 = arith.constant 448 : index
        %swap3A_2617 = tpu.vector_load %arg9[%swap3A_2615, %swap3A_2616] {strides = array<i32>} : memref<32x512xf32, #tpu.memory_space<vmem>>, vector<1x16xf32>,
        %swap3A_2618 = vector.shape_cast %swap3A_2617 : vector<1x16xf32> to vector<16xf32>
        %swap3A_2619 = vector.shape_cast %max3A_2614 : vector<16xf32> to vector<1x16xf32>
        tpu.vector_store %arg9[%swap3A_2615, %swap3A_2616], %swap3A_2619 {strides = array<i32>} : memref<32x512xf32, #tpu.memory_space<vmem>>, vector<1x16xf32>,
        %add3A_2620 = arith.addf %add3A_2581, %select_n3A_2613 : vector<16xf32>
        %get3A_2621 = arith.constant 464 : index
        %get3A_2622 = tpu.vector_load %arg8[%get3A_2621] {strides = array<i32>} : memref<528xf32, #tpu.memory_space<vmem>>, vector<16xf32>,
        %get3A_2623 = vector.shape_cast %get3A_2622 : vector<16xf32> to vector<16xf32>
        %mul3A_2624 = arith.mulf %get3A_29, %get3A_2623 : vector<16xf32>
        %get3A_2625 = arith.constant 465 : index
        %get3A_2626 = tpu.vector_load %arg8[%get3A_2625] {strides = array<i32>} : memref<528xf32, #tpu.memory_space<vmem>>, vector<16xf32>,
        %get3A_2627 = vector.shape_cast %get3A_2626 : vector<16xf32> to vector<16xf32>
        %mul3A_2628 = arith.mulf %get3A_34, %get3A_2627 : vector<16xf32>
        %add3A_2629 = arith.addf %mul3A_2624, %mul3A_2628 : vector<16xf32>
        %get3A_2630 = arith.constant 466 : index
        %get3A_2631 = tpu.vector_load %arg8[%get3A_2630] {strides = array<i32>} : memref<528xf32, #tpu.memory_space<vmem>>, vector<16xf32>,
        %get3A_2632 = vector.shape_cast %get3A_2631 : vector<16xf32> to vector<16xf32>
        %mul3A_2633 = arith.mulf %get3A_39, %get3A_2632 : vector<16xf32>
        %add3A_2634 = arith.addf %add3A_2629, %mul3A_2633 : vector<16xf32>
        %get3A_2635 = arith.constant 467 : index
        %get3A_2636 = tpu.vector_load %arg8[%get3A_2635] {strides = array<i32>} : memref<528xf32, #tpu.memory_space<vmem>>, vector<16xf32>,
        %get3A_2637 = vector.shape_cast %get3A_2636 : vector<16xf32> to vector<16xf32>
        %mul3A_2638 = arith.mulf %get3A_44, %get3A_2637 : vector<16xf32>
        %add3A_2639 = arith.addf %add3A_2634, %mul3A_2638 : vector<16xf32>
        %get3A_2640 = arith.constant 468 : index
        %get3A_2641 = tpu.vector_load %arg8[%get3A_2640] {strides = array<i32>} : memref<528xf32, #tpu.memory_space<vmem>>, vector<16xf32>,
        %get3A_2642 = vector.shape_cast %get3A_2641 : vector<16xf32> to vector<16xf32>
        %mul3A_2643 = arith.mulf %get3A_49, %get3A_2642 : vector<16xf32>
        %add3A_2644 = arith.addf %add3A_2639, %mul3A_2643 : vector<16xf32>
        %gt3A_2645 = arith.constant 0.00999999977 : f32
        %gt3A_2646 = vector.broadcast %gt3A_2645 : f32 to vector<16xf32>
        %gt3A_2647 = arith.cmpf ogt, %add3A_2644, %gt3A_2646 : vector<16xf32>
        %jit3A_2648 = arith.constant 1.000000e+00 : f32
        %jit3A_2649 = arith.constant 0.000000e+00 : f32
        %broadcast_in_dim3A_2650 = vector.broadcast %jit3A_2648 : f32 to vector<16xf32>
        %broadcast_in_dim3A_2651 = vector.broadcast %jit3A_2649 : f32 to vector<16xf32>
        %select_n3A_2652 = arith.select %gt3A_2647, %broadcast_in_dim3A_2650, %broadcast_in_dim3A_2651 : vector<16xi1>, vector<16xf32>
        %max3A_2653 = arith.maximumf %select_n3A_2652, %broadcast_in_dim3A_129 : vector<16xf32>
        %swap3A_2654 = arith.index_cast %scan3A_137 : i32 to index
        %swap3A_2655 = arith.constant 464 : index
        %swap3A_2656 = tpu.vector_load %arg9[%swap3A_2654, %swap3A_2655] {strides = array<i32>} : memref<32x512xf32, #tpu.memory_space<vmem>>, vector<1x16xf32>,
        %swap3A_2657 = vector.shape_cast %swap3A_2656 : vector<1x16xf32> to vector<16xf32>
        %swap3A_2658 = vector.shape_cast %max3A_2653 : vector<16xf32> to vector<1x16xf32>
        tpu.vector_store %arg9[%swap3A_2654, %swap3A_2655], %swap3A_2658 {strides = array<i32>} : memref<32x512xf32, #tpu.memory_space<vmem>>, vector<1x16xf32>,
        %add3A_2659 = arith.addf %add3A_2620, %select_n3A_2652 : vector<16xf32>
        %get3A_2660 = arith.constant 480 : index
        %get3A_2661 = tpu.vector_load %arg8[%get3A_2660] {strides = array<i32>} : memref<528xf32, #tpu.memory_space<vmem>>, vector<16xf32>,
        %get3A_2662 = vector.shape_cast %get3A_2661 : vector<16xf32> to vector<16xf32>
        %mul3A_2663 = arith.mulf %get3A_29, %get3A_2662 : vector<16xf32>
        %get3A_2664 = arith.constant 481 : index
        %get3A_2665 = tpu.vector_load %arg8[%get3A_2664] {strides = array<i32>} : memref<528xf32, #tpu.memory_space<vmem>>, vector<16xf32>,
        %get3A_2666 = vector.shape_cast %get3A_2665 : vector<16xf32> to vector<16xf32>
        %mul3A_2667 = arith.mulf %get3A_34, %get3A_2666 : vector<16xf32>
        %add3A_2668 = arith.addf %mul3A_2663, %mul3A_2667 : vector<16xf32>
        %get3A_2669 = arith.constant 482 : index
        %get3A_2670 = tpu.vector_load %arg8[%get3A_2669] {strides = array<i32>} : memref<528xf32, #tpu.memory_space<vmem>>, vector<16xf32>,
        %get3A_2671 = vector.shape_cast %get3A_2670 : vector<16xf32> to vector<16xf32>
        %mul3A_2672 = arith.mulf %get3A_39, %get3A_2671 : vector<16xf32>
        %add3A_2673 = arith.addf %add3A_2668, %mul3A_2672 : vector<16xf32>
        %get3A_2674 = arith.constant 483 : index
        %get3A_2675 = tpu.vector_load %arg8[%get3A_2674] {strides = array<i32>} : memref<528xf32, #tpu.memory_space<vmem>>, vector<16xf32>,
        %get3A_2676 = vector.shape_cast %get3A_2675 : vector<16xf32> to vector<16xf32>
        %mul3A_2677 = arith.mulf %get3A_44, %get3A_2676 : vector<16xf32>
        %add3A_2678 = arith.addf %add3A_2673, %mul3A_2677 : vector<16xf32>
        %get3A_2679 = arith.constant 484 : index
        %get3A_2680 = tpu.vector_load %arg8[%get3A_2679] {strides = array<i32>} : memref<528xf32, #tpu.memory_space<vmem>>, vector<16xf32>,
        %get3A_2681 = vector.shape_cast %get3A_2680 : vector<16xf32> to vector<16xf32>
        %mul3A_2682 = arith.mulf %get3A_49, %get3A_2681 : vector<16xf32>
        %add3A_2683 = arith.addf %add3A_2678, %mul3A_2682 : vector<16xf32>
        %gt3A_2684 = arith.constant 0.00999999977 : f32
        %gt3A_2685 = vector.broadcast %gt3A_2684 : f32 to vector<16xf32>
        %gt3A_2686 = arith.cmpf ogt, %add3A_2683, %gt3A_2685 : vector<16xf32>
        %jit3A_2687 = arith.constant 1.000000e+00 : f32
        %jit3A_2688 = arith.constant 0.000000e+00 : f32
        %broadcast_in_dim3A_2689 = vector.broadcast %jit3A_2687 : f32 to vector<16xf32>
        %broadcast_in_dim3A_2690 = vector.broadcast %jit3A_2688 : f32 to vector<16xf32>
        %select_n3A_2691 = arith.select %gt3A_2686, %broadcast_in_dim3A_2689, %broadcast_in_dim3A_2690 : vector<16xi1>, vector<16xf32>
        %max3A_2692 = arith.maximumf %select_n3A_2691, %broadcast_in_dim3A_129 : vector<16xf32>
        %swap3A_2693 = arith.index_cast %scan3A_137 : i32 to index
        %swap3A_2694 = arith.constant 480 : index
        %swap3A_2695 = tpu.vector_load %arg9[%swap3A_2693, %swap3A_2694] {strides = array<i32>} : memref<32x512xf32, #tpu.memory_space<vmem>>, vector<1x16xf32>,
        %swap3A_2696 = vector.shape_cast %swap3A_2695 : vector<1x16xf32> to vector<16xf32>
        %swap3A_2697 = vector.shape_cast %max3A_2692 : vector<16xf32> to vector<1x16xf32>
        tpu.vector_store %arg9[%swap3A_2693, %swap3A_2694], %swap3A_2697 {strides = array<i32>} : memref<32x512xf32, #tpu.memory_space<vmem>>, vector<1x16xf32>,
        %add3A_2698 = arith.addf %add3A_2659, %select_n3A_2691 : vector<16xf32>
        %get3A_2699 = arith.constant 496 : index
        %get3A_2700 = tpu.vector_load %arg8[%get3A_2699] {strides = array<i32>} : memref<528xf32, #tpu.memory_space<vmem>>, vector<16xf32>,
        %get3A_2701 = vector.shape_cast %get3A_2700 : vector<16xf32> to vector<16xf32>
        %mul3A_2702 = arith.mulf %get3A_29, %get3A_2701 : vector<16xf32>
        %get3A_2703 = arith.constant 497 : index
        %get3A_2704 = tpu.vector_load %arg8[%get3A_2703] {strides = array<i32>} : memref<528xf32, #tpu.memory_space<vmem>>, vector<16xf32>,
        %get3A_2705 = vector.shape_cast %get3A_2704 : vector<16xf32> to vector<16xf32>
        %mul3A_2706 = arith.mulf %get3A_34, %get3A_2705 : vector<16xf32>
        %add3A_2707 = arith.addf %mul3A_2702, %mul3A_2706 : vector<16xf32>
        %get3A_2708 = arith.constant 498 : index
        %get3A_2709 = tpu.vector_load %arg8[%get3A_2708] {strides = array<i32>} : memref<528xf32, #tpu.memory_space<vmem>>, vector<16xf32>,
        %get3A_2710 = vector.shape_cast %get3A_2709 : vector<16xf32> to vector<16xf32>
        %mul3A_2711 = arith.mulf %get3A_39, %get3A_2710 : vector<16xf32>
        %add3A_2712 = arith.addf %add3A_2707, %mul3A_2711 : vector<16xf32>
        %get3A_2713 = arith.constant 499 : index
        %get3A_2714 = tpu.vector_load %arg8[%get3A_2713] {strides = array<i32>} : memref<528xf32, #tpu.memory_space<vmem>>, vector<16xf32>,
        %get3A_2715 = vector.shape_cast %get3A_2714 : vector<16xf32> to vector<16xf32>
        %mul3A_2716 = arith.mulf %get3A_44, %get3A_2715 : vector<16xf32>
        %add3A_2717 = arith.addf %add3A_2712, %mul3A_2716 : vector<16xf32>
        %get3A_2718 = arith.constant 500 : index
        %get3A_2719 = tpu.vector_load %arg8[%get3A_2718] {strides = array<i32>} : memref<528xf32, #tpu.memory_space<vmem>>, vector<16xf32>,
        %get3A_2720 = vector.shape_cast %get3A_2719 : vector<16xf32> to vector<16xf32>
        %mul3A_2721 = arith.mulf %get3A_49, %get3A_2720 : vector<16xf32>
        %add3A_2722 = arith.addf %add3A_2717, %mul3A_2721 : vector<16xf32>
        %gt3A_2723 = arith.constant 0.00999999977 : f32
        %gt3A_2724 = vector.broadcast %gt3A_2723 : f32 to vector<16xf32>
        %gt3A_2725 = arith.cmpf ogt, %add3A_2722, %gt3A_2724 : vector<16xf32>
        %jit3A_2726 = arith.constant 1.000000e+00 : f32
        %jit3A_2727 = arith.constant 0.000000e+00 : f32
        %broadcast_in_dim3A_2728 = vector.broadcast %jit3A_2726 : f32 to vector<16xf32>
        %broadcast_in_dim3A_2729 = vector.broadcast %jit3A_2727 : f32 to vector<16xf32>
        %select_n3A_2730 = arith.select %gt3A_2725, %broadcast_in_dim3A_2728, %broadcast_in_dim3A_2729 : vector<16xi1>, vector<16xf32>
        %max3A_2731 = arith.maximumf %select_n3A_2730, %broadcast_in_dim3A_129 : vector<16xf32>
        %swap3A_2732 = arith.index_cast %scan3A_137 : i32 to index
        %swap3A_2733 = arith.constant 496 : index
        %swap3A_2734 = tpu.vector_load %arg9[%swap3A_2732, %swap3A_2733] {strides = array<i32>} : memref<32x512xf32, #tpu.memory_space<vmem>>, vector<1x16xf32>,
        %swap3A_2735 = vector.shape_cast %swap3A_2734 : vector<1x16xf32> to vector<16xf32>
        %swap3A_2736 = vector.shape_cast %max3A_2731 : vector<16xf32> to vector<1x16xf32>
        tpu.vector_store %arg9[%swap3A_2732, %swap3A_2733], %swap3A_2736 {strides = array<i32>} : memref<32x512xf32, #tpu.memory_space<vmem>>, vector<1x16xf32>,
        %add3A_2737 = arith.addf %add3A_2698, %select_n3A_2730 : vector<16xf32>
        scf.yield %add3A_2737 : vector<16xf32>
      }
      %scan3A_135 = arith.constant 32 : i32
      %run_scoped3A_136 = arith.constant 0 : i32
      "tpu.region"() ({
        %run_scoped3A_137 = tpu.sem_alloc : memref<!tpu.dma_semaphore, #tpu.memory_space<semaphore_mem>>
        %dma_start3A = arith.constant 0 : i32
        %dma_start3A_138 = tpu.memref_slice %arg4[%select_n3A, %run_scoped3A_136, %mul3A_97, %dma_start3A] : memref<4x1x512x512xf32, #tpu.memory_space<hbm>> -> memref<1x1x32x512xf32, #tpu.memory_space<hbm>>
        %dma_start3A_139 = tpu.memref_squeeze %dma_start3A_138 : memref<1x1x32x512xf32, #tpu.memory_space<hbm>> -> memref<32x512xf32, #tpu.memory_space<hbm>>
        %dma_start3A_140 = arith.constant 0 : i32
        %dma_start3A_141 = tpu.memref_slice %arg4[%select_n3A, %run_scoped3A_136, %mul3A_97, %dma_start3A_140] : memref<4x1x512x512xf32, #tpu.memory_space<hbm>> -> memref<1x1x32x512xf32, #tpu.memory_space<hbm>>
        %dma_start3A_142 = tpu.memref_squeeze %dma_start3A_141 : memref<1x1x32x512xf32, #tpu.memory_space<hbm>> -> memref<32x512xf32, #tpu.memory_space<hbm>>
        tpu.enqueue_dma source(%arg9 : memref<32x512xf32, #tpu.memory_space<vmem>>) target(%dma_start3A_142 : memref<32x512xf32, #tpu.memory_space<hbm>>) target_semaphore(%run_scoped3A_137 : memref<!tpu.dma_semaphore, #tpu.memory_space<semaphore_mem>>)
        %dma_wait3A = arith.constant 0 : i32
        %dma_wait3A_143 = tpu.memref_slice %arg4[%select_n3A, %run_scoped3A_136, %mul3A_97, %dma_wait3A] : memref<4x1x512x512xf32, #tpu.memory_space<hbm>> -> memref<1x1x32x512xf32, #tpu.memory_space<hbm>>
        %dma_wait3A_144 = tpu.memref_squeeze %dma_wait3A_143 : memref<1x1x32x512xf32, #tpu.memory_space<hbm>> -> memref<32x512xf32, #tpu.memory_space<hbm>>
        %dma_wait3A_145 = arith.constant 0 : i32
        %dma_wait3A_146 = tpu.memref_slice %arg4[%select_n3A, %run_scoped3A_136, %mul3A_97, %dma_wait3A_145] : memref<4x1x512x512xf32, #tpu.memory_space<hbm>> -> memref<1x1x32x512xf32, #tpu.memory_space<hbm>>
        %dma_wait3A_147 = tpu.memref_squeeze %dma_wait3A_146 : memref<1x1x32x512xf32, #tpu.memory_space<hbm>> -> memref<32x512xf32, #tpu.memory_space<hbm>>
        tpu.wait_dma2 semaphore(%run_scoped3A_137 : memref<!tpu.dma_semaphore, #tpu.memory_space<semaphore_mem>>) src(%arg9 : memref<32x512xf32, #tpu.memory_space<vmem>>) dst(%dma_wait3A_147 : memref<32x512xf32, #tpu.memory_space<hbm>>)
        tpu.yield
      }) : () -> ()
      scf.yield %scan3A_134 : vector<16xf32>
    }
    %scan3A_55 = arith.constant 2 : i32
    %swap3A = arith.constant 0 : i32
    %swap3A_56 = arith.index_cast %swap3A : i32 to index
    %swap3A_57 = arith.constant 0 : index
    %swap3A_58 = tpu.vector_load %arg11[%swap3A_56, %swap3A_57] {strides = array<i32>} : memref<1x16xf32, #tpu.memory_space<vmem>>, vector<1x16xf32>,
    %swap3A_59 = vector.shape_cast %swap3A_58 : vector<1x16xf32> to vector<16xf32>
    %swap3A_60 = vector.shape_cast %scan3A_54 : vector<16xf32> to vector<1x16xf32>
    tpu.vector_store %arg11[%swap3A_56, %swap3A_57], %swap3A_60 {strides = array<i32>} : memref<1x16xf32, #tpu.memory_space<vmem>>, vector<1x16xf32>,
    "tpu.region"() ({
      %run_scoped3A = tpu.sem_alloc : memref<!tpu.dma_semaphore, #tpu.memory_space<semaphore_mem>>
      %dma_start3A = arith.constant 0 : i32
      %dma_start3A_61 = arith.constant 0 : i32
      %dma_start3A_62 = tpu.memref_slice %arg5[%add3A, %dma_start3A, %dma_start3A_61] : memref<32x1x16xf32, #tpu.memory_space<hbm>> -> memref<1x1x16xf32, #tpu.memory_space<hbm>>
      %dma_start3A_63 = tpu.memref_squeeze %dma_start3A_62 : memref<1x1x16xf32, #tpu.memory_space<hbm>> -> memref<1x16xf32, #tpu.memory_space<hbm>>
      %dma_start3A_64 = arith.constant 0 : i32
      %dma_start3A_65 = arith.constant 0 : i32
      %dma_start3A_66 = tpu.memref_slice %arg5[%add3A, %dma_start3A_64, %dma_start3A_65] : memref<32x1x16xf32, #tpu.memory_space<hbm>> -> memref<1x1x16xf32, #tpu.memory_space<hbm>>
      %dma_start3A_67 = tpu.memref_squeeze %dma_start3A_66 : memref<1x1x16xf32, #tpu.memory_space<hbm>> -> memref<1x16xf32, #tpu.memory_space<hbm>>
      tpu.enqueue_dma source(%arg11 : memref<1x16xf32, #tpu.memory_space<vmem>>) target(%dma_start3A_67 : memref<1x16xf32, #tpu.memory_space<hbm>>) target_semaphore(%run_scoped3A : memref<!tpu.dma_semaphore, #tpu.memory_space<semaphore_mem>>)
      %dma_wait3A = arith.constant 0 : i32
      %dma_wait3A_68 = arith.constant 0 : i32
      %dma_wait3A_69 = tpu.memref_slice %arg5[%add3A, %dma_wait3A, %dma_wait3A_68] : memref<32x1x16xf32, #tpu.memory_space<hbm>> -> memref<1x1x16xf32, #tpu.memory_space<hbm>>
      %dma_wait3A_70 = tpu.memref_squeeze %dma_wait3A_69 : memref<1x1x16xf32, #tpu.memory_space<hbm>> -> memref<1x16xf32, #tpu.memory_space<hbm>>
      %dma_wait3A_71 = arith.constant 0 : i32
      %dma_wait3A_72 = arith.constant 0 : i32
      %dma_wait3A_73 = tpu.memref_slice %arg5[%add3A, %dma_wait3A_71, %dma_wait3A_72] : memref<32x1x16xf32, #tpu.memory_space<hbm>> -> memref<1x1x16xf32, #tpu.memory_space<hbm>>
      %dma_wait3A_74 = tpu.memref_squeeze %dma_wait3A_73 : memref<1x1x16xf32, #tpu.memory_space<hbm>> -> memref<1x16xf32, #tpu.memory_space<hbm>>
      tpu.wait_dma2 semaphore(%run_scoped3A : memref<!tpu.dma_semaphore, #tpu.memory_space<semaphore_mem>>) src(%arg11 : memref<1x16xf32, #tpu.memory_space<vmem>>) dst(%dma_wait3A_74 : memref<1x16xf32, #tpu.memory_space<hbm>>)
      tpu.yield
    }) : () -> ()
    return
  }
}

module attributes {stable_mosaic.version = 14 : i64} {
  func.func @_map_kernel(%arg0: i32, %arg1: memref<5xf32, #tpu.memory_space<smem>>, %arg2: memref<5xf32, #tpu.memory_space<smem>>, %arg3: memref<1x2x512x512xf32, #tpu.memory_space<vmem>>, %arg4: memref<1x1x512x512xf32, #tpu.memory_space<vmem>>, %arg5: memref<1x1xf32, #tpu.memory_space<smem>>, %arg6: memref<516x516xf32, #tpu.memory_space<vmem>>) attributes {dimension_semantics = [#tpu.dimension_semantics<arbitrary>], iteration_bounds = array<i64: 36>, scalar_prefetch = 0 : i64, scratch_operands = 1 : i64, tpu.core_type = #tpu.core_type<tc>, window_params = [{transform_indices = @transform_0, window_bounds = array<i64: 5>}, {transform_indices = @transform_1, window_bounds = array<i64: 5>}, {transform_indices = @transform_2, window_bounds = array<i64: 1, 2, 512, 512>}, {transform_indices = @transform_3, window_bounds = array<i64: 1, 1, 512, 512>}, {transform_indices = @transform_4, window_bounds = array<i64: 1, 1>}]} {
    %eq3A = arith.constant 0 : i32
    %eq3A_0 = arith.cmpi eq, %arg0, %eq3A : i32
    %convert_element_type3A = arith.extui %eq3A_0 : i1 to i32
    %cond3A = arith.constant 0 : i32
    %cond3A_1 = arith.cmpi ne, %convert_element_type3A, %cond3A : i32
    scf.if %cond3A_1 {
      %broadcast_in_dim3A_128 = arith.constant 0.000000e+00 : f32
      %broadcast_in_dim3A_129 = vector.broadcast %broadcast_in_dim3A_128 : f32 to vector<516x516xf32>
      %swap3A_130 = arith.constant 0 : index
      %swap3A_131 = arith.constant 0 : index
      %swap3A_132 = vector.load %arg6[%swap3A_130, %swap3A_131] : memref<516x516xf32, #tpu.memory_space<vmem>>, vector<516x516xf32>
      tpu.vector_store %arg6[%swap3A_130, %swap3A_131], %broadcast_in_dim3A_129 {strides = array<i32>} : memref<516x516xf32, #tpu.memory_space<vmem>>, vector<516x516xf32>,
      %swap3A_133 = arith.constant 0.000000e+00 : f32
      %swap3A_134 = arith.constant 0 : index
      %swap3A_135 = arith.constant 0 : index
      %swap3A_136 = memref.load %arg5[%swap3A_134, %swap3A_135] : memref<1x1xf32, #tpu.memory_space<smem>>
      memref.store %swap3A_133, %arg5[%swap3A_134, %swap3A_135] : memref<1x1xf32, #tpu.memory_space<smem>>
    } else {
    }
    %get3A = arith.constant 0 : index
    %get3A_2 = arith.constant 0 : index
    %get3A_3 = arith.constant 0 : index
    %get3A_4 = arith.constant 0 : index
    %get3A_5 = vector.load %arg3[%get3A, %get3A_2, %get3A_3, %get3A_4] : memref<1x2x512x512xf32, #tpu.memory_space<vmem>>, vector<1x1x512x512xf32>
    %get3A_6 = vector.shape_cast %get3A_5 : vector<1x1x512x512xf32> to vector<512x512xf32>
    %get3A_7 = arith.constant 0 : index
    %get3A_8 = arith.constant 1 : index
    %get3A_9 = arith.constant 0 : index
    %get3A_10 = arith.constant 0 : index
    %get3A_11 = vector.load %arg3[%get3A_7, %get3A_8, %get3A_9, %get3A_10] : memref<1x2x512x512xf32, #tpu.memory_space<vmem>>, vector<1x1x512x512xf32>
    %get3A_12 = vector.shape_cast %get3A_11 : vector<1x1x512x512xf32> to vector<512x512xf32>
    %max3A = arith.maximumf %get3A_6, %get3A_12 : vector<512x512xf32>
    %neg3A = arith.constant 0.000000e+00 : f32
    %neg3A_13 = vector.broadcast %neg3A : f32 to vector<512x512xf32>
    %neg3A_14 = arith.subf %neg3A_13, %max3A : vector<512x512xf32>
    %exp3A = math.exp %neg3A_14 : vector<512x512xf32>
    %add3A = arith.constant 1.000000e+00 : f32
    %add3A_15 = vector.broadcast %add3A : f32 to vector<512x512xf32>
    %add3A_16 = arith.addf %add3A_15, %exp3A : vector<512x512xf32>
    %div3A = arith.constant 1.000000e+00 : f32
    %div3A_17 = vector.broadcast %div3A : f32 to vector<512x512xf32>
    %div3A_18 = arith.divf %div3A_17, %add3A_16 : vector<512x512xf32>
    %swap3A = arith.constant 2 : index
    %swap3A_19 = arith.constant 2 : index
    %swap3A_20 = vector.load %arg6[%swap3A, %swap3A_19] : memref<516x516xf32, #tpu.memory_space<vmem>>, vector<512x512xf32>
    tpu.vector_store %arg6[%swap3A, %swap3A_19], %div3A_18 {strides = array<i32>} : memref<516x516xf32, #tpu.memory_space<vmem>>, vector<512x512xf32>,
    %get3A_21 = arith.constant 0 : index
    %get3A_22 = memref.load %arg1[%get3A_21] : memref<5xf32, #tpu.memory_space<smem>>
    %get3A_23 = arith.constant 0 : index
    %get3A_24 = arith.constant 0 : index
    %get3A_25 = vector.load %arg6[%get3A_23, %get3A_24] : memref<516x516xf32, #tpu.memory_space<vmem>>, vector<512x516xf32>
    %mul3A = vector.broadcast %get3A_22 : f32 to vector<512x516xf32>
    %mul3A_26 = arith.mulf %mul3A, %get3A_25 : vector<512x516xf32>
    %get3A_27 = arith.constant 1 : index
    %get3A_28 = memref.load %arg1[%get3A_27] : memref<5xf32, #tpu.memory_space<smem>>
    %get3A_29 = arith.constant 1 : index
    %get3A_30 = arith.constant 0 : index
    %get3A_31 = vector.load %arg6[%get3A_29, %get3A_30] : memref<516x516xf32, #tpu.memory_space<vmem>>, vector<512x516xf32>
    %mul3A_32 = vector.broadcast %get3A_28 : f32 to vector<512x516xf32>
    %mul3A_33 = arith.mulf %mul3A_32, %get3A_31 : vector<512x516xf32>
    %add3A_34 = arith.addf %mul3A_26, %mul3A_33 : vector<512x516xf32>
    %get3A_35 = arith.constant 2 : index
    %get3A_36 = memref.load %arg1[%get3A_35] : memref<5xf32, #tpu.memory_space<smem>>
    %get3A_37 = arith.constant 2 : index
    %get3A_38 = arith.constant 0 : index
    %get3A_39 = vector.load %arg6[%get3A_37, %get3A_38] : memref<516x516xf32, #tpu.memory_space<vmem>>, vector<512x516xf32>
    %mul3A_40 = vector.broadcast %get3A_36 : f32 to vector<512x516xf32>
    %mul3A_41 = arith.mulf %mul3A_40, %get3A_39 : vector<512x516xf32>
    %add3A_42 = arith.addf %add3A_34, %mul3A_41 : vector<512x516xf32>
    %get3A_43 = arith.constant 3 : index
    %get3A_44 = memref.load %arg1[%get3A_43] : memref<5xf32, #tpu.memory_space<smem>>
    %get3A_45 = arith.constant 3 : index
    %get3A_46 = arith.constant 0 : index
    %get3A_47 = vector.load %arg6[%get3A_45, %get3A_46] : memref<516x516xf32, #tpu.memory_space<vmem>>, vector<512x516xf32>
    %mul3A_48 = vector.broadcast %get3A_44 : f32 to vector<512x516xf32>
    %mul3A_49 = arith.mulf %mul3A_48, %get3A_47 : vector<512x516xf32>
    %add3A_50 = arith.addf %add3A_42, %mul3A_49 : vector<512x516xf32>
    %get3A_51 = arith.constant 4 : index
    %get3A_52 = memref.load %arg1[%get3A_51] : memref<5xf32, #tpu.memory_space<smem>>
    %get3A_53 = arith.constant 4 : index
    %get3A_54 = arith.constant 0 : index
    %get3A_55 = vector.load %arg6[%get3A_53, %get3A_54] : memref<516x516xf32, #tpu.memory_space<vmem>>, vector<512x516xf32>
    %mul3A_56 = vector.broadcast %get3A_52 : f32 to vector<512x516xf32>
    %mul3A_57 = arith.mulf %mul3A_56, %get3A_55 : vector<512x516xf32>
    %add3A_58 = arith.addf %add3A_50, %mul3A_57 : vector<512x516xf32>
    %get3A_59 = arith.constant 0 : index
    %get3A_60 = memref.load %arg2[%get3A_59] : memref<5xf32, #tpu.memory_space<smem>>
    %slice3A = vector.extract_strided_slice %add3A_58 {offsets = [0, 0], sizes = [512, 512], strides = [1, 1]} : vector<512x516xf32> to vector<512x512xf32>
    %mul3A_61 = vector.broadcast %get3A_60 : f32 to vector<512x512xf32>
    %mul3A_62 = arith.mulf %mul3A_61, %slice3A : vector<512x512xf32>
    %get3A_63 = arith.constant 1 : index
    %get3A_64 = memref.load %arg2[%get3A_63] : memref<5xf32, #tpu.memory_space<smem>>
    %slice3A_65 = vector.extract_strided_slice %add3A_58 {offsets = [0, 1], sizes = [512, 512], strides = [1, 1]} : vector<512x516xf32> to vector<512x512xf32>
    %mul3A_66 = vector.broadcast %get3A_64 : f32 to vector<512x512xf32>
    %mul3A_67 = arith.mulf %mul3A_66, %slice3A_65 : vector<512x512xf32>
    %add3A_68 = arith.addf %mul3A_62, %mul3A_67 : vector<512x512xf32>
    %get3A_69 = arith.constant 2 : index
    %get3A_70 = memref.load %arg2[%get3A_69] : memref<5xf32, #tpu.memory_space<smem>>
    %slice3A_71 = vector.extract_strided_slice %add3A_58 {offsets = [0, 2], sizes = [512, 512], strides = [1, 1]} : vector<512x516xf32> to vector<512x512xf32>
    %mul3A_72 = vector.broadcast %get3A_70 : f32 to vector<512x512xf32>
    %mul3A_73 = arith.mulf %mul3A_72, %slice3A_71 : vector<512x512xf32>
    %add3A_74 = arith.addf %add3A_68, %mul3A_73 : vector<512x512xf32>
    %get3A_75 = arith.constant 3 : index
    %get3A_76 = memref.load %arg2[%get3A_75] : memref<5xf32, #tpu.memory_space<smem>>
    %slice3A_77 = vector.extract_strided_slice %add3A_58 {offsets = [0, 3], sizes = [512, 512], strides = [1, 1]} : vector<512x516xf32> to vector<512x512xf32>
    %mul3A_78 = vector.broadcast %get3A_76 : f32 to vector<512x512xf32>
    %mul3A_79 = arith.mulf %mul3A_78, %slice3A_77 : vector<512x512xf32>
    %add3A_80 = arith.addf %add3A_74, %mul3A_79 : vector<512x512xf32>
    %get3A_81 = arith.constant 4 : index
    %get3A_82 = memref.load %arg2[%get3A_81] : memref<5xf32, #tpu.memory_space<smem>>
    %slice3A_83 = vector.extract_strided_slice %add3A_58 {offsets = [0, 4], sizes = [512, 512], strides = [1, 1]} : vector<512x516xf32> to vector<512x512xf32>
    %mul3A_84 = vector.broadcast %get3A_82 : f32 to vector<512x512xf32>
    %mul3A_85 = arith.mulf %mul3A_84, %slice3A_83 : vector<512x512xf32>
    %add3A_86 = arith.addf %add3A_80, %mul3A_85 : vector<512x512xf32>
    %gt3A = arith.constant 0.00999999977 : f32
    %gt3A_87 = vector.broadcast %gt3A : f32 to vector<512x512xf32>
    %gt3A_88 = arith.cmpf ogt, %add3A_86, %gt3A_87 : vector<512x512xf32>
    %jit3A = arith.constant 1.000000e+00 : f32
    %jit3A_89 = arith.constant 0.000000e+00 : f32
    %broadcast_in_dim3A = vector.broadcast %jit3A : f32 to vector<512x512xf32>
    %broadcast_in_dim3A_90 = vector.broadcast %jit3A_89 : f32 to vector<512x512xf32>
    %select_n3A = arith.select %gt3A_88, %broadcast_in_dim3A, %broadcast_in_dim3A_90 : vector<512x512xi1>, vector<512x512xf32>
    %get3A_91 = arith.constant 0 : index
    %get3A_92 = arith.constant 0 : index
    %get3A_93 = memref.load %arg5[%get3A_91, %get3A_92] : memref<1x1xf32, #tpu.memory_space<smem>>
    %reduce_sum3A = vector.shape_cast %select_n3A : vector<512x512xf32> to vector<1x512x512xf32>
    %reduce_sum3A_94 = arith.constant dense<0.000000e+00> : vector<1xf32>
    %reduce_sum3A_95 = vector.multi_reduction <add>, %reduce_sum3A, %reduce_sum3A_94 [1, 2] : vector<1x512x512xf32> to vector<1xf32>
    %reduce_sum3A_96 = vector.shape_cast %reduce_sum3A_95 : vector<1xf32> to vector<1x1x1xf32>
    %reduce_sum3A_97 = vector.extract %reduce_sum3A_96[0, 0, 0] : f32 from vector<1x1x1xf32>
    %add3A_98 = arith.addf %get3A_93, %reduce_sum3A_97 : f32
    %swap3A_99 = arith.constant 0 : index
    %swap3A_100 = arith.constant 0 : index
    %swap3A_101 = memref.load %arg5[%swap3A_99, %swap3A_100] : memref<1x1xf32, #tpu.memory_space<smem>>
    memref.store %add3A_98, %arg5[%swap3A_99, %swap3A_100] : memref<1x1xf32, #tpu.memory_space<smem>>
    %add3A_102 = arith.constant 4 : i32
    %add3A_103 = arith.addi %arg0, %add3A_102 : i32
    %jit3A_104 = arith.constant 5 : i32
    %eq3A_105 = arith.constant 0 : i32
    %eq3A_106 = arith.cmpi eq, %jit3A_104, %eq3A_105 : i32
    %jit3A_107 = arith.constant 1 : i32
    %select_n3A_108 = arith.select %eq3A_106, %jit3A_107, %jit3A_104 : i32
    %rem3A = arith.remsi %add3A_103, %select_n3A_108 : i32
    %ne3A = arith.constant 0 : i32
    %ne3A_109 = arith.cmpi ne, %rem3A, %ne3A : i32
    %lt3A = arith.constant 0 : i32
    %lt3A_110 = arith.cmpi slt, %rem3A, %lt3A : i32
    %lt3A_111 = arith.constant 0 : i32
    %lt3A_112 = arith.cmpi slt, %select_n3A_108, %lt3A_111 : i32
    %ne3A_113 = arith.xori %lt3A_110, %lt3A_112 : i1
    %and3A = arith.andi %ne3A_113, %ne3A_109 : i1
    %add3A_114 = arith.addi %rem3A, %select_n3A_108 : i32
    %select_n3A_115 = arith.select %and3A, %add3A_114, %rem3A : i32
    %eq3A_116 = arith.constant 0 : i32
    %eq3A_117 = arith.cmpi eq, %select_n3A_115, %eq3A_116 : i32
    %broadcast_in_dim3A_118 = arith.constant 1.000000e+00 : f32
    %broadcast_in_dim3A_119 = vector.broadcast %broadcast_in_dim3A_118 : f32 to vector<512x512xf32>
    %select_n3A_120 = arith.select %eq3A_117, %broadcast_in_dim3A_119, %select_n3A : vector<512x512xf32>
    %swap3A_121 = arith.constant 0 : index
    %swap3A_122 = arith.constant 0 : index
    %swap3A_123 = arith.constant 0 : index
    %swap3A_124 = arith.constant 0 : index
    %swap3A_125 = vector.load %arg4[%swap3A_121, %swap3A_122, %swap3A_123, %swap3A_124] : memref<1x1x512x512xf32, #tpu.memory_space<vmem>>, vector<1x1x512x512xf32>
    %swap3A_126 = vector.shape_cast %swap3A_125 : vector<1x1x512x512xf32> to vector<512x512xf32>
    %swap3A_127 = vector.shape_cast %select_n3A_120 : vector<512x512xf32> to vector<1x1x512x512xf32>
    tpu.vector_store %arg4[%swap3A_121, %swap3A_122, %swap3A_123, %swap3A_124], %swap3A_127 {strides = array<i32>} : memref<1x1x512x512xf32, #tpu.memory_space<vmem>>, vector<1x1x512x512xf32>,
    return
  }
  func.func @transform_0(%arg0: i32) -> i32 {
    %c0_i32 = arith.constant 0 : i32
    %c0_i32_0 = arith.constant 0 : i32
    return %c0_i32 : i32
  }
  func.func @transform_1(%arg0: i32) -> i32 {
    %c0_i32 = arith.constant 0 : i32
    %c0_i32_0 = arith.constant 0 : i32
    return %c0_i32 : i32
  }
  func.func @transform_2(%arg0: i32) -> (i32, i32, i32, i32) {
    %c0_i32 = arith.constant 0 : i32
    %c0_i32_0 = arith.constant 0 : i32
    %c0_i32_1 = arith.constant 0 : i32
    %c0_i32_2 = arith.constant 0 : i32
    return %arg0, %c0_i32, %c0_i32_0, %c0_i32_1 : i32, i32, i32, i32
  }
  func.func @transform_3(%arg0: i32) -> (i32, i32, i32, i32) {
    %c0_i32 = arith.constant 0 : i32
    %c0_i32_0 = arith.constant 0 : i32
    %c0_i32_1 = arith.constant 0 : i32
    %c0_i32_2 = arith.constant 0 : i32
    return %arg0, %c0_i32, %c0_i32_0, %c0_i32_1 : i32, i32, i32, i32
  }
  func.func @transform_4(%arg0: i32) -> (i32, i32) {
    %c0_i32 = arith.constant 0 : i32
    %c0_i32_0 = arith.constant 0 : i32
    %c0_i32_1 = arith.constant 0 : i32
    return %c0_i32, %c0_i32_0 : i32, i32
  }
}

</mosaic_0001>

<sc_bundles>
// kernel: kernel.4.cloned.1.call-start
scs
__scs_entry_jumppad:
0x0: {  	(pc) =	sbr.rel $0x88, $3  }
0x1: {  	(tag) =	ssettag $0x0;
	lr =	simm.s32 $0x1  }
0x2: {  	[smem:$0x3F9F] =	sst lr;
	_ =	strace $0xD0000000  }
0x3: {  	_ = 	snop  }
0x4: {  	_ = 	snop  }
0x5: {  	_ = 	snop  }
0x6: {  	_ = 	snop  }
0x7: {  	_ = 	snop  }
__scs_overlays_trampoline_lowered:
0x8: {  	[smem:$0x3FAE] =	sst s0  }
0x9: {  	[smem:$0x3FAF] =	sst s1  }
0xa: {  	[smem:$0x3FB0] =	sst s2  }
0xb: {  	[smem:$0x3FB1] =	sst s3  }
0xc: {  	[smem:$0x3FB2] =	sst s4  }
0xd: {  	[smem:$0x3FB3] =	sst s5  }
0xe: {  	[smem:$0x3FB4] =	sst s6  }
0xf: {  	[smem:$0x3FB5] =	sst s7  }
0x10: {  	[smem:$0x3FB6] =	sst s8  }
0x11: {  	[smem:$0x3FB7] =	sst s9;
	s0 =	simm.s32 @!p0 $0x0  }
0x12: {  	s1 =	sld [smem:$0x3F9D];
	s0 =	simm.s32 @p0 $0x1  }
0x13: {  	[smem:$0x3FB8] =	sst s0;
	s0 =	simm.s32 @!p1 $0x0  }
0x14: {  	s2 =	sld [smem:$0x3F9C];
	s0 =	simm.s32 @p1 $0x1  }
0x15: {  	[smem:$0x3FB9] =	sst s0;
	s0 =	simm.s32 @!p2 $0x0  }
0x16: {  	s3 =	sld [smem:$0x3FDB];
	s0 =	simm.s32 @p2 $0x1  }
0x17: {  	s4 =	simm.s32 $0x1BF5;
	[smem:$0x3FBB] =	sst s0  }
0x18: {  	s0 =	sld [smem:$0x3F9E];
	_ =	swait.ge [sflag:s4], $0x0  }
0x19: {  	s7 =	sld [smem:$0x3F9F]  }
0x1a: {  	s8 =	sadd.s32 $0xFFFFE003, lr  }
0x1b: {  	s9 =	sadd.s32 $0xFFFFFEF7, lr;
	s5 =	simm.s32 $0xFFFFFFFF;
	p2 =	slt.u32 s8, $0xFFFFF086  }
0x1c: {  	p1 =	slt.u32 s9, $0xF7A;
	s5 =	simm.s32 @!p2 $0x0  }
0x1d: {  	s5 =	simm.s32 @p1 $0x1;
	p0 =	seq.s32 s7, s2  }
0x1e: {  	s7 =	smul.u32 @!p0 $0xF7A, s2;
	p2 =	seq.s32 @!p0 s5, $0x0  }
0x1f: {  	s9 =	smul.u32 $0xF7A, s1;
	s8 =	simm.s32 @!p0 $0x1BF5;
	p2 =	por !p2, p0  }
0x20: {  	[sflag:s8] =	ssyncset.s32 @!p0 $0xFFFFF086;
	s6 =	sadd.s32 @!p0 s3, s7;
	s7 =	simm.s32 @!p0 $0x108  }
0x21: {  	s3 =	sadd.s32 s3, s9;
	s6 =	sadd.s32 @!p0 $0x88, s6;
	s7 =	simm.s32 @p2 $0x1082  }
0x22: {  	[simem:s7], [sflag:s8] =	dma.local @!p0 [hbm:s6], $0xF7A  }
0x23: {  	s9 =	sor.u32 $0xD0000000, s2;
	s6 =	simm.s32 $0x108;
	_ =	swait.ge @!p0 [sflag:s8], $0x0  }
0x24: {  	s3 =	sadd.s32 $0x88, s3;
	s6 =	simm.s32 @!p1 $0x1082;
	[sflag:s4] =	ssyncset.s32 $0xFFFFF086  }
0x25: {  	[simem:s6], [sflag:s4] =	dma.local [hbm:s3], $0xF7A  }
0x26: {  	[smem:$0x3F9F] =	sst s1;
	(tag) =	ssettag s2;
	_ =	strace s9  }
0x27: {  	s1 =	sld [smem:$0x3FAF]  }
0x28: {  	s2 =	sld [smem:$0x3FB0]  }
0x29: {  	s4 =	sld [smem:$0x3FB2]  }
0x2a: {  	p0 =	seq.s32 s5, $0x0;
	s5 =	sld [smem:$0x3FB3]  }
0x2b: {  	s6 =	sld [smem:$0x3FB4]  }
0x2c: {  	s7 =	sld [smem:$0x3FB5]  }
0x2d: {  	s3 =	simm.s32 $0x108;
	s8 =	sld [smem:$0x3FB6]  }
0x2e: {  	s3 =	simm.s32 @!p0 $0x1082;
	s9 =	sld [smem:$0x3FB7]  }
0x2f: {  	lr =	sadd.s32 s0, s3;
	s0 =	sld [smem:$0x3FAE]  }
0x30: {  	s3 =	sld [smem:$0x3FB1]  }
0x31: {  	[smem:$0x3FBA] =	sst s10  }
0x32: {  	s10 =	sld [smem:$0x3FB8];
	_ =	sdelay $0x3  }
0x33: {  	p0 =	seq.s32 s10, $0x1;
	s10 =	sld [smem:$0x3FBA];
	_ =	sdelay $0x3  }
0x34: {  	[smem:$0x3FBA] =	sst s10  }
0x35: {  	s10 =	sld [smem:$0x3FB9];
	_ =	sdelay $0x3  }
0x36: {  	p1 =	seq.s32 s10, $0x1;
	s10 =	sld [smem:$0x3FBA];
	_ =	sdelay $0x3  }
0x37: {  	[smem:$0x3FBA] =	sst s10  }
0x38: {  	s10 =	sld [smem:$0x3FBB]  }
0x39: {  	_ = 	snop;
	(pc) =	sbr.ind lr, $3  }
0x3a: {  	_ = 	snop  }
0x3b: {  	_ = 	snop  }
0x3c: {  	p2 =	seq.s32 s10, $0x1;
	s10 =	sld [smem:$0x3FBA]  }
0x3d: {  	_ =	shalt  }
0x3e: {  	_ =	shalt  }
0x3f: {  	_ =	shalt  }
0x40: {  	_ =	shalt  }
0x41: {  	_ =	shalt  }
0x42: {  	_ =	shalt  }
0x43: {  	_ =	shalt  }
0x44: {  	_ =	shalt  }
0x45: {  	_ =	shalt  }
0x46: {  	_ =	shalt  }
0x47: {  	_ =	shalt  }
0x48: {  	_ =	shalt  }
0x49: {  	_ =	shalt  }
0x4a: {  	_ =	shalt  }
0x4b: {  	_ =	shalt  }
0x4c: {  	_ =	shalt  }
0x4d: {  	_ =	shalt  }
0x4e: {  	_ =	shalt  }
0x4f: {  	_ =	shalt  }
0x50: {  	_ =	shalt  }
0x51: {  	_ =	shalt  }
0x52: {  	_ =	shalt  }
0x53: {  	_ =	shalt  }
0x54: {  	_ =	shalt  }
0x55: {  	_ =	shalt  }
0x56: {  	_ =	shalt  }
0x57: {  	_ =	shalt  }
0x58: {  	_ =	shalt  }
0x59: {  	_ =	shalt  }
0x5a: {  	_ =	shalt  }
0x5b: {  	_ =	shalt  }
0x5c: {  	_ =	shalt  }
0x5d: {  	_ =	shalt  }
0x5e: {  	_ =	shalt  }
0x5f: {  	_ =	shalt  }
0x60: {  	_ =	shalt  }
0x61: {  	_ =	shalt  }
0x62: {  	_ =	shalt  }
0x63: {  	_ =	shalt  }
0x64: {  	_ =	shalt  }
0x65: {  	_ =	shalt  }
0x66: {  	_ =	shalt  }
0x67: {  	_ =	shalt  }
0x68: {  	_ =	shalt  }
0x69: {  	_ =	shalt  }
0x6a: {  	_ =	shalt  }
0x6b: {  	_ =	shalt  }
0x6c: {  	_ =	shalt  }
0x6d: {  	_ =	shalt  }
0x6e: {  	_ =	shalt  }
0x6f: {  	_ =	shalt  }
0x70: {  	_ =	shalt  }
0x71: {  	_ =	shalt  }
0x72: {  	_ =	shalt  }
0x73: {  	_ =	shalt  }
0x74: {  	_ =	shalt  }
0x75: {  	_ =	shalt  }
0x76: {  	_ =	shalt  }
0x77: {  	_ =	shalt  }
0x78: {  	_ =	shalt  }
0x79: {  	_ =	shalt  }
0x7a: {  	_ =	shalt  }
0x7b: {  	_ =	shalt  }
0x7c: {  	_ =	shalt  }
0x7d: {  	_ =	shalt  }
0x7e: {  	_ =	shalt  }
0x7f: {  	_ =	shalt  }
0x80: {  	_ =	shalt  }
0x81: {  	_ =	shalt  }
0x82: {  	_ =	shalt  }
0x83: {  	_ =	shalt  }
0x84: {  	_ =	shalt  }
0x85: {  	_ =	shalt  }
0x86: {  	_ =	shalt  }
0x87: {  	_ =	shalt  }
.Lfunc_end0:
.L_simem_size_0:
called_computation_lowered:
.L_overlay_start_0:
0x88: {  	s2 =	sld [smem:$0x3FD9]  }
0x89: {  	s3 =	sld [smem:$0x3FFE];
	_ =	sdelay $0x1  }
0x8a: {  	s1 =	srdreg.scid  }
0x8b: {  	s0 =	sand.u32 $0x1, s1  }
0x8c: {  	s14 =	sshll.u32 s0, $0xA;
	s2 =	sadd.s32 s3, s2  }
0x8d: {  	s2 =	sadd.s32 s2, s14  }
0x8e: {  	[smem:$0x3FC6] =	sst s2  }
0x8f: {  	_ = 	snop  }
0x90: {  	s2 =	sld [smem:$0x3FD0];
	_ =	sdelay $0x2  }
0x91: {  	s15 =	simm.s32 $0xA;
	s4 =	simm.s32 $0x10  }
0x92: {  	[smem:s4], [sflag:s15] =	dma.local [hbm:s2], $0x1  }
0x93: {  	_ =	swait.eq [sflag:s15], $0x1  }
0x94: {  	[sflag:s15] =	ssyncset.done $0x0  }
0x95: {  	[sflag:s15] =	ssyncadd.s32 $0xFFFFFFFF  }
0x96: {  	s16 =	sld [smem:$0x10];
	(tm) =	ssettm $0x1  }
0x97: {  	s17 =	sld [smem:$0x3FFB];
	_ =	sdelay $0x3  }
0x98: {  	_ =	strace s17  }
0x99: {  	s3 =	sld [smem:$0x3FFC];
	_ =	sdelay $0x3  }
0x9a: {  	_ =	strace s3  }
0x9b: {  	s3 =	sld [smem:$0x3FFD];
	_ =	sdelay $0x3  }
0x9c: {  	_ =	strace s3  }
0x9d: {  	_ =	strace $0x8FFFFFFF  }
0x9e: {  	s18 =	sld [smem:$0x3FDB];
	_ =	sdelay $0x1  }
0x9f: {  	s19 =	simm.s32 $_scs_section_size  }
0xa0: {  	s5 =	simm.s32 $_size__tile_overlayer_lowered;
	s6 =	simm.s32 $_tile_overlayer_lowered  }
0xa1: {  	s22 =	simm.s32 $0x1BFF;
	s21 =	sshll.u32 s6, $0x1;
	s3 =	sadd.s32 s19, s18  }
0xa2: {  	s7 =	simm.s32 $0x0;
	s20 =	sshll.u32 s5, $0x1;
	s5 =	sadd.s32 s21, s3  }
0xa3: {  	[timem:s7], [sflag:s22] =	dma.local [hbm:s5], s20  }
0xa4: {  	_ =	swait.ge [sflag:s22], s20  }
0xa5: {  	s4 =	ssub.s32 $0x0, s20;
	[sflag:s22] =	ssyncset.done $0x0  }
0xa6: {  	[sflag:s22] =	ssyncadd.s32 s4;
	_ =	sdelay $0x1  }
0xa7: {  	s23 =	simm.s32 $0x1B8B  }
0xa8: {  	_ =	swait.ge [sflag:s23], $0x1  }
0xa9: {  	[sflag:s23] =	ssyncset.done $0x0  }
0xaa: {  	s25 =	simm.s32 $0x1B8E;
	s24 =	sld [smem:$0x3FFE];
	[sflag:s23] =	ssyncadd.s32 $0xFFFFFFFF  }
0xab: {  	s26 =	simm.s32 $execute0_lowered;
	[smem:$0x3FD2] =	sst s25  }
0xac: {  	s5 =	sshll.u32 s26, $0x1;
	_ =	strace $0x80000046;
	[dreg:$0x1] =	wrdreg $0xFFFFFFFF  }
0xad: {  	s28 =	simm.s32 $_size_execute0_lowered;
	s3 =	sadd.s32 s3, s5;
	[dreg:$0x0] =	wrdreg $0x0  }
0xae: {  	s5 =	sshll.u32 s28, $0x1;
	[dreg:$0x2] =	wrdreg s3  }
0xaf: {  	[dreg:$0x3] =	wrdreg s5  }
0xb0: {  	[dreg:$0x4] =	wrdreg $0xC0  }
0xb1: {  	_ =	task [dreg:s7], $0x5FFFF  }
0xb2: {  	[dreg:$0x1] =	wrdreg $0xFFFFFFFF  }
0xb3: {  	[dreg:$0x0] =	wrdreg $0x60  }
0xb4: {  	[dreg:$0x2] =	wrdreg s24  }
0xb5: {  	[dreg:$0x3] =	wrdreg s16  }
0xb6: {  	[dreg:$0x4] =	wrdreg $0x9  }
0xb7: {  	_ =	task.clear_ibuf [dreg:s7], $0x5FFFF;
	_ =	strace $0x90000046  }
0xb8: {  	s29 =	simm.s32 $0x9;
	_ =	strace $0x80000048  }
0xb9: {  	_ =	swait.ge [sflag:s29], $0x1  }
0xba: {  	[sflag:s29] =	ssyncadd.s32 $0xFFFFFFFF  }
0xbb: {  	_ =	strace $0x90000048  }
0xbc: {  	_ =	sfence  }
0xbd: {  	s30 =	sld [smem:$0x0];
	_ =	sdelay $0x2  }
0xbe: {  	s31 =	sshll.u32 s1, $0xD;
	s1 =	sshrl.u32 s1, $0x2  }
0xbf: {  	s3 =	sand.u32 $0x4000, s31;
	s1 =	sadd.s32 s1, s30  }
0xc0: {  	s0 =	sor.u32 s3, s0;
	s1 =	sshll.u32 s1, $0x11  }
0xc1: {  	s0 =	sor.u32 s1, s0  }
0xc2: {  	s0 =	sadd.s32 $0x8F2B, s0  }
0xc3: {  	[sflag:s0] =	ssyncadd.remote.s32 $0x1  }
0xc4: {  	_ =	sfence.sel $0xFFFF  }
0xc5: {  	[dreg:$0x0] =	wrdreg $0xFFFFFFFF;
	(pc) =	sbr.abs _section_cstart, $3  }
0xc6: {  	[dreg:$0x1] =	wrdreg $0xFFFFFFFF  }
0xc7: {  	_ =	task.clear_ibuf [dreg:s7], $0x2FFFF;
	_ =	strace $0x9FFFFFFF  }
0xc8: {  	(tm) =	ssettm $0x7FFFFFFF  }
0xc9: {  	_ =	shalt  }
tec
execute0_lowered:
.L_overlay_start_1:
0x0: {  	(tag) =	ssettag $0x1  }
0x1: {  	s6 =	rddreg [dreg:$0x0]  }
0x2: {  	s1 =	rddreg [dreg:$0x1]  }
0x3: {  	s0 =	rddreg [dreg:$0x2];
	s3 =	simm.s32 $0x0  }
0x4: {  	s4 =	srdreg.scid;
	s2 =	stileid.u32;
	s14 =	simm.f32 $1.000000000e+00  }
0x5: {  	s11 =	simm.s32 $0x14680;
	s12 =	simm.s32 $0x1;
	s13 =	simm.s32 $0x5000  }
0x6: {  	v0 =	vimm.s32 $0xDCBA9876;
	v1 =	vimm.s32 $0x543210FE;
	s15 =	simm.s32 $0x14E80;
	s16 =	simm.s32 $0x0;
	[smem:$0x7FF] =	sst s3  }
0x7: {  	s5 =	sand.u32 $0x1, s4;
	s7 =	sshll.u32 s2, $0x1;
	s4 =	sadd.s32 $0x200, s6;
	v0 =	vunpack.c.l.s4.s8 v0;
	v1 =	vunpack.c.l.s4.s8 v1  }
0x8: {  	s30 =	sshrl.u32 s2, $0x2;
	_ =	strace $0x80000047;
	s7 =	sor.u32 s5, s7  }
0x9: {  	s8 =	ssub.s32 $0x2, s5;
	s5 =	sadd.s32 $0x400, s6;
	p0 =	seq.s32 s30, $0x0;
	v0 =	vunpack.c.0.s8.s32 v0;
	v1 =	vunpack.c.0.s8.s32 v1  }
0xa: {  	s9 =	sshll.u32 s7, $0x4;
	s10 =	sshrl.u32 s8, $0x1;
	s31 =	sshll.u32 s7, $0xF  }
0xb: {  	s7 =	smul.u32 $0x82000, s30;
	s14 =	simm.s32 @!p0 $0x0;
	s9 =	sadd.s32 s9, s6;
	v2 =	vcombine.low v1, v0  }
0xc: {  	s10 =	ssub.s32 s8, s10;
	s6 =	sand.u32 $0x38000, s31;
	s8 =	sshll.u32 s30, $0x12  }
0xd: {  	s9 =	sadd.s32 $0x20400, s9;
	s10 =	smax.u32 s10, $0x1;
	v0 =	vmov s14;
	v1 =	vimm.f32 $0.0e+00;
	s14 =	simm.s32 $0x10680;
	v2 =	vand.u32 $0xF, v2  }
.LBB2_1:
0xe: {  	[tilespmem:s11], [sflag:$0x1] =	stream.linear.gather [hbm4b:s4+s3], $0x500, $0x38;
	[tilespmem:$0x14F00] =	vst v63  }
0xf: {  	_ =	swait.ge [sflag:s12], $0x500  }
0x10: {  	[sflag:s12] =	ssyncset.done $0x0  }
0x11: {  	[sflag:s12] =	ssyncadd.s32 $0xFFFFFB00  }
0x12: {  	v3 =	vld [tilespmem:$0x14680]  }
0x13: {  	v4 =	vld [tilespmem:$0x14700]  }
0x14: {  	v5 =	vld [tilespmem:$0x14780]  }
0x15: {  	v6 =	vld [tilespmem:$0x14800]  }
0x16: {  	v7 =	vld [tilespmem:$0x14880]  }
0x17: {  	v8 =	vld [tilespmem:$0x14900]  }
0x18: {  	v9 =	vld [tilespmem:$0x14980]  }
0x19: {  	v10 =	vld [tilespmem:$0x14A00]  }
0x1a: {  	v11 =	vld [tilespmem:$0x14A80]  }
0x1b: {  	p1 =	por $0x1, $0x1;
	v13 =	vimm.f32 $0.0e+00;
	s17 =	simm.s32 $0x0;
	v12 =	vld [tilespmem:$0x14B00]  }
.LBB2_2:
0x1c: {  	s17 =	sor.u32 s6, s17  }
0x1d: {  	s18 =	sadd.s32 s7, s17  }
0x1e: {  	s18 =	sshrl.u32 s18, $0x3  }
0x1f: {  	s19 =	sadd.s32 s1, s18;
	s18 =	simm.s32 $0x0  }
0x20: {  	[tilespmem:s18], [sflag:$0x1] =	stream.linear.gather [hbm4b:s19+s18], $0x5000, $0x38;
	[tilespmem:$0x14F00] =	vst v63  }
0x21: {  	_ =	swait.ge [sflag:s12], $0x5000  }
0x22: {  	[sflag:s12] =	ssyncset.done $0x0  }
0x23: {  	s19 =	sadd.s32 $0x8200, s19;
	[sflag:s12] =	ssyncadd.s32 $0xFFFFB000  }
0x24: {  	[tilespmem:s13], [sflag:$0x1] =	stream.linear.gather [hbm4b:s19+s18], $0x5000, $0x38;
	[tilespmem:$0x14F00] =	vst v63  }
0x25: {  	_ =	swait.ge [sflag:s12], $0x5000  }
0x26: {  	[sflag:s12] =	ssyncset.done $0x0  }
0x27: {  	p0 =	por p1, p1;
	s19 =	simm.s32 $0x0;
	[sflag:s12] =	ssyncadd.s32 $0xFFFFB000  }
.LBB2_3:
0x28: {  	s21 =	sshrl.u32 s19, $0x3  }
0x29: {  	s20 =	smul.u32 $0x5000, s21;
	_ =	sdelay $0x1  }
0x2a: {  	s22 =	sand.u32 $0x380, s18;
	s20 =	sshra.s32 s20, $0x2  }
0x2b: {  	s21 =	sshll.u32 s21, $0xE;
	s20 =	sor.u32 s22, s20  }
0x2c: {  	s21 =	sshra.s32 s21, $0x2;
	[tilespmem:s20+$0xA000] =	vst v1  }
0x2d: {  	s21 =	sor.u32 s22, s21;
	[tilespmem:s20+$0xB000] =	vst v1  }
0x2e: {  	v14 =	vld [tilespmem:s21+$0x0]  }
0x2f: {  	v15 =	vld [tilespmem:s21+$0x5000];
	_ =	sdelay $0x4  }
0x30: {  	v14 =	vmax.f32 v14, v15  }
0x31: {  	v14 =	vsub.f32 $0.0e+00, v14;
	_ =	sdelay $0x1  }
0x32: {  	v14 =	vmul.f32 $1.442695020e+00, v14;
	_ =	sdelay $0x1  }
0x33: {  	(erf) = vpow2.f32 v14;
	_ =	sdelay $0x8  }
0x34: {  	v14 =	vpop (erf)  }
0x35: {  	v14 =	vadd.f32 $1.000000000e+00, v14;
	_ =	sdelay $0x1  }
0x36: {  	(erf) = vrcp.f32 v14;
	_ =	sdelay $0x8  }
0x37: {  	v14 =	vpop (erf)  }
0x38: {  	v14 =	vperm.xlane v14, v2;
	_ =	sdelay $0x1  }
0x39: {  	[tilespmem:s20+$0xA000] =	vst v14  }
0x3a: {  	[tilespmem:s20+$0xA010] =	vst.msk $0x3, v14  }
0x3b: {  	v14 =	vld [tilespmem:s21+$0x10]  }
0x3c: {  	v15 =	vld [tilespmem:s21+$0x5010];
	_ =	sdelay $0x4  }
0x3d: {  	v14 =	vmax.f32 v14, v15  }
0x3e: {  	v14 =	vsub.f32 $0.0e+00, v14;
	_ =	sdelay $0x1  }
0x3f: {  	v14 =	vmul.f32 $1.442695020e+00, v14;
	_ =	sdelay $0x1  }
0x40: {  	(erf) = vpow2.f32 v14;
	_ =	sdelay $0x8  }
0x41: {  	v14 =	vpop (erf)  }
0x42: {  	v14 =	vadd.f32 $1.000000000e+00, v14;
	_ =	sdelay $0x1  }
0x43: {  	(erf) = vrcp.f32 v14;
	_ =	sdelay $0x8  }
0x44: {  	v14 =	vpop (erf)  }
0x45: {  	v14 =	vperm.xlane v14, v2;
	_ =	sdelay $0x1  }
0x46: {  	[tilespmem:s20+$0xA010] =	vst v14  }
0x47: {  	[tilespmem:s20+$0xA020] =	vst.msk $0x3, v14  }
0x48: {  	v14 =	vld [tilespmem:s21+$0x20]  }
0x49: {  	v15 =	vld [tilespmem:s21+$0x5020];
	_ =	sdelay $0x4  }
0x4a: {  	v14 =	vmax.f32 v14, v15  }
0x4b: {  	v14 =	vsub.f32 $0.0e+00, v14;
	_ =	sdelay $0x1  }
0x4c: {  	v14 =	vmul.f32 $1.442695020e+00, v14;
	_ =	sdelay $0x1  }
0x4d: {  	(erf) = vpow2.f32 v14;
	_ =	sdelay $0x8  }
0x4e: {  	v14 =	vpop (erf)  }
0x4f: {  	v14 =	vadd.f32 $1.000000000e+00, v14;
	_ =	sdelay $0x1  }
0x50: {  	(erf) = vrcp.f32 v14;
	_ =	sdelay $0x8  }
0x51: {  	v14 =	vpop (erf)  }
0x52: {  	v14 =	vperm.xlane v14, v2;
	_ =	sdelay $0x1  }
0x53: {  	[tilespmem:s20+$0xA020] =	vst v14  }
0x54: {  	[tilespmem:s20+$0xA030] =	vst.msk $0x3, v14  }
0x55: {  	v14 =	vld [tilespmem:s21+$0x30]  }
0x56: {  	v15 =	vld [tilespmem:s21+$0x5030];
	_ =	sdelay $0x4  }
0x57: {  	v14 =	vmax.f32 v14, v15  }
0x58: {  	v14 =	vsub.f32 $0.0e+00, v14;
	_ =	sdelay $0x1  }
0x59: {  	v14 =	vmul.f32 $1.442695020e+00, v14;
	_ =	sdelay $0x1  }
0x5a: {  	(erf) = vpow2.f32 v14;
	_ =	sdelay $0x8  }
0x5b: {  	v14 =	vpop (erf)  }
0x5c: {  	v14 =	vadd.f32 $1.000000000e+00, v14;
	_ =	sdelay $0x1  }
0x5d: {  	(erf) = vrcp.f32 v14;
	_ =	sdelay $0x8  }
0x5e: {  	v14 =	vpop (erf)  }
0x5f: {  	v14 =	vperm.xlane v14, v2;
	_ =	sdelay $0x1  }
0x60: {  	[tilespmem:s20+$0xA030] =	vst v14  }
0x61: {  	[tilespmem:s20+$0xA040] =	vst.msk $0x3, v14  }
0x62: {  	v14 =	vld [tilespmem:s21+$0x40]  }
0x63: {  	v15 =	vld [tilespmem:s21+$0x5040];
	_ =	sdelay $0x4  }
0x64: {  	v14 =	vmax.f32 v14, v15  }
0x65: {  	v14 =	vsub.f32 $0.0e+00, v14;
	_ =	sdelay $0x1  }
0x66: {  	v14 =	vmul.f32 $1.442695020e+00, v14;
	_ =	sdelay $0x1  }
0x67: {  	(erf) = vpow2.f32 v14;
	_ =	sdelay $0x8  }
0x68: {  	v14 =	vpop (erf)  }
0x69: {  	v14 =	vadd.f32 $1.000000000e+00, v14;
	_ =	sdelay $0x1  }
0x6a: {  	(erf) = vrcp.f32 v14;
	_ =	sdelay $0x8  }
0x6b: {  	v14 =	vpop (erf)  }
0x6c: {  	v14 =	vperm.xlane v14, v2;
	_ =	sdelay $0x1  }
0x6d: {  	[tilespmem:s20+$0xA040] =	vst v14  }
0x6e: {  	[tilespmem:s20+$0xA050] =	vst.msk $0x3, v14  }
0x6f: {  	v14 =	vld [tilespmem:s21+$0x50]  }
0x70: {  	v15 =	vld [tilespmem:s21+$0x5050];
	_ =	sdelay $0x4  }
0x71: {  	v14 =	vmax.f32 v14, v15  }
0x72: {  	v14 =	vsub.f32 $0.0e+00, v14;
	_ =	sdelay $0x1  }
0x73: {  	v14 =	vmul.f32 $1.442695020e+00, v14;
	_ =	sdelay $0x1  }
0x74: {  	(erf) = vpow2.f32 v14;
	_ =	sdelay $0x8  }
0x75: {  	v14 =	vpop (erf)  }
0x76: {  	v14 =	vadd.f32 $1.000000000e+00, v14;
	_ =	sdelay $0x1  }
0x77: {  	(erf) = vrcp.f32 v14;
	_ =	sdelay $0x8  }
0x78: {  	v14 =	vpop (erf)  }
0x79: {  	v14 =	vperm.xlane v14, v2;
	_ =	sdelay $0x1  }
0x7a: {  	[tilespmem:s20+$0xA050] =	vst v14  }
0x7b: {  	[tilespmem:s20+$0xA060] =	vst.msk $0x3, v14  }
0x7c: {  	v14 =	vld [tilespmem:s21+$0x60]  }
0x7d: {  	v15 =	vld [tilespmem:s21+$0x5060];
	_ =	sdelay $0x4  }
0x7e: {  	v14 =	vmax.f32 v14, v15  }
0x7f: {  	v14 =	vsub.f32 $0.0e+00, v14;
	_ =	sdelay $0x1  }
0x80: {  	v14 =	vmul.f32 $1.442695020e+00, v14;
	_ =	sdelay $0x1  }
0x81: {  	(erf) = vpow2.f32 v14;
	_ =	sdelay $0x8  }
0x82: {  	v14 =	vpop (erf)  }
0x83: {  	v14 =	vadd.f32 $1.000000000e+00, v14;
	_ =	sdelay $0x1  }
0x84: {  	(erf) = vrcp.f32 v14;
	_ =	sdelay $0x8  }
0x85: {  	v14 =	vpop (erf)  }
0x86: {  	v14 =	vperm.xlane v14, v2;
	_ =	sdelay $0x1  }
0x87: {  	[tilespmem:s20+$0xA060] =	vst v14  }
0x88: {  	[tilespmem:s20+$0xA070] =	vst.msk $0x3, v14  }
0x89: {  	v14 =	vld [tilespmem:s21+$0x70]  }
0x8a: {  	v15 =	vld [tilespmem:s21+$0x5070];
	_ =	sdelay $0x4  }
0x8b: {  	v14 =	vmax.f32 v14, v15  }
0x8c: {  	v14 =	vsub.f32 $0.0e+00, v14;
	_ =	sdelay $0x1  }
0x8d: {  	v14 =	vmul.f32 $1.442695020e+00, v14;
	_ =	sdelay $0x1  }
0x8e: {  	(erf) = vpow2.f32 v14;
	_ =	sdelay $0x8  }
0x8f: {  	v14 =	vpop (erf)  }
0x90: {  	v14 =	vadd.f32 $1.000000000e+00, v14;
	_ =	sdelay $0x1  }
0x91: {  	(erf) = vrcp.f32 v14;
	_ =	sdelay $0x8  }
0x92: {  	v14 =	vpop (erf)  }
0x93: {  	v14 =	vperm.xlane v14, v2;
	_ =	sdelay $0x1  }
0x94: {  	[tilespmem:s20+$0xA070] =	vst v14  }
0x95: {  	[tilespmem:s20+$0xA400] =	vst.msk $0x3, v14  }
0x96: {  	v14 =	vld [tilespmem:s21+$0x400]  }
0x97: {  	v15 =	vld [tilespmem:s21+$0x5400];
	_ =	sdelay $0x4  }
0x98: {  	v14 =	vmax.f32 v14, v15  }
0x99: {  	v14 =	vsub.f32 $0.0e+00, v14;
	_ =	sdelay $0x1  }
0x9a: {  	v14 =	vmul.f32 $1.442695020e+00, v14;
	_ =	sdelay $0x1  }
0x9b: {  	(erf) = vpow2.f32 v14;
	_ =	sdelay $0x8  }
0x9c: {  	v14 =	vpop (erf)  }
0x9d: {  	v14 =	vadd.f32 $1.000000000e+00, v14;
	_ =	sdelay $0x1  }
0x9e: {  	(erf) = vrcp.f32 v14;
	_ =	sdelay $0x8  }
0x9f: {  	v14 =	vpop (erf)  }
0xa0: {  	v14 =	vperm.xlane v14, v2;
	_ =	sdelay $0x1  }
0xa1: {  	[tilespmem:s20+$0xA400] =	vst v14  }
0xa2: {  	[tilespmem:s20+$0xA410] =	vst.msk $0x3, v14  }
0xa3: {  	v14 =	vld [tilespmem:s21+$0x410]  }
0xa4: {  	v15 =	vld [tilespmem:s21+$0x5410];
	_ =	sdelay $0x4  }
0xa5: {  	v14 =	vmax.f32 v14, v15  }
0xa6: {  	v14 =	vsub.f32 $0.0e+00, v14;
	_ =	sdelay $0x1  }
0xa7: {  	v14 =	vmul.f32 $1.442695020e+00, v14;
	_ =	sdelay $0x1  }
0xa8: {  	(erf) = vpow2.f32 v14;
	_ =	sdelay $0x8  }
0xa9: {  	v14 =	vpop (erf)  }
0xaa: {  	v14 =	vadd.f32 $1.000000000e+00, v14;
	_ =	sdelay $0x1  }
0xab: {  	(erf) = vrcp.f32 v14;
	_ =	sdelay $0x8  }
0xac: {  	v14 =	vpop (erf)  }
0xad: {  	v14 =	vperm.xlane v14, v2;
	_ =	sdelay $0x1  }
0xae: {  	[tilespmem:s20+$0xA410] =	vst v14  }
0xaf: {  	[tilespmem:s20+$0xA420] =	vst.msk $0x3, v14  }
0xb0: {  	v14 =	vld [tilespmem:s21+$0x420]  }
0xb1: {  	v15 =	vld [tilespmem:s21+$0x5420];
	_ =	sdelay $0x4  }
0xb2: {  	v14 =	vmax.f32 v14, v15  }
0xb3: {  	v14 =	vsub.f32 $0.0e+00, v14;
	_ =	sdelay $0x1  }
0xb4: {  	v14 =	vmul.f32 $1.442695020e+00, v14;
	_ =	sdelay $0x1  }
0xb5: {  	(erf) = vpow2.f32 v14;
	_ =	sdelay $0x8  }
0xb6: {  	v14 =	vpop (erf)  }
0xb7: {  	v14 =	vadd.f32 $1.000000000e+00, v14;
	_ =	sdelay $0x1  }
0xb8: {  	(erf) = vrcp.f32 v14;
	_ =	sdelay $0x8  }
0xb9: {  	v14 =	vpop (erf)  }
0xba: {  	v14 =	vperm.xlane v14, v2;
	_ =	sdelay $0x1  }
0xbb: {  	[tilespmem:s20+$0xA420] =	vst v14  }
0xbc: {  	[tilespmem:s20+$0xA430] =	vst.msk $0x3, v14  }
0xbd: {  	v14 =	vld [tilespmem:s21+$0x430]  }
0xbe: {  	v15 =	vld [tilespmem:s21+$0x5430];
	_ =	sdelay $0x4  }
0xbf: {  	v14 =	vmax.f32 v14, v15  }
0xc0: {  	v14 =	vsub.f32 $0.0e+00, v14;
	_ =	sdelay $0x1  }
0xc1: {  	v14 =	vmul.f32 $1.442695020e+00, v14;
	_ =	sdelay $0x1  }
0xc2: {  	(erf) = vpow2.f32 v14;
	_ =	sdelay $0x8  }
0xc3: {  	v14 =	vpop (erf)  }
0xc4: {  	v14 =	vadd.f32 $1.000000000e+00, v14;
	_ =	sdelay $0x1  }
0xc5: {  	(erf) = vrcp.f32 v14;
	_ =	sdelay $0x8  }
0xc6: {  	v14 =	vpop (erf)  }
0xc7: {  	v14 =	vperm.xlane v14, v2;
	_ =	sdelay $0x1  }
0xc8: {  	[tilespmem:s20+$0xA430] =	vst v14  }
0xc9: {  	[tilespmem:s20+$0xA440] =	vst.msk $0x3, v14  }
0xca: {  	v14 =	vld [tilespmem:s21+$0x440]  }
0xcb: {  	v15 =	vld [tilespmem:s21+$0x5440];
	_ =	sdelay $0x4  }
0xcc: {  	v14 =	vmax.f32 v14, v15  }
0xcd: {  	v14 =	vsub.f32 $0.0e+00, v14;
	_ =	sdelay $0x1  }
0xce: {  	v14 =	vmul.f32 $1.442695020e+00, v14;
	_ =	sdelay $0x1  }
0xcf: {  	(erf) = vpow2.f32 v14;
	_ =	sdelay $0x8  }
0xd0: {  	v14 =	vpop (erf)  }
0xd1: {  	v14 =	vadd.f32 $1.000000000e+00, v14;
	_ =	sdelay $0x1  }
0xd2: {  	(erf) = vrcp.f32 v14;
	_ =	sdelay $0x8  }
0xd3: {  	v14 =	vpop (erf)  }
0xd4: {  	v14 =	vperm.xlane v14, v2;
	_ =	sdelay $0x1  }
0xd5: {  	[tilespmem:s20+$0xA440] =	vst v14  }
0xd6: {  	[tilespmem:s20+$0xA450] =	vst.msk $0x3, v14  }
0xd7: {  	v14 =	vld [tilespmem:s21+$0x450]  }
0xd8: {  	v15 =	vld [tilespmem:s21+$0x5450];
	_ =	sdelay $0x4  }
0xd9: {  	v14 =	vmax.f32 v14, v15  }
0xda: {  	v14 =	vsub.f32 $0.0e+00, v14;
	_ =	sdelay $0x1  }
0xdb: {  	v14 =	vmul.f32 $1.442695020e+00, v14;
	_ =	sdelay $0x1  }
0xdc: {  	(erf) = vpow2.f32 v14;
	_ =	sdelay $0x8  }
0xdd: {  	v14 =	vpop (erf)  }
0xde: {  	v14 =	vadd.f32 $1.000000000e+00, v14;
	_ =	sdelay $0x1  }
0xdf: {  	(erf) = vrcp.f32 v14;
	_ =	sdelay $0x8  }
0xe0: {  	v14 =	vpop (erf)  }
0xe1: {  	v14 =	vperm.xlane v14, v2;
	_ =	sdelay $0x1  }
0xe2: {  	[tilespmem:s20+$0xA450] =	vst v14  }
0xe3: {  	[tilespmem:s20+$0xA460] =	vst.msk $0x3, v14  }
0xe4: {  	v14 =	vld [tilespmem:s21+$0x460]  }
0xe5: {  	v15 =	vld [tilespmem:s21+$0x5460];
	_ =	sdelay $0x4  }
0xe6: {  	v14 =	vmax.f32 v14, v15  }
0xe7: {  	v14 =	vsub.f32 $0.0e+00, v14;
	_ =	sdelay $0x1  }
0xe8: {  	v14 =	vmul.f32 $1.442695020e+00, v14;
	_ =	sdelay $0x1  }
0xe9: {  	(erf) = vpow2.f32 v14;
	_ =	sdelay $0x8  }
0xea: {  	v14 =	vpop (erf)  }
0xeb: {  	v14 =	vadd.f32 $1.000000000e+00, v14;
	_ =	sdelay $0x1  }
0xec: {  	(erf) = vrcp.f32 v14;
	_ =	sdelay $0x8  }
0xed: {  	v14 =	vpop (erf)  }
0xee: {  	v14 =	vperm.xlane v14, v2;
	_ =	sdelay $0x1  }
0xef: {  	[tilespmem:s20+$0xA460] =	vst v14  }
0xf0: {  	[tilespmem:s20+$0xA470] =	vst.msk $0x3, v14  }
0xf1: {  	v14 =	vld [tilespmem:s21+$0x470]  }
0xf2: {  	v15 =	vld [tilespmem:s21+$0x5470];
	_ =	sdelay $0x4  }
0xf3: {  	v14 =	vmax.f32 v14, v15  }
0xf4: {  	v14 =	vsub.f32 $0.0e+00, v14;
	_ =	sdelay $0x1  }
0xf5: {  	v14 =	vmul.f32 $1.442695020e+00, v14;
	_ =	sdelay $0x1  }
0xf6: {  	(erf) = vpow2.f32 v14;
	_ =	sdelay $0x8  }
0xf7: {  	v14 =	vpop (erf)  }
0xf8: {  	v14 =	vadd.f32 $1.000000000e+00, v14;
	_ =	sdelay $0x1  }
0xf9: {  	(erf) = vrcp.f32 v14;
	_ =	sdelay $0x8  }
0xfa: {  	v14 =	vpop (erf)  }
0xfb: {  	v14 =	vperm.xlane v14, v2;
	_ =	sdelay $0x1  }
0xfc: {  	[tilespmem:s20+$0xA470] =	vst v14  }
0xfd: {  	[tilespmem:s20+$0xA800] =	vst.msk $0x3, v14  }
0xfe: {  	v14 =	vld [tilespmem:s21+$0x800]  }
0xff: {  	v15 =	vld [tilespmem:s21+$0x5800];
	_ =	sdelay $0x4  }
0x100: {  	v14 =	vmax.f32 v14, v15  }
0x101: {  	v14 =	vsub.f32 $0.0e+00, v14;
	_ =	sdelay $0x1  }
0x102: {  	v14 =	vmul.f32 $1.442695020e+00, v14;
	_ =	sdelay $0x1  }
0x103: {  	(erf) = vpow2.f32 v14;
	_ =	sdelay $0x8  }
0x104: {  	v14 =	vpop (erf)  }
0x105: {  	v14 =	vadd.f32 $1.000000000e+00, v14;
	_ =	sdelay $0x1  }
0x106: {  	(erf) = vrcp.f32 v14;
	_ =	sdelay $0x8  }
0x107: {  	v14 =	vpop (erf)  }
0x108: {  	v14 =	vperm.xlane v14, v2;
	_ =	sdelay $0x1  }
0x109: {  	[tilespmem:s20+$0xA800] =	vst v14  }
0x10a: {  	[tilespmem:s20+$0xA810] =	vst.msk $0x3, v14  }
0x10b: {  	v14 =	vld [tilespmem:s21+$0x810]  }
0x10c: {  	v15 =	vld [tilespmem:s21+$0x5810];
	_ =	sdelay $0x4  }
0x10d: {  	v14 =	vmax.f32 v14, v15  }
0x10e: {  	v14 =	vsub.f32 $0.0e+00, v14;
	_ =	sdelay $0x1  }
0x10f: {  	v14 =	vmul.f32 $1.442695020e+00, v14;
	_ =	sdelay $0x1  }
0x110: {  	(erf) = vpow2.f32 v14;
	_ =	sdelay $0x8  }
0x111: {  	v14 =	vpop (erf)  }
0x112: {  	v14 =	vadd.f32 $1.000000000e+00, v14;
	_ =	sdelay $0x1  }
0x113: {  	(erf) = vrcp.f32 v14;
	_ =	sdelay $0x8  }
0x114: {  	v14 =	vpop (erf)  }
0x115: {  	v14 =	vperm.xlane v14, v2;
	_ =	sdelay $0x1  }
0x116: {  	[tilespmem:s20+$0xA810] =	vst v14  }
0x117: {  	[tilespmem:s20+$0xA820] =	vst.msk $0x3, v14  }
0x118: {  	v14 =	vld [tilespmem:s21+$0x820]  }
0x119: {  	v15 =	vld [tilespmem:s21+$0x5820];
	_ =	sdelay $0x4  }
0x11a: {  	v14 =	vmax.f32 v14, v15  }
0x11b: {  	v14 =	vsub.f32 $0.0e+00, v14;
	_ =	sdelay $0x1  }
0x11c: {  	v14 =	vmul.f32 $1.442695020e+00, v14;
	_ =	sdelay $0x1  }
0x11d: {  	(erf) = vpow2.f32 v14;
	_ =	sdelay $0x8  }
0x11e: {  	v14 =	vpop (erf)  }
0x11f: {  	v14 =	vadd.f32 $1.000000000e+00, v14;
	_ =	sdelay $0x1  }
0x120: {  	(erf) = vrcp.f32 v14;
	_ =	sdelay $0x8  }
0x121: {  	v14 =	vpop (erf)  }
0x122: {  	v14 =	vperm.xlane v14, v2;
	_ =	sdelay $0x1  }
0x123: {  	[tilespmem:s20+$0xA820] =	vst v14  }
0x124: {  	[tilespmem:s20+$0xA830] =	vst.msk $0x3, v14  }
0x125: {  	v14 =	vld [tilespmem:s21+$0x830]  }
0x126: {  	v15 =	vld [tilespmem:s21+$0x5830];
	_ =	sdelay $0x4  }
0x127: {  	v14 =	vmax.f32 v14, v15  }
0x128: {  	v14 =	vsub.f32 $0.0e+00, v14;
	_ =	sdelay $0x1  }
0x129: {  	v14 =	vmul.f32 $1.442695020e+00, v14;
	_ =	sdelay $0x1  }
0x12a: {  	(erf) = vpow2.f32 v14;
	_ =	sdelay $0x8  }
0x12b: {  	v14 =	vpop (erf)  }
0x12c: {  	v14 =	vadd.f32 $1.000000000e+00, v14;
	_ =	sdelay $0x1  }
0x12d: {  	(erf) = vrcp.f32 v14;
	_ =	sdelay $0x8  }
0x12e: {  	v14 =	vpop (erf)  }
0x12f: {  	v14 =	vperm.xlane v14, v2;
	_ =	sdelay $0x1  }
0x130: {  	[tilespmem:s20+$0xA830] =	vst v14  }
0x131: {  	[tilespmem:s20+$0xA840] =	vst.msk $0x3, v14  }
0x132: {  	v14 =	vld [tilespmem:s21+$0x840]  }
0x133: {  	v15 =	vld [tilespmem:s21+$0x5840];
	_ =	sdelay $0x4  }
0x134: {  	v14 =	vmax.f32 v14, v15  }
0x135: {  	v14 =	vsub.f32 $0.0e+00, v14;
	_ =	sdelay $0x1  }
0x136: {  	v14 =	vmul.f32 $1.442695020e+00, v14;
	_ =	sdelay $0x1  }
0x137: {  	(erf) = vpow2.f32 v14;
	_ =	sdelay $0x8  }
0x138: {  	v14 =	vpop (erf)  }
0x139: {  	v14 =	vadd.f32 $1.000000000e+00, v14;
	_ =	sdelay $0x1  }
0x13a: {  	(erf) = vrcp.f32 v14;
	_ =	sdelay $0x8  }
0x13b: {  	v14 =	vpop (erf)  }
0x13c: {  	v14 =	vperm.xlane v14, v2;
	_ =	sdelay $0x1  }
0x13d: {  	[tilespmem:s20+$0xA840] =	vst v14  }
0x13e: {  	[tilespmem:s20+$0xA850] =	vst.msk $0x3, v14  }
0x13f: {  	v14 =	vld [tilespmem:s21+$0x850]  }
0x140: {  	v15 =	vld [tilespmem:s21+$0x5850];
	_ =	sdelay $0x4  }
0x141: {  	v14 =	vmax.f32 v14, v15  }
0x142: {  	v14 =	vsub.f32 $0.0e+00, v14;
	_ =	sdelay $0x1  }
0x143: {  	v14 =	vmul.f32 $1.442695020e+00, v14;
	_ =	sdelay $0x1  }
0x144: {  	(erf) = vpow2.f32 v14;
	_ =	sdelay $0x8  }
0x145: {  	v14 =	vpop (erf)  }
0x146: {  	v14 =	vadd.f32 $1.000000000e+00, v14;
	_ =	sdelay $0x1  }
0x147: {  	(erf) = vrcp.f32 v14;
	_ =	sdelay $0x8  }
0x148: {  	v14 =	vpop (erf)  }
0x149: {  	v14 =	vperm.xlane v14, v2;
	_ =	sdelay $0x1  }
0x14a: {  	[tilespmem:s20+$0xA850] =	vst v14  }
0x14b: {  	[tilespmem:s20+$0xA860] =	vst.msk $0x3, v14  }
0x14c: {  	v14 =	vld [tilespmem:s21+$0x860]  }
0x14d: {  	v15 =	vld [tilespmem:s21+$0x5860];
	_ =	sdelay $0x4  }
0x14e: {  	v14 =	vmax.f32 v14, v15  }
0x14f: {  	v14 =	vsub.f32 $0.0e+00, v14;
	_ =	sdelay $0x1  }
0x150: {  	v14 =	vmul.f32 $1.442695020e+00, v14;
	_ =	sdelay $0x1  }
0x151: {  	(erf) = vpow2.f32 v14;
	_ =	sdelay $0x8  }
0x152: {  	v14 =	vpop (erf)  }
0x153: {  	v14 =	vadd.f32 $1.000000000e+00, v14;
	_ =	sdelay $0x1  }
0x154: {  	(erf) = vrcp.f32 v14;
	_ =	sdelay $0x8  }
0x155: {  	v14 =	vpop (erf)  }
0x156: {  	v14 =	vperm.xlane v14, v2;
	_ =	sdelay $0x1  }
0x157: {  	[tilespmem:s20+$0xA860] =	vst v14  }
0x158: {  	[tilespmem:s20+$0xA870] =	vst.msk $0x3, v14  }
0x159: {  	v14 =	vld [tilespmem:s21+$0x870]  }
0x15a: {  	v15 =	vld [tilespmem:s21+$0x5870];
	_ =	sdelay $0x4  }
0x15b: {  	v14 =	vmax.f32 v14, v15  }
0x15c: {  	v14 =	vsub.f32 $0.0e+00, v14;
	_ =	sdelay $0x1  }
0x15d: {  	v14 =	vmul.f32 $1.442695020e+00, v14;
	_ =	sdelay $0x1  }
0x15e: {  	(erf) = vpow2.f32 v14;
	_ =	sdelay $0x8  }
0x15f: {  	v14 =	vpop (erf)  }
0x160: {  	v14 =	vadd.f32 $1.000000000e+00, v14;
	_ =	sdelay $0x1  }
0x161: {  	(erf) = vrcp.f32 v14;
	_ =	sdelay $0x8  }
0x162: {  	v14 =	vpop (erf)  }
0x163: {  	v14 =	vperm.xlane v14, v2;
	_ =	sdelay $0x1  }
0x164: {  	[tilespmem:s20+$0xA870] =	vst v14  }
0x165: {  	[tilespmem:s20+$0xAC00] =	vst.msk $0x3, v14  }
0x166: {  	v14 =	vld [tilespmem:s21+$0xC00]  }
0x167: {  	v15 =	vld [tilespmem:s21+$0x5C00];
	_ =	sdelay $0x4  }
0x168: {  	v14 =	vmax.f32 v14, v15  }
0x169: {  	v14 =	vsub.f32 $0.0e+00, v14;
	_ =	sdelay $0x1  }
0x16a: {  	v14 =	vmul.f32 $1.442695020e+00, v14;
	_ =	sdelay $0x1  }
0x16b: {  	(erf) = vpow2.f32 v14;
	_ =	sdelay $0x8  }
0x16c: {  	v14 =	vpop (erf)  }
0x16d: {  	v14 =	vadd.f32 $1.000000000e+00, v14;
	_ =	sdelay $0x1  }
0x16e: {  	(erf) = vrcp.f32 v14;
	_ =	sdelay $0x8  }
0x16f: {  	v14 =	vpop (erf)  }
0x170: {  	v14 =	vperm.xlane v14, v2;
	_ =	sdelay $0x1  }
0x171: {  	[tilespmem:s20+$0xAC00] =	vst v14  }
0x172: {  	[tilespmem:s20+$0xAC10] =	vst.msk $0x3, v14  }
0x173: {  	v14 =	vld [tilespmem:s21+$0xC10]  }
0x174: {  	v15 =	vld [tilespmem:s21+$0x5C10];
	_ =	sdelay $0x4  }
0x175: {  	v14 =	vmax.f32 v14, v15  }
0x176: {  	v14 =	vsub.f32 $0.0e+00, v14;
	_ =	sdelay $0x1  }
0x177: {  	v14 =	vmul.f32 $1.442695020e+00, v14;
	_ =	sdelay $0x1  }
0x178: {  	(erf) = vpow2.f32 v14;
	_ =	sdelay $0x8  }
0x179: {  	v14 =	vpop (erf)  }
0x17a: {  	v14 =	vadd.f32 $1.000000000e+00, v14;
	_ =	sdelay $0x1  }
0x17b: {  	(erf) = vrcp.f32 v14;
	_ =	sdelay $0x8  }
0x17c: {  	v14 =	vpop (erf)  }
0x17d: {  	v14 =	vperm.xlane v14, v2;
	_ =	sdelay $0x1  }
0x17e: {  	[tilespmem:s20+$0xAC10] =	vst v14  }
0x17f: {  	[tilespmem:s20+$0xAC20] =	vst.msk $0x3, v14  }
0x180: {  	v14 =	vld [tilespmem:s21+$0xC20]  }
0x181: {  	v15 =	vld [tilespmem:s21+$0x5C20];
	_ =	sdelay $0x4  }
0x182: {  	v14 =	vmax.f32 v14, v15  }
0x183: {  	v14 =	vsub.f32 $0.0e+00, v14;
	_ =	sdelay $0x1  }
0x184: {  	v14 =	vmul.f32 $1.442695020e+00, v14;
	_ =	sdelay $0x1  }
0x185: {  	(erf) = vpow2.f32 v14;
	_ =	sdelay $0x8  }
0x186: {  	v14 =	vpop (erf)  }
0x187: {  	v14 =	vadd.f32 $1.000000000e+00, v14;
	_ =	sdelay $0x1  }
0x188: {  	(erf) = vrcp.f32 v14;
	_ =	sdelay $0x8  }
0x189: {  	v14 =	vpop (erf)  }
0x18a: {  	v14 =	vperm.xlane v14, v2;
	_ =	sdelay $0x1  }
0x18b: {  	[tilespmem:s20+$0xAC20] =	vst v14  }
0x18c: {  	[tilespmem:s20+$0xAC30] =	vst.msk $0x3, v14  }
0x18d: {  	v14 =	vld [tilespmem:s21+$0xC30]  }
0x18e: {  	v15 =	vld [tilespmem:s21+$0x5C30];
	_ =	sdelay $0x4  }
0x18f: {  	v14 =	vmax.f32 v14, v15  }
0x190: {  	v14 =	vsub.f32 $0.0e+00, v14;
	_ =	sdelay $0x1  }
0x191: {  	v14 =	vmul.f32 $1.442695020e+00, v14;
	_ =	sdelay $0x1  }
0x192: {  	(erf) = vpow2.f32 v14;
	_ =	sdelay $0x8  }
0x193: {  	v14 =	vpop (erf)  }
0x194: {  	v14 =	vadd.f32 $1.000000000e+00, v14;
	_ =	sdelay $0x1  }
0x195: {  	(erf) = vrcp.f32 v14;
	_ =	sdelay $0x8  }
0x196: {  	v14 =	vpop (erf)  }
0x197: {  	v14 =	vperm.xlane v14, v2;
	_ =	sdelay $0x1  }
0x198: {  	[tilespmem:s20+$0xAC30] =	vst v14  }
0x199: {  	[tilespmem:s20+$0xAC40] =	vst.msk $0x3, v14  }
0x19a: {  	v14 =	vld [tilespmem:s21+$0xC40]  }
0x19b: {  	v15 =	vld [tilespmem:s21+$0x5C40];
	_ =	sdelay $0x4  }
0x19c: {  	v14 =	vmax.f32 v14, v15  }
0x19d: {  	v14 =	vsub.f32 $0.0e+00, v14;
	_ =	sdelay $0x1  }
0x19e: {  	v14 =	vmul.f32 $1.442695020e+00, v14;
	_ =	sdelay $0x1  }
0x19f: {  	(erf) = vpow2.f32 v14;
	_ =	sdelay $0x8  }
0x1a0: {  	v14 =	vpop (erf)  }
0x1a1: {  	v14 =	vadd.f32 $1.000000000e+00, v14;
	_ =	sdelay $0x1  }
0x1a2: {  	(erf) = vrcp.f32 v14;
	_ =	sdelay $0x8  }
0x1a3: {  	v14 =	vpop (erf)  }
0x1a4: {  	v14 =	vperm.xlane v14, v2;
	_ =	sdelay $0x1  }
0x1a5: {  	[tilespmem:s20+$0xAC40] =	vst v14  }
0x1a6: {  	[tilespmem:s20+$0xAC50] =	vst.msk $0x3, v14  }
0x1a7: {  	v14 =	vld [tilespmem:s21+$0xC50]  }
0x1a8: {  	v15 =	vld [tilespmem:s21+$0x5C50];
	_ =	sdelay $0x4  }
0x1a9: {  	v14 =	vmax.f32 v14, v15  }
0x1aa: {  	v14 =	vsub.f32 $0.0e+00, v14;
	_ =	sdelay $0x1  }
0x1ab: {  	v14 =	vmul.f32 $1.442695020e+00, v14;
	_ =	sdelay $0x1  }
0x1ac: {  	(erf) = vpow2.f32 v14;
	_ =	sdelay $0x8  }
0x1ad: {  	v14 =	vpop (erf)  }
0x1ae: {  	v14 =	vadd.f32 $1.000000000e+00, v14;
	_ =	sdelay $0x1  }
0x1af: {  	(erf) = vrcp.f32 v14;
	_ =	sdelay $0x8  }
0x1b0: {  	v14 =	vpop (erf)  }
0x1b1: {  	v14 =	vperm.xlane v14, v2;
	_ =	sdelay $0x1  }
0x1b2: {  	[tilespmem:s20+$0xAC50] =	vst v14  }
0x1b3: {  	[tilespmem:s20+$0xAC60] =	vst.msk $0x3, v14  }
0x1b4: {  	v14 =	vld [tilespmem:s21+$0xC60]  }
0x1b5: {  	v15 =	vld [tilespmem:s21+$0x5C60];
	_ =	sdelay $0x4  }
0x1b6: {  	v14 =	vmax.f32 v14, v15  }
0x1b7: {  	v14 =	vsub.f32 $0.0e+00, v14;
	_ =	sdelay $0x1  }
0x1b8: {  	v14 =	vmul.f32 $1.442695020e+00, v14;
	_ =	sdelay $0x1  }
0x1b9: {  	(erf) = vpow2.f32 v14;
	_ =	sdelay $0x8  }
0x1ba: {  	v14 =	vpop (erf)  }
0x1bb: {  	v14 =	vadd.f32 $1.000000000e+00, v14;
	_ =	sdelay $0x1  }
0x1bc: {  	(erf) = vrcp.f32 v14;
	_ =	sdelay $0x8  }
0x1bd: {  	v14 =	vpop (erf)  }
0x1be: {  	v14 =	vperm.xlane v14, v2;
	_ =	sdelay $0x1  }
0x1bf: {  	[tilespmem:s20+$0xAC60] =	vst v14  }
0x1c0: {  	[tilespmem:s20+$0xAC70] =	vst.msk $0x3, v14  }
0x1c1: {  	v14 =	vld [tilespmem:s21+$0xC70]  }
0x1c2: {  	v15 =	vld [tilespmem:s21+$0x5C70];
	_ =	sdelay $0x4  }
0x1c3: {  	v14 =	vmax.f32 v14, v15  }
0x1c4: {  	v14 =	vsub.f32 $0.0e+00, v14;
	_ =	sdelay $0x1  }
0x1c5: {  	v14 =	vmul.f32 $1.442695020e+00, v14;
	_ =	sdelay $0x1  }
0x1c6: {  	(erf) = vpow2.f32 v14;
	_ =	sdelay $0x8  }
0x1c7: {  	v14 =	vpop (erf)  }
0x1c8: {  	v14 =	vadd.f32 $1.000000000e+00, v14;
	_ =	sdelay $0x1  }
0x1c9: {  	(erf) = vrcp.f32 v14;
	_ =	sdelay $0x7  }
0x1ca: {  	p1 =	sne.s32 s19, $0x23  }
.Ltmp0:
0x1cb: {  	v14 =	vpop (erf);
	(pc) =	sbr.rel @p1 .LBB2_3-.Ltmp0, $3  }
0x1cc: {  	v14 =	vperm.xlane v14, v2;
	_ =	sdelay $0x1  }
0x1cd: {  	[tilespmem:s20+$0xAC70] =	vst v14  }
0x1ce: {  	s18 =	sadd.s32 $0x80, s18;
	s19 =	sadd.s32 $0x1, s19;
	[tilespmem:s20+$0xB000] =	vst.msk $0x3, v14  }
0x1cf: {  	s18 =	simm.s32 $0x200;
	s19 =	simm.s32 $0x4  }
.LBB2_5:
0x1d0: {  	s20 =	sadd.s32 $0xFFFFFFFC, s19;
	s28 =	sadd.s32 $0xFFFFFE00, s18  }
0x1d1: {  	s23 =	sadd.s32 $0xFFFFFFFD, s19;
	s24 =	sadd.s32 $0xFFFFFE80, s18;
	s21 =	sshrl.u32 s20, $0x3  }
0x1d2: {  	s25 =	sadd.s32 $0xFFFFFFFE, s19;
	s23 =	sshrl.u32 s23, $0x3;
	s22 =	smul.u32 $0x5000, s21  }
0x1d3: {  	s26 =	sadd.s32 $0xFFFFFFFF, s19;
	s24 =	sand.u32 $0x380, s24;
	s23 =	smul.u32 $0x5000, s23  }
0x1d4: {  	s25 =	sshrl.u32 s25, $0x3;
	s21 =	sand.u32 $0x380, s28;
	s22 =	sshra.s32 s22, $0x2  }
0x1d5: {  	s25 =	smul.u32 $0x5000, s25;
	s23 =	sshra.s32 s23, $0x2;
	s22 =	sor.u32 s21, s22  }
0x1d6: {  	s29 =	sadd.s32 $0xFFFFFF00, s18;
	s26 =	sshrl.u32 s26, $0x3;
	s23 =	sor.u32 s24, s23;
	v14 =	vld [tilespmem:s22+$0xA000]  }
0x1d7: {  	s26 =	smul.u32 $0x5000, s26;
	s25 =	sshra.s32 s25, $0x2;
	s24 =	sand.u32 $0x380, s29;
	v15 =	vld [tilespmem:s23+$0xA000]  }
0x1d8: {  	s30 =	sadd.s32 $0xFFFFFF80, s18;
	s28 =	sshrl.u32 s19, $0x3;
	s24 =	sor.u32 s24, s25  }
0x1d9: {  	s28 =	smul.u32 $0x5000, s28;
	s26 =	sshra.s32 s26, $0x2;
	s25 =	sand.u32 $0x380, s30;
	v16 =	vld [tilespmem:s24+$0xA000]  }
0x1da: {  	s26 =	sor.u32 s25, s26  }
0x1db: {  	s31 =	sand.u32 $0x380, s18;
	s28 =	sshra.s32 s28, $0x2;
	v17 =	vld [tilespmem:s26+$0xA000]  }
0x1dc: {  	s25 =	sor.u32 s31, s28;
	v14 =	vmul.f32 v14, v3;
	v15 =	vmul.f32 v15, v4  }
0x1dd: {  	v18 =	vld [tilespmem:s25+$0xA000]  }
0x1de: {  	v14 =	vadd.f32 v15, v14;
	v15 =	vmul.f32 v16, v5;
	_ =	sdelay $0x1  }
0x1df: {  	v14 =	vadd.f32 v15, v14;
	v15 =	vmul.f32 v17, v6;
	_ =	sdelay $0x1  }
0x1e0: {  	v14 =	vadd.f32 v15, v14;
	v15 =	vmul.f32 v18, v7;
	_ =	sdelay $0x1  }
0x1e1: {  	v14 =	vadd.f32 v15, v14;
	_ =	sdelay $0x1  }
0x1e2: {  	[tilespmem:$0x10400] =	vst v14  }
0x1e3: {  	v15 =	vld [tilespmem:s22+$0xA010]  }
0x1e4: {  	v24 =	vld [tilespmem:s23+$0xA010];
	_ =	sdelay $0x1  }
0x1e5: {  	v25 =	vld [tilespmem:s24+$0xA010];
	_ =	sdelay $0x1  }
0x1e6: {  	v26 =	vld [tilespmem:s26+$0xA010]  }
0x1e7: {  	v15 =	vmul.f32 v15, v3;
	v16 =	vmul.f32 v24, v4  }
0x1e8: {  	v19 =	vld [tilespmem:s25+$0xA010]  }
0x1e9: {  	v27 =	vmul.f32 v25, v5;
	v15 =	vadd.f32 v16, v15;
	_ =	sdelay $0x1  }
0x1ea: {  	v28 =	vmul.f32 v26, v6;
	v15 =	vadd.f32 v27, v15;
	_ =	sdelay $0x1  }
0x1eb: {  	v29 =	vmul.f32 v19, v7;
	v15 =	vadd.f32 v28, v15;
	_ =	sdelay $0x1  }
0x1ec: {  	v15 =	vadd.f32 v29, v15;
	_ =	sdelay $0x1  }
0x1ed: {  	[tilespmem:$0x10410] =	vst v15  }
0x1ee: {  	v15 =	vld [tilespmem:s22+$0xA020]  }
0x1ef: {  	v30 =	vld [tilespmem:s23+$0xA020];
	_ =	sdelay $0x1  }
0x1f0: {  	v31 =	vld [tilespmem:s24+$0xA020];
	_ =	sdelay $0x1  }
0x1f1: {  	v32 =	vld [tilespmem:s26+$0xA020]  }
0x1f2: {  	v15 =	vmul.f32 v15, v3;
	v16 =	vmul.f32 v30, v4  }
0x1f3: {  	v33 =	vld [tilespmem:s25+$0xA020]  }
0x1f4: {  	v34 =	vmul.f32 v31, v5;
	v15 =	vadd.f32 v16, v15;
	_ =	sdelay $0x1  }
0x1f5: {  	v35 =	vmul.f32 v32, v6;
	v15 =	vadd.f32 v34, v15;
	_ =	sdelay $0x1  }
0x1f6: {  	v36 =	vmul.f32 v33, v7;
	v15 =	vadd.f32 v35, v15;
	_ =	sdelay $0x1  }
0x1f7: {  	v15 =	vadd.f32 v36, v15;
	_ =	sdelay $0x1  }
0x1f8: {  	[tilespmem:$0x10420] =	vst v15  }
0x1f9: {  	v15 =	vld [tilespmem:s22+$0xA030]  }
0x1fa: {  	v37 =	vld [tilespmem:s23+$0xA030];
	_ =	sdelay $0x1  }
0x1fb: {  	v38 =	vld [tilespmem:s24+$0xA030];
	_ =	sdelay $0x1  }
0x1fc: {  	v39 =	vld [tilespmem:s26+$0xA030]  }
0x1fd: {  	v15 =	vmul.f32 v15, v3;
	v16 =	vmul.f32 v37, v4  }
0x1fe: {  	v40 =	vld [tilespmem:s25+$0xA030]  }
0x1ff: {  	v41 =	vmul.f32 v38, v5;
	v15 =	vadd.f32 v16, v15;
	_ =	sdelay $0x1  }
0x200: {  	v42 =	vmul.f32 v39, v6;
	v15 =	vadd.f32 v41, v15;
	_ =	sdelay $0x1  }
0x201: {  	v43 =	vmul.f32 v40, v7;
	v15 =	vadd.f32 v42, v15;
	_ =	sdelay $0x1  }
0x202: {  	v15 =	vadd.f32 v43, v15;
	_ =	sdelay $0x1  }
0x203: {  	[tilespmem:$0x10430] =	vst v15  }
0x204: {  	v15 =	vld [tilespmem:s22+$0xA040]  }
0x205: {  	v44 =	vld [tilespmem:s23+$0xA040];
	_ =	sdelay $0x1  }
0x206: {  	v45 =	vld [tilespmem:s24+$0xA040];
	_ =	sdelay $0x1  }
0x207: {  	v46 =	vld [tilespmem:s26+$0xA040]  }
0x208: {  	v15 =	vmul.f32 v15, v3;
	v16 =	vmul.f32 v44, v4  }
0x209: {  	v47 =	vld [tilespmem:s25+$0xA040]  }
0x20a: {  	v48 =	vmul.f32 v45, v5;
	v15 =	vadd.f32 v16, v15;
	_ =	sdelay $0x1  }
0x20b: {  	v49 =	vmul.f32 v46, v6;
	v15 =	vadd.f32 v48, v15;
	_ =	sdelay $0x1  }
0x20c: {  	v50 =	vmul.f32 v47, v7;
	v15 =	vadd.f32 v49, v15;
	_ =	sdelay $0x1  }
0x20d: {  	v15 =	vadd.f32 v50, v15;
	_ =	sdelay $0x1  }
0x20e: {  	[tilespmem:$0x10440] =	vst v15  }
0x20f: {  	v15 =	vld [tilespmem:s22+$0xA050]  }
0x210: {  	v51 =	vld [tilespmem:s23+$0xA050];
	_ =	sdelay $0x1  }
0x211: {  	v52 =	vld [tilespmem:s24+$0xA050];
	_ =	sdelay $0x1  }
0x212: {  	v53 =	vld [tilespmem:s26+$0xA050]  }
0x213: {  	v15 =	vmul.f32 v15, v3;
	v16 =	vmul.f32 v51, v4  }
0x214: {  	v54 =	vld [tilespmem:s25+$0xA050]  }
0x215: {  	v55 =	vmul.f32 v52, v5;
	v15 =	vadd.f32 v16, v15;
	_ =	sdelay $0x1  }
0x216: {  	v56 =	vmul.f32 v53, v6;
	v15 =	vadd.f32 v55, v15;
	_ =	sdelay $0x1  }
0x217: {  	v57 =	vmul.f32 v54, v7;
	v15 =	vadd.f32 v56, v15;
	_ =	sdelay $0x1  }
0x218: {  	v15 =	vadd.f32 v57, v15;
	_ =	sdelay $0x1  }
0x219: {  	[tilespmem:$0x10450] =	vst v15  }
0x21a: {  	v15 =	vld [tilespmem:s22+$0xA060]  }
0x21b: {  	v58 =	vld [tilespmem:s23+$0xA060];
	_ =	sdelay $0x1  }
0x21c: {  	v59 =	vld [tilespmem:s24+$0xA060];
	_ =	sdelay $0x1  }
0x21d: {  	v60 =	vld [tilespmem:s26+$0xA060]  }
0x21e: {  	v15 =	vmul.f32 v15, v3;
	v16 =	vmul.f32 v58, v4  }
0x21f: {  	v61 =	vld [tilespmem:s25+$0xA060]  }
0x220: {  	v62 =	vmul.f32 v59, v5;
	v15 =	vadd.f32 v16, v15;
	_ =	sdelay $0x1  }
0x221: {  	v63 =	vmul.f32 v60, v6;
	v15 =	vadd.f32 v62, v15;
	_ =	sdelay $0x1  }
0x222: {  	v20 =	vmul.f32 v61, v7;
	v15 =	vadd.f32 v63, v15;
	_ =	sdelay $0x1  }
0x223: {  	v15 =	vadd.f32 v20, v15;
	_ =	sdelay $0x1  }
0x224: {  	[tilespmem:$0x10460] =	vst v15  }
0x225: {  	v15 =	vld [tilespmem:s22+$0xA070]  }
0x226: {  	v21 =	vld [tilespmem:s23+$0xA070];
	_ =	sdelay $0x1  }
0x227: {  	v22 =	vld [tilespmem:s24+$0xA070];
	_ =	sdelay $0x1  }
0x228: {  	v23 =	vld [tilespmem:s26+$0xA070]  }
0x229: {  	v15 =	vmul.f32 v15, v3;
	v16 =	vmul.f32 v21, v4  }
0x22a: {  	v24 =	vld [tilespmem:s25+$0xA070]  }
0x22b: {  	v25 =	vmul.f32 v22, v5;
	v15 =	vadd.f32 v16, v15;
	_ =	sdelay $0x1  }
0x22c: {  	v26 =	vmul.f32 v23, v6;
	v15 =	vadd.f32 v25, v15;
	_ =	sdelay $0x1  }
0x22d: {  	v27 =	vmul.f32 v24, v7;
	v15 =	vadd.f32 v26, v15;
	_ =	sdelay $0x1  }
0x22e: {  	v15 =	vadd.f32 v27, v15;
	_ =	sdelay $0x1  }
0x22f: {  	[tilespmem:$0x10470] =	vst v15  }
0x230: {  	v15 =	vld [tilespmem:s22+$0xA400]  }
0x231: {  	v28 =	vld [tilespmem:s23+$0xA400];
	_ =	sdelay $0x1  }
0x232: {  	v29 =	vld [tilespmem:s24+$0xA400];
	_ =	sdelay $0x1  }
0x233: {  	v30 =	vld [tilespmem:s26+$0xA400]  }
0x234: {  	v15 =	vmul.f32 v15, v3;
	v16 =	vmul.f32 v28, v4  }
0x235: {  	v31 =	vld [tilespmem:s25+$0xA400]  }
0x236: {  	v32 =	vmul.f32 v29, v5;
	v15 =	vadd.f32 v16, v15;
	_ =	sdelay $0x1  }
0x237: {  	v33 =	vmul.f32 v30, v6;
	v15 =	vadd.f32 v32, v15;
	_ =	sdelay $0x1  }
0x238: {  	v34 =	vmul.f32 v31, v7;
	v15 =	vadd.f32 v33, v15;
	_ =	sdelay $0x1  }
0x239: {  	v15 =	vadd.f32 v34, v15;
	_ =	sdelay $0x1  }
0x23a: {  	[tilespmem:$0x10480] =	vst v15  }
0x23b: {  	v15 =	vld [tilespmem:s22+$0xA410]  }
0x23c: {  	v35 =	vld [tilespmem:s23+$0xA410];
	_ =	sdelay $0x1  }
0x23d: {  	v36 =	vld [tilespmem:s24+$0xA410];
	_ =	sdelay $0x1  }
0x23e: {  	v37 =	vld [tilespmem:s26+$0xA410]  }
0x23f: {  	v15 =	vmul.f32 v15, v3;
	v16 =	vmul.f32 v35, v4  }
0x240: {  	v38 =	vld [tilespmem:s25+$0xA410]  }
0x241: {  	v39 =	vmul.f32 v36, v5;
	v15 =	vadd.f32 v16, v15;
	_ =	sdelay $0x1  }
0x242: {  	v40 =	vmul.f32 v37, v6;
	v15 =	vadd.f32 v39, v15;
	_ =	sdelay $0x1  }
0x243: {  	v41 =	vmul.f32 v38, v7;
	v15 =	vadd.f32 v40, v15;
	_ =	sdelay $0x1  }
0x244: {  	v15 =	vadd.f32 v41, v15;
	_ =	sdelay $0x1  }
0x245: {  	[tilespmem:$0x10490] =	vst v15  }
0x246: {  	v15 =	vld [tilespmem:s22+$0xA420]  }
0x247: {  	v42 =	vld [tilespmem:s23+$0xA420];
	_ =	sdelay $0x1  }
0x248: {  	v43 =	vld [tilespmem:s24+$0xA420];
	_ =	sdelay $0x1  }
0x249: {  	v44 =	vld [tilespmem:s26+$0xA420]  }
0x24a: {  	v15 =	vmul.f32 v15, v3;
	v16 =	vmul.f32 v42, v4  }
0x24b: {  	v45 =	vld [tilespmem:s25+$0xA420]  }
0x24c: {  	v46 =	vmul.f32 v43, v5;
	v15 =	vadd.f32 v16, v15;
	_ =	sdelay $0x1  }
0x24d: {  	v47 =	vmul.f32 v44, v6;
	v15 =	vadd.f32 v46, v15;
	_ =	sdelay $0x1  }
0x24e: {  	v48 =	vmul.f32 v45, v7;
	v15 =	vadd.f32 v47, v15;
	_ =	sdelay $0x1  }
0x24f: {  	v15 =	vadd.f32 v48, v15;
	_ =	sdelay $0x1  }
0x250: {  	[tilespmem:$0x104A0] =	vst v15  }
0x251: {  	v15 =	vld [tilespmem:s22+$0xA430]  }
0x252: {  	v49 =	vld [tilespmem:s23+$0xA430];
	_ =	sdelay $0x1  }
0x253: {  	v50 =	vld [tilespmem:s24+$0xA430];
	_ =	sdelay $0x1  }
0x254: {  	v51 =	vld [tilespmem:s26+$0xA430]  }
0x255: {  	v15 =	vmul.f32 v15, v3;
	v16 =	vmul.f32 v49, v4  }
0x256: {  	v52 =	vld [tilespmem:s25+$0xA430]  }
0x257: {  	v53 =	vmul.f32 v50, v5;
	v15 =	vadd.f32 v16, v15;
	_ =	sdelay $0x1  }
0x258: {  	v54 =	vmul.f32 v51, v6;
	v15 =	vadd.f32 v53, v15;
	_ =	sdelay $0x1  }
0x259: {  	v55 =	vmul.f32 v52, v7;
	v15 =	vadd.f32 v54, v15;
	_ =	sdelay $0x1  }
0x25a: {  	v15 =	vadd.f32 v55, v15;
	_ =	sdelay $0x1  }
0x25b: {  	[tilespmem:$0x104B0] =	vst v15  }
0x25c: {  	v15 =	vld [tilespmem:s22+$0xA440]  }
0x25d: {  	v56 =	vld [tilespmem:s23+$0xA440];
	_ =	sdelay $0x1  }
0x25e: {  	v57 =	vld [tilespmem:s24+$0xA440];
	_ =	sdelay $0x1  }
0x25f: {  	v58 =	vld [tilespmem:s26+$0xA440]  }
0x260: {  	v15 =	vmul.f32 v15, v3;
	v16 =	vmul.f32 v56, v4  }
0x261: {  	v59 =	vld [tilespmem:s25+$0xA440]  }
0x262: {  	v60 =	vmul.f32 v57, v5;
	v15 =	vadd.f32 v16, v15;
	_ =	sdelay $0x1  }
0x263: {  	v61 =	vmul.f32 v58, v6;
	v15 =	vadd.f32 v60, v15;
	_ =	sdelay $0x1  }
0x264: {  	v62 =	vmul.f32 v59, v7;
	v15 =	vadd.f32 v61, v15;
	_ =	sdelay $0x1  }
0x265: {  	v15 =	vadd.f32 v62, v15;
	_ =	sdelay $0x1  }
0x266: {  	[tilespmem:$0x104C0] =	vst v15  }
0x267: {  	v15 =	vld [tilespmem:s22+$0xA450]  }
0x268: {  	v63 =	vld [tilespmem:s23+$0xA450];
	_ =	sdelay $0x1  }
0x269: {  	v21 =	vld [tilespmem:s24+$0xA450];
	_ =	sdelay $0x1  }
0x26a: {  	v22 =	vld [tilespmem:s26+$0xA450]  }
0x26b: {  	v15 =	vmul.f32 v15, v3;
	v16 =	vmul.f32 v63, v4  }
0x26c: {  	v23 =	vld [tilespmem:s25+$0xA450]  }
0x26d: {  	v24 =	vmul.f32 v21, v5;
	v15 =	vadd.f32 v16, v15;
	_ =	sdelay $0x1  }
0x26e: {  	v25 =	vmul.f32 v22, v6;
	v15 =	vadd.f32 v24, v15;
	_ =	sdelay $0x1  }
0x26f: {  	v26 =	vmul.f32 v23, v7;
	v15 =	vadd.f32 v25, v15;
	_ =	sdelay $0x1  }
0x270: {  	v15 =	vadd.f32 v26, v15;
	_ =	sdelay $0x1  }
0x271: {  	[tilespmem:$0x104D0] =	vst v15  }
0x272: {  	v15 =	vld [tilespmem:s22+$0xA460]  }
0x273: {  	v27 =	vld [tilespmem:s23+$0xA460];
	_ =	sdelay $0x1  }
0x274: {  	v28 =	vld [tilespmem:s24+$0xA460];
	_ =	sdelay $0x1  }
0x275: {  	v29 =	vld [tilespmem:s26+$0xA460]  }
0x276: {  	v15 =	vmul.f32 v15, v3;
	v16 =	vmul.f32 v27, v4  }
0x277: {  	v30 =	vld [tilespmem:s25+$0xA460]  }
0x278: {  	v31 =	vmul.f32 v28, v5;
	v15 =	vadd.f32 v16, v15;
	_ =	sdelay $0x1  }
0x279: {  	v32 =	vmul.f32 v29, v6;
	v15 =	vadd.f32 v31, v15;
	_ =	sdelay $0x1  }
0x27a: {  	v33 =	vmul.f32 v30, v7;
	v15 =	vadd.f32 v32, v15;
	_ =	sdelay $0x1  }
0x27b: {  	v15 =	vadd.f32 v33, v15;
	_ =	sdelay $0x1  }
0x27c: {  	[tilespmem:$0x104E0] =	vst v15  }
0x27d: {  	v15 =	vld [tilespmem:s22+$0xA470]  }
0x27e: {  	v34 =	vld [tilespmem:s23+$0xA470];
	_ =	sdelay $0x1  }
0x27f: {  	v35 =	vld [tilespmem:s24+$0xA470];
	_ =	sdelay $0x1  }
0x280: {  	v36 =	vld [tilespmem:s26+$0xA470]  }
0x281: {  	v15 =	vmul.f32 v15, v3;
	v16 =	vmul.f32 v34, v4  }
0x282: {  	v37 =	vld [tilespmem:s25+$0xA470]  }
0x283: {  	v38 =	vmul.f32 v35, v5;
	v15 =	vadd.f32 v16, v15;
	_ =	sdelay $0x1  }
0x284: {  	v39 =	vmul.f32 v36, v6;
	v15 =	vadd.f32 v38, v15;
	_ =	sdelay $0x1  }
0x285: {  	v40 =	vmul.f32 v37, v7;
	v15 =	vadd.f32 v39, v15;
	_ =	sdelay $0x1  }
0x286: {  	v15 =	vadd.f32 v40, v15;
	_ =	sdelay $0x1  }
0x287: {  	[tilespmem:$0x104F0] =	vst v15  }
0x288: {  	v15 =	vld [tilespmem:s22+$0xA800]  }
0x289: {  	v41 =	vld [tilespmem:s23+$0xA800];
	_ =	sdelay $0x1  }
0x28a: {  	v42 =	vld [tilespmem:s24+$0xA800];
	_ =	sdelay $0x1  }
0x28b: {  	v43 =	vld [tilespmem:s26+$0xA800]  }
0x28c: {  	v15 =	vmul.f32 v15, v3;
	v16 =	vmul.f32 v41, v4  }
0x28d: {  	v44 =	vld [tilespmem:s25+$0xA800]  }
0x28e: {  	v45 =	vmul.f32 v42, v5;
	v15 =	vadd.f32 v16, v15;
	_ =	sdelay $0x1  }
0x28f: {  	v46 =	vmul.f32 v43, v6;
	v15 =	vadd.f32 v45, v15;
	_ =	sdelay $0x1  }
0x290: {  	v47 =	vmul.f32 v44, v7;
	v15 =	vadd.f32 v46, v15;
	_ =	sdelay $0x1  }
0x291: {  	v15 =	vadd.f32 v47, v15;
	_ =	sdelay $0x1  }
0x292: {  	[tilespmem:$0x10500] =	vst v15  }
0x293: {  	v15 =	vld [tilespmem:s22+$0xA810]  }
0x294: {  	v48 =	vld [tilespmem:s23+$0xA810];
	_ =	sdelay $0x1  }
0x295: {  	v49 =	vld [tilespmem:s24+$0xA810];
	_ =	sdelay $0x1  }
0x296: {  	v50 =	vld [tilespmem:s26+$0xA810]  }
0x297: {  	v15 =	vmul.f32 v15, v3;
	v16 =	vmul.f32 v48, v4  }
0x298: {  	v51 =	vld [tilespmem:s25+$0xA810]  }
0x299: {  	v52 =	vmul.f32 v49, v5;
	v15 =	vadd.f32 v16, v15;
	_ =	sdelay $0x1  }
0x29a: {  	v53 =	vmul.f32 v50, v6;
	v15 =	vadd.f32 v52, v15;
	_ =	sdelay $0x1  }
0x29b: {  	v54 =	vmul.f32 v51, v7;
	v15 =	vadd.f32 v53, v15;
	_ =	sdelay $0x1  }
0x29c: {  	v15 =	vadd.f32 v54, v15;
	_ =	sdelay $0x1  }
0x29d: {  	[tilespmem:$0x10510] =	vst v15  }
0x29e: {  	v15 =	vld [tilespmem:s22+$0xA820]  }
0x29f: {  	v55 =	vld [tilespmem:s23+$0xA820];
	_ =	sdelay $0x1  }
0x2a0: {  	v56 =	vld [tilespmem:s24+$0xA820];
	_ =	sdelay $0x1  }
0x2a1: {  	v57 =	vld [tilespmem:s26+$0xA820]  }
0x2a2: {  	v15 =	vmul.f32 v15, v3;
	v16 =	vmul.f32 v55, v4  }
0x2a3: {  	v58 =	vld [tilespmem:s25+$0xA820]  }
0x2a4: {  	v59 =	vmul.f32 v56, v5;
	v15 =	vadd.f32 v16, v15;
	_ =	sdelay $0x1  }
0x2a5: {  	v60 =	vmul.f32 v57, v6;
	v15 =	vadd.f32 v59, v15;
	_ =	sdelay $0x1  }
0x2a6: {  	v61 =	vmul.f32 v58, v7;
	v15 =	vadd.f32 v60, v15;
	_ =	sdelay $0x1  }
0x2a7: {  	v15 =	vadd.f32 v61, v15;
	_ =	sdelay $0x1  }
0x2a8: {  	[tilespmem:$0x10520] =	vst v15  }
0x2a9: {  	v15 =	vld [tilespmem:s22+$0xA830]  }
0x2aa: {  	v62 =	vld [tilespmem:s23+$0xA830];
	_ =	sdelay $0x1  }
0x2ab: {  	v63 =	vld [tilespmem:s24+$0xA830];
	_ =	sdelay $0x1  }
0x2ac: {  	v21 =	vld [tilespmem:s26+$0xA830]  }
0x2ad: {  	v15 =	vmul.f32 v15, v3;
	v16 =	vmul.f32 v62, v4  }
0x2ae: {  	v22 =	vld [tilespmem:s25+$0xA830]  }
0x2af: {  	v23 =	vmul.f32 v63, v5;
	v15 =	vadd.f32 v16, v15;
	_ =	sdelay $0x1  }
0x2b0: {  	v24 =	vmul.f32 v21, v6;
	v15 =	vadd.f32 v23, v15;
	_ =	sdelay $0x1  }
0x2b1: {  	v25 =	vmul.f32 v22, v7;
	v15 =	vadd.f32 v24, v15;
	_ =	sdelay $0x1  }
0x2b2: {  	v15 =	vadd.f32 v25, v15;
	_ =	sdelay $0x1  }
0x2b3: {  	[tilespmem:$0x10530] =	vst v15  }
0x2b4: {  	v15 =	vld [tilespmem:s22+$0xA840]  }
0x2b5: {  	v26 =	vld [tilespmem:s23+$0xA840];
	_ =	sdelay $0x1  }
0x2b6: {  	v27 =	vld [tilespmem:s24+$0xA840];
	_ =	sdelay $0x1  }
0x2b7: {  	v28 =	vld [tilespmem:s26+$0xA840]  }
0x2b8: {  	v15 =	vmul.f32 v15, v3;
	v16 =	vmul.f32 v26, v4  }
0x2b9: {  	v29 =	vld [tilespmem:s25+$0xA840]  }
0x2ba: {  	v30 =	vmul.f32 v27, v5;
	v15 =	vadd.f32 v16, v15;
	_ =	sdelay $0x1  }
0x2bb: {  	v31 =	vmul.f32 v28, v6;
	v15 =	vadd.f32 v30, v15;
	_ =	sdelay $0x1  }
0x2bc: {  	v32 =	vmul.f32 v29, v7;
	v15 =	vadd.f32 v31, v15;
	_ =	sdelay $0x1  }
0x2bd: {  	v15 =	vadd.f32 v32, v15;
	_ =	sdelay $0x1  }
0x2be: {  	[tilespmem:$0x10540] =	vst v15  }
0x2bf: {  	v15 =	vld [tilespmem:s22+$0xA850]  }
0x2c0: {  	v33 =	vld [tilespmem:s23+$0xA850];
	_ =	sdelay $0x1  }
0x2c1: {  	v34 =	vld [tilespmem:s24+$0xA850];
	_ =	sdelay $0x1  }
0x2c2: {  	v35 =	vld [tilespmem:s26+$0xA850]  }
0x2c3: {  	v15 =	vmul.f32 v15, v3;
	v16 =	vmul.f32 v33, v4  }
0x2c4: {  	v36 =	vld [tilespmem:s25+$0xA850]  }
0x2c5: {  	v37 =	vmul.f32 v34, v5;
	v15 =	vadd.f32 v16, v15;
	_ =	sdelay $0x1  }
0x2c6: {  	v38 =	vmul.f32 v35, v6;
	v15 =	vadd.f32 v37, v15;
	_ =	sdelay $0x1  }
0x2c7: {  	v39 =	vmul.f32 v36, v7;
	v15 =	vadd.f32 v38, v15;
	_ =	sdelay $0x1  }
0x2c8: {  	v15 =	vadd.f32 v39, v15;
	_ =	sdelay $0x1  }
0x2c9: {  	[tilespmem:$0x10550] =	vst v15  }
0x2ca: {  	v15 =	vld [tilespmem:s22+$0xA860]  }
0x2cb: {  	v40 =	vld [tilespmem:s23+$0xA860];
	_ =	sdelay $0x1  }
0x2cc: {  	v41 =	vld [tilespmem:s24+$0xA860];
	_ =	sdelay $0x1  }
0x2cd: {  	v42 =	vld [tilespmem:s26+$0xA860]  }
0x2ce: {  	v15 =	vmul.f32 v15, v3;
	v16 =	vmul.f32 v40, v4  }
0x2cf: {  	v43 =	vld [tilespmem:s25+$0xA860]  }
0x2d0: {  	v44 =	vmul.f32 v41, v5;
	v15 =	vadd.f32 v16, v15;
	_ =	sdelay $0x1  }
0x2d1: {  	v45 =	vmul.f32 v42, v6;
	v15 =	vadd.f32 v44, v15;
	_ =	sdelay $0x1  }
0x2d2: {  	v46 =	vmul.f32 v43, v7;
	v15 =	vadd.f32 v45, v15;
	_ =	sdelay $0x1  }
0x2d3: {  	v15 =	vadd.f32 v46, v15;
	_ =	sdelay $0x1  }
0x2d4: {  	[tilespmem:$0x10560] =	vst v15  }
0x2d5: {  	v15 =	vld [tilespmem:s22+$0xA870]  }
0x2d6: {  	v47 =	vld [tilespmem:s23+$0xA870];
	_ =	sdelay $0x1  }
0x2d7: {  	v48 =	vld [tilespmem:s24+$0xA870];
	_ =	sdelay $0x1  }
0x2d8: {  	v49 =	vld [tilespmem:s26+$0xA870]  }
0x2d9: {  	v15 =	vmul.f32 v15, v3;
	v16 =	vmul.f32 v47, v4  }
0x2da: {  	v50 =	vld [tilespmem:s25+$0xA870]  }
0x2db: {  	v51 =	vmul.f32 v48, v5;
	v15 =	vadd.f32 v16, v15;
	_ =	sdelay $0x1  }
0x2dc: {  	v52 =	vmul.f32 v49, v6;
	v15 =	vadd.f32 v51, v15;
	_ =	sdelay $0x1  }
0x2dd: {  	v53 =	vmul.f32 v50, v7;
	v15 =	vadd.f32 v52, v15;
	_ =	sdelay $0x1  }
0x2de: {  	v15 =	vadd.f32 v53, v15;
	_ =	sdelay $0x1  }
0x2df: {  	[tilespmem:$0x10570] =	vst v15  }
0x2e0: {  	v15 =	vld [tilespmem:s22+$0xAC00]  }
0x2e1: {  	v54 =	vld [tilespmem:s23+$0xAC00];
	_ =	sdelay $0x1  }
0x2e2: {  	v55 =	vld [tilespmem:s24+$0xAC00];
	_ =	sdelay $0x1  }
0x2e3: {  	v56 =	vld [tilespmem:s26+$0xAC00]  }
0x2e4: {  	v15 =	vmul.f32 v15, v3;
	v16 =	vmul.f32 v54, v4  }
0x2e5: {  	v57 =	vld [tilespmem:s25+$0xAC00]  }
0x2e6: {  	v58 =	vmul.f32 v55, v5;
	v15 =	vadd.f32 v16, v15;
	_ =	sdelay $0x1  }
0x2e7: {  	v59 =	vmul.f32 v56, v6;
	v15 =	vadd.f32 v58, v15;
	_ =	sdelay $0x1  }
0x2e8: {  	v60 =	vmul.f32 v57, v7;
	v15 =	vadd.f32 v59, v15;
	_ =	sdelay $0x1  }
0x2e9: {  	v15 =	vadd.f32 v60, v15;
	_ =	sdelay $0x1  }
0x2ea: {  	[tilespmem:$0x10580] =	vst v15  }
0x2eb: {  	v15 =	vld [tilespmem:s22+$0xAC10]  }
0x2ec: {  	v61 =	vld [tilespmem:s23+$0xAC10];
	_ =	sdelay $0x1  }
0x2ed: {  	v62 =	vld [tilespmem:s24+$0xAC10];
	_ =	sdelay $0x1  }
0x2ee: {  	v63 =	vld [tilespmem:s26+$0xAC10]  }
0x2ef: {  	v15 =	vmul.f32 v15, v3;
	v16 =	vmul.f32 v61, v4  }
0x2f0: {  	v21 =	vld [tilespmem:s25+$0xAC10]  }
0x2f1: {  	v22 =	vmul.f32 v62, v5;
	v15 =	vadd.f32 v16, v15;
	_ =	sdelay $0x1  }
0x2f2: {  	v23 =	vmul.f32 v63, v6;
	v15 =	vadd.f32 v22, v15;
	_ =	sdelay $0x1  }
0x2f3: {  	v24 =	vmul.f32 v21, v7;
	v15 =	vadd.f32 v23, v15;
	_ =	sdelay $0x1  }
0x2f4: {  	v15 =	vadd.f32 v24, v15;
	_ =	sdelay $0x1  }
0x2f5: {  	[tilespmem:$0x10590] =	vst v15  }
0x2f6: {  	v15 =	vld [tilespmem:s22+$0xAC20]  }
0x2f7: {  	v25 =	vld [tilespmem:s23+$0xAC20];
	_ =	sdelay $0x1  }
0x2f8: {  	v26 =	vld [tilespmem:s24+$0xAC20];
	_ =	sdelay $0x1  }
0x2f9: {  	v27 =	vld [tilespmem:s26+$0xAC20]  }
0x2fa: {  	v15 =	vmul.f32 v15, v3;
	v16 =	vmul.f32 v25, v4  }
0x2fb: {  	v28 =	vld [tilespmem:s25+$0xAC20]  }
0x2fc: {  	v29 =	vmul.f32 v26, v5;
	v15 =	vadd.f32 v16, v15;
	_ =	sdelay $0x1  }
0x2fd: {  	v30 =	vmul.f32 v27, v6;
	v15 =	vadd.f32 v29, v15;
	_ =	sdelay $0x1  }
0x2fe: {  	v31 =	vmul.f32 v28, v7;
	v15 =	vadd.f32 v30, v15;
	_ =	sdelay $0x1  }
0x2ff: {  	v15 =	vadd.f32 v31, v15;
	_ =	sdelay $0x1  }
0x300: {  	[tilespmem:$0x105A0] =	vst v15  }
0x301: {  	v15 =	vld [tilespmem:s22+$0xAC30]  }
0x302: {  	v32 =	vld [tilespmem:s23+$0xAC30];
	_ =	sdelay $0x1  }
0x303: {  	v33 =	vld [tilespmem:s24+$0xAC30];
	_ =	sdelay $0x1  }
0x304: {  	v34 =	vld [tilespmem:s26+$0xAC30]  }
0x305: {  	v15 =	vmul.f32 v15, v3;
	v16 =	vmul.f32 v32, v4  }
0x306: {  	v35 =	vld [tilespmem:s25+$0xAC30]  }
0x307: {  	v36 =	vmul.f32 v33, v5;
	v15 =	vadd.f32 v16, v15;
	_ =	sdelay $0x1  }
0x308: {  	v37 =	vmul.f32 v34, v6;
	v15 =	vadd.f32 v36, v15;
	_ =	sdelay $0x1  }
0x309: {  	v38 =	vmul.f32 v35, v7;
	v15 =	vadd.f32 v37, v15;
	_ =	sdelay $0x1  }
0x30a: {  	v15 =	vadd.f32 v38, v15;
	_ =	sdelay $0x1  }
0x30b: {  	[tilespmem:$0x105B0] =	vst v15  }
0x30c: {  	v15 =	vld [tilespmem:s22+$0xAC40]  }
0x30d: {  	v39 =	vld [tilespmem:s23+$0xAC40];
	_ =	sdelay $0x1  }
0x30e: {  	v40 =	vld [tilespmem:s24+$0xAC40];
	_ =	sdelay $0x1  }
0x30f: {  	v41 =	vld [tilespmem:s26+$0xAC40]  }
0x310: {  	v15 =	vmul.f32 v15, v3;
	v16 =	vmul.f32 v39, v4  }
0x311: {  	v42 =	vld [tilespmem:s25+$0xAC40]  }
0x312: {  	v43 =	vmul.f32 v40, v5;
	v15 =	vadd.f32 v16, v15;
	_ =	sdelay $0x1  }
0x313: {  	v44 =	vmul.f32 v41, v6;
	v15 =	vadd.f32 v43, v15;
	_ =	sdelay $0x1  }
0x314: {  	v45 =	vmul.f32 v42, v7;
	v15 =	vadd.f32 v44, v15;
	_ =	sdelay $0x1  }
0x315: {  	v15 =	vadd.f32 v45, v15;
	_ =	sdelay $0x1  }
0x316: {  	[tilespmem:$0x105C0] =	vst v15  }
0x317: {  	v15 =	vld [tilespmem:s22+$0xAC50]  }
0x318: {  	v46 =	vld [tilespmem:s23+$0xAC50];
	_ =	sdelay $0x1  }
0x319: {  	v47 =	vld [tilespmem:s24+$0xAC50];
	_ =	sdelay $0x1  }
0x31a: {  	v48 =	vld [tilespmem:s26+$0xAC50]  }
0x31b: {  	v15 =	vmul.f32 v15, v3;
	v16 =	vmul.f32 v46, v4  }
0x31c: {  	v49 =	vld [tilespmem:s25+$0xAC50]  }
0x31d: {  	v50 =	vmul.f32 v47, v5;
	v15 =	vadd.f32 v16, v15;
	_ =	sdelay $0x1  }
0x31e: {  	v51 =	vmul.f32 v48, v6;
	v15 =	vadd.f32 v50, v15;
	_ =	sdelay $0x1  }
0x31f: {  	v52 =	vmul.f32 v49, v7;
	v15 =	vadd.f32 v51, v15;
	_ =	sdelay $0x1  }
0x320: {  	v15 =	vadd.f32 v52, v15;
	_ =	sdelay $0x1  }
0x321: {  	[tilespmem:$0x105D0] =	vst v15  }
0x322: {  	v15 =	vld [tilespmem:s22+$0xAC60]  }
0x323: {  	v53 =	vld [tilespmem:s23+$0xAC60];
	_ =	sdelay $0x1  }
0x324: {  	v54 =	vld [tilespmem:s24+$0xAC60];
	_ =	sdelay $0x1  }
0x325: {  	v55 =	vld [tilespmem:s26+$0xAC60]  }
0x326: {  	v15 =	vmul.f32 v15, v3;
	v16 =	vmul.f32 v53, v4  }
0x327: {  	v56 =	vld [tilespmem:s25+$0xAC60]  }
0x328: {  	v57 =	vmul.f32 v54, v5;
	v15 =	vadd.f32 v16, v15;
	_ =	sdelay $0x1  }
0x329: {  	v58 =	vmul.f32 v55, v6;
	v15 =	vadd.f32 v57, v15;
	_ =	sdelay $0x1  }
0x32a: {  	v59 =	vmul.f32 v56, v7;
	v15 =	vadd.f32 v58, v15;
	_ =	sdelay $0x1  }
0x32b: {  	v15 =	vadd.f32 v59, v15;
	_ =	sdelay $0x1  }
0x32c: {  	[tilespmem:$0x105E0] =	vst v15  }
0x32d: {  	v15 =	vld [tilespmem:s22+$0xAC70]  }
0x32e: {  	v60 =	vld [tilespmem:s23+$0xAC70];
	_ =	sdelay $0x1  }
0x32f: {  	v61 =	vld [tilespmem:s24+$0xAC70];
	_ =	sdelay $0x1  }
0x330: {  	v62 =	vld [tilespmem:s26+$0xAC70]  }
0x331: {  	v15 =	vmul.f32 v15, v3;
	v16 =	vmul.f32 v60, v4  }
0x332: {  	v63 =	vld [tilespmem:s25+$0xAC70]  }
0x333: {  	v21 =	vmul.f32 v61, v5;
	v15 =	vadd.f32 v16, v15;
	_ =	sdelay $0x1  }
0x334: {  	v22 =	vmul.f32 v62, v6;
	v15 =	vadd.f32 v21, v15;
	_ =	sdelay $0x1  }
0x335: {  	v23 =	vmul.f32 v63, v7;
	v15 =	vadd.f32 v22, v15;
	_ =	sdelay $0x1  }
0x336: {  	v15 =	vadd.f32 v23, v15  }
0x337: {  	v24 =	vld [tilespmem:$0x10401]  }
0x338: {  	v26 =	vld [tilespmem:$0x10402];
	[tilespmem:$0x105F0] =	vst v15  }
0x339: {  	v15 =	vld [tilespmem:s22+$0xB000]  }
0x33a: {  	v25 =	vld [tilespmem:s23+$0xB000]  }
0x33b: {  	v20 =	vld [tilespmem:$0x10403]  }
0x33c: {  	v14 =	vmul.f32 v14, v8;
	v16 =	vmul.f32 v24, v9;
	v27 =	vld [tilespmem:s24+$0xB000]  }
0x33d: {  	v22 =	vld [tilespmem:$0x10404]  }
0x33e: {  	v28 =	vmul.f32 v26, v10;
	v14 =	vadd.f32 v16, v14;
	v21 =	vld [tilespmem:s26+$0xB000]  }
0x33f: {  	v15 =	vmul.f32 v15, v3;
	v17 =	vmul.f32 v25, v4  }
0x340: {  	v31 =	vmul.f32 v20, v11;
	v14 =	vadd.f32 v28, v14;
	v30 =	vld [tilespmem:s25+$0xB000]  }
0x341: {  	v29 =	vmul.f32 v27, v5;
	v15 =	vadd.f32 v17, v15  }
0x342: {  	v14 =	vadd.f32 v31, v14  }
0x343: {  	v33 =	vmul.f32 v22, v12;
	v32 =	vmul.f32 v21, v6;
	v15 =	vadd.f32 v29, v15;
	_ =	sdelay $0x1  }
0x344: {  	v14 =	vadd.f32 v33, v14;
	v34 =	vmul.f32 v30, v7;
	v15 =	vadd.f32 v32, v15;
	_ =	sdelay $0x1  }
0x345: {  	s20 =	sshll.u32 s20, $0x9;
	vm0 =	vgt.f32 v14, $9.999999770e-03;
	v15 =	vadd.f32 v34, v15  }
0x346: {  	s20 =	sand.u32 $0x3FFFF000, s20;
	v14 =	vsel vm0, $0x3F800000, v1  }
0x347: {  	s20 =	sor.u32 s21, s20;
	[tilespmem:$0x10600] =	vst v15;
	v15 =	vmax.f32 v14, v0  }
0x348: {  	[tilespmem:s20+$0x10680] =	vst v15  }
0x349: {  	v15 =	vld [tilespmem:$0x10410]  }
0x34a: {  	v35 =	vld [tilespmem:$0x10411];
	_ =	sdelay $0x1  }
0x34b: {  	v36 =	vld [tilespmem:$0x10412];
	_ =	sdelay $0x1  }
0x34c: {  	v37 =	vld [tilespmem:$0x10413]  }
0x34d: {  	v15 =	vmul.f32 v15, v8;
	v16 =	vmul.f32 v35, v9  }
0x34e: {  	v38 =	vld [tilespmem:$0x10414]  }
0x34f: {  	v39 =	vmul.f32 v36, v10;
	v15 =	vadd.f32 v16, v15;
	_ =	sdelay $0x1  }
0x350: {  	v40 =	vmul.f32 v37, v11;
	v15 =	vadd.f32 v39, v15;
	_ =	sdelay $0x1  }
0x351: {  	v41 =	vmul.f32 v38, v12;
	v15 =	vadd.f32 v40, v15;
	_ =	sdelay $0x1  }
0x352: {  	v15 =	vadd.f32 v41, v15;
	_ =	sdelay $0x1  }
0x353: {  	vm9 =	vgt.f32 v15, $9.999999770e-03  }
0x354: {  	v15 =	vsel vm9, $0x3F800000, v1  }
0x355: {  	s20 =	sadd.s32 $0x10680, s20;
	v42 =	vmax.f32 v15, v0  }
0x356: {  	[tilespmem:s20+$0x10] =	vst v42  }
0x357: {  	v16 =	vld [tilespmem:$0x10420]  }
0x358: {  	v43 =	vld [tilespmem:$0x10421];
	_ =	sdelay $0x1  }
0x359: {  	v44 =	vld [tilespmem:$0x10422];
	_ =	sdelay $0x1  }
0x35a: {  	v45 =	vld [tilespmem:$0x10423]  }
0x35b: {  	v16 =	vmul.f32 v16, v8;
	v17 =	vmul.f32 v43, v9  }
0x35c: {  	v46 =	vld [tilespmem:$0x10424]  }
0x35d: {  	v47 =	vmul.f32 v44, v10;
	v16 =	vadd.f32 v17, v16;
	_ =	sdelay $0x1  }
0x35e: {  	v48 =	vmul.f32 v45, v11;
	v16 =	vadd.f32 v47, v16;
	_ =	sdelay $0x1  }
0x35f: {  	v49 =	vmul.f32 v46, v12;
	v16 =	vadd.f32 v48, v16;
	_ =	sdelay $0x1  }
0x360: {  	v16 =	vadd.f32 v49, v16;
	_ =	sdelay $0x1  }
0x361: {  	vm10 =	vgt.f32 v16, $9.999999770e-03  }
0x362: {  	v16 =	vsel vm10, $0x3F800000, v1  }
0x363: {  	v50 =	vmax.f32 v16, v0  }
0x364: {  	[tilespmem:s20+$0x20] =	vst v50  }
0x365: {  	v17 =	vld [tilespmem:$0x10430]  }
0x366: {  	v51 =	vld [tilespmem:$0x10431];
	_ =	sdelay $0x1  }
0x367: {  	v52 =	vld [tilespmem:$0x10432];
	_ =	sdelay $0x1  }
0x368: {  	v53 =	vld [tilespmem:$0x10433]  }
0x369: {  	v17 =	vmul.f32 v17, v8;
	v18 =	vmul.f32 v51, v9  }
0x36a: {  	v54 =	vld [tilespmem:$0x10434]  }
0x36b: {  	v55 =	vmul.f32 v52, v10;
	v17 =	vadd.f32 v18, v17;
	_ =	sdelay $0x1  }
0x36c: {  	v56 =	vmul.f32 v53, v11;
	v17 =	vadd.f32 v55, v17;
	_ =	sdelay $0x1  }
0x36d: {  	v57 =	vmul.f32 v54, v12;
	v17 =	vadd.f32 v56, v17;
	_ =	sdelay $0x1  }
0x36e: {  	v17 =	vadd.f32 v57, v17;
	_ =	sdelay $0x1  }
0x36f: {  	vm11 =	vgt.f32 v17, $9.999999770e-03  }
0x370: {  	v17 =	vsel vm11, $0x3F800000, v1  }
0x371: {  	v58 =	vmax.f32 v17, v0  }
0x372: {  	[tilespmem:s20+$0x30] =	vst v58  }
0x373: {  	v18 =	vld [tilespmem:$0x10440]  }
0x374: {  	v59 =	vld [tilespmem:$0x10441];
	_ =	sdelay $0x1  }
0x375: {  	v60 =	vld [tilespmem:$0x10442];
	_ =	sdelay $0x1  }
0x376: {  	v61 =	vld [tilespmem:$0x10443]  }
0x377: {  	v18 =	vmul.f32 v18, v8;
	v19 =	vmul.f32 v59, v9  }
0x378: {  	v62 =	vld [tilespmem:$0x10444]  }
0x379: {  	v63 =	vmul.f32 v60, v10;
	v18 =	vadd.f32 v19, v18;
	_ =	sdelay $0x1  }
0x37a: {  	v23 =	vmul.f32 v61, v11;
	v18 =	vadd.f32 v63, v18;
	_ =	sdelay $0x1  }
0x37b: {  	v24 =	vmul.f32 v62, v12;
	v18 =	vadd.f32 v23, v18;
	_ =	sdelay $0x1  }
0x37c: {  	v18 =	vadd.f32 v24, v18;
	_ =	sdelay $0x1  }
0x37d: {  	vm12 =	vgt.f32 v18, $9.999999770e-03  }
0x37e: {  	v18 =	vsel vm12, $0x3F800000, v1  }
0x37f: {  	v25 =	vmax.f32 v18, v0  }
0x380: {  	[tilespmem:s20+$0x40] =	vst v25  }
0x381: {  	v19 =	vld [tilespmem:$0x10450]  }
0x382: {  	v26 =	vld [tilespmem:$0x10451];
	_ =	sdelay $0x1  }
0x383: {  	v27 =	vld [tilespmem:$0x10452];
	_ =	sdelay $0x1  }
0x384: {  	v28 =	vld [tilespmem:$0x10453]  }
0x385: {  	v19 =	vmul.f32 v19, v8;
	v20 =	vmul.f32 v26, v9  }
0x386: {  	v23 =	vld [tilespmem:$0x10454]  }
0x387: {  	v29 =	vmul.f32 v27, v10;
	v19 =	vadd.f32 v20, v19;
	_ =	sdelay $0x1  }
0x388: {  	v30 =	vmul.f32 v28, v11;
	v19 =	vadd.f32 v29, v19;
	_ =	sdelay $0x1  }
0x389: {  	v31 =	vmul.f32 v23, v12;
	v19 =	vadd.f32 v30, v19;
	_ =	sdelay $0x1  }
0x38a: {  	v19 =	vadd.f32 v31, v19;
	_ =	sdelay $0x1  }
0x38b: {  	vm13 =	vgt.f32 v19, $9.999999770e-03  }
0x38c: {  	v19 =	vsel vm13, $0x3F800000, v1  }
0x38d: {  	v32 =	vmax.f32 v19, v0  }
0x38e: {  	[tilespmem:s20+$0x50] =	vst v32  }
0x38f: {  	v20 =	vld [tilespmem:$0x10460]  }
0x390: {  	v33 =	vld [tilespmem:$0x10461];
	_ =	sdelay $0x1  }
0x391: {  	v34 =	vld [tilespmem:$0x10462];
	_ =	sdelay $0x1  }
0x392: {  	v35 =	vld [tilespmem:$0x10463]  }
0x393: {  	v20 =	vmul.f32 v20, v8;
	v21 =	vmul.f32 v33, v9  }
0x394: {  	v24 =	vld [tilespmem:$0x10464]  }
0x395: {  	v36 =	vmul.f32 v34, v10;
	v20 =	vadd.f32 v21, v20;
	_ =	sdelay $0x1  }
0x396: {  	v37 =	vmul.f32 v35, v11;
	v20 =	vadd.f32 v36, v20;
	_ =	sdelay $0x1  }
0x397: {  	v38 =	vmul.f32 v24, v12;
	v20 =	vadd.f32 v37, v20;
	_ =	sdelay $0x1  }
0x398: {  	v20 =	vadd.f32 v38, v20;
	_ =	sdelay $0x1  }
0x399: {  	vm14 =	vgt.f32 v20, $9.999999770e-03  }
0x39a: {  	v20 =	vsel vm14, $0x3F800000, v1  }
0x39b: {  	v39 =	vmax.f32 v20, v0  }
0x39c: {  	[tilespmem:s20+$0x60] =	vst v39  }
0x39d: {  	v21 =	vld [tilespmem:$0x10470]  }
0x39e: {  	v40 =	vld [tilespmem:$0x10471];
	_ =	sdelay $0x1  }
0x39f: {  	v41 =	vld [tilespmem:$0x10472];
	_ =	sdelay $0x1  }
0x3a0: {  	v42 =	vld [tilespmem:$0x10473]  }
0x3a1: {  	v21 =	vmul.f32 v21, v8;
	v22 =	vmul.f32 v40, v9  }
0x3a2: {  	v25 =	vld [tilespmem:$0x10474]  }
0x3a3: {  	v43 =	vmul.f32 v41, v10;
	v21 =	vadd.f32 v22, v21;
	_ =	sdelay $0x1  }
0x3a4: {  	v44 =	vmul.f32 v42, v11;
	v21 =	vadd.f32 v43, v21;
	_ =	sdelay $0x1  }
0x3a5: {  	v45 =	vmul.f32 v25, v12;
	v21 =	vadd.f32 v44, v21;
	_ =	sdelay $0x1  }
0x3a6: {  	v21 =	vadd.f32 v45, v21;
	_ =	sdelay $0x1  }
0x3a7: {  	vm15 =	vgt.f32 v21, $9.999999770e-03  }
0x3a8: {  	v21 =	vsel vm15, $0x3F800000, v1  }
0x3a9: {  	v46 =	vmax.f32 v21, v0  }
0x3aa: {  	[tilespmem:s20+$0x70] =	vst v46  }
0x3ab: {  	v22 =	vld [tilespmem:$0x10480]  }
0x3ac: {  	v47 =	vld [tilespmem:$0x10481];
	_ =	sdelay $0x1  }
0x3ad: {  	v48 =	vld [tilespmem:$0x10482];
	_ =	sdelay $0x1  }
0x3ae: {  	v49 =	vld [tilespmem:$0x10483]  }
0x3af: {  	v22 =	vmul.f32 v22, v8;
	v23 =	vmul.f32 v47, v9  }
0x3b0: {  	v26 =	vld [tilespmem:$0x10484]  }
0x3b1: {  	v50 =	vmul.f32 v48, v10;
	v22 =	vadd.f32 v23, v22;
	_ =	sdelay $0x1  }
0x3b2: {  	v51 =	vmul.f32 v49, v11;
	v22 =	vadd.f32 v50, v22;
	_ =	sdelay $0x1  }
0x3b3: {  	v52 =	vmul.f32 v26, v12;
	v22 =	vadd.f32 v51, v22;
	_ =	sdelay $0x1  }
0x3b4: {  	v22 =	vadd.f32 v52, v22;
	_ =	sdelay $0x1  }
0x3b5: {  	vm4 =	vgt.f32 v22, $9.999999770e-03  }
0x3b6: {  	v22 =	vsel vm4, $0x3F800000, v1  }
0x3b7: {  	v53 =	vmax.f32 v22, v0  }
0x3b8: {  	[tilespmem:s20+$0x400] =	vst v53  }
0x3b9: {  	v23 =	vld [tilespmem:$0x10490]  }
0x3ba: {  	v54 =	vld [tilespmem:$0x10491];
	_ =	sdelay $0x1  }
0x3bb: {  	v55 =	vld [tilespmem:$0x10492];
	_ =	sdelay $0x1  }
0x3bc: {  	v56 =	vld [tilespmem:$0x10493]  }
0x3bd: {  	v23 =	vmul.f32 v23, v8;
	v24 =	vmul.f32 v54, v9  }
0x3be: {  	v27 =	vld [tilespmem:$0x10494]  }
0x3bf: {  	v57 =	vmul.f32 v55, v10;
	v23 =	vadd.f32 v24, v23;
	_ =	sdelay $0x1  }
0x3c0: {  	v58 =	vmul.f32 v56, v11;
	v23 =	vadd.f32 v57, v23;
	_ =	sdelay $0x1  }
0x3c1: {  	v59 =	vmul.f32 v27, v12;
	v23 =	vadd.f32 v58, v23;
	_ =	sdelay $0x1  }
0x3c2: {  	v23 =	vadd.f32 v59, v23;
	_ =	sdelay $0x1  }
0x3c3: {  	vm5 =	vgt.f32 v23, $9.999999770e-03  }
0x3c4: {  	v23 =	vsel vm5, $0x3F800000, v1  }
0x3c5: {  	v60 =	vmax.f32 v23, v0  }
0x3c6: {  	[tilespmem:s20+$0x410] =	vst v60  }
0x3c7: {  	v24 =	vld [tilespmem:$0x104A0]  }
0x3c8: {  	v61 =	vld [tilespmem:$0x104A1];
	_ =	sdelay $0x1  }
0x3c9: {  	v62 =	vld [tilespmem:$0x104A2];
	_ =	sdelay $0x1  }
0x3ca: {  	v63 =	vld [tilespmem:$0x104A3]  }
0x3cb: {  	v24 =	vmul.f32 v24, v8;
	v25 =	vmul.f32 v61, v9  }
0x3cc: {  	v28 =	vld [tilespmem:$0x104A4]  }
0x3cd: {  	v29 =	vmul.f32 v62, v10;
	v24 =	vadd.f32 v25, v24;
	_ =	sdelay $0x1  }
0x3ce: {  	v30 =	vmul.f32 v63, v11;
	v24 =	vadd.f32 v29, v24;
	_ =	sdelay $0x1  }
0x3cf: {  	v31 =	vmul.f32 v28, v12;
	v24 =	vadd.f32 v30, v24;
	_ =	sdelay $0x1  }
0x3d0: {  	v24 =	vadd.f32 v31, v24;
	_ =	sdelay $0x1  }
0x3d1: {  	vm6 =	vgt.f32 v24, $9.999999770e-03  }
0x3d2: {  	v24 =	vsel vm6, $0x3F800000, v1  }
0x3d3: {  	v32 =	vmax.f32 v24, v0  }
0x3d4: {  	[tilespmem:s20+$0x420] =	vst v32  }
0x3d5: {  	v25 =	vld [tilespmem:$0x104B0]  }
0x3d6: {  	v33 =	vld [tilespmem:$0x104B1];
	_ =	sdelay $0x1  }
0x3d7: {  	v34 =	vld [tilespmem:$0x104B2];
	_ =	sdelay $0x1  }
0x3d8: {  	v35 =	vld [tilespmem:$0x104B3]  }
0x3d9: {  	v25 =	vmul.f32 v25, v8;
	v26 =	vmul.f32 v33, v9  }
0x3da: {  	v29 =	vld [tilespmem:$0x104B4]  }
0x3db: {  	v36 =	vmul.f32 v34, v10;
	v25 =	vadd.f32 v26, v25;
	_ =	sdelay $0x1  }
0x3dc: {  	v37 =	vmul.f32 v35, v11;
	v25 =	vadd.f32 v36, v25;
	_ =	sdelay $0x1  }
0x3dd: {  	v38 =	vmul.f32 v29, v12;
	v25 =	vadd.f32 v37, v25;
	_ =	sdelay $0x1  }
0x3de: {  	v25 =	vadd.f32 v38, v25;
	_ =	sdelay $0x1  }
0x3df: {  	vm7 =	vgt.f32 v25, $9.999999770e-03  }
0x3e0: {  	v25 =	vsel vm7, $0x3F800000, v1  }
0x3e1: {  	v39 =	vmax.f32 v25, v0  }
0x3e2: {  	[tilespmem:s20+$0x430] =	vst v39  }
0x3e3: {  	v26 =	vld [tilespmem:$0x104C0]  }
0x3e4: {  	v40 =	vld [tilespmem:$0x104C1];
	_ =	sdelay $0x1  }
0x3e5: {  	v41 =	vld [tilespmem:$0x104C2];
	_ =	sdelay $0x1  }
0x3e6: {  	v42 =	vld [tilespmem:$0x104C3]  }
0x3e7: {  	v26 =	vmul.f32 v26, v8;
	v27 =	vmul.f32 v40, v9  }
0x3e8: {  	v30 =	vld [tilespmem:$0x104C4]  }
0x3e9: {  	v43 =	vmul.f32 v41, v10;
	v26 =	vadd.f32 v27, v26;
	_ =	sdelay $0x1  }
0x3ea: {  	v44 =	vmul.f32 v42, v11;
	v26 =	vadd.f32 v43, v26;
	_ =	sdelay $0x1  }
0x3eb: {  	v45 =	vmul.f32 v30, v12;
	v26 =	vadd.f32 v44, v26;
	_ =	sdelay $0x1  }
0x3ec: {  	v26 =	vadd.f32 v45, v26;
	_ =	sdelay $0x1  }
0x3ed: {  	vm8 =	vgt.f32 v26, $9.999999770e-03  }
0x3ee: {  	v26 =	vsel vm8, $0x3F800000, v1  }
0x3ef: {  	v46 =	vmax.f32 v26, v0  }
0x3f0: {  	[tilespmem:s20+$0x440] =	vst v46  }
0x3f1: {  	v27 =	vld [tilespmem:$0x104D0]  }
0x3f2: {  	v47 =	vld [tilespmem:$0x104D1];
	_ =	sdelay $0x1  }
0x3f3: {  	v48 =	vld [tilespmem:$0x104D2];
	_ =	sdelay $0x1  }
0x3f4: {  	v49 =	vld [tilespmem:$0x104D3]  }
0x3f5: {  	v27 =	vmul.f32 v27, v8;
	v28 =	vmul.f32 v47, v9  }
0x3f6: {  	v31 =	vld [tilespmem:$0x104D4]  }
0x3f7: {  	v50 =	vmul.f32 v48, v10;
	v27 =	vadd.f32 v28, v27;
	_ =	sdelay $0x1  }
0x3f8: {  	v51 =	vmul.f32 v49, v11;
	v27 =	vadd.f32 v50, v27;
	_ =	sdelay $0x1  }
0x3f9: {  	v52 =	vmul.f32 v31, v12;
	v27 =	vadd.f32 v51, v27;
	_ =	sdelay $0x1  }
0x3fa: {  	v27 =	vadd.f32 v52, v27;
	_ =	sdelay $0x1  }
0x3fb: {  	vm9 =	vgt.f32 v27, $9.999999770e-03  }
0x3fc: {  	v27 =	vsel vm9, $0x3F800000, v1  }
0x3fd: {  	v53 =	vmax.f32 v27, v0  }
0x3fe: {  	[tilespmem:s20+$0x450] =	vst v53  }
0x3ff: {  	v28 =	vld [tilespmem:$0x104E0]  }
0x400: {  	v54 =	vld [tilespmem:$0x104E1];
	_ =	sdelay $0x1  }
0x401: {  	v55 =	vld [tilespmem:$0x104E2];
	_ =	sdelay $0x1  }
0x402: {  	v56 =	vld [tilespmem:$0x104E3]  }
0x403: {  	v28 =	vmul.f32 v28, v8;
	v29 =	vmul.f32 v54, v9  }
0x404: {  	v32 =	vld [tilespmem:$0x104E4]  }
0x405: {  	v57 =	vmul.f32 v55, v10;
	v28 =	vadd.f32 v29, v28;
	_ =	sdelay $0x1  }
0x406: {  	v58 =	vmul.f32 v56, v11;
	v28 =	vadd.f32 v57, v28;
	_ =	sdelay $0x1  }
0x407: {  	v59 =	vmul.f32 v32, v12;
	v28 =	vadd.f32 v58, v28;
	_ =	sdelay $0x1  }
0x408: {  	v28 =	vadd.f32 v59, v28;
	_ =	sdelay $0x1  }
0x409: {  	vm10 =	vgt.f32 v28, $9.999999770e-03  }
0x40a: {  	v28 =	vsel vm10, $0x3F800000, v1  }
0x40b: {  	v60 =	vmax.f32 v28, v0  }
0x40c: {  	[tilespmem:s20+$0x460] =	vst v60  }
0x40d: {  	v29 =	vld [tilespmem:$0x104F0]  }
0x40e: {  	v61 =	vld [tilespmem:$0x104F1];
	_ =	sdelay $0x1  }
0x40f: {  	v62 =	vld [tilespmem:$0x104F2];
	_ =	sdelay $0x1  }
0x410: {  	v63 =	vld [tilespmem:$0x104F3]  }
0x411: {  	v29 =	vmul.f32 v29, v8;
	v30 =	vmul.f32 v61, v9  }
0x412: {  	v33 =	vld [tilespmem:$0x104F4]  }
0x413: {  	v35 =	vmul.f32 v62, v10;
	v29 =	vadd.f32 v30, v29;
	_ =	sdelay $0x1  }
0x414: {  	v36 =	vmul.f32 v63, v11;
	v29 =	vadd.f32 v35, v29;
	_ =	sdelay $0x1  }
0x415: {  	v37 =	vmul.f32 v33, v12;
	v29 =	vadd.f32 v36, v29;
	_ =	sdelay $0x1  }
0x416: {  	v29 =	vadd.f32 v37, v29;
	_ =	sdelay $0x1  }
0x417: {  	vm11 =	vgt.f32 v29, $9.999999770e-03  }
0x418: {  	v29 =	vsel vm11, $0x3F800000, v1  }
0x419: {  	v38 =	vmax.f32 v29, v0  }
0x41a: {  	[tilespmem:s20+$0x470] =	vst v38  }
0x41b: {  	v30 =	vld [tilespmem:$0x10500]  }
0x41c: {  	v39 =	vld [tilespmem:$0x10501];
	_ =	sdelay $0x1  }
0x41d: {  	v40 =	vld [tilespmem:$0x10502];
	_ =	sdelay $0x1  }
0x41e: {  	v41 =	vld [tilespmem:$0x10503]  }
0x41f: {  	v30 =	vmul.f32 v30, v8;
	v31 =	vmul.f32 v39, v9  }
0x420: {  	v34 =	vld [tilespmem:$0x10504]  }
0x421: {  	v42 =	vmul.f32 v40, v10;
	v30 =	vadd.f32 v31, v30;
	_ =	sdelay $0x1  }
0x422: {  	v43 =	vmul.f32 v41, v11;
	v30 =	vadd.f32 v42, v30;
	_ =	sdelay $0x1  }
0x423: {  	v44 =	vmul.f32 v34, v12;
	v30 =	vadd.f32 v43, v30;
	_ =	sdelay $0x1  }
0x424: {  	v30 =	vadd.f32 v44, v30;
	_ =	sdelay $0x1  }
0x425: {  	vm12 =	vgt.f32 v30, $9.999999770e-03  }
0x426: {  	v30 =	vsel vm12, $0x3F800000, v1  }
0x427: {  	v45 =	vmax.f32 v30, v0  }
0x428: {  	[tilespmem:s20+$0x800] =	vst v45  }
0x429: {  	v31 =	vld [tilespmem:$0x10510]  }
0x42a: {  	v46 =	vld [tilespmem:$0x10511];
	_ =	sdelay $0x1  }
0x42b: {  	v47 =	vld [tilespmem:$0x10512];
	_ =	sdelay $0x1  }
0x42c: {  	v48 =	vld [tilespmem:$0x10513]  }
0x42d: {  	v31 =	vmul.f32 v31, v8;
	v32 =	vmul.f32 v46, v9  }
0x42e: {  	v35 =	vld [tilespmem:$0x10514]  }
0x42f: {  	v49 =	vmul.f32 v47, v10;
	v31 =	vadd.f32 v32, v31;
	_ =	sdelay $0x1  }
0x430: {  	v50 =	vmul.f32 v48, v11;
	v31 =	vadd.f32 v49, v31;
	_ =	sdelay $0x1  }
0x431: {  	v51 =	vmul.f32 v35, v12;
	v31 =	vadd.f32 v50, v31;
	_ =	sdelay $0x1  }
0x432: {  	v31 =	vadd.f32 v51, v31;
	_ =	sdelay $0x1  }
0x433: {  	vm13 =	vgt.f32 v31, $9.999999770e-03  }
0x434: {  	v31 =	vsel vm13, $0x3F800000, v1  }
0x435: {  	v52 =	vmax.f32 v31, v0  }
0x436: {  	[tilespmem:s20+$0x810] =	vst v52  }
0x437: {  	v32 =	vld [tilespmem:$0x10520]  }
0x438: {  	v53 =	vld [tilespmem:$0x10521];
	_ =	sdelay $0x1  }
0x439: {  	v54 =	vld [tilespmem:$0x10522];
	_ =	sdelay $0x1  }
0x43a: {  	v55 =	vld [tilespmem:$0x10523]  }
0x43b: {  	v32 =	vmul.f32 v32, v8;
	v33 =	vmul.f32 v53, v9  }
0x43c: {  	v36 =	vld [tilespmem:$0x10524]  }
0x43d: {  	v56 =	vmul.f32 v54, v10;
	v32 =	vadd.f32 v33, v32;
	_ =	sdelay $0x1  }
0x43e: {  	v57 =	vmul.f32 v55, v11;
	v32 =	vadd.f32 v56, v32;
	_ =	sdelay $0x1  }
0x43f: {  	v58 =	vmul.f32 v36, v12;
	v32 =	vadd.f32 v57, v32;
	_ =	sdelay $0x1  }
0x440: {  	v32 =	vadd.f32 v58, v32;
	_ =	sdelay $0x1  }
0x441: {  	vm14 =	vgt.f32 v32, $9.999999770e-03  }
0x442: {  	v32 =	vsel vm14, $0x3F800000, v1  }
0x443: {  	v59 =	vmax.f32 v32, v0  }
0x444: {  	[tilespmem:s20+$0x820] =	vst v59  }
0x445: {  	v33 =	vld [tilespmem:$0x10530]  }
0x446: {  	v60 =	vld [tilespmem:$0x10531];
	_ =	sdelay $0x1  }
0x447: {  	v61 =	vld [tilespmem:$0x10532];
	_ =	sdelay $0x1  }
0x448: {  	v62 =	vld [tilespmem:$0x10533]  }
0x449: {  	v33 =	vmul.f32 v33, v8;
	v34 =	vmul.f32 v60, v9  }
0x44a: {  	v37 =	vld [tilespmem:$0x10534]  }
0x44b: {  	v63 =	vmul.f32 v61, v10;
	v33 =	vadd.f32 v34, v33;
	_ =	sdelay $0x1  }
0x44c: {  	v36 =	vmul.f32 v62, v11;
	v33 =	vadd.f32 v63, v33;
	_ =	sdelay $0x1  }
0x44d: {  	v38 =	vmul.f32 v37, v12;
	v33 =	vadd.f32 v36, v33;
	_ =	sdelay $0x1  }
0x44e: {  	v33 =	vadd.f32 v38, v33;
	_ =	sdelay $0x1  }
0x44f: {  	vm15 =	vgt.f32 v33, $9.999999770e-03  }
0x450: {  	v33 =	vsel vm15, $0x3F800000, v1  }
0x451: {  	v39 =	vmax.f32 v33, v0  }
0x452: {  	[tilespmem:s20+$0x830] =	vst v39  }
0x453: {  	v34 =	vld [tilespmem:$0x10540]  }
0x454: {  	v40 =	vld [tilespmem:$0x10541];
	_ =	sdelay $0x1  }
0x455: {  	v41 =	vld [tilespmem:$0x10542];
	_ =	sdelay $0x1  }
0x456: {  	v42 =	vld [tilespmem:$0x10543]  }
0x457: {  	v34 =	vmul.f32 v34, v8;
	v35 =	vmul.f32 v40, v9  }
0x458: {  	v38 =	vld [tilespmem:$0x10544]  }
0x459: {  	v43 =	vmul.f32 v41, v10;
	v34 =	vadd.f32 v35, v34;
	_ =	sdelay $0x1  }
0x45a: {  	v44 =	vmul.f32 v42, v11;
	v34 =	vadd.f32 v43, v34;
	_ =	sdelay $0x1  }
0x45b: {  	v45 =	vmul.f32 v38, v12;
	v34 =	vadd.f32 v44, v34;
	_ =	sdelay $0x1  }
0x45c: {  	v34 =	vadd.f32 v45, v34;
	_ =	sdelay $0x1  }
0x45d: {  	vm4 =	vgt.f32 v34, $9.999999770e-03  }
0x45e: {  	v34 =	vsel vm4, $0x3F800000, v1  }
0x45f: {  	v46 =	vmax.f32 v34, v0  }
0x460: {  	[tilespmem:s20+$0x840] =	vst v46  }
0x461: {  	v35 =	vld [tilespmem:$0x10550]  }
0x462: {  	v47 =	vld [tilespmem:$0x10551];
	_ =	sdelay $0x1  }
0x463: {  	v48 =	vld [tilespmem:$0x10552];
	_ =	sdelay $0x1  }
0x464: {  	v49 =	vld [tilespmem:$0x10553]  }
0x465: {  	v35 =	vmul.f32 v35, v8;
	v36 =	vmul.f32 v47, v9  }
0x466: {  	v39 =	vld [tilespmem:$0x10554]  }
0x467: {  	v50 =	vmul.f32 v48, v10;
	v35 =	vadd.f32 v36, v35;
	_ =	sdelay $0x1  }
0x468: {  	v51 =	vmul.f32 v49, v11;
	v35 =	vadd.f32 v50, v35;
	_ =	sdelay $0x1  }
0x469: {  	v52 =	vmul.f32 v39, v12;
	v35 =	vadd.f32 v51, v35;
	_ =	sdelay $0x1  }
0x46a: {  	v35 =	vadd.f32 v52, v35;
	_ =	sdelay $0x1  }
0x46b: {  	vm5 =	vgt.f32 v35, $9.999999770e-03  }
0x46c: {  	v35 =	vsel vm5, $0x3F800000, v1  }
0x46d: {  	v53 =	vmax.f32 v35, v0  }
0x46e: {  	[tilespmem:s20+$0x850] =	vst v53  }
0x46f: {  	v36 =	vld [tilespmem:$0x10560]  }
0x470: {  	v54 =	vld [tilespmem:$0x10561];
	_ =	sdelay $0x1  }
0x471: {  	v55 =	vld [tilespmem:$0x10562];
	_ =	sdelay $0x1  }
0x472: {  	v56 =	vld [tilespmem:$0x10563]  }
0x473: {  	v36 =	vmul.f32 v36, v8;
	v37 =	vmul.f32 v54, v9  }
0x474: {  	v40 =	vld [tilespmem:$0x10564]  }
0x475: {  	v57 =	vmul.f32 v55, v10;
	v36 =	vadd.f32 v37, v36;
	_ =	sdelay $0x1  }
0x476: {  	v58 =	vmul.f32 v56, v11;
	v36 =	vadd.f32 v57, v36;
	_ =	sdelay $0x1  }
0x477: {  	v59 =	vmul.f32 v40, v12;
	v36 =	vadd.f32 v58, v36;
	_ =	sdelay $0x1  }
0x478: {  	v36 =	vadd.f32 v59, v36;
	_ =	sdelay $0x1  }
0x479: {  	vm6 =	vgt.f32 v36, $9.999999770e-03  }
0x47a: {  	v36 =	vsel vm6, $0x3F800000, v1  }
0x47b: {  	v60 =	vmax.f32 v36, v0  }
0x47c: {  	[tilespmem:s20+$0x860] =	vst v60  }
0x47d: {  	v37 =	vld [tilespmem:$0x10570]  }
0x47e: {  	v61 =	vld [tilespmem:$0x10571];
	_ =	sdelay $0x1  }
0x47f: {  	v62 =	vld [tilespmem:$0x10572];
	_ =	sdelay $0x1  }
0x480: {  	v63 =	vld [tilespmem:$0x10573]  }
0x481: {  	v37 =	vmul.f32 v37, v8;
	v38 =	vmul.f32 v61, v9  }
0x482: {  	v41 =	vld [tilespmem:$0x10574]  }
0x483: {  	v43 =	vmul.f32 v62, v10;
	v37 =	vadd.f32 v38, v37;
	_ =	sdelay $0x1  }
0x484: {  	v44 =	vmul.f32 v63, v11;
	v37 =	vadd.f32 v43, v37;
	_ =	sdelay $0x1  }
0x485: {  	v45 =	vmul.f32 v41, v12;
	v37 =	vadd.f32 v44, v37;
	_ =	sdelay $0x1  }
0x486: {  	v37 =	vadd.f32 v45, v37;
	_ =	sdelay $0x1  }
0x487: {  	vm7 =	vgt.f32 v37, $9.999999770e-03  }
0x488: {  	v37 =	vsel vm7, $0x3F800000, v1  }
0x489: {  	v46 =	vmax.f32 v37, v0  }
0x48a: {  	[tilespmem:s20+$0x870] =	vst v46  }
0x48b: {  	v38 =	vld [tilespmem:$0x10580]  }
0x48c: {  	v47 =	vld [tilespmem:$0x10581];
	_ =	sdelay $0x1  }
0x48d: {  	v48 =	vld [tilespmem:$0x10582];
	_ =	sdelay $0x1  }
0x48e: {  	v49 =	vld [tilespmem:$0x10583]  }
0x48f: {  	v38 =	vmul.f32 v38, v8;
	v39 =	vmul.f32 v47, v9  }
0x490: {  	v42 =	vld [tilespmem:$0x10584]  }
0x491: {  	v50 =	vmul.f32 v48, v10;
	v38 =	vadd.f32 v39, v38;
	_ =	sdelay $0x1  }
0x492: {  	v51 =	vmul.f32 v49, v11;
	v38 =	vadd.f32 v50, v38;
	_ =	sdelay $0x1  }
0x493: {  	v52 =	vmul.f32 v42, v12;
	v38 =	vadd.f32 v51, v38;
	_ =	sdelay $0x1  }
0x494: {  	v38 =	vadd.f32 v52, v38;
	_ =	sdelay $0x1  }
0x495: {  	vm8 =	vgt.f32 v38, $9.999999770e-03  }
0x496: {  	v38 =	vsel vm8, $0x3F800000, v1  }
0x497: {  	v53 =	vmax.f32 v38, v0  }
0x498: {  	[tilespmem:s20+$0xC00] =	vst v53  }
0x499: {  	v39 =	vld [tilespmem:$0x10590]  }
0x49a: {  	v54 =	vld [tilespmem:$0x10591];
	_ =	sdelay $0x1  }
0x49b: {  	v55 =	vld [tilespmem:$0x10592];
	_ =	sdelay $0x1  }
0x49c: {  	v56 =	vld [tilespmem:$0x10593]  }
0x49d: {  	v39 =	vmul.f32 v39, v8;
	v40 =	vmul.f32 v54, v9  }
0x49e: {  	v43 =	vld [tilespmem:$0x10594]  }
0x49f: {  	v57 =	vmul.f32 v55, v10;
	v39 =	vadd.f32 v40, v39;
	_ =	sdelay $0x1  }
0x4a0: {  	v58 =	vmul.f32 v56, v11;
	v39 =	vadd.f32 v57, v39;
	_ =	sdelay $0x1  }
0x4a1: {  	v59 =	vmul.f32 v43, v12;
	v39 =	vadd.f32 v58, v39;
	_ =	sdelay $0x1  }
0x4a2: {  	v39 =	vadd.f32 v59, v39;
	_ =	sdelay $0x1  }
0x4a3: {  	vm9 =	vgt.f32 v39, $9.999999770e-03  }
0x4a4: {  	v39 =	vsel vm9, $0x3F800000, v1  }
0x4a5: {  	v60 =	vmax.f32 v39, v0  }
0x4a6: {  	[tilespmem:s20+$0xC10] =	vst v60  }
0x4a7: {  	v40 =	vld [tilespmem:$0x105A0]  }
0x4a8: {  	v61 =	vld [tilespmem:$0x105A1];
	_ =	sdelay $0x1  }
0x4a9: {  	v62 =	vld [tilespmem:$0x105A2];
	_ =	sdelay $0x1  }
0x4aa: {  	v63 =	vld [tilespmem:$0x105A3]  }
0x4ab: {  	v40 =	vmul.f32 v40, v8;
	v41 =	vmul.f32 v61, v9  }
0x4ac: {  	v44 =	vld [tilespmem:$0x105A4]  }
0x4ad: {  	v45 =	vmul.f32 v62, v10;
	v40 =	vadd.f32 v41, v40;
	_ =	sdelay $0x1  }
0x4ae: {  	v46 =	vmul.f32 v63, v11;
	v40 =	vadd.f32 v45, v40;
	_ =	sdelay $0x1  }
0x4af: {  	v47 =	vmul.f32 v44, v12;
	v40 =	vadd.f32 v46, v40;
	_ =	sdelay $0x1  }
0x4b0: {  	v40 =	vadd.f32 v47, v40;
	_ =	sdelay $0x1  }
0x4b1: {  	vm10 =	vgt.f32 v40, $9.999999770e-03  }
0x4b2: {  	v40 =	vsel vm10, $0x3F800000, v1  }
0x4b3: {  	v48 =	vmax.f32 v40, v0  }
0x4b4: {  	[tilespmem:s20+$0xC20] =	vst v48  }
0x4b5: {  	v41 =	vld [tilespmem:$0x105B0]  }
0x4b6: {  	v49 =	vld [tilespmem:$0x105B1];
	_ =	sdelay $0x1  }
0x4b7: {  	v50 =	vld [tilespmem:$0x105B2];
	_ =	sdelay $0x1  }
0x4b8: {  	v51 =	vld [tilespmem:$0x105B3]  }
0x4b9: {  	v41 =	vmul.f32 v41, v8;
	v42 =	vmul.f32 v49, v9  }
0x4ba: {  	v45 =	vld [tilespmem:$0x105B4]  }
0x4bb: {  	v52 =	vmul.f32 v50, v10;
	v41 =	vadd.f32 v42, v41;
	_ =	sdelay $0x1  }
0x4bc: {  	v53 =	vmul.f32 v51, v11;
	v41 =	vadd.f32 v52, v41;
	_ =	sdelay $0x1  }
0x4bd: {  	v54 =	vmul.f32 v45, v12;
	v41 =	vadd.f32 v53, v41;
	_ =	sdelay $0x1  }
0x4be: {  	v41 =	vadd.f32 v54, v41;
	_ =	sdelay $0x1  }
0x4bf: {  	vm11 =	vgt.f32 v41, $9.999999770e-03  }
0x4c0: {  	v41 =	vsel vm11, $0x3F800000, v1  }
0x4c1: {  	v55 =	vmax.f32 v41, v0  }
0x4c2: {  	[tilespmem:s20+$0xC30] =	vst v55  }
0x4c3: {  	v42 =	vld [tilespmem:$0x105C0]  }
0x4c4: {  	v56 =	vld [tilespmem:$0x105C1];
	_ =	sdelay $0x1  }
0x4c5: {  	v57 =	vld [tilespmem:$0x105C2];
	_ =	sdelay $0x1  }
0x4c6: {  	v58 =	vld [tilespmem:$0x105C3]  }
0x4c7: {  	v42 =	vmul.f32 v42, v8;
	v43 =	vmul.f32 v56, v9  }
0x4c8: {  	v46 =	vld [tilespmem:$0x105C4]  }
0x4c9: {  	v59 =	vmul.f32 v57, v10;
	v42 =	vadd.f32 v43, v42;
	_ =	sdelay $0x1  }
0x4ca: {  	v60 =	vmul.f32 v58, v11;
	v42 =	vadd.f32 v59, v42;
	_ =	sdelay $0x1  }
0x4cb: {  	v61 =	vmul.f32 v46, v12;
	v42 =	vadd.f32 v60, v42;
	_ =	sdelay $0x1  }
0x4cc: {  	v42 =	vadd.f32 v61, v42;
	_ =	sdelay $0x1  }
0x4cd: {  	vm12 =	vgt.f32 v42, $9.999999770e-03  }
0x4ce: {  	v13 =	vadd.f32 v14, v13;
	v14 =	vsel vm12, $0x3F800000, v1  }
0x4cf: {  	v62 =	vmax.f32 v14, v0  }
0x4d0: {  	v13 =	vadd.f32 v15, v13;
	[tilespmem:s20+$0xC40] =	vst v62  }
0x4d1: {  	v15 =	vld [tilespmem:$0x105D0]  }
0x4d2: {  	v13 =	vadd.f32 v16, v13;
	v63 =	vld [tilespmem:$0x105D1];
	_ =	sdelay $0x1  }
0x4d3: {  	v13 =	vadd.f32 v17, v13;
	v42 =	vld [tilespmem:$0x105D2];
	_ =	sdelay $0x1  }
0x4d4: {  	v13 =	vadd.f32 v18, v13;
	v43 =	vld [tilespmem:$0x105D3]  }
0x4d5: {  	v15 =	vmul.f32 v15, v8;
	v16 =	vmul.f32 v63, v9  }
0x4d6: {  	v13 =	vadd.f32 v19, v13;
	v44 =	vld [tilespmem:$0x105D4]  }
0x4d7: {  	v45 =	vmul.f32 v42, v10;
	v15 =	vadd.f32 v16, v15  }
0x4d8: {  	v13 =	vadd.f32 v20, v13  }
0x4d9: {  	v46 =	vmul.f32 v43, v11;
	v15 =	vadd.f32 v45, v15  }
0x4da: {  	v13 =	vadd.f32 v21, v13  }
0x4db: {  	v47 =	vmul.f32 v44, v12;
	v15 =	vadd.f32 v46, v15  }
0x4dc: {  	v13 =	vadd.f32 v22, v13  }
0x4dd: {  	v15 =	vadd.f32 v47, v15  }
0x4de: {  	v13 =	vadd.f32 v23, v13  }
0x4df: {  	vm13 =	vgt.f32 v15, $9.999999770e-03  }
0x4e0: {  	v13 =	vadd.f32 v24, v13;
	v15 =	vsel vm13, $0x3F800000, v1  }
0x4e1: {  	v48 =	vmax.f32 v15, v0  }
0x4e2: {  	v13 =	vadd.f32 v25, v13;
	[tilespmem:s20+$0xC50] =	vst v48  }
0x4e3: {  	v16 =	vld [tilespmem:$0x105E0]  }
0x4e4: {  	v13 =	vadd.f32 v26, v13;
	v49 =	vld [tilespmem:$0x105E1];
	_ =	sdelay $0x1  }
0x4e5: {  	v13 =	vadd.f32 v27, v13;
	v50 =	vld [tilespmem:$0x105E2];
	_ =	sdelay $0x1  }
0x4e6: {  	v13 =	vadd.f32 v28, v13;
	v51 =	vld [tilespmem:$0x105E3]  }
0x4e7: {  	v16 =	vmul.f32 v16, v8;
	v17 =	vmul.f32 v49, v9  }
0x4e8: {  	v13 =	vadd.f32 v29, v13;
	v52 =	vld [tilespmem:$0x105E4]  }
0x4e9: {  	v53 =	vmul.f32 v50, v10;
	v16 =	vadd.f32 v17, v16  }
0x4ea: {  	v13 =	vadd.f32 v30, v13  }
0x4eb: {  	v54 =	vmul.f32 v51, v11;
	v16 =	vadd.f32 v53, v16  }
0x4ec: {  	v13 =	vadd.f32 v31, v13  }
0x4ed: {  	v55 =	vmul.f32 v52, v12;
	v16 =	vadd.f32 v54, v16  }
0x4ee: {  	v13 =	vadd.f32 v32, v13  }
0x4ef: {  	v16 =	vadd.f32 v55, v16  }
0x4f0: {  	v13 =	vadd.f32 v33, v13  }
0x4f1: {  	vm14 =	vgt.f32 v16, $9.999999770e-03  }
0x4f2: {  	v13 =	vadd.f32 v34, v13;
	v16 =	vsel vm14, $0x3F800000, v1  }
0x4f3: {  	v56 =	vmax.f32 v16, v0  }
0x4f4: {  	v13 =	vadd.f32 v35, v13;
	[tilespmem:s20+$0xC60] =	vst v56  }
0x4f5: {  	v17 =	vld [tilespmem:$0x105F0]  }
0x4f6: {  	v13 =	vadd.f32 v36, v13;
	v57 =	vld [tilespmem:$0x105F1];
	_ =	sdelay $0x1  }
0x4f7: {  	v13 =	vadd.f32 v37, v13;
	v58 =	vld [tilespmem:$0x105F2];
	_ =	sdelay $0x1  }
0x4f8: {  	v13 =	vadd.f32 v38, v13;
	v59 =	vld [tilespmem:$0x105F3]  }
0x4f9: {  	v17 =	vmul.f32 v17, v8;
	v18 =	vmul.f32 v57, v9  }
0x4fa: {  	v13 =	vadd.f32 v39, v13;
	v60 =	vld [tilespmem:$0x105F4]  }
0x4fb: {  	v61 =	vmul.f32 v58, v10;
	v17 =	vadd.f32 v18, v17  }
0x4fc: {  	v13 =	vadd.f32 v40, v13  }
0x4fd: {  	v62 =	vmul.f32 v59, v11;
	v17 =	vadd.f32 v61, v17  }
0x4fe: {  	v13 =	vadd.f32 v41, v13  }
0x4ff: {  	v63 =	vmul.f32 v60, v12;
	v17 =	vadd.f32 v62, v17  }
0x500: {  	v13 =	vadd.f32 v14, v13  }
0x501: {  	p1 =	sne.s32 s18, $0x1180;
	v14 =	vadd.f32 v63, v17  }
.Ltmp1:
0x502: {  	v13 =	vadd.f32 v15, v13;
	(pc) =	sbr.rel @p1 .LBB2_5-.Ltmp1, $4  }
0x503: {  	vm15 =	vgt.f32 v14, $9.999999770e-03  }
0x504: {  	v13 =	vadd.f32 v16, v13;
	v14 =	vsel vm15, $0x3F800000, v1  }
0x505: {  	v15 =	vmax.f32 v14, v0  }
0x506: {  	s18 =	sadd.s32 $0x80, s18;
	s19 =	sadd.s32 $0x1, s19;
	v13 =	vadd.f32 v14, v13;
	[tilespmem:s20+$0xC70] =	vst v15  }
0x507: {  	s17 =	sor.u32 s8, s17  }
0x508: {  	s17 =	sshrl.u32 s17, $0x3  }
.Ltmp2:
0x509: {  	s17 =	sadd.s32 s5, s17;
	(pc) =	sbr.rel @p0 .LBB2_2-.Ltmp2, $4  }
0x50a: {  	[hbm4b:s17+s3] =	stream.linear.scatter [tilespmem:s14], [sflag:$0x1], $0x4000, $0x38;
	[tilespmem:$0x14F00] =	vst v63  }
0x50b: {  	_ =	swait.ge [sflag:s12], $0x4000  }
0x50c: {  	[sflag:s12] =	ssyncset.done $0x0  }
0x50d: {  	p1 =	por $0x0, $0x0;
	s17 =	simm.s32 $0x4000;
	[sflag:s12] =	ssyncadd.s32 $0xFFFFC000  }
0x50e: {  	s16 =	sadd.s32 $0x1, s16  }
0x50f: {  	p0 =	sne.s32 s16, s10  }
.Ltmp3:
0x510: {  	[tilespmem:$0x14E80] =	vst v13;
	(pc) =	sbr.rel @p0 .LBB2_1-.Ltmp3, $4  }
0x511: {  	[hbm4b:s9+s3] =	stream.linear.scatter [tilespmem:s15], [sflag:$0x1], $0x80, $0x38;
	[tilespmem:$0x14F00] =	vst v63  }
0x512: {  	_ =	swait.ge [sflag:s12], $0x80  }
0x513: {  	[sflag:s12] =	ssyncset.done $0x0  }
0x514: {  	[sflag:s12] =	ssyncadd.s32 $0xFFFFFF80  }
0x515: {  	_ =	sfence.sel $0x180000  }
0x516: {  	[bflag:$0x0] =	sbarrier.arrive $0xFFFF  }
0x517: {  	p0 =	sne.s32 s2, $0x0;
	_ =	strace $0x90000047  }
0x518: {  	s0 =	sadd.s32 @!p0 $0x100000, s0;
	[bflag:$0x2] =	sbarrier.arrive $0xFFFF  }
0x519: {  	[sflag:s0] =	ssyncadd.tile.s32 @!p0 $0x1;
	_ =	shalt  }
.Lfunc_end2:
_tile_overlayer_lowered:
.L_overlay_start_2:
0x51a: {  	(tag) =	ssettag $0x2  }
0x51b: {  	s0 =	rddreg [dreg:$0x0];
	s2 =	stileid.u32  }
0x51c: {  	s1 =	rddreg [dreg:$0x1];
	p0 =	sne.s32 s2, $0x0  }
0x51d: {  	s3 =	rddreg [dreg:$0x2];
	[bflag:$0x3] =	sbarrier.arrive $0xFFFF;
	s2 =	simm.s32 @!p0 $0x1C01  }
0x51e: {  	[timem:s3], [sflag:s2] =	dma.local @!p0 [hbm:s0], s1  }
0x51f: {  	s0 =	simm.s32 @!p0 $0x1  }
0x520: {  	_ =	swait.ge @!p0 [sflag:s0], s1  }
0x521: {  	s1 =	ssub.s32 @!p0 $0x0, s1;
	[sflag:s0] =	ssyncset.done @!p0 $0x0  }
0x522: {  	[sflag:s0] =	ssyncadd.s32 @!p0 s1  }
0x523: {  	[bflag:$0x3] =	sbarrier.arrive $0xFFFF  }
0x524: {  	_ =	shalt  }

</sc_bundles>
